<compile_context>
chip_gen: v7x
topology: tpu7x:2x2x1
jax: 0.10.2.dev20260603
libtpu: 0.0.44.dev20260713+nightly
codegen_flags: <defaults>
</compile_context>

<pallas_src>
import functools

import jax
import jax.numpy as jnp
from jax import lax
from jax.experimental import pallas as pl
from jax.experimental.pallas import tpu as pltpu
from jax.experimental.pallas import tpu_sc as plsc

N = 10000
E = 640000
F = 128
G = 128
NC = 2
NS = 16
NW = NC * NS
CH = 128
NCH = 159
EPW = NCH * CH
EPAD = NW * EPW - E
NREAL = E // CH
NPAD = 10112
RSTR = NPAD // NS
HL = 8
HSZ = NPAD * HL

_mesh = plsc.VectorSubcoreMesh(core_axis_name="c", subcore_axis_name="s")


@functools.partial(
    pl.kernel,
    mesh=_mesh,
    out_type=jax.ShapeDtypeStruct((NW, HSZ), jnp.float32),
    scratch_types=[
        pltpu.VMEM((2, CH), jnp.int32),
        pltpu.VMEM((HSZ,), jnp.float32),
        pltpu.SemaphoreType.DMA,
        pltpu.SemaphoreType.DMA,
    ],
    compiler_params=pltpu.CompilerParams(needs_layout_passes=False),
)
def _deg_kernel(dst3, out, didx, hist, d0, d1):
    c = lax.axis_index("c")
    s = lax.axis_index("s")
    wid = s * NC + c
    dsem = (d0, d1)
    for b in range(2):
        pltpu.async_copy(dst3.at[wid, b], didx.at[b], dsem[b])
    zero16 = jnp.zeros((16,), jnp.float32)

    def zbody(i, _):
        for j in range(8):
            hist[pl.ds(i * 128 + j * 16, 16)] = zero16
        return 0

    lax.fori_loop(0, HSZ // 128, zbody, 0)
    ones16v = jnp.ones((16,), jnp.float32)
    lane8 = lax.bitwise_and(lax.iota(jnp.int32, 16), 7)

    def body(outer, _):
        for b in range(2):
            g_ = outer * 2 + b
            pltpu.make_async_copy(dst3.at[wid, 0], didx.at[b], dsem[b]).wait()

            @pl.when(wid * NCH + g_ < NREAL)
            def _():
                for j in range(8):
                    iv = didx[b, pl.ds(j * 16, 16)]
                    hidx = lax.shift_left(iv, 3) + lane8
                    plsc.addupdate_scatter(hist, [hidx], ones16v)

            @pl.when(g_ + 2 < NCH)
            def _():
                pltpu.async_copy(dst3.at[wid, g_ + 2], didx.at[b], dsem[b])
        return 0

    lax.fori_loop(0, NCH // 2, body, 0)
    if NCH % 2:
        g_last = NCH - 1
        pltpu.make_async_copy(dst3.at[wid, 0], didx.at[0], d0).wait()

        @pl.when(wid * NCH + g_last < NREAL)
        def _():
            for j in range(8):
                iv = didx[0, pl.ds(j * 16, 16)]
                hidx = lax.shift_left(iv, 3) + lane8
                plsc.addupdate_scatter(hist, [hidx], ones16v)

    pltpu.sync_copy(hist, out.at[wid])


@functools.partial(
    pl.kernel,
    mesh=_mesh,
    out_type=jax.ShapeDtypeStruct((NC, NPAD, F), jnp.float32),
    scratch_types=[
        pltpu.VMEM((3, CH), jnp.int32),
        pltpu.VMEM((3, CH), jnp.int32),
        pltpu.VMEM((3, CH, F), jnp.float32),
        pltpu.VMEM_SHARED((NPAD, F), jnp.float32),
        pltpu.SemaphoreType.DMA,
        pltpu.SemaphoreType.DMA,
        pltpu.SemaphoreType.DMA,
        pltpu.SemaphoreType.DMA,
        pltpu.SemaphoreType.DMA,
        pltpu.SemaphoreType.DMA,
        pltpu.SemaphoreType.DMA,
        pltpu.SemaphoreType.DMA,
        pltpu.SemaphoreType.DMA,
    ],
)
def _agg_kernel(hp, src3, dst3, znode, out, sidx, didx, rows, acc,
                is0, is1, is2, id0, id1, id2, g0, g1, g2):
    c = lax.axis_index("c")
    s = lax.axis_index("s")
    wid = s * NC + c
    isem = (is0, is1, is2)
    dsem = (id0, id1, id2)
    gsem = (g0, g1, g2)
    pltpu.sync_copy(znode.at[pl.ds(s * RSTR, RSTR)], acc.at[pl.ds(s * RSTR, RSTR)])

    for b in range(3):
        pltpu.async_copy(src3.at[wid, b], sidx.at[b], isem[b])
        pltpu.async_copy(dst3.at[wid, b], didx.at[b], dsem[b])
    pltpu.make_async_copy(src3.at[wid, 0], sidx.at[0], isem[0]).wait()
    pltpu.async_copy(hp.at[sidx.at[0]], rows.at[0], gsem[0])
    plsc.subcore_barrier()

    def body(outer, _):
        for b in range(3):
            g_ = outer * 3 + b
            nb = (b + 1) % 3

            @pl.when((g_ + 1 < NCH) & (wid * NCH + g_ + 1 < NREAL))
            def _():
                pltpu.make_async_copy(src3.at[wid, 0], sidx.at[nb], isem[nb]).wait()
                pltpu.async_copy(hp.at[sidx.at[nb]], rows.at[nb], gsem[nb])

            @pl.when(wid * NCH + g_ < NREAL)
            def _():
                pltpu.make_async_copy(hp.at[sidx.at[b]], rows.at[b], gsem[b]).wait()
                pltpu.make_async_copy(dst3.at[wid, 0], didx.at[b], dsem[b]).wait()
                pltpu.sync_copy(rows.at[b], acc.at[didx.at[b]], add=True)

            @pl.when((g_ + 3 < NCH) & (wid * NCH + g_ + 3 < NREAL))
            def _():
                pltpu.async_copy(src3.at[wid, g_ + 3], sidx.at[b], isem[b])
                pltpu.async_copy(dst3.at[wid, g_ + 3], didx.at[b], dsem[b])
        return 0

    lax.fori_loop(0, NCH // 3, body, 0)
    plsc.subcore_barrier()
    pltpu.sync_copy(acc.at[pl.ds(s * RSTR, RSTR)], out.at[c, pl.ds(s * RSTR, RSTR)])


ROWS_BLK = 2000


def _tcsum_body(degp_ref, out_ref):
    out_ref[...] = jnp.sum(degp_ref[...], axis=0, keepdims=True)


_TSB = NPAD * HL // 4
_tcsum = pl.pallas_call(
    _tcsum_body,
    grid=(NPAD * HL // _TSB,),
    in_specs=[pl.BlockSpec((NW, _TSB), lambda r: (0, r))],
    out_specs=pl.BlockSpec((1, _TSB), lambda r: (0, r)),
    out_shape=jax.ShapeDtypeStruct((1, NPAD * HL), jnp.float32),
)


def _tc1_body(degp_ref, x_ref, w_ref, out_ref, dis_ref):
    deg = jnp.sum(degp_ref[...], axis=1, keepdims=True) + 1.0
    dis = lax.rsqrt(deg)
    h = jnp.dot(x_ref[...], w_ref[...], preferred_element_type=jnp.float32)
    out_ref[...] = h * dis
    dis_ref[...] = jnp.broadcast_to(dis, (ROWS_BLK, 16))


_tc1 = pl.pallas_call(
    _tc1_body,
    grid=(N // ROWS_BLK,),
    in_specs=[
        pl.BlockSpec((ROWS_BLK, HL), lambda r: (r, 0)),
        pl.BlockSpec((ROWS_BLK, F), lambda r: (r, 0)),
        pl.BlockSpec((F, F), lambda r: (0, 0)),
    ],
    out_specs=[pl.BlockSpec((ROWS_BLK, F), lambda r: (r, 0)),
               pl.BlockSpec((ROWS_BLK, 16), lambda r: (r, 0))],
    out_shape=[jax.ShapeDtypeStruct((N, F), jnp.float32),
               jax.ShapeDtypeStruct((N, 16), jnp.float32)],
)


def _tcl_body(dis16_ref, p_ref, hp_ref, w_ref, b_ref, out_ref):
    dis = dis16_ref[:, 0:1]
    agg = p_ref[0] + p_ref[1] + hp_ref[...]
    xl = jnp.maximum(agg * dis + b_ref[...], 0.0)
    out_ref[...] = jnp.dot(xl, w_ref[...], preferred_element_type=jnp.float32) * dis


_tcl = pl.pallas_call(
    _tcl_body,
    grid=(N // ROWS_BLK,),
    in_specs=[
        pl.BlockSpec((ROWS_BLK, 16), lambda r: (r, 0)),
        pl.BlockSpec((NC, ROWS_BLK, F), lambda r: (0, r, 0)),
        pl.BlockSpec((ROWS_BLK, F), lambda r: (r, 0)),
        pl.BlockSpec((F, F), lambda r: (0, 0)),
        pl.BlockSpec((1, F), lambda r: (0, 0)),
    ],
    out_specs=pl.BlockSpec((ROWS_BLK, F), lambda r: (r, 0)),
    out_shape=jax.ShapeDtypeStruct((N, F), jnp.float32),
)


def _tcf_body(dis16_ref, p_ref, hp_ref, b_ref, out_ref):
    dis = dis16_ref[:, 0:1]
    agg = p_ref[0] + p_ref[1] + hp_ref[...]
    out_ref[...] = jnp.maximum(agg * dis + b_ref[...], 0.0)


_tcf = pl.pallas_call(
    _tcf_body,
    grid=(N // ROWS_BLK,),
    in_specs=[
        pl.BlockSpec((ROWS_BLK, 16), lambda r: (r, 0)),
        pl.BlockSpec((NC, ROWS_BLK, F), lambda r: (0, r, 0)),
        pl.BlockSpec((ROWS_BLK, F), lambda r: (r, 0)),
        pl.BlockSpec((1, F), lambda r: (0, 0)),
    ],
    out_specs=pl.BlockSpec((ROWS_BLK, F), lambda r: (r, 0)),
    out_shape=jax.ShapeDtypeStruct((N, F), jnp.float32),
)


def _pool_body(x4_ref, bt_ref, wl1_ref, bl1_ref, wl2_ref, bl2_ref, wl3_ref, bl3_ref, out_ref):
    bt = bt_ref[...]
    gids = lax.broadcasted_iota(jnp.int32, (1, G), 1)
    oh = (bt == gids).astype(jnp.float32)
    dn = (((0,), (0,)), ((), ()))
    sums = lax.dot_general(oh, x4_ref[...], dn, preferred_element_type=jnp.float32)
    cnts = lax.dot_general(oh, jnp.ones((N, 1), jnp.float32), dn,
                           preferred_element_type=jnp.float32)
    pooled = sums / jnp.maximum(cnts, 1.0)
    h = jnp.maximum(jnp.dot(pooled, wl1_ref[...], preferred_element_type=jnp.float32)
                    + bl1_ref[...], 0.0)
    h = jnp.maximum(jnp.dot(h, wl2_ref[...], preferred_element_type=jnp.float32)
                    + bl2_ref[...], 0.0)
    out_ref[...] = jnp.dot(h, wl3_ref[...], preferred_element_type=jnp.float32) + bl3_ref[...]


_pool = pl.pallas_call(
    _pool_body,
    out_shape=jax.ShapeDtypeStruct((G, 1), jnp.float32),
)


def kernel(x, edge_index, batch, W1, b1, W2, b2, W3, b3, Wl1, bl1, Wl2, bl2, Wl3, bl3):
    znode = jnp.zeros((NPAD, F), jnp.float32)

    pad_src = jnp.zeros((EPAD,), jnp.int32)
    pad_dst = (jnp.arange(EPAD, dtype=jnp.int32) % (NPAD - N)) + N
    src3 = jnp.concatenate([edge_index[0], pad_src]).reshape(NW, NCH, CH)
    dst3 = jnp.concatenate([edge_index[1], pad_dst]).reshape(NW, NCH, CH)
    degp1d = _deg_kernel(dst3)
    deg8 = _tcsum(degp1d).reshape(NPAD, HL)
    h1p, dis16 = _tc1(deg8, x, W1)
    p1 = _agg_kernel(h1p, src3, dst3, znode)
    h2p = _tcl(dis16, p1, h1p, W2, b1.reshape(1, F))
    p2 = _agg_kernel(h2p, src3, dst3, znode)
    h3p = _tcl(dis16, p2, h2p, W3, b2.reshape(1, F))
    p3 = _agg_kernel(h3p, src3, dst3, znode)
    x4 = _tcf(dis16, p3, h3p, b3.reshape(1, F))
    outg = _pool(x4, batch.reshape(N, 1), Wl1, bl1.reshape(1, F),
                 Wl2, bl2.reshape(1, F), Wl3, bl3.reshape(1, 1))
    return outg.reshape(-1)

# --- scband reference (transcript-rebuilt; emitter-appended) ---
"""Pipeline reference for scband-simple-gnn-44633300140823 (READ-ONLY COPY).

The authoritative reference and input builder live on the scoring server;
editing this copy changes nothing except your own understanding.
"""

import jax, jax.numpy as jnp
import numpy as np

N_NODES = 10000
N_EDGES = 640000
D_IN = 128
H = 128
N_GRAPHS = 128


def setup_inputs(seed: int = 0) -> dict:
    key = jax.random.key(seed)
    ks = jax.random.split(key, 16)
    x = jax.random.normal(ks[0], (N_NODES, D_IN), dtype=jnp.float32)
    edge_index = jax.random.randint(ks[1], (2, N_EDGES), 0, N_NODES, dtype=jnp.int32)
    batch = jnp.sort(jax.random.randint(ks[2], (N_NODES,), 0, N_GRAPHS, dtype=jnp.int32))
    s_in = 1.0 / np.sqrt(D_IN)
    s_h = 1.0 / np.sqrt(H)
    W1 = jax.random.normal(ks[3], (D_IN, H), dtype=jnp.float32) * s_in
    b1 = jnp.zeros((H,), dtype=jnp.float32)
    W2 = jax.random.normal(ks[4], (H, H), dtype=jnp.float32) * s_h
    b2 = jnp.zeros((H,), dtype=jnp.float32)
    W3 = jax.random.normal(ks[5], (H, H), dtype=jnp.float32) * s_h
    b3 = jnp.zeros((H,), dtype=jnp.float32)
    Wl1 = jax.random.normal(ks[6], (H, H), dtype=jnp.float32) * s_h
    bl1 = jnp.zeros((H,), dtype=jnp.float32)
    Wl2 = jax.random.normal(ks[7], (H, H), dtype=jnp.float32) * s_h
    bl2 = jnp.zeros((H,), dtype=jnp.float32)
    Wl3 = jax.random.normal(ks[8], (H, 1), dtype=jnp.float32) * s_h
    bl3 = jnp.zeros((1,), dtype=jnp.float32)
    return {"x": x, "edge_index": edge_index, "batch": batch,
            "W1": W1, "b1": b1, "W2": W2, "b2": b2, "W3": W3, "b3": b3,
            "Wl1": Wl1, "bl1": bl1, "Wl2": Wl2, "bl2": bl2, "Wl3": Wl3, "bl3": bl3}


def _gcn_conv(x, edge_index, W, b):
    # PyG GCNConv: add self-loops, symmetric deg normalization, linear, scatter-add, bias
    n = x.shape[0]
    loop = jnp.arange(n, dtype=edge_index.dtype)
    src = jnp.concatenate([edge_index[0], loop])
    dst = jnp.concatenate([edge_index[1], loop])
    deg = jnp.zeros((n,), x.dtype).at[dst].add(jnp.ones((src.shape[0],), x.dtype))
    deg_inv_sqrt = jax.lax.rsqrt(jnp.maximum(deg, 1e-12))
    norm = deg_inv_sqrt[src] * deg_inv_sqrt[dst]
    h = x @ W
    msg = h[src] * norm[:, None]
    out = jnp.zeros((n, W.shape[1]), x.dtype).at[dst].add(msg)
    return out + b


def reference(x, edge_index, batch, W1, b1, W2, b2, W3, b3, Wl1, bl1, Wl2, bl2, Wl3, bl3):
    h = jax.nn.relu(_gcn_conv(x, edge_index, W1, b1))
    h = jax.nn.relu(_gcn_conv(h, edge_index, W2, b2))
    h = jax.nn.relu(_gcn_conv(h, edge_index, W3, b3))
    # global_mean_pool
    sums = jax.ops.segment_sum(h, batch, num_segments=N_GRAPHS)
    cnts = jax.ops.segment_sum(jnp.ones((h.shape[0],), h.dtype), batch, num_segments=N_GRAPHS)
    pooled = sums / jnp.maximum(cnts, 1.0)[:, None]
    h = jax.nn.relu(pooled @ Wl1 + bl1)
    h = jax.nn.relu(h @ Wl2 + bl2)
    out = h @ Wl3 + bl3
    return out.reshape(-1)

if __name__ == "__main__":
    import jax
    _d = setup_inputs()
    print(jax.jit(kernel)(*tuple(_d.values())))

</pallas_src>

<mosaic_0001>
#map = affine_map<(d0, d1) -> (0, 0)>
#map1 = affine_map<(d0, d1) -> (0, 0, 0)>
module attributes {stable_mosaic.version = 14 : i64} {
  func.func @_agg_kernel(%arg0: i32, %arg1: i32, %arg2: memref<10000x128xf32, #tpu.memory_space<hbm>>, %arg3: memref<32x159x128xi32, #tpu.memory_space<hbm>>, %arg4: memref<32x159x128xi32, #tpu.memory_space<hbm>>, %arg5: memref<10112x128xf32, #tpu.memory_space<hbm>>, %arg6: memref<2x10112x128xf32, #tpu.memory_space<hbm>>, %arg7: memref<3x128xi32, #tpu.memory_space<vmem>>, %arg8: memref<3x128xi32, #tpu.memory_space<vmem>>, %arg9: memref<3x128x128xf32, #tpu.memory_space<vmem>>, %arg10: memref<10112x128xf32, #tpu.memory_space<vmem_shared>>, %arg11: memref<!tpu.dma_semaphore, #tpu.memory_space<semaphore_mem>>, %arg12: memref<!tpu.dma_semaphore, #tpu.memory_space<semaphore_mem>>, %arg13: memref<!tpu.dma_semaphore, #tpu.memory_space<semaphore_mem>>, %arg14: memref<!tpu.dma_semaphore, #tpu.memory_space<semaphore_mem>>, %arg15: memref<!tpu.dma_semaphore, #tpu.memory_space<semaphore_mem>>, %arg16: memref<!tpu.dma_semaphore, #tpu.memory_space<semaphore_mem>>, %arg17: memref<!tpu.dma_semaphore, #tpu.memory_space<semaphore_mem>>, %arg18: memref<!tpu.dma_semaphore, #tpu.memory_space<semaphore_mem>>, %arg19: memref<!tpu.dma_semaphore, #tpu.memory_space<semaphore_mem>>) attributes {dimension_semantics = [#tpu.dimension_semantics<core_parallel>, #tpu.dimension_semantics<subcore_parallel>], iteration_bounds = array<i64: 2, 16>, scalar_prefetch = 0 : i64, scratch_operands = 13 : i64, tpu.core_type = #tpu.core_type<sc_vector_subcore>, window_params = [{transform_indices = #map}, {transform_indices = #map1}, {transform_indices = #map1}, {transform_indices = #map}, {transform_indices = #map1}]} {
    %mul3A = arith.constant 2 : i32
    %mul3A_0 = arith.muli %arg1, %mul3A : i32
    %add3A = arith.addi %mul3A_0, %arg0 : i32
    %mul3A_1 = arith.constant 632 : i32
    %mul3A_2 = arith.muli %arg1, %mul3A_1 : i32
    %mul3A_3 = arith.constant 632 : i32
    %mul3A_4 = arith.muli %arg1, %mul3A_3 : i32
    "tpu.region"() ({
      %run_scoped3A = tpu.sem_alloc : memref<!tpu.dma_semaphore, #tpu.memory_space<semaphore_mem>>
      %dma_start3A_124 = arith.constant 0 : i32
      %dma_start3A_125 = tpu.memref_slice %arg10[%mul3A_4, %dma_start3A_124] : memref<10112x128xf32, #tpu.memory_space<vmem_shared>> -> memref<632x128xf32, #tpu.memory_space<vmem_shared>>
      %dma_start3A_126 = arith.constant 0 : i32
      %dma_start3A_127 = tpu.memref_slice %arg5[%mul3A_2, %dma_start3A_126] : memref<10112x128xf32, #tpu.memory_space<hbm>> -> memref<632x128xf32, #tpu.memory_space<hbm>>
      tpu.enqueue_dma source(%dma_start3A_127 : memref<632x128xf32, #tpu.memory_space<hbm>>) target(%dma_start3A_125 : memref<632x128xf32, #tpu.memory_space<vmem_shared>>) target_semaphore(%run_scoped3A : memref<!tpu.dma_semaphore, #tpu.memory_space<semaphore_mem>>)
      %dma_wait3A_128 = arith.constant 0 : i32
      %dma_wait3A_129 = tpu.memref_slice %arg10[%mul3A_4, %dma_wait3A_128] : memref<10112x128xf32, #tpu.memory_space<vmem_shared>> -> memref<632x128xf32, #tpu.memory_space<vmem_shared>>
      %dma_wait3A_130 = arith.constant 0 : i32
      %dma_wait3A_131 = tpu.memref_slice %arg5[%mul3A_2, %dma_wait3A_130] : memref<10112x128xf32, #tpu.memory_space<hbm>> -> memref<632x128xf32, #tpu.memory_space<hbm>>
      tpu.wait_dma2 semaphore(%run_scoped3A : memref<!tpu.dma_semaphore, #tpu.memory_space<semaphore_mem>>) src(%dma_wait3A_131 : memref<632x128xf32, #tpu.memory_space<hbm>>) dst(%dma_wait3A_129 : memref<632x128xf32, #tpu.memory_space<vmem_shared>>)
      tpu.yield
    }) : () -> ()
    %dma_start3A = arith.constant 0 : i32
    %dma_start3A_5 = arith.constant 0 : i32
    %dma_start3A_6 = arith.constant 0 : i32
    %dma_start3A_7 = tpu.memref_slice %arg7[%dma_start3A_5, %dma_start3A_6] : memref<3x128xi32, #tpu.memory_space<vmem>> -> memref<1x128xi32, #tpu.memory_space<vmem>>
    %dma_start3A_8 = tpu.memref_squeeze %dma_start3A_7 : memref<1x128xi32, #tpu.memory_space<vmem>> -> memref<128xi32, #tpu.memory_space<vmem>>
    %dma_start3A_9 = arith.constant 0 : i32
    %dma_start3A_10 = tpu.memref_slice %arg3[%add3A, %dma_start3A, %dma_start3A_9] : memref<32x159x128xi32, #tpu.memory_space<hbm>> -> memref<1x1x128xi32, #tpu.memory_space<hbm>>
    %dma_start3A_11 = tpu.memref_squeeze %dma_start3A_10 : memref<1x1x128xi32, #tpu.memory_space<hbm>> -> memref<128xi32, #tpu.memory_space<hbm>>
    %dma_start3A_12 = arith.constant 0 : i32
    %dma_start3A_13 = tpu.memref_slice %arg7[%dma_start3A_5, %dma_start3A_12] : memref<3x128xi32, #tpu.memory_space<vmem>> -> memref<1x128xi32, #tpu.memory_space<vmem>>
    %dma_start3A_14 = tpu.memref_squeeze %dma_start3A_13 : memref<1x128xi32, #tpu.memory_space<vmem>> -> memref<128xi32, #tpu.memory_space<vmem>>
    %dma_start3A_15 = arith.constant 0 : i32
    %dma_start3A_16 = tpu.memref_slice %arg3[%add3A, %dma_start3A, %dma_start3A_15] : memref<32x159x128xi32, #tpu.memory_space<hbm>> -> memref<1x1x128xi32, #tpu.memory_space<hbm>>
    %dma_start3A_17 = tpu.memref_squeeze %dma_start3A_16 : memref<1x1x128xi32, #tpu.memory_space<hbm>> -> memref<128xi32, #tpu.memory_space<hbm>>
    tpu.enqueue_dma source(%dma_start3A_17 : memref<128xi32, #tpu.memory_space<hbm>>) target(%dma_start3A_14 : memref<128xi32, #tpu.memory_space<vmem>>) target_semaphore(%arg11 : memref<!tpu.dma_semaphore, #tpu.memory_space<semaphore_mem>>)
    %dma_start3A_18 = arith.constant 0 : i32
    %dma_start3A_19 = arith.constant 0 : i32
    %dma_start3A_20 = arith.constant 0 : i32
    %dma_start3A_21 = tpu.memref_slice %arg8[%dma_start3A_19, %dma_start3A_20] : memref<3x128xi32, #tpu.memory_space<vmem>> -> memref<1x128xi32, #tpu.memory_space<vmem>>
    %dma_start3A_22 = tpu.memref_squeeze %dma_start3A_21 : memref<1x128xi32, #tpu.memory_space<vmem>> -> memref<128xi32, #tpu.memory_space<vmem>>
    %dma_start3A_23 = arith.constant 0 : i32
    %dma_start3A_24 = tpu.memref_slice %arg4[%add3A, %dma_start3A_18, %dma_start3A_23] : memref<32x159x128xi32, #tpu.memory_space<hbm>> -> memref<1x1x128xi32, #tpu.memory_space<hbm>>
    %dma_start3A_25 = tpu.memref_squeeze %dma_start3A_24 : memref<1x1x128xi32, #tpu.memory_space<hbm>> -> memref<128xi32, #tpu.memory_space<hbm>>
    %dma_start3A_26 = arith.constant 0 : i32
    %dma_start3A_27 = tpu.memref_slice %arg8[%dma_start3A_19, %dma_start3A_26] : memref<3x128xi32, #tpu.memory_space<vmem>> -> memref<1x128xi32, #tpu.memory_space<vmem>>
    %dma_start3A_28 = tpu.memref_squeeze %dma_start3A_27 : memref<1x128xi32, #tpu.memory_space<vmem>> -> memref<128xi32, #tpu.memory_space<vmem>>
    %dma_start3A_29 = arith.constant 0 : i32
    %dma_start3A_30 = tpu.memref_slice %arg4[%add3A, %dma_start3A_18, %dma_start3A_29] : memref<32x159x128xi32, #tpu.memory_space<hbm>> -> memref<1x1x128xi32, #tpu.memory_space<hbm>>
    %dma_start3A_31 = tpu.memref_squeeze %dma_start3A_30 : memref<1x1x128xi32, #tpu.memory_space<hbm>> -> memref<128xi32, #tpu.memory_space<hbm>>
    tpu.enqueue_dma source(%dma_start3A_31 : memref<128xi32, #tpu.memory_space<hbm>>) target(%dma_start3A_28 : memref<128xi32, #tpu.memory_space<vmem>>) target_semaphore(%arg14 : memref<!tpu.dma_semaphore, #tpu.memory_space<semaphore_mem>>)
    %dma_start3A_32 = arith.constant 1 : i32
    %dma_start3A_33 = arith.constant 1 : i32
    %dma_start3A_34 = arith.constant 0 : i32
    %dma_start3A_35 = tpu.memref_slice %arg7[%dma_start3A_33, %dma_start3A_34] : memref<3x128xi32, #tpu.memory_space<vmem>> -> memref<1x128xi32, #tpu.memory_space<vmem>>
    %dma_start3A_36 = tpu.memref_squeeze %dma_start3A_35 : memref<1x128xi32, #tpu.memory_space<vmem>> -> memref<128xi32, #tpu.memory_space<vmem>>
    %dma_start3A_37 = arith.constant 0 : i32
    %dma_start3A_38 = tpu.memref_slice %arg3[%add3A, %dma_start3A_32, %dma_start3A_37] : memref<32x159x128xi32, #tpu.memory_space<hbm>> -> memref<1x1x128xi32, #tpu.memory_space<hbm>>
    %dma_start3A_39 = tpu.memref_squeeze %dma_start3A_38 : memref<1x1x128xi32, #tpu.memory_space<hbm>> -> memref<128xi32, #tpu.memory_space<hbm>>
    %dma_start3A_40 = arith.constant 0 : i32
    %dma_start3A_41 = tpu.memref_slice %arg7[%dma_start3A_33, %dma_start3A_40] : memref<3x128xi32, #tpu.memory_space<vmem>> -> memref<1x128xi32, #tpu.memory_space<vmem>>
    %dma_start3A_42 = tpu.memref_squeeze %dma_start3A_41 : memref<1x128xi32, #tpu.memory_space<vmem>> -> memref<128xi32, #tpu.memory_space<vmem>>
    %dma_start3A_43 = arith.constant 0 : i32
    %dma_start3A_44 = tpu.memref_slice %arg3[%add3A, %dma_start3A_32, %dma_start3A_43] : memref<32x159x128xi32, #tpu.memory_space<hbm>> -> memref<1x1x128xi32, #tpu.memory_space<hbm>>
    %dma_start3A_45 = tpu.memref_squeeze %dma_start3A_44 : memref<1x1x128xi32, #tpu.memory_space<hbm>> -> memref<128xi32, #tpu.memory_space<hbm>>
    tpu.enqueue_dma source(%dma_start3A_45 : memref<128xi32, #tpu.memory_space<hbm>>) target(%dma_start3A_42 : memref<128xi32, #tpu.memory_space<vmem>>) target_semaphore(%arg12 : memref<!tpu.dma_semaphore, #tpu.memory_space<semaphore_mem>>)
    %dma_start3A_46 = arith.constant 1 : i32
    %dma_start3A_47 = arith.constant 1 : i32
    %dma_start3A_48 = arith.constant 0 : i32
    %dma_start3A_49 = tpu.memref_slice %arg8[%dma_start3A_47, %dma_start3A_48] : memref<3x128xi32, #tpu.memory_space<vmem>> -> memref<1x128xi32, #tpu.memory_space<vmem>>
    %dma_start3A_50 = tpu.memref_squeeze %dma_start3A_49 : memref<1x128xi32, #tpu.memory_space<vmem>> -> memref<128xi32, #tpu.memory_space<vmem>>
    %dma_start3A_51 = arith.constant 0 : i32
    %dma_start3A_52 = tpu.memref_slice %arg4[%add3A, %dma_start3A_46, %dma_start3A_51] : memref<32x159x128xi32, #tpu.memory_space<hbm>> -> memref<1x1x128xi32, #tpu.memory_space<hbm>>
    %dma_start3A_53 = tpu.memref_squeeze %dma_start3A_52 : memref<1x1x128xi32, #tpu.memory_space<hbm>> -> memref<128xi32, #tpu.memory_space<hbm>>
    %dma_start3A_54 = arith.constant 0 : i32
    %dma_start3A_55 = tpu.memref_slice %arg8[%dma_start3A_47, %dma_start3A_54] : memref<3x128xi32, #tpu.memory_space<vmem>> -> memref<1x128xi32, #tpu.memory_space<vmem>>
    %dma_start3A_56 = tpu.memref_squeeze %dma_start3A_55 : memref<1x128xi32, #tpu.memory_space<vmem>> -> memref<128xi32, #tpu.memory_space<vmem>>
    %dma_start3A_57 = arith.constant 0 : i32
    %dma_start3A_58 = tpu.memref_slice %arg4[%add3A, %dma_start3A_46, %dma_start3A_57] : memref<32x159x128xi32, #tpu.memory_space<hbm>> -> memref<1x1x128xi32, #tpu.memory_space<hbm>>
    %dma_start3A_59 = tpu.memref_squeeze %dma_start3A_58 : memref<1x1x128xi32, #tpu.memory_space<hbm>> -> memref<128xi32, #tpu.memory_space<hbm>>
    tpu.enqueue_dma source(%dma_start3A_59 : memref<128xi32, #tpu.memory_space<hbm>>) target(%dma_start3A_56 : memref<128xi32, #tpu.memory_space<vmem>>) target_semaphore(%arg15 : memref<!tpu.dma_semaphore, #tpu.memory_space<semaphore_mem>>)
    %dma_start3A_60 = arith.constant 2 : i32
    %dma_start3A_61 = arith.constant 2 : i32
    %dma_start3A_62 = arith.constant 0 : i32
    %dma_start3A_63 = tpu.memref_slice %arg7[%dma_start3A_61, %dma_start3A_62] : memref<3x128xi32, #tpu.memory_space<vmem>> -> memref<1x128xi32, #tpu.memory_space<vmem>>
    %dma_start3A_64 = tpu.memref_squeeze %dma_start3A_63 : memref<1x128xi32, #tpu.memory_space<vmem>> -> memref<128xi32, #tpu.memory_space<vmem>>
    %dma_start3A_65 = arith.constant 0 : i32
    %dma_start3A_66 = tpu.memref_slice %arg3[%add3A, %dma_start3A_60, %dma_start3A_65] : memref<32x159x128xi32, #tpu.memory_space<hbm>> -> memref<1x1x128xi32, #tpu.memory_space<hbm>>
    %dma_start3A_67 = tpu.memref_squeeze %dma_start3A_66 : memref<1x1x128xi32, #tpu.memory_space<hbm>> -> memref<128xi32, #tpu.memory_space<hbm>>
    %dma_start3A_68 = arith.constant 0 : i32
    %dma_start3A_69 = tpu.memref_slice %arg7[%dma_start3A_61, %dma_start3A_68] : memref<3x128xi32, #tpu.memory_space<vmem>> -> memref<1x128xi32, #tpu.memory_space<vmem>>
    %dma_start3A_70 = tpu.memref_squeeze %dma_start3A_69 : memref<1x128xi32, #tpu.memory_space<vmem>> -> memref<128xi32, #tpu.memory_space<vmem>>
    %dma_start3A_71 = arith.constant 0 : i32
    %dma_start3A_72 = tpu.memref_slice %arg3[%add3A, %dma_start3A_60, %dma_start3A_71] : memref<32x159x128xi32, #tpu.memory_space<hbm>> -> memref<1x1x128xi32, #tpu.memory_space<hbm>>
    %dma_start3A_73 = tpu.memref_squeeze %dma_start3A_72 : memref<1x1x128xi32, #tpu.memory_space<hbm>> -> memref<128xi32, #tpu.memory_space<hbm>>
    tpu.enqueue_dma source(%dma_start3A_73 : memref<128xi32, #tpu.memory_space<hbm>>) target(%dma_start3A_70 : memref<128xi32, #tpu.memory_space<vmem>>) target_semaphore(%arg13 : memref<!tpu.dma_semaphore, #tpu.memory_space<semaphore_mem>>)
    %dma_start3A_74 = arith.constant 2 : i32
    %dma_start3A_75 = arith.constant 2 : i32
    %dma_start3A_76 = arith.constant 0 : i32
    %dma_start3A_77 = tpu.memref_slice %arg8[%dma_start3A_75, %dma_start3A_76] : memref<3x128xi32, #tpu.memory_space<vmem>> -> memref<1x128xi32, #tpu.memory_space<vmem>>
    %dma_start3A_78 = tpu.memref_squeeze %dma_start3A_77 : memref<1x128xi32, #tpu.memory_space<vmem>> -> memref<128xi32, #tpu.memory_space<vmem>>
    %dma_start3A_79 = arith.constant 0 : i32
    %dma_start3A_80 = tpu.memref_slice %arg4[%add3A, %dma_start3A_74, %dma_start3A_79] : memref<32x159x128xi32, #tpu.memory_space<hbm>> -> memref<1x1x128xi32, #tpu.memory_space<hbm>>
    %dma_start3A_81 = tpu.memref_squeeze %dma_start3A_80 : memref<1x1x128xi32, #tpu.memory_space<hbm>> -> memref<128xi32, #tpu.memory_space<hbm>>
    %dma_start3A_82 = arith.constant 0 : i32
    %dma_start3A_83 = tpu.memref_slice %arg8[%dma_start3A_75, %dma_start3A_82] : memref<3x128xi32, #tpu.memory_space<vmem>> -> memref<1x128xi32, #tpu.memory_space<vmem>>
    %dma_start3A_84 = tpu.memref_squeeze %dma_start3A_83 : memref<1x128xi32, #tpu.memory_space<vmem>> -> memref<128xi32, #tpu.memory_space<vmem>>
    %dma_start3A_85 = arith.constant 0 : i32
    %dma_start3A_86 = tpu.memref_slice %arg4[%add3A, %dma_start3A_74, %dma_start3A_85] : memref<32x159x128xi32, #tpu.memory_space<hbm>> -> memref<1x1x128xi32, #tpu.memory_space<hbm>>
    %dma_start3A_87 = tpu.memref_squeeze %dma_start3A_86 : memref<1x1x128xi32, #tpu.memory_space<hbm>> -> memref<128xi32, #tpu.memory_space<hbm>>
    tpu.enqueue_dma source(%dma_start3A_87 : memref<128xi32, #tpu.memory_space<hbm>>) target(%dma_start3A_84 : memref<128xi32, #tpu.memory_space<vmem>>) target_semaphore(%arg16 : memref<!tpu.dma_semaphore, #tpu.memory_space<semaphore_mem>>)
    %dma_wait3A = arith.constant 0 : i32
    %dma_wait3A_88 = arith.constant 0 : i32
    %dma_wait3A_89 = arith.constant 0 : i32
    %dma_wait3A_90 = tpu.memref_slice %arg7[%dma_wait3A_88, %dma_wait3A_89] : memref<3x128xi32, #tpu.memory_space<vmem>> -> memref<1x128xi32, #tpu.memory_space<vmem>>
    %dma_wait3A_91 = tpu.memref_squeeze %dma_wait3A_90 : memref<1x128xi32, #tpu.memory_space<vmem>> -> memref<128xi32, #tpu.memory_space<vmem>>
    %dma_wait3A_92 = arith.constant 0 : i32
    %dma_wait3A_93 = tpu.memref_slice %arg3[%add3A, %dma_wait3A, %dma_wait3A_92] : memref<32x159x128xi32, #tpu.memory_space<hbm>> -> memref<1x1x128xi32, #tpu.memory_space<hbm>>
    %dma_wait3A_94 = tpu.memref_squeeze %dma_wait3A_93 : memref<1x1x128xi32, #tpu.memory_space<hbm>> -> memref<128xi32, #tpu.memory_space<hbm>>
    %dma_wait3A_95 = arith.constant 0 : i32
    %dma_wait3A_96 = tpu.memref_slice %arg7[%dma_wait3A_88, %dma_wait3A_95] : memref<3x128xi32, #tpu.memory_space<vmem>> -> memref<1x128xi32, #tpu.memory_space<vmem>>
    %dma_wait3A_97 = tpu.memref_squeeze %dma_wait3A_96 : memref<1x128xi32, #tpu.memory_space<vmem>> -> memref<128xi32, #tpu.memory_space<vmem>>
    %dma_wait3A_98 = arith.constant 0 : i32
    %dma_wait3A_99 = tpu.memref_slice %arg3[%add3A, %dma_wait3A, %dma_wait3A_98] : memref<32x159x128xi32, #tpu.memory_space<hbm>> -> memref<1x1x128xi32, #tpu.memory_space<hbm>>
    %dma_wait3A_100 = tpu.memref_squeeze %dma_wait3A_99 : memref<1x1x128xi32, #tpu.memory_space<hbm>> -> memref<128xi32, #tpu.memory_space<hbm>>
    tpu.wait_dma2 semaphore(%arg11 : memref<!tpu.dma_semaphore, #tpu.memory_space<semaphore_mem>>) src(%dma_wait3A_100 : memref<128xi32, #tpu.memory_space<hbm>>) dst(%dma_wait3A_97 : memref<128xi32, #tpu.memory_space<vmem>>)
    %dma_start3A_101 = arith.constant 0 : i32
    %dma_start3A_102 = arith.constant 0 : i32
    %dma_start3A_103 = arith.constant 0 : i32
    %dma_start3A_104 = arith.constant 0 : i32
    %dma_start3A_105 = tpu.memref_slice %arg9[%dma_start3A_102, %dma_start3A_103, %dma_start3A_104] : memref<3x128x128xf32, #tpu.memory_space<vmem>> -> memref<1x128x128xf32, #tpu.memory_space<vmem>>
    %dma_start3A_106 = tpu.memref_squeeze %dma_start3A_105 : memref<1x128x128xf32, #tpu.memory_space<vmem>> -> memref<128x128xf32, #tpu.memory_space<vmem>>
    %dma_start3A_107 = arith.constant 0 : i32
    %dma_start3A_108 = tpu.memref_slice %arg7[%dma_start3A_101, %dma_start3A_107] : memref<3x128xi32, #tpu.memory_space<vmem>> -> memref<1x128xi32, #tpu.memory_space<vmem>>
    %dma_start3A_109 = tpu.memref_squeeze %dma_start3A_108 : memref<1x128xi32, #tpu.memory_space<vmem>> -> memref<128xi32, #tpu.memory_space<vmem>>
    %dma_start3A_110 = arith.constant 0 : i32
    %dma_start3A_111 = arith.constant 0 : i32
    %dma_start3A_112 = tpu.memref_slice %arg2[%dma_start3A_110, %dma_start3A_111] : memref<10000x128xf32, #tpu.memory_space<hbm>> -> memref<10000x128xf32, #tpu.memory_space<hbm>>
    tpu.enqueue_indirect_dma source(%dma_start3A_112 : memref<10000x128xf32, #tpu.memory_space<hbm>>) target(%dma_start3A_106 : memref<128x128xf32, #tpu.memory_space<vmem>>) offsets(%dma_start3A_109 : memref<128xi32, #tpu.memory_space<vmem>>) semaphore(%arg17 : memref<!tpu.dma_semaphore, #tpu.memory_space<semaphore_mem>>)
    %barrier3A = arith.constant 0 : index
    tpu.barrier barrier_id(%barrier3A)
    %scan3A = arith.constant 0 : i32
    %scan3A_113 = arith.constant 0 : i32
    %scan3A_114 = arith.constant 53 : i32
    %scan3A_115 = arith.addi %scan3A_113, %scan3A_114 : i32
    %scan3A_116 = arith.constant 1 : i32
    %scan3A_117 = scf.for %scan3A_124 = %scan3A_113 to %scan3A_115 step %scan3A_116 iter_args(%scan3A_125 = %scan3A) -> (i32)  : i32 {
      %mul3A_126 = arith.constant 3 : i32
      %mul3A_127 = arith.muli %scan3A_124, %mul3A_126 : i32
      %add3A_128 = arith.constant 0 : i32
      %add3A_129 = arith.addi %mul3A_127, %add3A_128 : i32
      %add3A_130 = arith.constant 1 : i32
      %add3A_131 = arith.addi %add3A_129, %add3A_130 : i32
      %lt3A = arith.constant 159 : i32
      %lt3A_132 = arith.cmpi slt, %add3A_131, %lt3A : i32
      %mul3A_133 = arith.constant 159 : i32
      %mul3A_134 = arith.muli %add3A, %mul3A_133 : i32
      %add3A_135 = arith.addi %mul3A_134, %add3A_129 : i32
      %add3A_136 = arith.constant 1 : i32
      %add3A_137 = arith.addi %add3A_135, %add3A_136 : i32
      %lt3A_138 = arith.constant 5000 : i32
      %lt3A_139 = arith.cmpi slt, %add3A_137, %lt3A_138 : i32
      %and3A = arith.andi %lt3A_132, %lt3A_139 : i1
      %convert_element_type3A = arith.extui %and3A : i1 to i32
      %cond3A = arith.constant 0 : i32
      %cond3A_140 = arith.cmpi ne, %convert_element_type3A, %cond3A : i32
      scf.if %cond3A_140 {
        %dma_wait3A_249 = arith.constant 0 : i32
        %dma_wait3A_250 = arith.constant 1 : i32
        %dma_wait3A_251 = arith.constant 0 : i32
        %dma_wait3A_252 = tpu.memref_slice %arg7[%dma_wait3A_250, %dma_wait3A_251] : memref<3x128xi32, #tpu.memory_space<vmem>> -> memref<1x128xi32, #tpu.memory_space<vmem>>
        %dma_wait3A_253 = tpu.memref_squeeze %dma_wait3A_252 : memref<1x128xi32, #tpu.memory_space<vmem>> -> memref<128xi32, #tpu.memory_space<vmem>>
        %dma_wait3A_254 = arith.constant 0 : i32
        %dma_wait3A_255 = tpu.memref_slice %arg3[%add3A, %dma_wait3A_249, %dma_wait3A_254] : memref<32x159x128xi32, #tpu.memory_space<hbm>> -> memref<1x1x128xi32, #tpu.memory_space<hbm>>
        %dma_wait3A_256 = tpu.memref_squeeze %dma_wait3A_255 : memref<1x1x128xi32, #tpu.memory_space<hbm>> -> memref<128xi32, #tpu.memory_space<hbm>>
        %dma_wait3A_257 = arith.constant 0 : i32
        %dma_wait3A_258 = tpu.memref_slice %arg7[%dma_wait3A_250, %dma_wait3A_257] : memref<3x128xi32, #tpu.memory_space<vmem>> -> memref<1x128xi32, #tpu.memory_space<vmem>>
        %dma_wait3A_259 = tpu.memref_squeeze %dma_wait3A_258 : memref<1x128xi32, #tpu.memory_space<vmem>> -> memref<128xi32, #tpu.memory_space<vmem>>
        %dma_wait3A_260 = arith.constant 0 : i32
        %dma_wait3A_261 = tpu.memref_slice %arg3[%add3A, %dma_wait3A_249, %dma_wait3A_260] : memref<32x159x128xi32, #tpu.memory_space<hbm>> -> memref<1x1x128xi32, #tpu.memory_space<hbm>>
        %dma_wait3A_262 = tpu.memref_squeeze %dma_wait3A_261 : memref<1x1x128xi32, #tpu.memory_space<hbm>> -> memref<128xi32, #tpu.memory_space<hbm>>
        tpu.wait_dma2 semaphore(%arg12 : memref<!tpu.dma_semaphore, #tpu.memory_space<semaphore_mem>>) src(%dma_wait3A_262 : memref<128xi32, #tpu.memory_space<hbm>>) dst(%dma_wait3A_259 : memref<128xi32, #tpu.memory_space<vmem>>)
        %dma_start3A_263 = arith.constant 1 : i32
        %dma_start3A_264 = arith.constant 1 : i32
        %dma_start3A_265 = arith.constant 0 : i32
        %dma_start3A_266 = arith.constant 0 : i32
        %dma_start3A_267 = tpu.memref_slice %arg9[%dma_start3A_264, %dma_start3A_265, %dma_start3A_266] : memref<3x128x128xf32, #tpu.memory_space<vmem>> -> memref<1x128x128xf32, #tpu.memory_space<vmem>>
        %dma_start3A_268 = tpu.memref_squeeze %dma_start3A_267 : memref<1x128x128xf32, #tpu.memory_space<vmem>> -> memref<128x128xf32, #tpu.memory_space<vmem>>
        %dma_start3A_269 = arith.constant 0 : i32
        %dma_start3A_270 = tpu.memref_slice %arg7[%dma_start3A_263, %dma_start3A_269] : memref<3x128xi32, #tpu.memory_space<vmem>> -> memref<1x128xi32, #tpu.memory_space<vmem>>
        %dma_start3A_271 = tpu.memref_squeeze %dma_start3A_270 : memref<1x128xi32, #tpu.memory_space<vmem>> -> memref<128xi32, #tpu.memory_space<vmem>>
        %dma_start3A_272 = arith.constant 0 : i32
        %dma_start3A_273 = arith.constant 0 : i32
        %dma_start3A_274 = tpu.memref_slice %arg2[%dma_start3A_272, %dma_start3A_273] : memref<10000x128xf32, #tpu.memory_space<hbm>> -> memref<10000x128xf32, #tpu.memory_space<hbm>>
        tpu.enqueue_indirect_dma source(%dma_start3A_274 : memref<10000x128xf32, #tpu.memory_space<hbm>>) target(%dma_start3A_268 : memref<128x128xf32, #tpu.memory_space<vmem>>) offsets(%dma_start3A_271 : memref<128xi32, #tpu.memory_space<vmem>>) semaphore(%arg18 : memref<!tpu.dma_semaphore, #tpu.memory_space<semaphore_mem>>)
      } else {
      }
      %mul3A_141 = arith.constant 159 : i32
      %mul3A_142 = arith.muli %add3A, %mul3A_141 : i32
      %add3A_143 = arith.addi %mul3A_142, %add3A_129 : i32
      %lt3A_144 = arith.constant 5000 : i32
      %lt3A_145 = arith.cmpi slt, %add3A_143, %lt3A_144 : i32
      %convert_element_type3A_146 = arith.extui %lt3A_145 : i1 to i32
      %cond3A_147 = arith.constant 0 : i32
      %cond3A_148 = arith.cmpi ne, %convert_element_type3A_146, %cond3A_147 : i32
      scf.if %cond3A_148 {
        %dma_wait3A_249 = arith.constant 0 : i32
        %dma_wait3A_250 = arith.constant 0 : i32
        %dma_wait3A_251 = arith.constant 0 : i32
        %dma_wait3A_252 = arith.constant 0 : i32
        %dma_wait3A_253 = tpu.memref_slice %arg9[%dma_wait3A_250, %dma_wait3A_251, %dma_wait3A_252] : memref<3x128x128xf32, #tpu.memory_space<vmem>> -> memref<1x128x128xf32, #tpu.memory_space<vmem>>
        %dma_wait3A_254 = tpu.memref_squeeze %dma_wait3A_253 : memref<1x128x128xf32, #tpu.memory_space<vmem>> -> memref<128x128xf32, #tpu.memory_space<vmem>>
        %dma_wait3A_255 = arith.constant 0 : i32
        %dma_wait3A_256 = tpu.memref_slice %arg7[%dma_wait3A_249, %dma_wait3A_255] : memref<3x128xi32, #tpu.memory_space<vmem>> -> memref<1x128xi32, #tpu.memory_space<vmem>>
        %dma_wait3A_257 = tpu.memref_squeeze %dma_wait3A_256 : memref<1x128xi32, #tpu.memory_space<vmem>> -> memref<128xi32, #tpu.memory_space<vmem>>
        %dma_wait3A_258 = arith.constant 0 : i32
        %dma_wait3A_259 = arith.constant 0 : i32
        %dma_wait3A_260 = tpu.memref_slice %arg2[%dma_wait3A_258, %dma_wait3A_259] : memref<10000x128xf32, #tpu.memory_space<hbm>> -> memref<10000x128xf32, #tpu.memory_space<hbm>>
        tpu.wait_indirect_dma semaphore(%arg17 : memref<!tpu.dma_semaphore, #tpu.memory_space<semaphore_mem>>) src(%dma_wait3A_260 : memref<10000x128xf32, #tpu.memory_space<hbm>>) dst(%dma_wait3A_254 : memref<128x128xf32, #tpu.memory_space<vmem>>)
        %dma_wait3A_261 = arith.constant 0 : i32
        %dma_wait3A_262 = arith.constant 0 : i32
        %dma_wait3A_263 = arith.constant 0 : i32
        %dma_wait3A_264 = tpu.memref_slice %arg8[%dma_wait3A_262, %dma_wait3A_263] : memref<3x128xi32, #tpu.memory_space<vmem>> -> memref<1x128xi32, #tpu.memory_space<vmem>>
        %dma_wait3A_265 = tpu.memref_squeeze %dma_wait3A_264 : memref<1x128xi32, #tpu.memory_space<vmem>> -> memref<128xi32, #tpu.memory_space<vmem>>
        %dma_wait3A_266 = arith.constant 0 : i32
        %dma_wait3A_267 = tpu.memref_slice %arg4[%add3A, %dma_wait3A_261, %dma_wait3A_266] : memref<32x159x128xi32, #tpu.memory_space<hbm>> -> memref<1x1x128xi32, #tpu.memory_space<hbm>>
        %dma_wait3A_268 = tpu.memref_squeeze %dma_wait3A_267 : memref<1x1x128xi32, #tpu.memory_space<hbm>> -> memref<128xi32, #tpu.memory_space<hbm>>
        %dma_wait3A_269 = arith.constant 0 : i32
        %dma_wait3A_270 = tpu.memref_slice %arg8[%dma_wait3A_262, %dma_wait3A_269] : memref<3x128xi32, #tpu.memory_space<vmem>> -> memref<1x128xi32, #tpu.memory_space<vmem>>
        %dma_wait3A_271 = tpu.memref_squeeze %dma_wait3A_270 : memref<1x128xi32, #tpu.memory_space<vmem>> -> memref<128xi32, #tpu.memory_space<vmem>>
        %dma_wait3A_272 = arith.constant 0 : i32
        %dma_wait3A_273 = tpu.memref_slice %arg4[%add3A, %dma_wait3A_261, %dma_wait3A_272] : memref<32x159x128xi32, #tpu.memory_space<hbm>> -> memref<1x1x128xi32, #tpu.memory_space<hbm>>
        %dma_wait3A_274 = tpu.memref_squeeze %dma_wait3A_273 : memref<1x1x128xi32, #tpu.memory_space<hbm>> -> memref<128xi32, #tpu.memory_space<hbm>>
        tpu.wait_dma2 semaphore(%arg14 : memref<!tpu.dma_semaphore, #tpu.memory_space<semaphore_mem>>) src(%dma_wait3A_274 : memref<128xi32, #tpu.memory_space<hbm>>) dst(%dma_wait3A_271 : memref<128xi32, #tpu.memory_space<vmem>>)
        %run_scoped3A = arith.constant 0 : i32
        %run_scoped3A_275 = arith.constant 0 : i32
        "tpu.region"() ({
          %run_scoped3A_276 = tpu.sem_alloc : memref<!tpu.dma_semaphore, #tpu.memory_space<semaphore_mem>>
          %dma_start3A_277 = arith.constant 0 : i32
          %dma_start3A_278 = arith.constant 0 : i32
          %dma_start3A_279 = tpu.memref_slice %arg9[%run_scoped3A, %dma_start3A_277, %dma_start3A_278] : memref<3x128x128xf32, #tpu.memory_space<vmem>> -> memref<1x128x128xf32, #tpu.memory_space<vmem>>
          %dma_start3A_280 = tpu.memref_squeeze %dma_start3A_279 : memref<1x128x128xf32, #tpu.memory_space<vmem>> -> memref<128x128xf32, #tpu.memory_space<vmem>>
          %dma_start3A_281 = arith.constant 0 : i32
          %dma_start3A_282 = tpu.memref_slice %arg8[%run_scoped3A_275, %dma_start3A_281] : memref<3x128xi32, #tpu.memory_space<vmem>> -> memref<1x128xi32, #tpu.memory_space<vmem>>
          %dma_start3A_283 = tpu.memref_squeeze %dma_start3A_282 : memref<1x128xi32, #tpu.memory_space<vmem>> -> memref<128xi32, #tpu.memory_space<vmem>>
          %dma_start3A_284 = arith.constant 0 : i32
          %dma_start3A_285 = arith.constant 0 : i32
          %dma_start3A_286 = tpu.memref_slice %arg10[%dma_start3A_284, %dma_start3A_285] : memref<10112x128xf32, #tpu.memory_space<vmem_shared>> -> memref<10112x128xf32, #tpu.memory_space<vmem_shared>>
          tpu.enqueue_indirect_dma source(%dma_start3A_280 : memref<128x128xf32, #tpu.memory_space<vmem>>) target(%dma_start3A_286 : memref<10112x128xf32, #tpu.memory_space<vmem_shared>>) offsets(%dma_start3A_283 : memref<128xi32, #tpu.memory_space<vmem>>) semaphore(%run_scoped3A_276 : memref<!tpu.dma_semaphore, #tpu.memory_space<semaphore_mem>>) {add = true}
          %dma_wait3A_287 = arith.constant 0 : i32
          %dma_wait3A_288 = arith.constant 0 : i32
          %dma_wait3A_289 = tpu.memref_slice %arg9[%run_scoped3A, %dma_wait3A_287, %dma_wait3A_288] : memref<3x128x128xf32, #tpu.memory_space<vmem>> -> memref<1x128x128xf32, #tpu.memory_space<vmem>>
          %dma_wait3A_290 = tpu.memref_squeeze %dma_wait3A_289 : memref<1x128x128xf32, #tpu.memory_space<vmem>> -> memref<128x128xf32, #tpu.memory_space<vmem>>
          %dma_wait3A_291 = arith.constant 0 : i32
          %dma_wait3A_292 = tpu.memref_slice %arg8[%run_scoped3A_275, %dma_wait3A_291] : memref<3x128xi32, #tpu.memory_space<vmem>> -> memref<1x128xi32, #tpu.memory_space<vmem>>
          %dma_wait3A_293 = tpu.memref_squeeze %dma_wait3A_292 : memref<1x128xi32, #tpu.memory_space<vmem>> -> memref<128xi32, #tpu.memory_space<vmem>>
          %dma_wait3A_294 = arith.constant 0 : i32
          %dma_wait3A_295 = arith.constant 0 : i32
          %dma_wait3A_296 = tpu.memref_slice %arg10[%dma_wait3A_294, %dma_wait3A_295] : memref<10112x128xf32, #tpu.memory_space<vmem_shared>> -> memref<10112x128xf32, #tpu.memory_space<vmem_shared>>
          tpu.wait_indirect_dma semaphore(%run_scoped3A_276 : memref<!tpu.dma_semaphore, #tpu.memory_space<semaphore_mem>>) src(%dma_wait3A_290 : memref<128x128xf32, #tpu.memory_space<vmem>>) dst(%dma_wait3A_296 : memref<10112x128xf32, #tpu.memory_space<vmem_shared>>)
          tpu.yield
        }) : () -> ()
      } else {
      }
      %add3A_149 = arith.constant 3 : i32
      %add3A_150 = arith.addi %add3A_129, %add3A_149 : i32
      %lt3A_151 = arith.constant 159 : i32
      %lt3A_152 = arith.cmpi slt, %add3A_150, %lt3A_151 : i32
      %mul3A_153 = arith.constant 159 : i32
      %mul3A_154 = arith.muli %add3A, %mul3A_153 : i32
      %add3A_155 = arith.addi %mul3A_154, %add3A_129 : i32
      %add3A_156 = arith.constant 3 : i32
      %add3A_157 = arith.addi %add3A_155, %add3A_156 : i32
      %lt3A_158 = arith.constant 5000 : i32
      %lt3A_159 = arith.cmpi slt, %add3A_157, %lt3A_158 : i32
      %and3A_160 = arith.andi %lt3A_152, %lt3A_159 : i1
      %convert_element_type3A_161 = arith.extui %and3A_160 : i1 to i32
      %cond3A_162 = arith.constant 0 : i32
      %cond3A_163 = arith.cmpi ne, %convert_element_type3A_161, %cond3A_162 : i32
      scf.if %cond3A_163 {
        %add3A_249 = arith.constant 3 : i32
        %add3A_250 = arith.addi %add3A_129, %add3A_249 : i32
        %dma_start3A_251 = arith.constant 0 : i32
        %dma_start3A_252 = arith.constant 0 : i32
        %dma_start3A_253 = tpu.memref_slice %arg7[%dma_start3A_251, %dma_start3A_252] : memref<3x128xi32, #tpu.memory_space<vmem>> -> memref<1x128xi32, #tpu.memory_space<vmem>>
        %dma_start3A_254 = tpu.memref_squeeze %dma_start3A_253 : memref<1x128xi32, #tpu.memory_space<vmem>> -> memref<128xi32, #tpu.memory_space<vmem>>
        %dma_start3A_255 = arith.constant 0 : i32
        %dma_start3A_256 = tpu.memref_slice %arg3[%add3A, %add3A_250, %dma_start3A_255] : memref<32x159x128xi32, #tpu.memory_space<hbm>> -> memref<1x1x128xi32, #tpu.memory_space<hbm>>
        %dma_start3A_257 = tpu.memref_squeeze %dma_start3A_256 : memref<1x1x128xi32, #tpu.memory_space<hbm>> -> memref<128xi32, #tpu.memory_space<hbm>>
        %dma_start3A_258 = arith.constant 0 : i32
        %dma_start3A_259 = tpu.memref_slice %arg7[%dma_start3A_251, %dma_start3A_258] : memref<3x128xi32, #tpu.memory_space<vmem>> -> memref<1x128xi32, #tpu.memory_space<vmem>>
        %dma_start3A_260 = tpu.memref_squeeze %dma_start3A_259 : memref<1x128xi32, #tpu.memory_space<vmem>> -> memref<128xi32, #tpu.memory_space<vmem>>
        %dma_start3A_261 = arith.constant 0 : i32
        %dma_start3A_262 = tpu.memref_slice %arg3[%add3A, %add3A_250, %dma_start3A_261] : memref<32x159x128xi32, #tpu.memory_space<hbm>> -> memref<1x1x128xi32, #tpu.memory_space<hbm>>
        %dma_start3A_263 = tpu.memref_squeeze %dma_start3A_262 : memref<1x1x128xi32, #tpu.memory_space<hbm>> -> memref<128xi32, #tpu.memory_space<hbm>>
        tpu.enqueue_dma source(%dma_start3A_263 : memref<128xi32, #tpu.memory_space<hbm>>) target(%dma_start3A_260 : memref<128xi32, #tpu.memory_space<vmem>>) target_semaphore(%arg11 : memref<!tpu.dma_semaphore, #tpu.memory_space<semaphore_mem>>)
        %add3A_264 = arith.constant 3 : i32
        %add3A_265 = arith.addi %add3A_129, %add3A_264 : i32
        %dma_start3A_266 = arith.constant 0 : i32
        %dma_start3A_267 = arith.constant 0 : i32
        %dma_start3A_268 = tpu.memref_slice %arg8[%dma_start3A_266, %dma_start3A_267] : memref<3x128xi32, #tpu.memory_space<vmem>> -> memref<1x128xi32, #tpu.memory_space<vmem>>
        %dma_start3A_269 = tpu.memref_squeeze %dma_start3A_268 : memref<1x128xi32, #tpu.memory_space<vmem>> -> memref<128xi32, #tpu.memory_space<vmem>>
        %dma_start3A_270 = arith.constant 0 : i32
        %dma_start3A_271 = tpu.memref_slice %arg4[%add3A, %add3A_265, %dma_start3A_270] : memref<32x159x128xi32, #tpu.memory_space<hbm>> -> memref<1x1x128xi32, #tpu.memory_space<hbm>>
        %dma_start3A_272 = tpu.memref_squeeze %dma_start3A_271 : memref<1x1x128xi32, #tpu.memory_space<hbm>> -> memref<128xi32, #tpu.memory_space<hbm>>
        %dma_start3A_273 = arith.constant 0 : i32
        %dma_start3A_274 = tpu.memref_slice %arg8[%dma_start3A_266, %dma_start3A_273] : memref<3x128xi32, #tpu.memory_space<vmem>> -> memref<1x128xi32, #tpu.memory_space<vmem>>
        %dma_start3A_275 = tpu.memref_squeeze %dma_start3A_274 : memref<1x128xi32, #tpu.memory_space<vmem>> -> memref<128xi32, #tpu.memory_space<vmem>>
        %dma_start3A_276 = arith.constant 0 : i32
        %dma_start3A_277 = tpu.memref_slice %arg4[%add3A, %add3A_265, %dma_start3A_276] : memref<32x159x128xi32, #tpu.memory_space<hbm>> -> memref<1x1x128xi32, #tpu.memory_space<hbm>>
        %dma_start3A_278 = tpu.memref_squeeze %dma_start3A_277 : memref<1x1x128xi32, #tpu.memory_space<hbm>> -> memref<128xi32, #tpu.memory_space<hbm>>
        tpu.enqueue_dma source(%dma_start3A_278 : memref<128xi32, #tpu.memory_space<hbm>>) target(%dma_start3A_275 : memref<128xi32, #tpu.memory_space<vmem>>) target_semaphore(%arg14 : memref<!tpu.dma_semaphore, #tpu.memory_space<semaphore_mem>>)
      } else {
      }
      %mul3A_164 = arith.constant 3 : i32
      %mul3A_165 = arith.muli %scan3A_124, %mul3A_164 : i32
      %add3A_166 = arith.constant 1 : i32
      %add3A_167 = arith.addi %mul3A_165, %add3A_166 : i32
      %add3A_168 = arith.constant 1 : i32
      %add3A_169 = arith.addi %add3A_167, %add3A_168 : i32
      %lt3A_170 = arith.constant 159 : i32
      %lt3A_171 = arith.cmpi slt, %add3A_169, %lt3A_170 : i32
      %mul3A_172 = arith.constant 159 : i32
      %mul3A_173 = arith.muli %add3A, %mul3A_172 : i32
      %add3A_174 = arith.addi %mul3A_173, %add3A_167 : i32
      %add3A_175 = arith.constant 1 : i32
      %add3A_176 = arith.addi %add3A_174, %add3A_175 : i32
      %lt3A_177 = arith.constant 5000 : i32
      %lt3A_178 = arith.cmpi slt, %add3A_176, %lt3A_177 : i32
      %and3A_179 = arith.andi %lt3A_171, %lt3A_178 : i1
      %convert_element_type3A_180 = arith.extui %and3A_179 : i1 to i32
      %cond3A_181 = arith.constant 0 : i32
      %cond3A_182 = arith.cmpi ne, %convert_element_type3A_180, %cond3A_181 : i32
      scf.if %cond3A_182 {
        %dma_wait3A_249 = arith.constant 0 : i32
        %dma_wait3A_250 = arith.constant 2 : i32
        %dma_wait3A_251 = arith.constant 0 : i32
        %dma_wait3A_252 = tpu.memref_slice %arg7[%dma_wait3A_250, %dma_wait3A_251] : memref<3x128xi32, #tpu.memory_space<vmem>> -> memref<1x128xi32, #tpu.memory_space<vmem>>
        %dma_wait3A_253 = tpu.memref_squeeze %dma_wait3A_252 : memref<1x128xi32, #tpu.memory_space<vmem>> -> memref<128xi32, #tpu.memory_space<vmem>>
        %dma_wait3A_254 = arith.constant 0 : i32
        %dma_wait3A_255 = tpu.memref_slice %arg3[%add3A, %dma_wait3A_249, %dma_wait3A_254] : memref<32x159x128xi32, #tpu.memory_space<hbm>> -> memref<1x1x128xi32, #tpu.memory_space<hbm>>
        %dma_wait3A_256 = tpu.memref_squeeze %dma_wait3A_255 : memref<1x1x128xi32, #tpu.memory_space<hbm>> -> memref<128xi32, #tpu.memory_space<hbm>>
        %dma_wait3A_257 = arith.constant 0 : i32
        %dma_wait3A_258 = tpu.memref_slice %arg7[%dma_wait3A_250, %dma_wait3A_257] : memref<3x128xi32, #tpu.memory_space<vmem>> -> memref<1x128xi32, #tpu.memory_space<vmem>>
        %dma_wait3A_259 = tpu.memref_squeeze %dma_wait3A_258 : memref<1x128xi32, #tpu.memory_space<vmem>> -> memref<128xi32, #tpu.memory_space<vmem>>
        %dma_wait3A_260 = arith.constant 0 : i32
        %dma_wait3A_261 = tpu.memref_slice %arg3[%add3A, %dma_wait3A_249, %dma_wait3A_260] : memref<32x159x128xi32, #tpu.memory_space<hbm>> -> memref<1x1x128xi32, #tpu.memory_space<hbm>>
        %dma_wait3A_262 = tpu.memref_squeeze %dma_wait3A_261 : memref<1x1x128xi32, #tpu.memory_space<hbm>> -> memref<128xi32, #tpu.memory_space<hbm>>
        tpu.wait_dma2 semaphore(%arg13 : memref<!tpu.dma_semaphore, #tpu.memory_space<semaphore_mem>>) src(%dma_wait3A_262 : memref<128xi32, #tpu.memory_space<hbm>>) dst(%dma_wait3A_259 : memref<128xi32, #tpu.memory_space<vmem>>)
        %dma_start3A_263 = arith.constant 2 : i32
        %dma_start3A_264 = arith.constant 2 : i32
        %dma_start3A_265 = arith.constant 0 : i32
        %dma_start3A_266 = arith.constant 0 : i32
        %dma_start3A_267 = tpu.memref_slice %arg9[%dma_start3A_264, %dma_start3A_265, %dma_start3A_266] : memref<3x128x128xf32, #tpu.memory_space<vmem>> -> memref<1x128x128xf32, #tpu.memory_space<vmem>>
        %dma_start3A_268 = tpu.memref_squeeze %dma_start3A_267 : memref<1x128x128xf32, #tpu.memory_space<vmem>> -> memref<128x128xf32, #tpu.memory_space<vmem>>
        %dma_start3A_269 = arith.constant 0 : i32
        %dma_start3A_270 = tpu.memref_slice %arg7[%dma_start3A_263, %dma_start3A_269] : memref<3x128xi32, #tpu.memory_space<vmem>> -> memref<1x128xi32, #tpu.memory_space<vmem>>
        %dma_start3A_271 = tpu.memref_squeeze %dma_start3A_270 : memref<1x128xi32, #tpu.memory_space<vmem>> -> memref<128xi32, #tpu.memory_space<vmem>>
        %dma_start3A_272 = arith.constant 0 : i32
        %dma_start3A_273 = arith.constant 0 : i32
        %dma_start3A_274 = tpu.memref_slice %arg2[%dma_start3A_272, %dma_start3A_273] : memref<10000x128xf32, #tpu.memory_space<hbm>> -> memref<10000x128xf32, #tpu.memory_space<hbm>>
        tpu.enqueue_indirect_dma source(%dma_start3A_274 : memref<10000x128xf32, #tpu.memory_space<hbm>>) target(%dma_start3A_268 : memref<128x128xf32, #tpu.memory_space<vmem>>) offsets(%dma_start3A_271 : memref<128xi32, #tpu.memory_space<vmem>>) semaphore(%arg19 : memref<!tpu.dma_semaphore, #tpu.memory_space<semaphore_mem>>)
      } else {
      }
      %mul3A_183 = arith.constant 159 : i32
      %mul3A_184 = arith.muli %add3A, %mul3A_183 : i32
      %add3A_185 = arith.addi %mul3A_184, %add3A_167 : i32
      %lt3A_186 = arith.constant 5000 : i32
      %lt3A_187 = arith.cmpi slt, %add3A_185, %lt3A_186 : i32
      %convert_element_type3A_188 = arith.extui %lt3A_187 : i1 to i32
      %cond3A_189 = arith.constant 0 : i32
      %cond3A_190 = arith.cmpi ne, %convert_element_type3A_188, %cond3A_189 : i32
      scf.if %cond3A_190 {
        %dma_wait3A_249 = arith.constant 1 : i32
        %dma_wait3A_250 = arith.constant 1 : i32
        %dma_wait3A_251 = arith.constant 0 : i32
        %dma_wait3A_252 = arith.constant 0 : i32
        %dma_wait3A_253 = tpu.memref_slice %arg9[%dma_wait3A_250, %dma_wait3A_251, %dma_wait3A_252] : memref<3x128x128xf32, #tpu.memory_space<vmem>> -> memref<1x128x128xf32, #tpu.memory_space<vmem>>
        %dma_wait3A_254 = tpu.memref_squeeze %dma_wait3A_253 : memref<1x128x128xf32, #tpu.memory_space<vmem>> -> memref<128x128xf32, #tpu.memory_space<vmem>>
        %dma_wait3A_255 = arith.constant 0 : i32
        %dma_wait3A_256 = tpu.memref_slice %arg7[%dma_wait3A_249, %dma_wait3A_255] : memref<3x128xi32, #tpu.memory_space<vmem>> -> memref<1x128xi32, #tpu.memory_space<vmem>>
        %dma_wait3A_257 = tpu.memref_squeeze %dma_wait3A_256 : memref<1x128xi32, #tpu.memory_space<vmem>> -> memref<128xi32, #tpu.memory_space<vmem>>
        %dma_wait3A_258 = arith.constant 0 : i32
        %dma_wait3A_259 = arith.constant 0 : i32
        %dma_wait3A_260 = tpu.memref_slice %arg2[%dma_wait3A_258, %dma_wait3A_259] : memref<10000x128xf32, #tpu.memory_space<hbm>> -> memref<10000x128xf32, #tpu.memory_space<hbm>>
        tpu.wait_indirect_dma semaphore(%arg18 : memref<!tpu.dma_semaphore, #tpu.memory_space<semaphore_mem>>) src(%dma_wait3A_260 : memref<10000x128xf32, #tpu.memory_space<hbm>>) dst(%dma_wait3A_254 : memref<128x128xf32, #tpu.memory_space<vmem>>)
        %dma_wait3A_261 = arith.constant 0 : i32
        %dma_wait3A_262 = arith.constant 1 : i32
        %dma_wait3A_263 = arith.constant 0 : i32
        %dma_wait3A_264 = tpu.memref_slice %arg8[%dma_wait3A_262, %dma_wait3A_263] : memref<3x128xi32, #tpu.memory_space<vmem>> -> memref<1x128xi32, #tpu.memory_space<vmem>>
        %dma_wait3A_265 = tpu.memref_squeeze %dma_wait3A_264 : memref<1x128xi32, #tpu.memory_space<vmem>> -> memref<128xi32, #tpu.memory_space<vmem>>
        %dma_wait3A_266 = arith.constant 0 : i32
        %dma_wait3A_267 = tpu.memref_slice %arg4[%add3A, %dma_wait3A_261, %dma_wait3A_266] : memref<32x159x128xi32, #tpu.memory_space<hbm>> -> memref<1x1x128xi32, #tpu.memory_space<hbm>>
        %dma_wait3A_268 = tpu.memref_squeeze %dma_wait3A_267 : memref<1x1x128xi32, #tpu.memory_space<hbm>> -> memref<128xi32, #tpu.memory_space<hbm>>
        %dma_wait3A_269 = arith.constant 0 : i32
        %dma_wait3A_270 = tpu.memref_slice %arg8[%dma_wait3A_262, %dma_wait3A_269] : memref<3x128xi32, #tpu.memory_space<vmem>> -> memref<1x128xi32, #tpu.memory_space<vmem>>
        %dma_wait3A_271 = tpu.memref_squeeze %dma_wait3A_270 : memref<1x128xi32, #tpu.memory_space<vmem>> -> memref<128xi32, #tpu.memory_space<vmem>>
        %dma_wait3A_272 = arith.constant 0 : i32
        %dma_wait3A_273 = tpu.memref_slice %arg4[%add3A, %dma_wait3A_261, %dma_wait3A_272] : memref<32x159x128xi32, #tpu.memory_space<hbm>> -> memref<1x1x128xi32, #tpu.memory_space<hbm>>
        %dma_wait3A_274 = tpu.memref_squeeze %dma_wait3A_273 : memref<1x1x128xi32, #tpu.memory_space<hbm>> -> memref<128xi32, #tpu.memory_space<hbm>>
        tpu.wait_dma2 semaphore(%arg15 : memref<!tpu.dma_semaphore, #tpu.memory_space<semaphore_mem>>) src(%dma_wait3A_274 : memref<128xi32, #tpu.memory_space<hbm>>) dst(%dma_wait3A_271 : memref<128xi32, #tpu.memory_space<vmem>>)
        %run_scoped3A = arith.constant 1 : i32
        %run_scoped3A_275 = arith.constant 1 : i32
        "tpu.region"() ({
          %run_scoped3A_276 = tpu.sem_alloc : memref<!tpu.dma_semaphore, #tpu.memory_space<semaphore_mem>>
          %dma_start3A_277 = arith.constant 0 : i32
          %dma_start3A_278 = arith.constant 0 : i32
          %dma_start3A_279 = tpu.memref_slice %arg9[%run_scoped3A, %dma_start3A_277, %dma_start3A_278] : memref<3x128x128xf32, #tpu.memory_space<vmem>> -> memref<1x128x128xf32, #tpu.memory_space<vmem>>
          %dma_start3A_280 = tpu.memref_squeeze %dma_start3A_279 : memref<1x128x128xf32, #tpu.memory_space<vmem>> -> memref<128x128xf32, #tpu.memory_space<vmem>>
          %dma_start3A_281 = arith.constant 0 : i32
          %dma_start3A_282 = tpu.memref_slice %arg8[%run_scoped3A_275, %dma_start3A_281] : memref<3x128xi32, #tpu.memory_space<vmem>> -> memref<1x128xi32, #tpu.memory_space<vmem>>
          %dma_start3A_283 = tpu.memref_squeeze %dma_start3A_282 : memref<1x128xi32, #tpu.memory_space<vmem>> -> memref<128xi32, #tpu.memory_space<vmem>>
          %dma_start3A_284 = arith.constant 0 : i32
          %dma_start3A_285 = arith.constant 0 : i32
          %dma_start3A_286 = tpu.memref_slice %arg10[%dma_start3A_284, %dma_start3A_285] : memref<10112x128xf32, #tpu.memory_space<vmem_shared>> -> memref<10112x128xf32, #tpu.memory_space<vmem_shared>>
          tpu.enqueue_indirect_dma source(%dma_start3A_280 : memref<128x128xf32, #tpu.memory_space<vmem>>) target(%dma_start3A_286 : memref<10112x128xf32, #tpu.memory_space<vmem_shared>>) offsets(%dma_start3A_283 : memref<128xi32, #tpu.memory_space<vmem>>) semaphore(%run_scoped3A_276 : memref<!tpu.dma_semaphore, #tpu.memory_space<semaphore_mem>>) {add = true}
          %dma_wait3A_287 = arith.constant 0 : i32
          %dma_wait3A_288 = arith.constant 0 : i32
          %dma_wait3A_289 = tpu.memref_slice %arg9[%run_scoped3A, %dma_wait3A_287, %dma_wait3A_288] : memref<3x128x128xf32, #tpu.memory_space<vmem>> -> memref<1x128x128xf32, #tpu.memory_space<vmem>>
          %dma_wait3A_290 = tpu.memref_squeeze %dma_wait3A_289 : memref<1x128x128xf32, #tpu.memory_space<vmem>> -> memref<128x128xf32, #tpu.memory_space<vmem>>
          %dma_wait3A_291 = arith.constant 0 : i32
          %dma_wait3A_292 = tpu.memref_slice %arg8[%run_scoped3A_275, %dma_wait3A_291] : memref<3x128xi32, #tpu.memory_space<vmem>> -> memref<1x128xi32, #tpu.memory_space<vmem>>
          %dma_wait3A_293 = tpu.memref_squeeze %dma_wait3A_292 : memref<1x128xi32, #tpu.memory_space<vmem>> -> memref<128xi32, #tpu.memory_space<vmem>>
          %dma_wait3A_294 = arith.constant 0 : i32
          %dma_wait3A_295 = arith.constant 0 : i32
          %dma_wait3A_296 = tpu.memref_slice %arg10[%dma_wait3A_294, %dma_wait3A_295] : memref<10112x128xf32, #tpu.memory_space<vmem_shared>> -> memref<10112x128xf32, #tpu.memory_space<vmem_shared>>
          tpu.wait_indirect_dma semaphore(%run_scoped3A_276 : memref<!tpu.dma_semaphore, #tpu.memory_space<semaphore_mem>>) src(%dma_wait3A_290 : memref<128x128xf32, #tpu.memory_space<vmem>>) dst(%dma_wait3A_296 : memref<10112x128xf32, #tpu.memory_space<vmem_shared>>)
          tpu.yield
        }) : () -> ()
      } else {
      }
      %add3A_191 = arith.constant 3 : i32
      %add3A_192 = arith.addi %add3A_167, %add3A_191 : i32
      %lt3A_193 = arith.constant 159 : i32
      %lt3A_194 = arith.cmpi slt, %add3A_192, %lt3A_193 : i32
      %mul3A_195 = arith.constant 159 : i32
      %mul3A_196 = arith.muli %add3A, %mul3A_195 : i32
      %add3A_197 = arith.addi %mul3A_196, %add3A_167 : i32
      %add3A_198 = arith.constant 3 : i32
      %add3A_199 = arith.addi %add3A_197, %add3A_198 : i32
      %lt3A_200 = arith.constant 5000 : i32
      %lt3A_201 = arith.cmpi slt, %add3A_199, %lt3A_200 : i32
      %and3A_202 = arith.andi %lt3A_194, %lt3A_201 : i1
      %convert_element_type3A_203 = arith.extui %and3A_202 : i1 to i32
      %cond3A_204 = arith.constant 0 : i32
      %cond3A_205 = arith.cmpi ne, %convert_element_type3A_203, %cond3A_204 : i32
      scf.if %cond3A_205 {
        %add3A_249 = arith.constant 3 : i32
        %add3A_250 = arith.addi %add3A_167, %add3A_249 : i32
        %dma_start3A_251 = arith.constant 1 : i32
        %dma_start3A_252 = arith.constant 0 : i32
        %dma_start3A_253 = tpu.memref_slice %arg7[%dma_start3A_251, %dma_start3A_252] : memref<3x128xi32, #tpu.memory_space<vmem>> -> memref<1x128xi32, #tpu.memory_space<vmem>>
        %dma_start3A_254 = tpu.memref_squeeze %dma_start3A_253 : memref<1x128xi32, #tpu.memory_space<vmem>> -> memref<128xi32, #tpu.memory_space<vmem>>
        %dma_start3A_255 = arith.constant 0 : i32
        %dma_start3A_256 = tpu.memref_slice %arg3[%add3A, %add3A_250, %dma_start3A_255] : memref<32x159x128xi32, #tpu.memory_space<hbm>> -> memref<1x1x128xi32, #tpu.memory_space<hbm>>
        %dma_start3A_257 = tpu.memref_squeeze %dma_start3A_256 : memref<1x1x128xi32, #tpu.memory_space<hbm>> -> memref<128xi32, #tpu.memory_space<hbm>>
        %dma_start3A_258 = arith.constant 0 : i32
        %dma_start3A_259 = tpu.memref_slice %arg7[%dma_start3A_251, %dma_start3A_258] : memref<3x128xi32, #tpu.memory_space<vmem>> -> memref<1x128xi32, #tpu.memory_space<vmem>>
        %dma_start3A_260 = tpu.memref_squeeze %dma_start3A_259 : memref<1x128xi32, #tpu.memory_space<vmem>> -> memref<128xi32, #tpu.memory_space<vmem>>
        %dma_start3A_261 = arith.constant 0 : i32
        %dma_start3A_262 = tpu.memref_slice %arg3[%add3A, %add3A_250, %dma_start3A_261] : memref<32x159x128xi32, #tpu.memory_space<hbm>> -> memref<1x1x128xi32, #tpu.memory_space<hbm>>
        %dma_start3A_263 = tpu.memref_squeeze %dma_start3A_262 : memref<1x1x128xi32, #tpu.memory_space<hbm>> -> memref<128xi32, #tpu.memory_space<hbm>>
        tpu.enqueue_dma source(%dma_start3A_263 : memref<128xi32, #tpu.memory_space<hbm>>) target(%dma_start3A_260 : memref<128xi32, #tpu.memory_space<vmem>>) target_semaphore(%arg12 : memref<!tpu.dma_semaphore, #tpu.memory_space<semaphore_mem>>)
        %add3A_264 = arith.constant 3 : i32
        %add3A_265 = arith.addi %add3A_167, %add3A_264 : i32
        %dma_start3A_266 = arith.constant 1 : i32
        %dma_start3A_267 = arith.constant 0 : i32
        %dma_start3A_268 = tpu.memref_slice %arg8[%dma_start3A_266, %dma_start3A_267] : memref<3x128xi32, #tpu.memory_space<vmem>> -> memref<1x128xi32, #tpu.memory_space<vmem>>
        %dma_start3A_269 = tpu.memref_squeeze %dma_start3A_268 : memref<1x128xi32, #tpu.memory_space<vmem>> -> memref<128xi32, #tpu.memory_space<vmem>>
        %dma_start3A_270 = arith.constant 0 : i32
        %dma_start3A_271 = tpu.memref_slice %arg4[%add3A, %add3A_265, %dma_start3A_270] : memref<32x159x128xi32, #tpu.memory_space<hbm>> -> memref<1x1x128xi32, #tpu.memory_space<hbm>>
        %dma_start3A_272 = tpu.memref_squeeze %dma_start3A_271 : memref<1x1x128xi32, #tpu.memory_space<hbm>> -> memref<128xi32, #tpu.memory_space<hbm>>
        %dma_start3A_273 = arith.constant 0 : i32
        %dma_start3A_274 = tpu.memref_slice %arg8[%dma_start3A_266, %dma_start3A_273] : memref<3x128xi32, #tpu.memory_space<vmem>> -> memref<1x128xi32, #tpu.memory_space<vmem>>
        %dma_start3A_275 = tpu.memref_squeeze %dma_start3A_274 : memref<1x128xi32, #tpu.memory_space<vmem>> -> memref<128xi32, #tpu.memory_space<vmem>>
        %dma_start3A_276 = arith.constant 0 : i32
        %dma_start3A_277 = tpu.memref_slice %arg4[%add3A, %add3A_265, %dma_start3A_276] : memref<32x159x128xi32, #tpu.memory_space<hbm>> -> memref<1x1x128xi32, #tpu.memory_space<hbm>>
        %dma_start3A_278 = tpu.memref_squeeze %dma_start3A_277 : memref<1x1x128xi32, #tpu.memory_space<hbm>> -> memref<128xi32, #tpu.memory_space<hbm>>
        tpu.enqueue_dma source(%dma_start3A_278 : memref<128xi32, #tpu.memory_space<hbm>>) target(%dma_start3A_275 : memref<128xi32, #tpu.memory_space<vmem>>) target_semaphore(%arg15 : memref<!tpu.dma_semaphore, #tpu.memory_space<semaphore_mem>>)
      } else {
      }
      %mul3A_206 = arith.constant 3 : i32
      %mul3A_207 = arith.muli %scan3A_124, %mul3A_206 : i32
      %add3A_208 = arith.constant 2 : i32
      %add3A_209 = arith.addi %mul3A_207, %add3A_208 : i32
      %add3A_210 = arith.constant 1 : i32
      %add3A_211 = arith.addi %add3A_209, %add3A_210 : i32
      %lt3A_212 = arith.constant 159 : i32
      %lt3A_213 = arith.cmpi slt, %add3A_211, %lt3A_212 : i32
      %mul3A_214 = arith.constant 159 : i32
      %mul3A_215 = arith.muli %add3A, %mul3A_214 : i32
      %add3A_216 = arith.addi %mul3A_215, %add3A_209 : i32
      %add3A_217 = arith.constant 1 : i32
      %add3A_218 = arith.addi %add3A_216, %add3A_217 : i32
      %lt3A_219 = arith.constant 5000 : i32
      %lt3A_220 = arith.cmpi slt, %add3A_218, %lt3A_219 : i32
      %and3A_221 = arith.andi %lt3A_213, %lt3A_220 : i1
      %convert_element_type3A_222 = arith.extui %and3A_221 : i1 to i32
      %cond3A_223 = arith.constant 0 : i32
      %cond3A_224 = arith.cmpi ne, %convert_element_type3A_222, %cond3A_223 : i32
      scf.if %cond3A_224 {
        %dma_wait3A_249 = arith.constant 0 : i32
        %dma_wait3A_250 = arith.constant 0 : i32
        %dma_wait3A_251 = arith.constant 0 : i32
        %dma_wait3A_252 = tpu.memref_slice %arg7[%dma_wait3A_250, %dma_wait3A_251] : memref<3x128xi32, #tpu.memory_space<vmem>> -> memref<1x128xi32, #tpu.memory_space<vmem>>
        %dma_wait3A_253 = tpu.memref_squeeze %dma_wait3A_252 : memref<1x128xi32, #tpu.memory_space<vmem>> -> memref<128xi32, #tpu.memory_space<vmem>>
        %dma_wait3A_254 = arith.constant 0 : i32
        %dma_wait3A_255 = tpu.memref_slice %arg3[%add3A, %dma_wait3A_249, %dma_wait3A_254] : memref<32x159x128xi32, #tpu.memory_space<hbm>> -> memref<1x1x128xi32, #tpu.memory_space<hbm>>
        %dma_wait3A_256 = tpu.memref_squeeze %dma_wait3A_255 : memref<1x1x128xi32, #tpu.memory_space<hbm>> -> memref<128xi32, #tpu.memory_space<hbm>>
        %dma_wait3A_257 = arith.constant 0 : i32
        %dma_wait3A_258 = tpu.memref_slice %arg7[%dma_wait3A_250, %dma_wait3A_257] : memref<3x128xi32, #tpu.memory_space<vmem>> -> memref<1x128xi32, #tpu.memory_space<vmem>>
        %dma_wait3A_259 = tpu.memref_squeeze %dma_wait3A_258 : memref<1x128xi32, #tpu.memory_space<vmem>> -> memref<128xi32, #tpu.memory_space<vmem>>
        %dma_wait3A_260 = arith.constant 0 : i32
        %dma_wait3A_261 = tpu.memref_slice %arg3[%add3A, %dma_wait3A_249, %dma_wait3A_260] : memref<32x159x128xi32, #tpu.memory_space<hbm>> -> memref<1x1x128xi32, #tpu.memory_space<hbm>>
        %dma_wait3A_262 = tpu.memref_squeeze %dma_wait3A_261 : memref<1x1x128xi32, #tpu.memory_space<hbm>> -> memref<128xi32, #tpu.memory_space<hbm>>
        tpu.wait_dma2 semaphore(%arg11 : memref<!tpu.dma_semaphore, #tpu.memory_space<semaphore_mem>>) src(%dma_wait3A_262 : memref<128xi32, #tpu.memory_space<hbm>>) dst(%dma_wait3A_259 : memref<128xi32, #tpu.memory_space<vmem>>)
        %dma_start3A_263 = arith.constant 0 : i32
        %dma_start3A_264 = arith.constant 0 : i32
        %dma_start3A_265 = arith.constant 0 : i32
        %dma_start3A_266 = arith.constant 0 : i32
        %dma_start3A_267 = tpu.memref_slice %arg9[%dma_start3A_264, %dma_start3A_265, %dma_start3A_266] : memref<3x128x128xf32, #tpu.memory_space<vmem>> -> memref<1x128x128xf32, #tpu.memory_space<vmem>>
        %dma_start3A_268 = tpu.memref_squeeze %dma_start3A_267 : memref<1x128x128xf32, #tpu.memory_space<vmem>> -> memref<128x128xf32, #tpu.memory_space<vmem>>
        %dma_start3A_269 = arith.constant 0 : i32
        %dma_start3A_270 = tpu.memref_slice %arg7[%dma_start3A_263, %dma_start3A_269] : memref<3x128xi32, #tpu.memory_space<vmem>> -> memref<1x128xi32, #tpu.memory_space<vmem>>
        %dma_start3A_271 = tpu.memref_squeeze %dma_start3A_270 : memref<1x128xi32, #tpu.memory_space<vmem>> -> memref<128xi32, #tpu.memory_space<vmem>>
        %dma_start3A_272 = arith.constant 0 : i32
        %dma_start3A_273 = arith.constant 0 : i32
        %dma_start3A_274 = tpu.memref_slice %arg2[%dma_start3A_272, %dma_start3A_273] : memref<10000x128xf32, #tpu.memory_space<hbm>> -> memref<10000x128xf32, #tpu.memory_space<hbm>>
        tpu.enqueue_indirect_dma source(%dma_start3A_274 : memref<10000x128xf32, #tpu.memory_space<hbm>>) target(%dma_start3A_268 : memref<128x128xf32, #tpu.memory_space<vmem>>) offsets(%dma_start3A_271 : memref<128xi32, #tpu.memory_space<vmem>>) semaphore(%arg17 : memref<!tpu.dma_semaphore, #tpu.memory_space<semaphore_mem>>)
      } else {
      }
      %mul3A_225 = arith.constant 159 : i32
      %mul3A_226 = arith.muli %add3A, %mul3A_225 : i32
      %add3A_227 = arith.addi %mul3A_226, %add3A_209 : i32
      %lt3A_228 = arith.constant 5000 : i32
      %lt3A_229 = arith.cmpi slt, %add3A_227, %lt3A_228 : i32
      %convert_element_type3A_230 = arith.extui %lt3A_229 : i1 to i32
      %cond3A_231 = arith.constant 0 : i32
      %cond3A_232 = arith.cmpi ne, %convert_element_type3A_230, %cond3A_231 : i32
      scf.if %cond3A_232 {
        %dma_wait3A_249 = arith.constant 2 : i32
        %dma_wait3A_250 = arith.constant 2 : i32
        %dma_wait3A_251 = arith.constant 0 : i32
        %dma_wait3A_252 = arith.constant 0 : i32
        %dma_wait3A_253 = tpu.memref_slice %arg9[%dma_wait3A_250, %dma_wait3A_251, %dma_wait3A_252] : memref<3x128x128xf32, #tpu.memory_space<vmem>> -> memref<1x128x128xf32, #tpu.memory_space<vmem>>
        %dma_wait3A_254 = tpu.memref_squeeze %dma_wait3A_253 : memref<1x128x128xf32, #tpu.memory_space<vmem>> -> memref<128x128xf32, #tpu.memory_space<vmem>>
        %dma_wait3A_255 = arith.constant 0 : i32
        %dma_wait3A_256 = tpu.memref_slice %arg7[%dma_wait3A_249, %dma_wait3A_255] : memref<3x128xi32, #tpu.memory_space<vmem>> -> memref<1x128xi32, #tpu.memory_space<vmem>>
        %dma_wait3A_257 = tpu.memref_squeeze %dma_wait3A_256 : memref<1x128xi32, #tpu.memory_space<vmem>> -> memref<128xi32, #tpu.memory_space<vmem>>
        %dma_wait3A_258 = arith.constant 0 : i32
        %dma_wait3A_259 = arith.constant 0 : i32
        %dma_wait3A_260 = tpu.memref_slice %arg2[%dma_wait3A_258, %dma_wait3A_259] : memref<10000x128xf32, #tpu.memory_space<hbm>> -> memref<10000x128xf32, #tpu.memory_space<hbm>>
        tpu.wait_indirect_dma semaphore(%arg19 : memref<!tpu.dma_semaphore, #tpu.memory_space<semaphore_mem>>) src(%dma_wait3A_260 : memref<10000x128xf32, #tpu.memory_space<hbm>>) dst(%dma_wait3A_254 : memref<128x128xf32, #tpu.memory_space<vmem>>)
        %dma_wait3A_261 = arith.constant 0 : i32
        %dma_wait3A_262 = arith.constant 2 : i32
        %dma_wait3A_263 = arith.constant 0 : i32
        %dma_wait3A_264 = tpu.memref_slice %arg8[%dma_wait3A_262, %dma_wait3A_263] : memref<3x128xi32, #tpu.memory_space<vmem>> -> memref<1x128xi32, #tpu.memory_space<vmem>>
        %dma_wait3A_265 = tpu.memref_squeeze %dma_wait3A_264 : memref<1x128xi32, #tpu.memory_space<vmem>> -> memref<128xi32, #tpu.memory_space<vmem>>
        %dma_wait3A_266 = arith.constant 0 : i32
        %dma_wait3A_267 = tpu.memref_slice %arg4[%add3A, %dma_wait3A_261, %dma_wait3A_266] : memref<32x159x128xi32, #tpu.memory_space<hbm>> -> memref<1x1x128xi32, #tpu.memory_space<hbm>>
        %dma_wait3A_268 = tpu.memref_squeeze %dma_wait3A_267 : memref<1x1x128xi32, #tpu.memory_space<hbm>> -> memref<128xi32, #tpu.memory_space<hbm>>
        %dma_wait3A_269 = arith.constant 0 : i32
        %dma_wait3A_270 = tpu.memref_slice %arg8[%dma_wait3A_262, %dma_wait3A_269] : memref<3x128xi32, #tpu.memory_space<vmem>> -> memref<1x128xi32, #tpu.memory_space<vmem>>
        %dma_wait3A_271 = tpu.memref_squeeze %dma_wait3A_270 : memref<1x128xi32, #tpu.memory_space<vmem>> -> memref<128xi32, #tpu.memory_space<vmem>>
        %dma_wait3A_272 = arith.constant 0 : i32
        %dma_wait3A_273 = tpu.memref_slice %arg4[%add3A, %dma_wait3A_261, %dma_wait3A_272] : memref<32x159x128xi32, #tpu.memory_space<hbm>> -> memref<1x1x128xi32, #tpu.memory_space<hbm>>
        %dma_wait3A_274 = tpu.memref_squeeze %dma_wait3A_273 : memref<1x1x128xi32, #tpu.memory_space<hbm>> -> memref<128xi32, #tpu.memory_space<hbm>>
        tpu.wait_dma2 semaphore(%arg16 : memref<!tpu.dma_semaphore, #tpu.memory_space<semaphore_mem>>) src(%dma_wait3A_274 : memref<128xi32, #tpu.memory_space<hbm>>) dst(%dma_wait3A_271 : memref<128xi32, #tpu.memory_space<vmem>>)
        %run_scoped3A = arith.constant 2 : i32
        %run_scoped3A_275 = arith.constant 2 : i32
        "tpu.region"() ({
          %run_scoped3A_276 = tpu.sem_alloc : memref<!tpu.dma_semaphore, #tpu.memory_space<semaphore_mem>>
          %dma_start3A_277 = arith.constant 0 : i32
          %dma_start3A_278 = arith.constant 0 : i32
          %dma_start3A_279 = tpu.memref_slice %arg9[%run_scoped3A, %dma_start3A_277, %dma_start3A_278] : memref<3x128x128xf32, #tpu.memory_space<vmem>> -> memref<1x128x128xf32, #tpu.memory_space<vmem>>
          %dma_start3A_280 = tpu.memref_squeeze %dma_start3A_279 : memref<1x128x128xf32, #tpu.memory_space<vmem>> -> memref<128x128xf32, #tpu.memory_space<vmem>>
          %dma_start3A_281 = arith.constant 0 : i32
          %dma_start3A_282 = tpu.memref_slice %arg8[%run_scoped3A_275, %dma_start3A_281] : memref<3x128xi32, #tpu.memory_space<vmem>> -> memref<1x128xi32, #tpu.memory_space<vmem>>
          %dma_start3A_283 = tpu.memref_squeeze %dma_start3A_282 : memref<1x128xi32, #tpu.memory_space<vmem>> -> memref<128xi32, #tpu.memory_space<vmem>>
          %dma_start3A_284 = arith.constant 0 : i32
          %dma_start3A_285 = arith.constant 0 : i32
          %dma_start3A_286 = tpu.memref_slice %arg10[%dma_start3A_284, %dma_start3A_285] : memref<10112x128xf32, #tpu.memory_space<vmem_shared>> -> memref<10112x128xf32, #tpu.memory_space<vmem_shared>>
          tpu.enqueue_indirect_dma source(%dma_start3A_280 : memref<128x128xf32, #tpu.memory_space<vmem>>) target(%dma_start3A_286 : memref<10112x128xf32, #tpu.memory_space<vmem_shared>>) offsets(%dma_start3A_283 : memref<128xi32, #tpu.memory_space<vmem>>) semaphore(%run_scoped3A_276 : memref<!tpu.dma_semaphore, #tpu.memory_space<semaphore_mem>>) {add = true}
          %dma_wait3A_287 = arith.constant 0 : i32
          %dma_wait3A_288 = arith.constant 0 : i32
          %dma_wait3A_289 = tpu.memref_slice %arg9[%run_scoped3A, %dma_wait3A_287, %dma_wait3A_288] : memref<3x128x128xf32, #tpu.memory_space<vmem>> -> memref<1x128x128xf32, #tpu.memory_space<vmem>>
          %dma_wait3A_290 = tpu.memref_squeeze %dma_wait3A_289 : memref<1x128x128xf32, #tpu.memory_space<vmem>> -> memref<128x128xf32, #tpu.memory_space<vmem>>
          %dma_wait3A_291 = arith.constant 0 : i32
          %dma_wait3A_292 = tpu.memref_slice %arg8[%run_scoped3A_275, %dma_wait3A_291] : memref<3x128xi32, #tpu.memory_space<vmem>> -> memref<1x128xi32, #tpu.memory_space<vmem>>
          %dma_wait3A_293 = tpu.memref_squeeze %dma_wait3A_292 : memref<1x128xi32, #tpu.memory_space<vmem>> -> memref<128xi32, #tpu.memory_space<vmem>>
          %dma_wait3A_294 = arith.constant 0 : i32
          %dma_wait3A_295 = arith.constant 0 : i32
          %dma_wait3A_296 = tpu.memref_slice %arg10[%dma_wait3A_294, %dma_wait3A_295] : memref<10112x128xf32, #tpu.memory_space<vmem_shared>> -> memref<10112x128xf32, #tpu.memory_space<vmem_shared>>
          tpu.wait_indirect_dma semaphore(%run_scoped3A_276 : memref<!tpu.dma_semaphore, #tpu.memory_space<semaphore_mem>>) src(%dma_wait3A_290 : memref<128x128xf32, #tpu.memory_space<vmem>>) dst(%dma_wait3A_296 : memref<10112x128xf32, #tpu.memory_space<vmem_shared>>)
          tpu.yield
        }) : () -> ()
      } else {
      }
      %add3A_233 = arith.constant 3 : i32
      %add3A_234 = arith.addi %add3A_209, %add3A_233 : i32
      %lt3A_235 = arith.constant 159 : i32
      %lt3A_236 = arith.cmpi slt, %add3A_234, %lt3A_235 : i32
      %mul3A_237 = arith.constant 159 : i32
      %mul3A_238 = arith.muli %add3A, %mul3A_237 : i32
      %add3A_239 = arith.addi %mul3A_238, %add3A_209 : i32
      %add3A_240 = arith.constant 3 : i32
      %add3A_241 = arith.addi %add3A_239, %add3A_240 : i32
      %lt3A_242 = arith.constant 5000 : i32
      %lt3A_243 = arith.cmpi slt, %add3A_241, %lt3A_242 : i32
      %and3A_244 = arith.andi %lt3A_236, %lt3A_243 : i1
      %convert_element_type3A_245 = arith.extui %and3A_244 : i1 to i32
      %cond3A_246 = arith.constant 0 : i32
      %cond3A_247 = arith.cmpi ne, %convert_element_type3A_245, %cond3A_246 : i32
      scf.if %cond3A_247 {
        %add3A_249 = arith.constant 3 : i32
        %add3A_250 = arith.addi %add3A_209, %add3A_249 : i32
        %dma_start3A_251 = arith.constant 2 : i32
        %dma_start3A_252 = arith.constant 0 : i32
        %dma_start3A_253 = tpu.memref_slice %arg7[%dma_start3A_251, %dma_start3A_252] : memref<3x128xi32, #tpu.memory_space<vmem>> -> memref<1x128xi32, #tpu.memory_space<vmem>>
        %dma_start3A_254 = tpu.memref_squeeze %dma_start3A_253 : memref<1x128xi32, #tpu.memory_space<vmem>> -> memref<128xi32, #tpu.memory_space<vmem>>
        %dma_start3A_255 = arith.constant 0 : i32
        %dma_start3A_256 = tpu.memref_slice %arg3[%add3A, %add3A_250, %dma_start3A_255] : memref<32x159x128xi32, #tpu.memory_space<hbm>> -> memref<1x1x128xi32, #tpu.memory_space<hbm>>
        %dma_start3A_257 = tpu.memref_squeeze %dma_start3A_256 : memref<1x1x128xi32, #tpu.memory_space<hbm>> -> memref<128xi32, #tpu.memory_space<hbm>>
        %dma_start3A_258 = arith.constant 0 : i32
        %dma_start3A_259 = tpu.memref_slice %arg7[%dma_start3A_251, %dma_start3A_258] : memref<3x128xi32, #tpu.memory_space<vmem>> -> memref<1x128xi32, #tpu.memory_space<vmem>>
        %dma_start3A_260 = tpu.memref_squeeze %dma_start3A_259 : memref<1x128xi32, #tpu.memory_space<vmem>> -> memref<128xi32, #tpu.memory_space<vmem>>
        %dma_start3A_261 = arith.constant 0 : i32
        %dma_start3A_262 = tpu.memref_slice %arg3[%add3A, %add3A_250, %dma_start3A_261] : memref<32x159x128xi32, #tpu.memory_space<hbm>> -> memref<1x1x128xi32, #tpu.memory_space<hbm>>
        %dma_start3A_263 = tpu.memref_squeeze %dma_start3A_262 : memref<1x1x128xi32, #tpu.memory_space<hbm>> -> memref<128xi32, #tpu.memory_space<hbm>>
        tpu.enqueue_dma source(%dma_start3A_263 : memref<128xi32, #tpu.memory_space<hbm>>) target(%dma_start3A_260 : memref<128xi32, #tpu.memory_space<vmem>>) target_semaphore(%arg13 : memref<!tpu.dma_semaphore, #tpu.memory_space<semaphore_mem>>)
        %add3A_264 = arith.constant 3 : i32
        %add3A_265 = arith.addi %add3A_209, %add3A_264 : i32
        %dma_start3A_266 = arith.constant 2 : i32
        %dma_start3A_267 = arith.constant 0 : i32
        %dma_start3A_268 = tpu.memref_slice %arg8[%dma_start3A_266, %dma_start3A_267] : memref<3x128xi32, #tpu.memory_space<vmem>> -> memref<1x128xi32, #tpu.memory_space<vmem>>
        %dma_start3A_269 = tpu.memref_squeeze %dma_start3A_268 : memref<1x128xi32, #tpu.memory_space<vmem>> -> memref<128xi32, #tpu.memory_space<vmem>>
        %dma_start3A_270 = arith.constant 0 : i32
        %dma_start3A_271 = tpu.memref_slice %arg4[%add3A, %add3A_265, %dma_start3A_270] : memref<32x159x128xi32, #tpu.memory_space<hbm>> -> memref<1x1x128xi32, #tpu.memory_space<hbm>>
        %dma_start3A_272 = tpu.memref_squeeze %dma_start3A_271 : memref<1x1x128xi32, #tpu.memory_space<hbm>> -> memref<128xi32, #tpu.memory_space<hbm>>
        %dma_start3A_273 = arith.constant 0 : i32
        %dma_start3A_274 = tpu.memref_slice %arg8[%dma_start3A_266, %dma_start3A_273] : memref<3x128xi32, #tpu.memory_space<vmem>> -> memref<1x128xi32, #tpu.memory_space<vmem>>
        %dma_start3A_275 = tpu.memref_squeeze %dma_start3A_274 : memref<1x128xi32, #tpu.memory_space<vmem>> -> memref<128xi32, #tpu.memory_space<vmem>>
        %dma_start3A_276 = arith.constant 0 : i32
        %dma_start3A_277 = tpu.memref_slice %arg4[%add3A, %add3A_265, %dma_start3A_276] : memref<32x159x128xi32, #tpu.memory_space<hbm>> -> memref<1x1x128xi32, #tpu.memory_space<hbm>>
        %dma_start3A_278 = tpu.memref_squeeze %dma_start3A_277 : memref<1x1x128xi32, #tpu.memory_space<hbm>> -> memref<128xi32, #tpu.memory_space<hbm>>
        tpu.enqueue_dma source(%dma_start3A_278 : memref<128xi32, #tpu.memory_space<hbm>>) target(%dma_start3A_275 : memref<128xi32, #tpu.memory_space<vmem>>) target_semaphore(%arg16 : memref<!tpu.dma_semaphore, #tpu.memory_space<semaphore_mem>>)
      } else {
      }
      %scan3A_248 = arith.constant 0 : i32
      scf.yield %scan3A_248 : i32
    }
    %scan3A_118 = arith.constant 53 : i32
    %barrier3A_119 = arith.constant 0 : index
    tpu.barrier barrier_id(%barrier3A_119)
    %mul3A_120 = arith.constant 632 : i32
    %mul3A_121 = arith.muli %arg1, %mul3A_120 : i32
    %mul3A_122 = arith.constant 632 : i32
    %mul3A_123 = arith.muli %arg1, %mul3A_122 : i32
    "tpu.region"() ({
      %run_scoped3A = tpu.sem_alloc : memref<!tpu.dma_semaphore, #tpu.memory_space<semaphore_mem>>
      %dma_start3A_124 = arith.constant 0 : i32
      %dma_start3A_125 = tpu.memref_slice %arg6[%arg0, %mul3A_123, %dma_start3A_124] : memref<2x10112x128xf32, #tpu.memory_space<hbm>> -> memref<1x632x128xf32, #tpu.memory_space<hbm>>
      %dma_start3A_126 = tpu.memref_squeeze %dma_start3A_125 : memref<1x632x128xf32, #tpu.memory_space<hbm>> -> memref<632x128xf32, #tpu.memory_space<hbm>>
      %dma_start3A_127 = arith.constant 0 : i32
      %dma_start3A_128 = tpu.memref_slice %arg10[%mul3A_121, %dma_start3A_127] : memref<10112x128xf32, #tpu.memory_space<vmem_shared>> -> memref<632x128xf32, #tpu.memory_space<vmem_shared>>
      tpu.enqueue_dma source(%dma_start3A_128 : memref<632x128xf32, #tpu.memory_space<vmem_shared>>) target(%dma_start3A_126 : memref<632x128xf32, #tpu.memory_space<hbm>>) target_semaphore(%run_scoped3A : memref<!tpu.dma_semaphore, #tpu.memory_space<semaphore_mem>>)
      %dma_wait3A_129 = arith.constant 0 : i32
      %dma_wait3A_130 = tpu.memref_slice %arg6[%arg0, %mul3A_123, %dma_wait3A_129] : memref<2x10112x128xf32, #tpu.memory_space<hbm>> -> memref<1x632x128xf32, #tpu.memory_space<hbm>>
      %dma_wait3A_131 = tpu.memref_squeeze %dma_wait3A_130 : memref<1x632x128xf32, #tpu.memory_space<hbm>> -> memref<632x128xf32, #tpu.memory_space<hbm>>
      %dma_wait3A_132 = arith.constant 0 : i32
      %dma_wait3A_133 = tpu.memref_slice %arg10[%mul3A_121, %dma_wait3A_132] : memref<10112x128xf32, #tpu.memory_space<vmem_shared>> -> memref<632x128xf32, #tpu.memory_space<vmem_shared>>
      tpu.wait_dma2 semaphore(%run_scoped3A : memref<!tpu.dma_semaphore, #tpu.memory_space<semaphore_mem>>) src(%dma_wait3A_133 : memref<632x128xf32, #tpu.memory_space<vmem_shared>>) dst(%dma_wait3A_131 : memref<632x128xf32, #tpu.memory_space<hbm>>)
      tpu.yield
    }) : () -> ()
    return
  }
}

#map = affine_map<(d0, d1) -> (0, 0)>
#map1 = affine_map<(d0, d1) -> (0, 0, 0)>
module attributes {stable_mosaic.version = 14 : i64} {
  func.func @_agg_kernel(%arg0: i32, %arg1: i32, %arg2: memref<10000x128xf32, #tpu.memory_space<hbm>>, %arg3: memref<32x159x128xi32, #tpu.memory_space<hbm>>, %arg4: memref<32x159x128xi32, #tpu.memory_space<hbm>>, %arg5: memref<10112x128xf32, #tpu.memory_space<hbm>>, %arg6: memref<2x10112x128xf32, #tpu.memory_space<hbm>>, %arg7: memref<3x128xi32, #tpu.memory_space<vmem>>, %arg8: memref<3x128xi32, #tpu.memory_space<vmem>>, %arg9: memref<3x128x128xf32, #tpu.memory_space<vmem>>, %arg10: memref<10112x128xf32, #tpu.memory_space<vmem_shared>>, %arg11: memref<!tpu.dma_semaphore, #tpu.memory_space<semaphore_mem>>, %arg12: memref<!tpu.dma_semaphore, #tpu.memory_space<semaphore_mem>>, %arg13: memref<!tpu.dma_semaphore, #tpu.memory_space<semaphore_mem>>, %arg14: memref<!tpu.dma_semaphore, #tpu.memory_space<semaphore_mem>>, %arg15: memref<!tpu.dma_semaphore, #tpu.memory_space<semaphore_mem>>, %arg16: memref<!tpu.dma_semaphore, #tpu.memory_space<semaphore_mem>>, %arg17: memref<!tpu.dma_semaphore, #tpu.memory_space<semaphore_mem>>, %arg18: memref<!tpu.dma_semaphore, #tpu.memory_space<semaphore_mem>>, %arg19: memref<!tpu.dma_semaphore, #tpu.memory_space<semaphore_mem>>) attributes {dimension_semantics = [#tpu.dimension_semantics<core_parallel>, #tpu.dimension_semantics<subcore_parallel>], iteration_bounds = array<i64: 2, 16>, scalar_prefetch = 0 : i64, scratch_operands = 13 : i64, tpu.core_type = #tpu.core_type<sc_vector_subcore>, window_params = [{transform_indices = #map}, {transform_indices = #map1}, {transform_indices = #map1}, {transform_indices = #map}, {transform_indices = #map1}]} {
    %mul3A = arith.constant 2 : i32
    %mul3A_0 = arith.muli %arg1, %mul3A : i32
    %add3A = arith.addi %mul3A_0, %arg0 : i32
    %mul3A_1 = arith.constant 632 : i32
    %mul3A_2 = arith.muli %arg1, %mul3A_1 : i32
    %mul3A_3 = arith.constant 632 : i32
    %mul3A_4 = arith.muli %arg1, %mul3A_3 : i32
    "tpu.region"() ({
      %run_scoped3A = tpu.sem_alloc : memref<!tpu.dma_semaphore, #tpu.memory_space<semaphore_mem>>
      %dma_start3A_124 = arith.constant 0 : i32
      %dma_start3A_125 = tpu.memref_slice %arg10[%mul3A_4, %dma_start3A_124] : memref<10112x128xf32, #tpu.memory_space<vmem_shared>> -> memref<632x128xf32, #tpu.memory_space<vmem_shared>>
      %dma_start3A_126 = arith.constant 0 : i32
      %dma_start3A_127 = tpu.memref_slice %arg5[%mul3A_2, %dma_start3A_126] : memref<10112x128xf32, #tpu.memory_space<hbm>> -> memref<632x128xf32, #tpu.memory_space<hbm>>
      tpu.enqueue_dma source(%dma_start3A_127 : memref<632x128xf32, #tpu.memory_space<hbm>>) target(%dma_start3A_125 : memref<632x128xf32, #tpu.memory_space<vmem_shared>>) target_semaphore(%run_scoped3A : memref<!tpu.dma_semaphore, #tpu.memory_space<semaphore_mem>>)
      %dma_wait3A_128 = arith.constant 0 : i32
      %dma_wait3A_129 = tpu.memref_slice %arg10[%mul3A_4, %dma_wait3A_128] : memref<10112x128xf32, #tpu.memory_space<vmem_shared>> -> memref<632x128xf32, #tpu.memory_space<vmem_shared>>
      %dma_wait3A_130 = arith.constant 0 : i32
      %dma_wait3A_131 = tpu.memref_slice %arg5[%mul3A_2, %dma_wait3A_130] : memref<10112x128xf32, #tpu.memory_space<hbm>> -> memref<632x128xf32, #tpu.memory_space<hbm>>
      tpu.wait_dma2 semaphore(%run_scoped3A : memref<!tpu.dma_semaphore, #tpu.memory_space<semaphore_mem>>) src(%dma_wait3A_131 : memref<632x128xf32, #tpu.memory_space<hbm>>) dst(%dma_wait3A_129 : memref<632x128xf32, #tpu.memory_space<vmem_shared>>)
      tpu.yield
    }) : () -> ()
    %dma_start3A = arith.constant 0 : i32
    %dma_start3A_5 = arith.constant 0 : i32
    %dma_start3A_6 = arith.constant 0 : i32
    %dma_start3A_7 = tpu.memref_slice %arg7[%dma_start3A_5, %dma_start3A_6] : memref<3x128xi32, #tpu.memory_space<vmem>> -> memref<1x128xi32, #tpu.memory_space<vmem>>
    %dma_start3A_8 = tpu.memref_squeeze %dma_start3A_7 : memref<1x128xi32, #tpu.memory_space<vmem>> -> memref<128xi32, #tpu.memory_space<vmem>>
    %dma_start3A_9 = arith.constant 0 : i32
    %dma_start3A_10 = tpu.memref_slice %arg3[%add3A, %dma_start3A, %dma_start3A_9] : memref<32x159x128xi32, #tpu.memory_space<hbm>> -> memref<1x1x128xi32, #tpu.memory_space<hbm>>
    %dma_start3A_11 = tpu.memref_squeeze %dma_start3A_10 : memref<1x1x128xi32, #tpu.memory_space<hbm>> -> memref<128xi32, #tpu.memory_space<hbm>>
    %dma_start3A_12 = arith.constant 0 : i32
    %dma_start3A_13 = tpu.memref_slice %arg7[%dma_start3A_5, %dma_start3A_12] : memref<3x128xi32, #tpu.memory_space<vmem>> -> memref<1x128xi32, #tpu.memory_space<vmem>>
    %dma_start3A_14 = tpu.memref_squeeze %dma_start3A_13 : memref<1x128xi32, #tpu.memory_space<vmem>> -> memref<128xi32, #tpu.memory_space<vmem>>
    %dma_start3A_15 = arith.constant 0 : i32
    %dma_start3A_16 = tpu.memref_slice %arg3[%add3A, %dma_start3A, %dma_start3A_15] : memref<32x159x128xi32, #tpu.memory_space<hbm>> -> memref<1x1x128xi32, #tpu.memory_space<hbm>>
    %dma_start3A_17 = tpu.memref_squeeze %dma_start3A_16 : memref<1x1x128xi32, #tpu.memory_space<hbm>> -> memref<128xi32, #tpu.memory_space<hbm>>
    tpu.enqueue_dma source(%dma_start3A_17 : memref<128xi32, #tpu.memory_space<hbm>>) target(%dma_start3A_14 : memref<128xi32, #tpu.memory_space<vmem>>) target_semaphore(%arg11 : memref<!tpu.dma_semaphore, #tpu.memory_space<semaphore_mem>>)
    %dma_start3A_18 = arith.constant 0 : i32
    %dma_start3A_19 = arith.constant 0 : i32
    %dma_start3A_20 = arith.constant 0 : i32
    %dma_start3A_21 = tpu.memref_slice %arg8[%dma_start3A_19, %dma_start3A_20] : memref<3x128xi32, #tpu.memory_space<vmem>> -> memref<1x128xi32, #tpu.memory_space<vmem>>
    %dma_start3A_22 = tpu.memref_squeeze %dma_start3A_21 : memref<1x128xi32, #tpu.memory_space<vmem>> -> memref<128xi32, #tpu.memory_space<vmem>>
    %dma_start3A_23 = arith.constant 0 : i32
    %dma_start3A_24 = tpu.memref_slice %arg4[%add3A, %dma_start3A_18, %dma_start3A_23] : memref<32x159x128xi32, #tpu.memory_space<hbm>> -> memref<1x1x128xi32, #tpu.memory_space<hbm>>
    %dma_start3A_25 = tpu.memref_squeeze %dma_start3A_24 : memref<1x1x128xi32, #tpu.memory_space<hbm>> -> memref<128xi32, #tpu.memory_space<hbm>>
    %dma_start3A_26 = arith.constant 0 : i32
    %dma_start3A_27 = tpu.memref_slice %arg8[%dma_start3A_19, %dma_start3A_26] : memref<3x128xi32, #tpu.memory_space<vmem>> -> memref<1x128xi32, #tpu.memory_space<vmem>>
    %dma_start3A_28 = tpu.memref_squeeze %dma_start3A_27 : memref<1x128xi32, #tpu.memory_space<vmem>> -> memref<128xi32, #tpu.memory_space<vmem>>
    %dma_start3A_29 = arith.constant 0 : i32
    %dma_start3A_30 = tpu.memref_slice %arg4[%add3A, %dma_start3A_18, %dma_start3A_29] : memref<32x159x128xi32, #tpu.memory_space<hbm>> -> memref<1x1x128xi32, #tpu.memory_space<hbm>>
    %dma_start3A_31 = tpu.memref_squeeze %dma_start3A_30 : memref<1x1x128xi32, #tpu.memory_space<hbm>> -> memref<128xi32, #tpu.memory_space<hbm>>
    tpu.enqueue_dma source(%dma_start3A_31 : memref<128xi32, #tpu.memory_space<hbm>>) target(%dma_start3A_28 : memref<128xi32, #tpu.memory_space<vmem>>) target_semaphore(%arg14 : memref<!tpu.dma_semaphore, #tpu.memory_space<semaphore_mem>>)
    %dma_start3A_32 = arith.constant 1 : i32
    %dma_start3A_33 = arith.constant 1 : i32
    %dma_start3A_34 = arith.constant 0 : i32
    %dma_start3A_35 = tpu.memref_slice %arg7[%dma_start3A_33, %dma_start3A_34] : memref<3x128xi32, #tpu.memory_space<vmem>> -> memref<1x128xi32, #tpu.memory_space<vmem>>
    %dma_start3A_36 = tpu.memref_squeeze %dma_start3A_35 : memref<1x128xi32, #tpu.memory_space<vmem>> -> memref<128xi32, #tpu.memory_space<vmem>>
    %dma_start3A_37 = arith.constant 0 : i32
    %dma_start3A_38 = tpu.memref_slice %arg3[%add3A, %dma_start3A_32, %dma_start3A_37] : memref<32x159x128xi32, #tpu.memory_space<hbm>> -> memref<1x1x128xi32, #tpu.memory_space<hbm>>
    %dma_start3A_39 = tpu.memref_squeeze %dma_start3A_38 : memref<1x1x128xi32, #tpu.memory_space<hbm>> -> memref<128xi32, #tpu.memory_space<hbm>>
    %dma_start3A_40 = arith.constant 0 : i32
    %dma_start3A_41 = tpu.memref_slice %arg7[%dma_start3A_33, %dma_start3A_40] : memref<3x128xi32, #tpu.memory_space<vmem>> -> memref<1x128xi32, #tpu.memory_space<vmem>>
    %dma_start3A_42 = tpu.memref_squeeze %dma_start3A_41 : memref<1x128xi32, #tpu.memory_space<vmem>> -> memref<128xi32, #tpu.memory_space<vmem>>
    %dma_start3A_43 = arith.constant 0 : i32
    %dma_start3A_44 = tpu.memref_slice %arg3[%add3A, %dma_start3A_32, %dma_start3A_43] : memref<32x159x128xi32, #tpu.memory_space<hbm>> -> memref<1x1x128xi32, #tpu.memory_space<hbm>>
    %dma_start3A_45 = tpu.memref_squeeze %dma_start3A_44 : memref<1x1x128xi32, #tpu.memory_space<hbm>> -> memref<128xi32, #tpu.memory_space<hbm>>
    tpu.enqueue_dma source(%dma_start3A_45 : memref<128xi32, #tpu.memory_space<hbm>>) target(%dma_start3A_42 : memref<128xi32, #tpu.memory_space<vmem>>) target_semaphore(%arg12 : memref<!tpu.dma_semaphore, #tpu.memory_space<semaphore_mem>>)
    %dma_start3A_46 = arith.constant 1 : i32
    %dma_start3A_47 = arith.constant 1 : i32
    %dma_start3A_48 = arith.constant 0 : i32
    %dma_start3A_49 = tpu.memref_slice %arg8[%dma_start3A_47, %dma_start3A_48] : memref<3x128xi32, #tpu.memory_space<vmem>> -> memref<1x128xi32, #tpu.memory_space<vmem>>
    %dma_start3A_50 = tpu.memref_squeeze %dma_start3A_49 : memref<1x128xi32, #tpu.memory_space<vmem>> -> memref<128xi32, #tpu.memory_space<vmem>>
    %dma_start3A_51 = arith.constant 0 : i32
    %dma_start3A_52 = tpu.memref_slice %arg4[%add3A, %dma_start3A_46, %dma_start3A_51] : memref<32x159x128xi32, #tpu.memory_space<hbm>> -> memref<1x1x128xi32, #tpu.memory_space<hbm>>
    %dma_start3A_53 = tpu.memref_squeeze %dma_start3A_52 : memref<1x1x128xi32, #tpu.memory_space<hbm>> -> memref<128xi32, #tpu.memory_space<hbm>>
    %dma_start3A_54 = arith.constant 0 : i32
    %dma_start3A_55 = tpu.memref_slice %arg8[%dma_start3A_47, %dma_start3A_54] : memref<3x128xi32, #tpu.memory_space<vmem>> -> memref<1x128xi32, #tpu.memory_space<vmem>>
    %dma_start3A_56 = tpu.memref_squeeze %dma_start3A_55 : memref<1x128xi32, #tpu.memory_space<vmem>> -> memref<128xi32, #tpu.memory_space<vmem>>
    %dma_start3A_57 = arith.constant 0 : i32
    %dma_start3A_58 = tpu.memref_slice %arg4[%add3A, %dma_start3A_46, %dma_start3A_57] : memref<32x159x128xi32, #tpu.memory_space<hbm>> -> memref<1x1x128xi32, #tpu.memory_space<hbm>>
    %dma_start3A_59 = tpu.memref_squeeze %dma_start3A_58 : memref<1x1x128xi32, #tpu.memory_space<hbm>> -> memref<128xi32, #tpu.memory_space<hbm>>
    tpu.enqueue_dma source(%dma_start3A_59 : memref<128xi32, #tpu.memory_space<hbm>>) target(%dma_start3A_56 : memref<128xi32, #tpu.memory_space<vmem>>) target_semaphore(%arg15 : memref<!tpu.dma_semaphore, #tpu.memory_space<semaphore_mem>>)
    %dma_start3A_60 = arith.constant 2 : i32
    %dma_start3A_61 = arith.constant 2 : i32
    %dma_start3A_62 = arith.constant 0 : i32
    %dma_start3A_63 = tpu.memref_slice %arg7[%dma_start3A_61, %dma_start3A_62] : memref<3x128xi32, #tpu.memory_space<vmem>> -> memref<1x128xi32, #tpu.memory_space<vmem>>
    %dma_start3A_64 = tpu.memref_squeeze %dma_start3A_63 : memref<1x128xi32, #tpu.memory_space<vmem>> -> memref<128xi32, #tpu.memory_space<vmem>>
    %dma_start3A_65 = arith.constant 0 : i32
    %dma_start3A_66 = tpu.memref_slice %arg3[%add3A, %dma_start3A_60, %dma_start3A_65] : memref<32x159x128xi32, #tpu.memory_space<hbm>> -> memref<1x1x128xi32, #tpu.memory_space<hbm>>
    %dma_start3A_67 = tpu.memref_squeeze %dma_start3A_66 : memref<1x1x128xi32, #tpu.memory_space<hbm>> -> memref<128xi32, #tpu.memory_space<hbm>>
    %dma_start3A_68 = arith.constant 0 : i32
    %dma_start3A_69 = tpu.memref_slice %arg7[%dma_start3A_61, %dma_start3A_68] : memref<3x128xi32, #tpu.memory_space<vmem>> -> memref<1x128xi32, #tpu.memory_space<vmem>>
    %dma_start3A_70 = tpu.memref_squeeze %dma_start3A_69 : memref<1x128xi32, #tpu.memory_space<vmem>> -> memref<128xi32, #tpu.memory_space<vmem>>
    %dma_start3A_71 = arith.constant 0 : i32
    %dma_start3A_72 = tpu.memref_slice %arg3[%add3A, %dma_start3A_60, %dma_start3A_71] : memref<32x159x128xi32, #tpu.memory_space<hbm>> -> memref<1x1x128xi32, #tpu.memory_space<hbm>>
    %dma_start3A_73 = tpu.memref_squeeze %dma_start3A_72 : memref<1x1x128xi32, #tpu.memory_space<hbm>> -> memref<128xi32, #tpu.memory_space<hbm>>
    tpu.enqueue_dma source(%dma_start3A_73 : memref<128xi32, #tpu.memory_space<hbm>>) target(%dma_start3A_70 : memref<128xi32, #tpu.memory_space<vmem>>) target_semaphore(%arg13 : memref<!tpu.dma_semaphore, #tpu.memory_space<semaphore_mem>>)
    %dma_start3A_74 = arith.constant 2 : i32
    %dma_start3A_75 = arith.constant 2 : i32
    %dma_start3A_76 = arith.constant 0 : i32
    %dma_start3A_77 = tpu.memref_slice %arg8[%dma_start3A_75, %dma_start3A_76] : memref<3x128xi32, #tpu.memory_space<vmem>> -> memref<1x128xi32, #tpu.memory_space<vmem>>
    %dma_start3A_78 = tpu.memref_squeeze %dma_start3A_77 : memref<1x128xi32, #tpu.memory_space<vmem>> -> memref<128xi32, #tpu.memory_space<vmem>>
    %dma_start3A_79 = arith.constant 0 : i32
    %dma_start3A_80 = tpu.memref_slice %arg4[%add3A, %dma_start3A_74, %dma_start3A_79] : memref<32x159x128xi32, #tpu.memory_space<hbm>> -> memref<1x1x128xi32, #tpu.memory_space<hbm>>
    %dma_start3A_81 = tpu.memref_squeeze %dma_start3A_80 : memref<1x1x128xi32, #tpu.memory_space<hbm>> -> memref<128xi32, #tpu.memory_space<hbm>>
    %dma_start3A_82 = arith.constant 0 : i32
    %dma_start3A_83 = tpu.memref_slice %arg8[%dma_start3A_75, %dma_start3A_82] : memref<3x128xi32, #tpu.memory_space<vmem>> -> memref<1x128xi32, #tpu.memory_space<vmem>>
    %dma_start3A_84 = tpu.memref_squeeze %dma_start3A_83 : memref<1x128xi32, #tpu.memory_space<vmem>> -> memref<128xi32, #tpu.memory_space<vmem>>
    %dma_start3A_85 = arith.constant 0 : i32
    %dma_start3A_86 = tpu.memref_slice %arg4[%add3A, %dma_start3A_74, %dma_start3A_85] : memref<32x159x128xi32, #tpu.memory_space<hbm>> -> memref<1x1x128xi32, #tpu.memory_space<hbm>>
    %dma_start3A_87 = tpu.memref_squeeze %dma_start3A_86 : memref<1x1x128xi32, #tpu.memory_space<hbm>> -> memref<128xi32, #tpu.memory_space<hbm>>
    tpu.enqueue_dma source(%dma_start3A_87 : memref<128xi32, #tpu.memory_space<hbm>>) target(%dma_start3A_84 : memref<128xi32, #tpu.memory_space<vmem>>) target_semaphore(%arg16 : memref<!tpu.dma_semaphore, #tpu.memory_space<semaphore_mem>>)
    %dma_wait3A = arith.constant 0 : i32
    %dma_wait3A_88 = arith.constant 0 : i32
    %dma_wait3A_89 = arith.constant 0 : i32
    %dma_wait3A_90 = tpu.memref_slice %arg7[%dma_wait3A_88, %dma_wait3A_89] : memref<3x128xi32, #tpu.memory_space<vmem>> -> memref<1x128xi32, #tpu.memory_space<vmem>>
    %dma_wait3A_91 = tpu.memref_squeeze %dma_wait3A_90 : memref<1x128xi32, #tpu.memory_space<vmem>> -> memref<128xi32, #tpu.memory_space<vmem>>
    %dma_wait3A_92 = arith.constant 0 : i32
    %dma_wait3A_93 = tpu.memref_slice %arg3[%add3A, %dma_wait3A, %dma_wait3A_92] : memref<32x159x128xi32, #tpu.memory_space<hbm>> -> memref<1x1x128xi32, #tpu.memory_space<hbm>>
    %dma_wait3A_94 = tpu.memref_squeeze %dma_wait3A_93 : memref<1x1x128xi32, #tpu.memory_space<hbm>> -> memref<128xi32, #tpu.memory_space<hbm>>
    %dma_wait3A_95 = arith.constant 0 : i32
    %dma_wait3A_96 = tpu.memref_slice %arg7[%dma_wait3A_88, %dma_wait3A_95] : memref<3x128xi32, #tpu.memory_space<vmem>> -> memref<1x128xi32, #tpu.memory_space<vmem>>
    %dma_wait3A_97 = tpu.memref_squeeze %dma_wait3A_96 : memref<1x128xi32, #tpu.memory_space<vmem>> -> memref<128xi32, #tpu.memory_space<vmem>>
    %dma_wait3A_98 = arith.constant 0 : i32
    %dma_wait3A_99 = tpu.memref_slice %arg3[%add3A, %dma_wait3A, %dma_wait3A_98] : memref<32x159x128xi32, #tpu.memory_space<hbm>> -> memref<1x1x128xi32, #tpu.memory_space<hbm>>
    %dma_wait3A_100 = tpu.memref_squeeze %dma_wait3A_99 : memref<1x1x128xi32, #tpu.memory_space<hbm>> -> memref<128xi32, #tpu.memory_space<hbm>>
    tpu.wait_dma2 semaphore(%arg11 : memref<!tpu.dma_semaphore, #tpu.memory_space<semaphore_mem>>) src(%dma_wait3A_100 : memref<128xi32, #tpu.memory_space<hbm>>) dst(%dma_wait3A_97 : memref<128xi32, #tpu.memory_space<vmem>>)
    %dma_start3A_101 = arith.constant 0 : i32
    %dma_start3A_102 = arith.constant 0 : i32
    %dma_start3A_103 = arith.constant 0 : i32
    %dma_start3A_104 = arith.constant 0 : i32
    %dma_start3A_105 = tpu.memref_slice %arg9[%dma_start3A_102, %dma_start3A_103, %dma_start3A_104] : memref<3x128x128xf32, #tpu.memory_space<vmem>> -> memref<1x128x128xf32, #tpu.memory_space<vmem>>
    %dma_start3A_106 = tpu.memref_squeeze %dma_start3A_105 : memref<1x128x128xf32, #tpu.memory_space<vmem>> -> memref<128x128xf32, #tpu.memory_space<vmem>>
    %dma_start3A_107 = arith.constant 0 : i32
    %dma_start3A_108 = tpu.memref_slice %arg7[%dma_start3A_101, %dma_start3A_107] : memref<3x128xi32, #tpu.memory_space<vmem>> -> memref<1x128xi32, #tpu.memory_space<vmem>>
    %dma_start3A_109 = tpu.memref_squeeze %dma_start3A_108 : memref<1x128xi32, #tpu.memory_space<vmem>> -> memref<128xi32, #tpu.memory_space<vmem>>
    %dma_start3A_110 = arith.constant 0 : i32
    %dma_start3A_111 = arith.constant 0 : i32
    %dma_start3A_112 = tpu.memref_slice %arg2[%dma_start3A_110, %dma_start3A_111] : memref<10000x128xf32, #tpu.memory_space<hbm>> -> memref<10000x128xf32, #tpu.memory_space<hbm>>
    tpu.enqueue_indirect_dma source(%dma_start3A_112 : memref<10000x128xf32, #tpu.memory_space<hbm>>) target(%dma_start3A_106 : memref<128x128xf32, #tpu.memory_space<vmem>>) offsets(%dma_start3A_109 : memref<128xi32, #tpu.memory_space<vmem>>) semaphore(%arg17 : memref<!tpu.dma_semaphore, #tpu.memory_space<semaphore_mem>>)
    %barrier3A = arith.constant 0 : index
    tpu.barrier barrier_id(%barrier3A)
    %scan3A = arith.constant 0 : i32
    %scan3A_113 = arith.constant 0 : i32
    %scan3A_114 = arith.constant 53 : i32
    %scan3A_115 = arith.addi %scan3A_113, %scan3A_114 : i32
    %scan3A_116 = arith.constant 1 : i32
    %scan3A_117 = scf.for %scan3A_124 = %scan3A_113 to %scan3A_115 step %scan3A_116 iter_args(%scan3A_125 = %scan3A) -> (i32)  : i32 {
      %mul3A_126 = arith.constant 3 : i32
      %mul3A_127 = arith.muli %scan3A_124, %mul3A_126 : i32
      %add3A_128 = arith.constant 0 : i32
      %add3A_129 = arith.addi %mul3A_127, %add3A_128 : i32
      %add3A_130 = arith.constant 1 : i32
      %add3A_131 = arith.addi %add3A_129, %add3A_130 : i32
      %lt3A = arith.constant 159 : i32
      %lt3A_132 = arith.cmpi slt, %add3A_131, %lt3A : i32
      %mul3A_133 = arith.constant 159 : i32
      %mul3A_134 = arith.muli %add3A, %mul3A_133 : i32
      %add3A_135 = arith.addi %mul3A_134, %add3A_129 : i32
      %add3A_136 = arith.constant 1 : i32
      %add3A_137 = arith.addi %add3A_135, %add3A_136 : i32
      %lt3A_138 = arith.constant 5000 : i32
      %lt3A_139 = arith.cmpi slt, %add3A_137, %lt3A_138 : i32
      %and3A = arith.andi %lt3A_132, %lt3A_139 : i1
      %convert_element_type3A = arith.extui %and3A : i1 to i32
      %cond3A = arith.constant 0 : i32
      %cond3A_140 = arith.cmpi ne, %convert_element_type3A, %cond3A : i32
      scf.if %cond3A_140 {
        %dma_wait3A_249 = arith.constant 0 : i32
        %dma_wait3A_250 = arith.constant 1 : i32
        %dma_wait3A_251 = arith.constant 0 : i32
        %dma_wait3A_252 = tpu.memref_slice %arg7[%dma_wait3A_250, %dma_wait3A_251] : memref<3x128xi32, #tpu.memory_space<vmem>> -> memref<1x128xi32, #tpu.memory_space<vmem>>
        %dma_wait3A_253 = tpu.memref_squeeze %dma_wait3A_252 : memref<1x128xi32, #tpu.memory_space<vmem>> -> memref<128xi32, #tpu.memory_space<vmem>>
        %dma_wait3A_254 = arith.constant 0 : i32
        %dma_wait3A_255 = tpu.memref_slice %arg3[%add3A, %dma_wait3A_249, %dma_wait3A_254] : memref<32x159x128xi32, #tpu.memory_space<hbm>> -> memref<1x1x128xi32, #tpu.memory_space<hbm>>
        %dma_wait3A_256 = tpu.memref_squeeze %dma_wait3A_255 : memref<1x1x128xi32, #tpu.memory_space<hbm>> -> memref<128xi32, #tpu.memory_space<hbm>>
        %dma_wait3A_257 = arith.constant 0 : i32
        %dma_wait3A_258 = tpu.memref_slice %arg7[%dma_wait3A_250, %dma_wait3A_257] : memref<3x128xi32, #tpu.memory_space<vmem>> -> memref<1x128xi32, #tpu.memory_space<vmem>>
        %dma_wait3A_259 = tpu.memref_squeeze %dma_wait3A_258 : memref<1x128xi32, #tpu.memory_space<vmem>> -> memref<128xi32, #tpu.memory_space<vmem>>
        %dma_wait3A_260 = arith.constant 0 : i32
        %dma_wait3A_261 = tpu.memref_slice %arg3[%add3A, %dma_wait3A_249, %dma_wait3A_260] : memref<32x159x128xi32, #tpu.memory_space<hbm>> -> memref<1x1x128xi32, #tpu.memory_space<hbm>>
        %dma_wait3A_262 = tpu.memref_squeeze %dma_wait3A_261 : memref<1x1x128xi32, #tpu.memory_space<hbm>> -> memref<128xi32, #tpu.memory_space<hbm>>
        tpu.wait_dma2 semaphore(%arg12 : memref<!tpu.dma_semaphore, #tpu.memory_space<semaphore_mem>>) src(%dma_wait3A_262 : memref<128xi32, #tpu.memory_space<hbm>>) dst(%dma_wait3A_259 : memref<128xi32, #tpu.memory_space<vmem>>)
        %dma_start3A_263 = arith.constant 1 : i32
        %dma_start3A_264 = arith.constant 1 : i32
        %dma_start3A_265 = arith.constant 0 : i32
        %dma_start3A_266 = arith.constant 0 : i32
        %dma_start3A_267 = tpu.memref_slice %arg9[%dma_start3A_264, %dma_start3A_265, %dma_start3A_266] : memref<3x128x128xf32, #tpu.memory_space<vmem>> -> memref<1x128x128xf32, #tpu.memory_space<vmem>>
        %dma_start3A_268 = tpu.memref_squeeze %dma_start3A_267 : memref<1x128x128xf32, #tpu.memory_space<vmem>> -> memref<128x128xf32, #tpu.memory_space<vmem>>
        %dma_start3A_269 = arith.constant 0 : i32
        %dma_start3A_270 = tpu.memref_slice %arg7[%dma_start3A_263, %dma_start3A_269] : memref<3x128xi32, #tpu.memory_space<vmem>> -> memref<1x128xi32, #tpu.memory_space<vmem>>
        %dma_start3A_271 = tpu.memref_squeeze %dma_start3A_270 : memref<1x128xi32, #tpu.memory_space<vmem>> -> memref<128xi32, #tpu.memory_space<vmem>>
        %dma_start3A_272 = arith.constant 0 : i32
        %dma_start3A_273 = arith.constant 0 : i32
        %dma_start3A_274 = tpu.memref_slice %arg2[%dma_start3A_272, %dma_start3A_273] : memref<10000x128xf32, #tpu.memory_space<hbm>> -> memref<10000x128xf32, #tpu.memory_space<hbm>>
        tpu.enqueue_indirect_dma source(%dma_start3A_274 : memref<10000x128xf32, #tpu.memory_space<hbm>>) target(%dma_start3A_268 : memref<128x128xf32, #tpu.memory_space<vmem>>) offsets(%dma_start3A_271 : memref<128xi32, #tpu.memory_space<vmem>>) semaphore(%arg18 : memref<!tpu.dma_semaphore, #tpu.memory_space<semaphore_mem>>)
      } else {
      }
      %mul3A_141 = arith.constant 159 : i32
      %mul3A_142 = arith.muli %add3A, %mul3A_141 : i32
      %add3A_143 = arith.addi %mul3A_142, %add3A_129 : i32
      %lt3A_144 = arith.constant 5000 : i32
      %lt3A_145 = arith.cmpi slt, %add3A_143, %lt3A_144 : i32
      %convert_element_type3A_146 = arith.extui %lt3A_145 : i1 to i32
      %cond3A_147 = arith.constant 0 : i32
      %cond3A_148 = arith.cmpi ne, %convert_element_type3A_146, %cond3A_147 : i32
      scf.if %cond3A_148 {
        %dma_wait3A_249 = arith.constant 0 : i32
        %dma_wait3A_250 = arith.constant 0 : i32
        %dma_wait3A_251 = arith.constant 0 : i32
        %dma_wait3A_252 = arith.constant 0 : i32
        %dma_wait3A_253 = tpu.memref_slice %arg9[%dma_wait3A_250, %dma_wait3A_251, %dma_wait3A_252] : memref<3x128x128xf32, #tpu.memory_space<vmem>> -> memref<1x128x128xf32, #tpu.memory_space<vmem>>
        %dma_wait3A_254 = tpu.memref_squeeze %dma_wait3A_253 : memref<1x128x128xf32, #tpu.memory_space<vmem>> -> memref<128x128xf32, #tpu.memory_space<vmem>>
        %dma_wait3A_255 = arith.constant 0 : i32
        %dma_wait3A_256 = tpu.memref_slice %arg7[%dma_wait3A_249, %dma_wait3A_255] : memref<3x128xi32, #tpu.memory_space<vmem>> -> memref<1x128xi32, #tpu.memory_space<vmem>>
        %dma_wait3A_257 = tpu.memref_squeeze %dma_wait3A_256 : memref<1x128xi32, #tpu.memory_space<vmem>> -> memref<128xi32, #tpu.memory_space<vmem>>
        %dma_wait3A_258 = arith.constant 0 : i32
        %dma_wait3A_259 = arith.constant 0 : i32
        %dma_wait3A_260 = tpu.memref_slice %arg2[%dma_wait3A_258, %dma_wait3A_259] : memref<10000x128xf32, #tpu.memory_space<hbm>> -> memref<10000x128xf32, #tpu.memory_space<hbm>>
        tpu.wait_indirect_dma semaphore(%arg17 : memref<!tpu.dma_semaphore, #tpu.memory_space<semaphore_mem>>) src(%dma_wait3A_260 : memref<10000x128xf32, #tpu.memory_space<hbm>>) dst(%dma_wait3A_254 : memref<128x128xf32, #tpu.memory_space<vmem>>)
        %dma_wait3A_261 = arith.constant 0 : i32
        %dma_wait3A_262 = arith.constant 0 : i32
        %dma_wait3A_263 = arith.constant 0 : i32
        %dma_wait3A_264 = tpu.memref_slice %arg8[%dma_wait3A_262, %dma_wait3A_263] : memref<3x128xi32, #tpu.memory_space<vmem>> -> memref<1x128xi32, #tpu.memory_space<vmem>>
        %dma_wait3A_265 = tpu.memref_squeeze %dma_wait3A_264 : memref<1x128xi32, #tpu.memory_space<vmem>> -> memref<128xi32, #tpu.memory_space<vmem>>
        %dma_wait3A_266 = arith.constant 0 : i32
        %dma_wait3A_267 = tpu.memref_slice %arg4[%add3A, %dma_wait3A_261, %dma_wait3A_266] : memref<32x159x128xi32, #tpu.memory_space<hbm>> -> memref<1x1x128xi32, #tpu.memory_space<hbm>>
        %dma_wait3A_268 = tpu.memref_squeeze %dma_wait3A_267 : memref<1x1x128xi32, #tpu.memory_space<hbm>> -> memref<128xi32, #tpu.memory_space<hbm>>
        %dma_wait3A_269 = arith.constant 0 : i32
        %dma_wait3A_270 = tpu.memref_slice %arg8[%dma_wait3A_262, %dma_wait3A_269] : memref<3x128xi32, #tpu.memory_space<vmem>> -> memref<1x128xi32, #tpu.memory_space<vmem>>
        %dma_wait3A_271 = tpu.memref_squeeze %dma_wait3A_270 : memref<1x128xi32, #tpu.memory_space<vmem>> -> memref<128xi32, #tpu.memory_space<vmem>>
        %dma_wait3A_272 = arith.constant 0 : i32
        %dma_wait3A_273 = tpu.memref_slice %arg4[%add3A, %dma_wait3A_261, %dma_wait3A_272] : memref<32x159x128xi32, #tpu.memory_space<hbm>> -> memref<1x1x128xi32, #tpu.memory_space<hbm>>
        %dma_wait3A_274 = tpu.memref_squeeze %dma_wait3A_273 : memref<1x1x128xi32, #tpu.memory_space<hbm>> -> memref<128xi32, #tpu.memory_space<hbm>>
        tpu.wait_dma2 semaphore(%arg14 : memref<!tpu.dma_semaphore, #tpu.memory_space<semaphore_mem>>) src(%dma_wait3A_274 : memref<128xi32, #tpu.memory_space<hbm>>) dst(%dma_wait3A_271 : memref<128xi32, #tpu.memory_space<vmem>>)
        %run_scoped3A = arith.constant 0 : i32
        %run_scoped3A_275 = arith.constant 0 : i32
        "tpu.region"() ({
          %run_scoped3A_276 = tpu.sem_alloc : memref<!tpu.dma_semaphore, #tpu.memory_space<semaphore_mem>>
          %dma_start3A_277 = arith.constant 0 : i32
          %dma_start3A_278 = arith.constant 0 : i32
          %dma_start3A_279 = tpu.memref_slice %arg9[%run_scoped3A, %dma_start3A_277, %dma_start3A_278] : memref<3x128x128xf32, #tpu.memory_space<vmem>> -> memref<1x128x128xf32, #tpu.memory_space<vmem>>
          %dma_start3A_280 = tpu.memref_squeeze %dma_start3A_279 : memref<1x128x128xf32, #tpu.memory_space<vmem>> -> memref<128x128xf32, #tpu.memory_space<vmem>>
          %dma_start3A_281 = arith.constant 0 : i32
          %dma_start3A_282 = tpu.memref_slice %arg8[%run_scoped3A_275, %dma_start3A_281] : memref<3x128xi32, #tpu.memory_space<vmem>> -> memref<1x128xi32, #tpu.memory_space<vmem>>
          %dma_start3A_283 = tpu.memref_squeeze %dma_start3A_282 : memref<1x128xi32, #tpu.memory_space<vmem>> -> memref<128xi32, #tpu.memory_space<vmem>>
          %dma_start3A_284 = arith.constant 0 : i32
          %dma_start3A_285 = arith.constant 0 : i32
          %dma_start3A_286 = tpu.memref_slice %arg10[%dma_start3A_284, %dma_start3A_285] : memref<10112x128xf32, #tpu.memory_space<vmem_shared>> -> memref<10112x128xf32, #tpu.memory_space<vmem_shared>>
          tpu.enqueue_indirect_dma source(%dma_start3A_280 : memref<128x128xf32, #tpu.memory_space<vmem>>) target(%dma_start3A_286 : memref<10112x128xf32, #tpu.memory_space<vmem_shared>>) offsets(%dma_start3A_283 : memref<128xi32, #tpu.memory_space<vmem>>) semaphore(%run_scoped3A_276 : memref<!tpu.dma_semaphore, #tpu.memory_space<semaphore_mem>>) {add = true}
          %dma_wait3A_287 = arith.constant 0 : i32
          %dma_wait3A_288 = arith.constant 0 : i32
          %dma_wait3A_289 = tpu.memref_slice %arg9[%run_scoped3A, %dma_wait3A_287, %dma_wait3A_288] : memref<3x128x128xf32, #tpu.memory_space<vmem>> -> memref<1x128x128xf32, #tpu.memory_space<vmem>>
          %dma_wait3A_290 = tpu.memref_squeeze %dma_wait3A_289 : memref<1x128x128xf32, #tpu.memory_space<vmem>> -> memref<128x128xf32, #tpu.memory_space<vmem>>
          %dma_wait3A_291 = arith.constant 0 : i32
          %dma_wait3A_292 = tpu.memref_slice %arg8[%run_scoped3A_275, %dma_wait3A_291] : memref<3x128xi32, #tpu.memory_space<vmem>> -> memref<1x128xi32, #tpu.memory_space<vmem>>
          %dma_wait3A_293 = tpu.memref_squeeze %dma_wait3A_292 : memref<1x128xi32, #tpu.memory_space<vmem>> -> memref<128xi32, #tpu.memory_space<vmem>>
          %dma_wait3A_294 = arith.constant 0 : i32
          %dma_wait3A_295 = arith.constant 0 : i32
          %dma_wait3A_296 = tpu.memref_slice %arg10[%dma_wait3A_294, %dma_wait3A_295] : memref<10112x128xf32, #tpu.memory_space<vmem_shared>> -> memref<10112x128xf32, #tpu.memory_space<vmem_shared>>
          tpu.wait_indirect_dma semaphore(%run_scoped3A_276 : memref<!tpu.dma_semaphore, #tpu.memory_space<semaphore_mem>>) src(%dma_wait3A_290 : memref<128x128xf32, #tpu.memory_space<vmem>>) dst(%dma_wait3A_296 : memref<10112x128xf32, #tpu.memory_space<vmem_shared>>)
          tpu.yield
        }) : () -> ()
      } else {
      }
      %add3A_149 = arith.constant 3 : i32
      %add3A_150 = arith.addi %add3A_129, %add3A_149 : i32
      %lt3A_151 = arith.constant 159 : i32
      %lt3A_152 = arith.cmpi slt, %add3A_150, %lt3A_151 : i32
      %mul3A_153 = arith.constant 159 : i32
      %mul3A_154 = arith.muli %add3A, %mul3A_153 : i32
      %add3A_155 = arith.addi %mul3A_154, %add3A_129 : i32
      %add3A_156 = arith.constant 3 : i32
      %add3A_157 = arith.addi %add3A_155, %add3A_156 : i32
      %lt3A_158 = arith.constant 5000 : i32
      %lt3A_159 = arith.cmpi slt, %add3A_157, %lt3A_158 : i32
      %and3A_160 = arith.andi %lt3A_152, %lt3A_159 : i1
      %convert_element_type3A_161 = arith.extui %and3A_160 : i1 to i32
      %cond3A_162 = arith.constant 0 : i32
      %cond3A_163 = arith.cmpi ne, %convert_element_type3A_161, %cond3A_162 : i32
      scf.if %cond3A_163 {
        %add3A_249 = arith.constant 3 : i32
        %add3A_250 = arith.addi %add3A_129, %add3A_249 : i32
        %dma_start3A_251 = arith.constant 0 : i32
        %dma_start3A_252 = arith.constant 0 : i32
        %dma_start3A_253 = tpu.memref_slice %arg7[%dma_start3A_251, %dma_start3A_252] : memref<3x128xi32, #tpu.memory_space<vmem>> -> memref<1x128xi32, #tpu.memory_space<vmem>>
        %dma_start3A_254 = tpu.memref_squeeze %dma_start3A_253 : memref<1x128xi32, #tpu.memory_space<vmem>> -> memref<128xi32, #tpu.memory_space<vmem>>
        %dma_start3A_255 = arith.constant 0 : i32
        %dma_start3A_256 = tpu.memref_slice %arg3[%add3A, %add3A_250, %dma_start3A_255] : memref<32x159x128xi32, #tpu.memory_space<hbm>> -> memref<1x1x128xi32, #tpu.memory_space<hbm>>
        %dma_start3A_257 = tpu.memref_squeeze %dma_start3A_256 : memref<1x1x128xi32, #tpu.memory_space<hbm>> -> memref<128xi32, #tpu.memory_space<hbm>>
        %dma_start3A_258 = arith.constant 0 : i32
        %dma_start3A_259 = tpu.memref_slice %arg7[%dma_start3A_251, %dma_start3A_258] : memref<3x128xi32, #tpu.memory_space<vmem>> -> memref<1x128xi32, #tpu.memory_space<vmem>>
        %dma_start3A_260 = tpu.memref_squeeze %dma_start3A_259 : memref<1x128xi32, #tpu.memory_space<vmem>> -> memref<128xi32, #tpu.memory_space<vmem>>
        %dma_start3A_261 = arith.constant 0 : i32
        %dma_start3A_262 = tpu.memref_slice %arg3[%add3A, %add3A_250, %dma_start3A_261] : memref<32x159x128xi32, #tpu.memory_space<hbm>> -> memref<1x1x128xi32, #tpu.memory_space<hbm>>
        %dma_start3A_263 = tpu.memref_squeeze %dma_start3A_262 : memref<1x1x128xi32, #tpu.memory_space<hbm>> -> memref<128xi32, #tpu.memory_space<hbm>>
        tpu.enqueue_dma source(%dma_start3A_263 : memref<128xi32, #tpu.memory_space<hbm>>) target(%dma_start3A_260 : memref<128xi32, #tpu.memory_space<vmem>>) target_semaphore(%arg11 : memref<!tpu.dma_semaphore, #tpu.memory_space<semaphore_mem>>)
        %add3A_264 = arith.constant 3 : i32
        %add3A_265 = arith.addi %add3A_129, %add3A_264 : i32
        %dma_start3A_266 = arith.constant 0 : i32
        %dma_start3A_267 = arith.constant 0 : i32
        %dma_start3A_268 = tpu.memref_slice %arg8[%dma_start3A_266, %dma_start3A_267] : memref<3x128xi32, #tpu.memory_space<vmem>> -> memref<1x128xi32, #tpu.memory_space<vmem>>
        %dma_start3A_269 = tpu.memref_squeeze %dma_start3A_268 : memref<1x128xi32, #tpu.memory_space<vmem>> -> memref<128xi32, #tpu.memory_space<vmem>>
        %dma_start3A_270 = arith.constant 0 : i32
        %dma_start3A_271 = tpu.memref_slice %arg4[%add3A, %add3A_265, %dma_start3A_270] : memref<32x159x128xi32, #tpu.memory_space<hbm>> -> memref<1x1x128xi32, #tpu.memory_space<hbm>>
        %dma_start3A_272 = tpu.memref_squeeze %dma_start3A_271 : memref<1x1x128xi32, #tpu.memory_space<hbm>> -> memref<128xi32, #tpu.memory_space<hbm>>
        %dma_start3A_273 = arith.constant 0 : i32
        %dma_start3A_274 = tpu.memref_slice %arg8[%dma_start3A_266, %dma_start3A_273] : memref<3x128xi32, #tpu.memory_space<vmem>> -> memref<1x128xi32, #tpu.memory_space<vmem>>
        %dma_start3A_275 = tpu.memref_squeeze %dma_start3A_274 : memref<1x128xi32, #tpu.memory_space<vmem>> -> memref<128xi32, #tpu.memory_space<vmem>>
        %dma_start3A_276 = arith.constant 0 : i32
        %dma_start3A_277 = tpu.memref_slice %arg4[%add3A, %add3A_265, %dma_start3A_276] : memref<32x159x128xi32, #tpu.memory_space<hbm>> -> memref<1x1x128xi32, #tpu.memory_space<hbm>>
        %dma_start3A_278 = tpu.memref_squeeze %dma_start3A_277 : memref<1x1x128xi32, #tpu.memory_space<hbm>> -> memref<128xi32, #tpu.memory_space<hbm>>
        tpu.enqueue_dma source(%dma_start3A_278 : memref<128xi32, #tpu.memory_space<hbm>>) target(%dma_start3A_275 : memref<128xi32, #tpu.memory_space<vmem>>) target_semaphore(%arg14 : memref<!tpu.dma_semaphore, #tpu.memory_space<semaphore_mem>>)
      } else {
      }
      %mul3A_164 = arith.constant 3 : i32
      %mul3A_165 = arith.muli %scan3A_124, %mul3A_164 : i32
      %add3A_166 = arith.constant 1 : i32
      %add3A_167 = arith.addi %mul3A_165, %add3A_166 : i32
      %add3A_168 = arith.constant 1 : i32
      %add3A_169 = arith.addi %add3A_167, %add3A_168 : i32
      %lt3A_170 = arith.constant 159 : i32
      %lt3A_171 = arith.cmpi slt, %add3A_169, %lt3A_170 : i32
      %mul3A_172 = arith.constant 159 : i32
      %mul3A_173 = arith.muli %add3A, %mul3A_172 : i32
      %add3A_174 = arith.addi %mul3A_173, %add3A_167 : i32
      %add3A_175 = arith.constant 1 : i32
      %add3A_176 = arith.addi %add3A_174, %add3A_175 : i32
      %lt3A_177 = arith.constant 5000 : i32
      %lt3A_178 = arith.cmpi slt, %add3A_176, %lt3A_177 : i32
      %and3A_179 = arith.andi %lt3A_171, %lt3A_178 : i1
      %convert_element_type3A_180 = arith.extui %and3A_179 : i1 to i32
      %cond3A_181 = arith.constant 0 : i32
      %cond3A_182 = arith.cmpi ne, %convert_element_type3A_180, %cond3A_181 : i32
      scf.if %cond3A_182 {
        %dma_wait3A_249 = arith.constant 0 : i32
        %dma_wait3A_250 = arith.constant 2 : i32
        %dma_wait3A_251 = arith.constant 0 : i32
        %dma_wait3A_252 = tpu.memref_slice %arg7[%dma_wait3A_250, %dma_wait3A_251] : memref<3x128xi32, #tpu.memory_space<vmem>> -> memref<1x128xi32, #tpu.memory_space<vmem>>
        %dma_wait3A_253 = tpu.memref_squeeze %dma_wait3A_252 : memref<1x128xi32, #tpu.memory_space<vmem>> -> memref<128xi32, #tpu.memory_space<vmem>>
        %dma_wait3A_254 = arith.constant 0 : i32
        %dma_wait3A_255 = tpu.memref_slice %arg3[%add3A, %dma_wait3A_249, %dma_wait3A_254] : memref<32x159x128xi32, #tpu.memory_space<hbm>> -> memref<1x1x128xi32, #tpu.memory_space<hbm>>
        %dma_wait3A_256 = tpu.memref_squeeze %dma_wait3A_255 : memref<1x1x128xi32, #tpu.memory_space<hbm>> -> memref<128xi32, #tpu.memory_space<hbm>>
        %dma_wait3A_257 = arith.constant 0 : i32
        %dma_wait3A_258 = tpu.memref_slice %arg7[%dma_wait3A_250, %dma_wait3A_257] : memref<3x128xi32, #tpu.memory_space<vmem>> -> memref<1x128xi32, #tpu.memory_space<vmem>>
        %dma_wait3A_259 = tpu.memref_squeeze %dma_wait3A_258 : memref<1x128xi32, #tpu.memory_space<vmem>> -> memref<128xi32, #tpu.memory_space<vmem>>
        %dma_wait3A_260 = arith.constant 0 : i32
        %dma_wait3A_261 = tpu.memref_slice %arg3[%add3A, %dma_wait3A_249, %dma_wait3A_260] : memref<32x159x128xi32, #tpu.memory_space<hbm>> -> memref<1x1x128xi32, #tpu.memory_space<hbm>>
        %dma_wait3A_262 = tpu.memref_squeeze %dma_wait3A_261 : memref<1x1x128xi32, #tpu.memory_space<hbm>> -> memref<128xi32, #tpu.memory_space<hbm>>
        tpu.wait_dma2 semaphore(%arg13 : memref<!tpu.dma_semaphore, #tpu.memory_space<semaphore_mem>>) src(%dma_wait3A_262 : memref<128xi32, #tpu.memory_space<hbm>>) dst(%dma_wait3A_259 : memref<128xi32, #tpu.memory_space<vmem>>)
        %dma_start3A_263 = arith.constant 2 : i32
        %dma_start3A_264 = arith.constant 2 : i32
        %dma_start3A_265 = arith.constant 0 : i32
        %dma_start3A_266 = arith.constant 0 : i32
        %dma_start3A_267 = tpu.memref_slice %arg9[%dma_start3A_264, %dma_start3A_265, %dma_start3A_266] : memref<3x128x128xf32, #tpu.memory_space<vmem>> -> memref<1x128x128xf32, #tpu.memory_space<vmem>>
        %dma_start3A_268 = tpu.memref_squeeze %dma_start3A_267 : memref<1x128x128xf32, #tpu.memory_space<vmem>> -> memref<128x128xf32, #tpu.memory_space<vmem>>
        %dma_start3A_269 = arith.constant 0 : i32
        %dma_start3A_270 = tpu.memref_slice %arg7[%dma_start3A_263, %dma_start3A_269] : memref<3x128xi32, #tpu.memory_space<vmem>> -> memref<1x128xi32, #tpu.memory_space<vmem>>
        %dma_start3A_271 = tpu.memref_squeeze %dma_start3A_270 : memref<1x128xi32, #tpu.memory_space<vmem>> -> memref<128xi32, #tpu.memory_space<vmem>>
        %dma_start3A_272 = arith.constant 0 : i32
        %dma_start3A_273 = arith.constant 0 : i32
        %dma_start3A_274 = tpu.memref_slice %arg2[%dma_start3A_272, %dma_start3A_273] : memref<10000x128xf32, #tpu.memory_space<hbm>> -> memref<10000x128xf32, #tpu.memory_space<hbm>>
        tpu.enqueue_indirect_dma source(%dma_start3A_274 : memref<10000x128xf32, #tpu.memory_space<hbm>>) target(%dma_start3A_268 : memref<128x128xf32, #tpu.memory_space<vmem>>) offsets(%dma_start3A_271 : memref<128xi32, #tpu.memory_space<vmem>>) semaphore(%arg19 : memref<!tpu.dma_semaphore, #tpu.memory_space<semaphore_mem>>)
      } else {
      }
      %mul3A_183 = arith.constant 159 : i32
      %mul3A_184 = arith.muli %add3A, %mul3A_183 : i32
      %add3A_185 = arith.addi %mul3A_184, %add3A_167 : i32
      %lt3A_186 = arith.constant 5000 : i32
      %lt3A_187 = arith.cmpi slt, %add3A_185, %lt3A_186 : i32
      %convert_element_type3A_188 = arith.extui %lt3A_187 : i1 to i32
      %cond3A_189 = arith.constant 0 : i32
      %cond3A_190 = arith.cmpi ne, %convert_element_type3A_188, %cond3A_189 : i32
      scf.if %cond3A_190 {
        %dma_wait3A_249 = arith.constant 1 : i32
        %dma_wait3A_250 = arith.constant 1 : i32
        %dma_wait3A_251 = arith.constant 0 : i32
        %dma_wait3A_252 = arith.constant 0 : i32
        %dma_wait3A_253 = tpu.memref_slice %arg9[%dma_wait3A_250, %dma_wait3A_251, %dma_wait3A_252] : memref<3x128x128xf32, #tpu.memory_space<vmem>> -> memref<1x128x128xf32, #tpu.memory_space<vmem>>
        %dma_wait3A_254 = tpu.memref_squeeze %dma_wait3A_253 : memref<1x128x128xf32, #tpu.memory_space<vmem>> -> memref<128x128xf32, #tpu.memory_space<vmem>>
        %dma_wait3A_255 = arith.constant 0 : i32
        %dma_wait3A_256 = tpu.memref_slice %arg7[%dma_wait3A_249, %dma_wait3A_255] : memref<3x128xi32, #tpu.memory_space<vmem>> -> memref<1x128xi32, #tpu.memory_space<vmem>>
        %dma_wait3A_257 = tpu.memref_squeeze %dma_wait3A_256 : memref<1x128xi32, #tpu.memory_space<vmem>> -> memref<128xi32, #tpu.memory_space<vmem>>
        %dma_wait3A_258 = arith.constant 0 : i32
        %dma_wait3A_259 = arith.constant 0 : i32
        %dma_wait3A_260 = tpu.memref_slice %arg2[%dma_wait3A_258, %dma_wait3A_259] : memref<10000x128xf32, #tpu.memory_space<hbm>> -> memref<10000x128xf32, #tpu.memory_space<hbm>>
        tpu.wait_indirect_dma semaphore(%arg18 : memref<!tpu.dma_semaphore, #tpu.memory_space<semaphore_mem>>) src(%dma_wait3A_260 : memref<10000x128xf32, #tpu.memory_space<hbm>>) dst(%dma_wait3A_254 : memref<128x128xf32, #tpu.memory_space<vmem>>)
        %dma_wait3A_261 = arith.constant 0 : i32
        %dma_wait3A_262 = arith.constant 1 : i32
        %dma_wait3A_263 = arith.constant 0 : i32
        %dma_wait3A_264 = tpu.memref_slice %arg8[%dma_wait3A_262, %dma_wait3A_263] : memref<3x128xi32, #tpu.memory_space<vmem>> -> memref<1x128xi32, #tpu.memory_space<vmem>>
        %dma_wait3A_265 = tpu.memref_squeeze %dma_wait3A_264 : memref<1x128xi32, #tpu.memory_space<vmem>> -> memref<128xi32, #tpu.memory_space<vmem>>
        %dma_wait3A_266 = arith.constant 0 : i32
        %dma_wait3A_267 = tpu.memref_slice %arg4[%add3A, %dma_wait3A_261, %dma_wait3A_266] : memref<32x159x128xi32, #tpu.memory_space<hbm>> -> memref<1x1x128xi32, #tpu.memory_space<hbm>>
        %dma_wait3A_268 = tpu.memref_squeeze %dma_wait3A_267 : memref<1x1x128xi32, #tpu.memory_space<hbm>> -> memref<128xi32, #tpu.memory_space<hbm>>
        %dma_wait3A_269 = arith.constant 0 : i32
        %dma_wait3A_270 = tpu.memref_slice %arg8[%dma_wait3A_262, %dma_wait3A_269] : memref<3x128xi32, #tpu.memory_space<vmem>> -> memref<1x128xi32, #tpu.memory_space<vmem>>
        %dma_wait3A_271 = tpu.memref_squeeze %dma_wait3A_270 : memref<1x128xi32, #tpu.memory_space<vmem>> -> memref<128xi32, #tpu.memory_space<vmem>>
        %dma_wait3A_272 = arith.constant 0 : i32
        %dma_wait3A_273 = tpu.memref_slice %arg4[%add3A, %dma_wait3A_261, %dma_wait3A_272] : memref<32x159x128xi32, #tpu.memory_space<hbm>> -> memref<1x1x128xi32, #tpu.memory_space<hbm>>
        %dma_wait3A_274 = tpu.memref_squeeze %dma_wait3A_273 : memref<1x1x128xi32, #tpu.memory_space<hbm>> -> memref<128xi32, #tpu.memory_space<hbm>>
        tpu.wait_dma2 semaphore(%arg15 : memref<!tpu.dma_semaphore, #tpu.memory_space<semaphore_mem>>) src(%dma_wait3A_274 : memref<128xi32, #tpu.memory_space<hbm>>) dst(%dma_wait3A_271 : memref<128xi32, #tpu.memory_space<vmem>>)
        %run_scoped3A = arith.constant 1 : i32
        %run_scoped3A_275 = arith.constant 1 : i32
        "tpu.region"() ({
          %run_scoped3A_276 = tpu.sem_alloc : memref<!tpu.dma_semaphore, #tpu.memory_space<semaphore_mem>>
          %dma_start3A_277 = arith.constant 0 : i32
          %dma_start3A_278 = arith.constant 0 : i32
          %dma_start3A_279 = tpu.memref_slice %arg9[%run_scoped3A, %dma_start3A_277, %dma_start3A_278] : memref<3x128x128xf32, #tpu.memory_space<vmem>> -> memref<1x128x128xf32, #tpu.memory_space<vmem>>
          %dma_start3A_280 = tpu.memref_squeeze %dma_start3A_279 : memref<1x128x128xf32, #tpu.memory_space<vmem>> -> memref<128x128xf32, #tpu.memory_space<vmem>>
          %dma_start3A_281 = arith.constant 0 : i32
          %dma_start3A_282 = tpu.memref_slice %arg8[%run_scoped3A_275, %dma_start3A_281] : memref<3x128xi32, #tpu.memory_space<vmem>> -> memref<1x128xi32, #tpu.memory_space<vmem>>
          %dma_start3A_283 = tpu.memref_squeeze %dma_start3A_282 : memref<1x128xi32, #tpu.memory_space<vmem>> -> memref<128xi32, #tpu.memory_space<vmem>>
          %dma_start3A_284 = arith.constant 0 : i32
          %dma_start3A_285 = arith.constant 0 : i32
          %dma_start3A_286 = tpu.memref_slice %arg10[%dma_start3A_284, %dma_start3A_285] : memref<10112x128xf32, #tpu.memory_space<vmem_shared>> -> memref<10112x128xf32, #tpu.memory_space<vmem_shared>>
          tpu.enqueue_indirect_dma source(%dma_start3A_280 : memref<128x128xf32, #tpu.memory_space<vmem>>) target(%dma_start3A_286 : memref<10112x128xf32, #tpu.memory_space<vmem_shared>>) offsets(%dma_start3A_283 : memref<128xi32, #tpu.memory_space<vmem>>) semaphore(%run_scoped3A_276 : memref<!tpu.dma_semaphore, #tpu.memory_space<semaphore_mem>>) {add = true}
          %dma_wait3A_287 = arith.constant 0 : i32
          %dma_wait3A_288 = arith.constant 0 : i32
          %dma_wait3A_289 = tpu.memref_slice %arg9[%run_scoped3A, %dma_wait3A_287, %dma_wait3A_288] : memref<3x128x128xf32, #tpu.memory_space<vmem>> -> memref<1x128x128xf32, #tpu.memory_space<vmem>>
          %dma_wait3A_290 = tpu.memref_squeeze %dma_wait3A_289 : memref<1x128x128xf32, #tpu.memory_space<vmem>> -> memref<128x128xf32, #tpu.memory_space<vmem>>
          %dma_wait3A_291 = arith.constant 0 : i32
          %dma_wait3A_292 = tpu.memref_slice %arg8[%run_scoped3A_275, %dma_wait3A_291] : memref<3x128xi32, #tpu.memory_space<vmem>> -> memref<1x128xi32, #tpu.memory_space<vmem>>
          %dma_wait3A_293 = tpu.memref_squeeze %dma_wait3A_292 : memref<1x128xi32, #tpu.memory_space<vmem>> -> memref<128xi32, #tpu.memory_space<vmem>>
          %dma_wait3A_294 = arith.constant 0 : i32
          %dma_wait3A_295 = arith.constant 0 : i32
          %dma_wait3A_296 = tpu.memref_slice %arg10[%dma_wait3A_294, %dma_wait3A_295] : memref<10112x128xf32, #tpu.memory_space<vmem_shared>> -> memref<10112x128xf32, #tpu.memory_space<vmem_shared>>
          tpu.wait_indirect_dma semaphore(%run_scoped3A_276 : memref<!tpu.dma_semaphore, #tpu.memory_space<semaphore_mem>>) src(%dma_wait3A_290 : memref<128x128xf32, #tpu.memory_space<vmem>>) dst(%dma_wait3A_296 : memref<10112x128xf32, #tpu.memory_space<vmem_shared>>)
          tpu.yield
        }) : () -> ()
      } else {
      }
      %add3A_191 = arith.constant 3 : i32
      %add3A_192 = arith.addi %add3A_167, %add3A_191 : i32
      %lt3A_193 = arith.constant 159 : i32
      %lt3A_194 = arith.cmpi slt, %add3A_192, %lt3A_193 : i32
      %mul3A_195 = arith.constant 159 : i32
      %mul3A_196 = arith.muli %add3A, %mul3A_195 : i32
      %add3A_197 = arith.addi %mul3A_196, %add3A_167 : i32
      %add3A_198 = arith.constant 3 : i32
      %add3A_199 = arith.addi %add3A_197, %add3A_198 : i32
      %lt3A_200 = arith.constant 5000 : i32
      %lt3A_201 = arith.cmpi slt, %add3A_199, %lt3A_200 : i32
      %and3A_202 = arith.andi %lt3A_194, %lt3A_201 : i1
      %convert_element_type3A_203 = arith.extui %and3A_202 : i1 to i32
      %cond3A_204 = arith.constant 0 : i32
      %cond3A_205 = arith.cmpi ne, %convert_element_type3A_203, %cond3A_204 : i32
      scf.if %cond3A_205 {
        %add3A_249 = arith.constant 3 : i32
        %add3A_250 = arith.addi %add3A_167, %add3A_249 : i32
        %dma_start3A_251 = arith.constant 1 : i32
        %dma_start3A_252 = arith.constant 0 : i32
        %dma_start3A_253 = tpu.memref_slice %arg7[%dma_start3A_251, %dma_start3A_252] : memref<3x128xi32, #tpu.memory_space<vmem>> -> memref<1x128xi32, #tpu.memory_space<vmem>>
        %dma_start3A_254 = tpu.memref_squeeze %dma_start3A_253 : memref<1x128xi32, #tpu.memory_space<vmem>> -> memref<128xi32, #tpu.memory_space<vmem>>
        %dma_start3A_255 = arith.constant 0 : i32
        %dma_start3A_256 = tpu.memref_slice %arg3[%add3A, %add3A_250, %dma_start3A_255] : memref<32x159x128xi32, #tpu.memory_space<hbm>> -> memref<1x1x128xi32, #tpu.memory_space<hbm>>
        %dma_start3A_257 = tpu.memref_squeeze %dma_start3A_256 : memref<1x1x128xi32, #tpu.memory_space<hbm>> -> memref<128xi32, #tpu.memory_space<hbm>>
        %dma_start3A_258 = arith.constant 0 : i32
        %dma_start3A_259 = tpu.memref_slice %arg7[%dma_start3A_251, %dma_start3A_258] : memref<3x128xi32, #tpu.memory_space<vmem>> -> memref<1x128xi32, #tpu.memory_space<vmem>>
        %dma_start3A_260 = tpu.memref_squeeze %dma_start3A_259 : memref<1x128xi32, #tpu.memory_space<vmem>> -> memref<128xi32, #tpu.memory_space<vmem>>
        %dma_start3A_261 = arith.constant 0 : i32
        %dma_start3A_262 = tpu.memref_slice %arg3[%add3A, %add3A_250, %dma_start3A_261] : memref<32x159x128xi32, #tpu.memory_space<hbm>> -> memref<1x1x128xi32, #tpu.memory_space<hbm>>
        %dma_start3A_263 = tpu.memref_squeeze %dma_start3A_262 : memref<1x1x128xi32, #tpu.memory_space<hbm>> -> memref<128xi32, #tpu.memory_space<hbm>>
        tpu.enqueue_dma source(%dma_start3A_263 : memref<128xi32, #tpu.memory_space<hbm>>) target(%dma_start3A_260 : memref<128xi32, #tpu.memory_space<vmem>>) target_semaphore(%arg12 : memref<!tpu.dma_semaphore, #tpu.memory_space<semaphore_mem>>)
        %add3A_264 = arith.constant 3 : i32
        %add3A_265 = arith.addi %add3A_167, %add3A_264 : i32
        %dma_start3A_266 = arith.constant 1 : i32
        %dma_start3A_267 = arith.constant 0 : i32
        %dma_start3A_268 = tpu.memref_slice %arg8[%dma_start3A_266, %dma_start3A_267] : memref<3x128xi32, #tpu.memory_space<vmem>> -> memref<1x128xi32, #tpu.memory_space<vmem>>
        %dma_start3A_269 = tpu.memref_squeeze %dma_start3A_268 : memref<1x128xi32, #tpu.memory_space<vmem>> -> memref<128xi32, #tpu.memory_space<vmem>>
        %dma_start3A_270 = arith.constant 0 : i32
        %dma_start3A_271 = tpu.memref_slice %arg4[%add3A, %add3A_265, %dma_start3A_270] : memref<32x159x128xi32, #tpu.memory_space<hbm>> -> memref<1x1x128xi32, #tpu.memory_space<hbm>>
        %dma_start3A_272 = tpu.memref_squeeze %dma_start3A_271 : memref<1x1x128xi32, #tpu.memory_space<hbm>> -> memref<128xi32, #tpu.memory_space<hbm>>
        %dma_start3A_273 = arith.constant 0 : i32
        %dma_start3A_274 = tpu.memref_slice %arg8[%dma_start3A_266, %dma_start3A_273] : memref<3x128xi32, #tpu.memory_space<vmem>> -> memref<1x128xi32, #tpu.memory_space<vmem>>
        %dma_start3A_275 = tpu.memref_squeeze %dma_start3A_274 : memref<1x128xi32, #tpu.memory_space<vmem>> -> memref<128xi32, #tpu.memory_space<vmem>>
        %dma_start3A_276 = arith.constant 0 : i32
        %dma_start3A_277 = tpu.memref_slice %arg4[%add3A, %add3A_265, %dma_start3A_276] : memref<32x159x128xi32, #tpu.memory_space<hbm>> -> memref<1x1x128xi32, #tpu.memory_space<hbm>>
        %dma_start3A_278 = tpu.memref_squeeze %dma_start3A_277 : memref<1x1x128xi32, #tpu.memory_space<hbm>> -> memref<128xi32, #tpu.memory_space<hbm>>
        tpu.enqueue_dma source(%dma_start3A_278 : memref<128xi32, #tpu.memory_space<hbm>>) target(%dma_start3A_275 : memref<128xi32, #tpu.memory_space<vmem>>) target_semaphore(%arg15 : memref<!tpu.dma_semaphore, #tpu.memory_space<semaphore_mem>>)
      } else {
      }
      %mul3A_206 = arith.constant 3 : i32
      %mul3A_207 = arith.muli %scan3A_124, %mul3A_206 : i32
      %add3A_208 = arith.constant 2 : i32
      %add3A_209 = arith.addi %mul3A_207, %add3A_208 : i32
      %add3A_210 = arith.constant 1 : i32
      %add3A_211 = arith.addi %add3A_209, %add3A_210 : i32
      %lt3A_212 = arith.constant 159 : i32
      %lt3A_213 = arith.cmpi slt, %add3A_211, %lt3A_212 : i32
      %mul3A_214 = arith.constant 159 : i32
      %mul3A_215 = arith.muli %add3A, %mul3A_214 : i32
      %add3A_216 = arith.addi %mul3A_215, %add3A_209 : i32
      %add3A_217 = arith.constant 1 : i32
      %add3A_218 = arith.addi %add3A_216, %add3A_217 : i32
      %lt3A_219 = arith.constant 5000 : i32
      %lt3A_220 = arith.cmpi slt, %add3A_218, %lt3A_219 : i32
      %and3A_221 = arith.andi %lt3A_213, %lt3A_220 : i1
      %convert_element_type3A_222 = arith.extui %and3A_221 : i1 to i32
      %cond3A_223 = arith.constant 0 : i32
      %cond3A_224 = arith.cmpi ne, %convert_element_type3A_222, %cond3A_223 : i32
      scf.if %cond3A_224 {
        %dma_wait3A_249 = arith.constant 0 : i32
        %dma_wait3A_250 = arith.constant 0 : i32
        %dma_wait3A_251 = arith.constant 0 : i32
        %dma_wait3A_252 = tpu.memref_slice %arg7[%dma_wait3A_250, %dma_wait3A_251] : memref<3x128xi32, #tpu.memory_space<vmem>> -> memref<1x128xi32, #tpu.memory_space<vmem>>
        %dma_wait3A_253 = tpu.memref_squeeze %dma_wait3A_252 : memref<1x128xi32, #tpu.memory_space<vmem>> -> memref<128xi32, #tpu.memory_space<vmem>>
        %dma_wait3A_254 = arith.constant 0 : i32
        %dma_wait3A_255 = tpu.memref_slice %arg3[%add3A, %dma_wait3A_249, %dma_wait3A_254] : memref<32x159x128xi32, #tpu.memory_space<hbm>> -> memref<1x1x128xi32, #tpu.memory_space<hbm>>
        %dma_wait3A_256 = tpu.memref_squeeze %dma_wait3A_255 : memref<1x1x128xi32, #tpu.memory_space<hbm>> -> memref<128xi32, #tpu.memory_space<hbm>>
        %dma_wait3A_257 = arith.constant 0 : i32
        %dma_wait3A_258 = tpu.memref_slice %arg7[%dma_wait3A_250, %dma_wait3A_257] : memref<3x128xi32, #tpu.memory_space<vmem>> -> memref<1x128xi32, #tpu.memory_space<vmem>>
        %dma_wait3A_259 = tpu.memref_squeeze %dma_wait3A_258 : memref<1x128xi32, #tpu.memory_space<vmem>> -> memref<128xi32, #tpu.memory_space<vmem>>
        %dma_wait3A_260 = arith.constant 0 : i32
        %dma_wait3A_261 = tpu.memref_slice %arg3[%add3A, %dma_wait3A_249, %dma_wait3A_260] : memref<32x159x128xi32, #tpu.memory_space<hbm>> -> memref<1x1x128xi32, #tpu.memory_space<hbm>>
        %dma_wait3A_262 = tpu.memref_squeeze %dma_wait3A_261 : memref<1x1x128xi32, #tpu.memory_space<hbm>> -> memref<128xi32, #tpu.memory_space<hbm>>
        tpu.wait_dma2 semaphore(%arg11 : memref<!tpu.dma_semaphore, #tpu.memory_space<semaphore_mem>>) src(%dma_wait3A_262 : memref<128xi32, #tpu.memory_space<hbm>>) dst(%dma_wait3A_259 : memref<128xi32, #tpu.memory_space<vmem>>)
        %dma_start3A_263 = arith.constant 0 : i32
        %dma_start3A_264 = arith.constant 0 : i32
        %dma_start3A_265 = arith.constant 0 : i32
        %dma_start3A_266 = arith.constant 0 : i32
        %dma_start3A_267 = tpu.memref_slice %arg9[%dma_start3A_264, %dma_start3A_265, %dma_start3A_266] : memref<3x128x128xf32, #tpu.memory_space<vmem>> -> memref<1x128x128xf32, #tpu.memory_space<vmem>>
        %dma_start3A_268 = tpu.memref_squeeze %dma_start3A_267 : memref<1x128x128xf32, #tpu.memory_space<vmem>> -> memref<128x128xf32, #tpu.memory_space<vmem>>
        %dma_start3A_269 = arith.constant 0 : i32
        %dma_start3A_270 = tpu.memref_slice %arg7[%dma_start3A_263, %dma_start3A_269] : memref<3x128xi32, #tpu.memory_space<vmem>> -> memref<1x128xi32, #tpu.memory_space<vmem>>
        %dma_start3A_271 = tpu.memref_squeeze %dma_start3A_270 : memref<1x128xi32, #tpu.memory_space<vmem>> -> memref<128xi32, #tpu.memory_space<vmem>>
        %dma_start3A_272 = arith.constant 0 : i32
        %dma_start3A_273 = arith.constant 0 : i32
        %dma_start3A_274 = tpu.memref_slice %arg2[%dma_start3A_272, %dma_start3A_273] : memref<10000x128xf32, #tpu.memory_space<hbm>> -> memref<10000x128xf32, #tpu.memory_space<hbm>>
        tpu.enqueue_indirect_dma source(%dma_start3A_274 : memref<10000x128xf32, #tpu.memory_space<hbm>>) target(%dma_start3A_268 : memref<128x128xf32, #tpu.memory_space<vmem>>) offsets(%dma_start3A_271 : memref<128xi32, #tpu.memory_space<vmem>>) semaphore(%arg17 : memref<!tpu.dma_semaphore, #tpu.memory_space<semaphore_mem>>)
      } else {
      }
      %mul3A_225 = arith.constant 159 : i32
      %mul3A_226 = arith.muli %add3A, %mul3A_225 : i32
      %add3A_227 = arith.addi %mul3A_226, %add3A_209 : i32
      %lt3A_228 = arith.constant 5000 : i32
      %lt3A_229 = arith.cmpi slt, %add3A_227, %lt3A_228 : i32
      %convert_element_type3A_230 = arith.extui %lt3A_229 : i1 to i32
      %cond3A_231 = arith.constant 0 : i32
      %cond3A_232 = arith.cmpi ne, %convert_element_type3A_230, %cond3A_231 : i32
      scf.if %cond3A_232 {
        %dma_wait3A_249 = arith.constant 2 : i32
        %dma_wait3A_250 = arith.constant 2 : i32
        %dma_wait3A_251 = arith.constant 0 : i32
        %dma_wait3A_252 = arith.constant 0 : i32
        %dma_wait3A_253 = tpu.memref_slice %arg9[%dma_wait3A_250, %dma_wait3A_251, %dma_wait3A_252] : memref<3x128x128xf32, #tpu.memory_space<vmem>> -> memref<1x128x128xf32, #tpu.memory_space<vmem>>
        %dma_wait3A_254 = tpu.memref_squeeze %dma_wait3A_253 : memref<1x128x128xf32, #tpu.memory_space<vmem>> -> memref<128x128xf32, #tpu.memory_space<vmem>>
        %dma_wait3A_255 = arith.constant 0 : i32
        %dma_wait3A_256 = tpu.memref_slice %arg7[%dma_wait3A_249, %dma_wait3A_255] : memref<3x128xi32, #tpu.memory_space<vmem>> -> memref<1x128xi32, #tpu.memory_space<vmem>>
        %dma_wait3A_257 = tpu.memref_squeeze %dma_wait3A_256 : memref<1x128xi32, #tpu.memory_space<vmem>> -> memref<128xi32, #tpu.memory_space<vmem>>
        %dma_wait3A_258 = arith.constant 0 : i32
        %dma_wait3A_259 = arith.constant 0 : i32
        %dma_wait3A_260 = tpu.memref_slice %arg2[%dma_wait3A_258, %dma_wait3A_259] : memref<10000x128xf32, #tpu.memory_space<hbm>> -> memref<10000x128xf32, #tpu.memory_space<hbm>>
        tpu.wait_indirect_dma semaphore(%arg19 : memref<!tpu.dma_semaphore, #tpu.memory_space<semaphore_mem>>) src(%dma_wait3A_260 : memref<10000x128xf32, #tpu.memory_space<hbm>>) dst(%dma_wait3A_254 : memref<128x128xf32, #tpu.memory_space<vmem>>)
        %dma_wait3A_261 = arith.constant 0 : i32
        %dma_wait3A_262 = arith.constant 2 : i32
        %dma_wait3A_263 = arith.constant 0 : i32
        %dma_wait3A_264 = tpu.memref_slice %arg8[%dma_wait3A_262, %dma_wait3A_263] : memref<3x128xi32, #tpu.memory_space<vmem>> -> memref<1x128xi32, #tpu.memory_space<vmem>>
        %dma_wait3A_265 = tpu.memref_squeeze %dma_wait3A_264 : memref<1x128xi32, #tpu.memory_space<vmem>> -> memref<128xi32, #tpu.memory_space<vmem>>
        %dma_wait3A_266 = arith.constant 0 : i32
        %dma_wait3A_267 = tpu.memref_slice %arg4[%add3A, %dma_wait3A_261, %dma_wait3A_266] : memref<32x159x128xi32, #tpu.memory_space<hbm>> -> memref<1x1x128xi32, #tpu.memory_space<hbm>>
        %dma_wait3A_268 = tpu.memref_squeeze %dma_wait3A_267 : memref<1x1x128xi32, #tpu.memory_space<hbm>> -> memref<128xi32, #tpu.memory_space<hbm>>
        %dma_wait3A_269 = arith.constant 0 : i32
        %dma_wait3A_270 = tpu.memref_slice %arg8[%dma_wait3A_262, %dma_wait3A_269] : memref<3x128xi32, #tpu.memory_space<vmem>> -> memref<1x128xi32, #tpu.memory_space<vmem>>
        %dma_wait3A_271 = tpu.memref_squeeze %dma_wait3A_270 : memref<1x128xi32, #tpu.memory_space<vmem>> -> memref<128xi32, #tpu.memory_space<vmem>>
        %dma_wait3A_272 = arith.constant 0 : i32
        %dma_wait3A_273 = tpu.memref_slice %arg4[%add3A, %dma_wait3A_261, %dma_wait3A_272] : memref<32x159x128xi32, #tpu.memory_space<hbm>> -> memref<1x1x128xi32, #tpu.memory_space<hbm>>
        %dma_wait3A_274 = tpu.memref_squeeze %dma_wait3A_273 : memref<1x1x128xi32, #tpu.memory_space<hbm>> -> memref<128xi32, #tpu.memory_space<hbm>>
        tpu.wait_dma2 semaphore(%arg16 : memref<!tpu.dma_semaphore, #tpu.memory_space<semaphore_mem>>) src(%dma_wait3A_274 : memref<128xi32, #tpu.memory_space<hbm>>) dst(%dma_wait3A_271 : memref<128xi32, #tpu.memory_space<vmem>>)
        %run_scoped3A = arith.constant 2 : i32
        %run_scoped3A_275 = arith.constant 2 : i32
        "tpu.region"() ({
          %run_scoped3A_276 = tpu.sem_alloc : memref<!tpu.dma_semaphore, #tpu.memory_space<semaphore_mem>>
          %dma_start3A_277 = arith.constant 0 : i32
          %dma_start3A_278 = arith.constant 0 : i32
          %dma_start3A_279 = tpu.memref_slice %arg9[%run_scoped3A, %dma_start3A_277, %dma_start3A_278] : memref<3x128x128xf32, #tpu.memory_space<vmem>> -> memref<1x128x128xf32, #tpu.memory_space<vmem>>
          %dma_start3A_280 = tpu.memref_squeeze %dma_start3A_279 : memref<1x128x128xf32, #tpu.memory_space<vmem>> -> memref<128x128xf32, #tpu.memory_space<vmem>>
          %dma_start3A_281 = arith.constant 0 : i32
          %dma_start3A_282 = tpu.memref_slice %arg8[%run_scoped3A_275, %dma_start3A_281] : memref<3x128xi32, #tpu.memory_space<vmem>> -> memref<1x128xi32, #tpu.memory_space<vmem>>
          %dma_start3A_283 = tpu.memref_squeeze %dma_start3A_282 : memref<1x128xi32, #tpu.memory_space<vmem>> -> memref<128xi32, #tpu.memory_space<vmem>>
          %dma_start3A_284 = arith.constant 0 : i32
          %dma_start3A_285 = arith.constant 0 : i32
          %dma_start3A_286 = tpu.memref_slice %arg10[%dma_start3A_284, %dma_start3A_285] : memref<10112x128xf32, #tpu.memory_space<vmem_shared>> -> memref<10112x128xf32, #tpu.memory_space<vmem_shared>>
          tpu.enqueue_indirect_dma source(%dma_start3A_280 : memref<128x128xf32, #tpu.memory_space<vmem>>) target(%dma_start3A_286 : memref<10112x128xf32, #tpu.memory_space<vmem_shared>>) offsets(%dma_start3A_283 : memref<128xi32, #tpu.memory_space<vmem>>) semaphore(%run_scoped3A_276 : memref<!tpu.dma_semaphore, #tpu.memory_space<semaphore_mem>>) {add = true}
          %dma_wait3A_287 = arith.constant 0 : i32
          %dma_wait3A_288 = arith.constant 0 : i32
          %dma_wait3A_289 = tpu.memref_slice %arg9[%run_scoped3A, %dma_wait3A_287, %dma_wait3A_288] : memref<3x128x128xf32, #tpu.memory_space<vmem>> -> memref<1x128x128xf32, #tpu.memory_space<vmem>>
          %dma_wait3A_290 = tpu.memref_squeeze %dma_wait3A_289 : memref<1x128x128xf32, #tpu.memory_space<vmem>> -> memref<128x128xf32, #tpu.memory_space<vmem>>
          %dma_wait3A_291 = arith.constant 0 : i32
          %dma_wait3A_292 = tpu.memref_slice %arg8[%run_scoped3A_275, %dma_wait3A_291] : memref<3x128xi32, #tpu.memory_space<vmem>> -> memref<1x128xi32, #tpu.memory_space<vmem>>
          %dma_wait3A_293 = tpu.memref_squeeze %dma_wait3A_292 : memref<1x128xi32, #tpu.memory_space<vmem>> -> memref<128xi32, #tpu.memory_space<vmem>>
          %dma_wait3A_294 = arith.constant 0 : i32
          %dma_wait3A_295 = arith.constant 0 : i32
          %dma_wait3A_296 = tpu.memref_slice %arg10[%dma_wait3A_294, %dma_wait3A_295] : memref<10112x128xf32, #tpu.memory_space<vmem_shared>> -> memref<10112x128xf32, #tpu.memory_space<vmem_shared>>
          tpu.wait_indirect_dma semaphore(%run_scoped3A_276 : memref<!tpu.dma_semaphore, #tpu.memory_space<semaphore_mem>>) src(%dma_wait3A_290 : memref<128x128xf32, #tpu.memory_space<vmem>>) dst(%dma_wait3A_296 : memref<10112x128xf32, #tpu.memory_space<vmem_shared>>)
          tpu.yield
        }) : () -> ()
      } else {
      }
      %add3A_233 = arith.constant 3 : i32
      %add3A_234 = arith.addi %add3A_209, %add3A_233 : i32
      %lt3A_235 = arith.constant 159 : i32
      %lt3A_236 = arith.cmpi slt, %add3A_234, %lt3A_235 : i32
      %mul3A_237 = arith.constant 159 : i32
      %mul3A_238 = arith.muli %add3A, %mul3A_237 : i32
      %add3A_239 = arith.addi %mul3A_238, %add3A_209 : i32
      %add3A_240 = arith.constant 3 : i32
      %add3A_241 = arith.addi %add3A_239, %add3A_240 : i32
      %lt3A_242 = arith.constant 5000 : i32
      %lt3A_243 = arith.cmpi slt, %add3A_241, %lt3A_242 : i32
      %and3A_244 = arith.andi %lt3A_236, %lt3A_243 : i1
      %convert_element_type3A_245 = arith.extui %and3A_244 : i1 to i32
      %cond3A_246 = arith.constant 0 : i32
      %cond3A_247 = arith.cmpi ne, %convert_element_type3A_245, %cond3A_246 : i32
      scf.if %cond3A_247 {
        %add3A_249 = arith.constant 3 : i32
        %add3A_250 = arith.addi %add3A_209, %add3A_249 : i32
        %dma_start3A_251 = arith.constant 2 : i32
        %dma_start3A_252 = arith.constant 0 : i32
        %dma_start3A_253 = tpu.memref_slice %arg7[%dma_start3A_251, %dma_start3A_252] : memref<3x128xi32, #tpu.memory_space<vmem>> -> memref<1x128xi32, #tpu.memory_space<vmem>>
        %dma_start3A_254 = tpu.memref_squeeze %dma_start3A_253 : memref<1x128xi32, #tpu.memory_space<vmem>> -> memref<128xi32, #tpu.memory_space<vmem>>
        %dma_start3A_255 = arith.constant 0 : i32
        %dma_start3A_256 = tpu.memref_slice %arg3[%add3A, %add3A_250, %dma_start3A_255] : memref<32x159x128xi32, #tpu.memory_space<hbm>> -> memref<1x1x128xi32, #tpu.memory_space<hbm>>
        %dma_start3A_257 = tpu.memref_squeeze %dma_start3A_256 : memref<1x1x128xi32, #tpu.memory_space<hbm>> -> memref<128xi32, #tpu.memory_space<hbm>>
        %dma_start3A_258 = arith.constant 0 : i32
        %dma_start3A_259 = tpu.memref_slice %arg7[%dma_start3A_251, %dma_start3A_258] : memref<3x128xi32, #tpu.memory_space<vmem>> -> memref<1x128xi32, #tpu.memory_space<vmem>>
        %dma_start3A_260 = tpu.memref_squeeze %dma_start3A_259 : memref<1x128xi32, #tpu.memory_space<vmem>> -> memref<128xi32, #tpu.memory_space<vmem>>
        %dma_start3A_261 = arith.constant 0 : i32
        %dma_start3A_262 = tpu.memref_slice %arg3[%add3A, %add3A_250, %dma_start3A_261] : memref<32x159x128xi32, #tpu.memory_space<hbm>> -> memref<1x1x128xi32, #tpu.memory_space<hbm>>
        %dma_start3A_263 = tpu.memref_squeeze %dma_start3A_262 : memref<1x1x128xi32, #tpu.memory_space<hbm>> -> memref<128xi32, #tpu.memory_space<hbm>>
        tpu.enqueue_dma source(%dma_start3A_263 : memref<128xi32, #tpu.memory_space<hbm>>) target(%dma_start3A_260 : memref<128xi32, #tpu.memory_space<vmem>>) target_semaphore(%arg13 : memref<!tpu.dma_semaphore, #tpu.memory_space<semaphore_mem>>)
        %add3A_264 = arith.constant 3 : i32
        %add3A_265 = arith.addi %add3A_209, %add3A_264 : i32
        %dma_start3A_266 = arith.constant 2 : i32
        %dma_start3A_267 = arith.constant 0 : i32
        %dma_start3A_268 = tpu.memref_slice %arg8[%dma_start3A_266, %dma_start3A_267] : memref<3x128xi32, #tpu.memory_space<vmem>> -> memref<1x128xi32, #tpu.memory_space<vmem>>
        %dma_start3A_269 = tpu.memref_squeeze %dma_start3A_268 : memref<1x128xi32, #tpu.memory_space<vmem>> -> memref<128xi32, #tpu.memory_space<vmem>>
        %dma_start3A_270 = arith.constant 0 : i32
        %dma_start3A_271 = tpu.memref_slice %arg4[%add3A, %add3A_265, %dma_start3A_270] : memref<32x159x128xi32, #tpu.memory_space<hbm>> -> memref<1x1x128xi32, #tpu.memory_space<hbm>>
        %dma_start3A_272 = tpu.memref_squeeze %dma_start3A_271 : memref<1x1x128xi32, #tpu.memory_space<hbm>> -> memref<128xi32, #tpu.memory_space<hbm>>
        %dma_start3A_273 = arith.constant 0 : i32
        %dma_start3A_274 = tpu.memref_slice %arg8[%dma_start3A_266, %dma_start3A_273] : memref<3x128xi32, #tpu.memory_space<vmem>> -> memref<1x128xi32, #tpu.memory_space<vmem>>
        %dma_start3A_275 = tpu.memref_squeeze %dma_start3A_274 : memref<1x128xi32, #tpu.memory_space<vmem>> -> memref<128xi32, #tpu.memory_space<vmem>>
        %dma_start3A_276 = arith.constant 0 : i32
        %dma_start3A_277 = tpu.memref_slice %arg4[%add3A, %add3A_265, %dma_start3A_276] : memref<32x159x128xi32, #tpu.memory_space<hbm>> -> memref<1x1x128xi32, #tpu.memory_space<hbm>>
        %dma_start3A_278 = tpu.memref_squeeze %dma_start3A_277 : memref<1x1x128xi32, #tpu.memory_space<hbm>> -> memref<128xi32, #tpu.memory_space<hbm>>
        tpu.enqueue_dma source(%dma_start3A_278 : memref<128xi32, #tpu.memory_space<hbm>>) target(%dma_start3A_275 : memref<128xi32, #tpu.memory_space<vmem>>) target_semaphore(%arg16 : memref<!tpu.dma_semaphore, #tpu.memory_space<semaphore_mem>>)
      } else {
      }
      %scan3A_248 = arith.constant 0 : i32
      scf.yield %scan3A_248 : i32
    }
    %scan3A_118 = arith.constant 53 : i32
    %barrier3A_119 = arith.constant 0 : index
    tpu.barrier barrier_id(%barrier3A_119)
    %mul3A_120 = arith.constant 632 : i32
    %mul3A_121 = arith.muli %arg1, %mul3A_120 : i32
    %mul3A_122 = arith.constant 632 : i32
    %mul3A_123 = arith.muli %arg1, %mul3A_122 : i32
    "tpu.region"() ({
      %run_scoped3A = tpu.sem_alloc : memref<!tpu.dma_semaphore, #tpu.memory_space<semaphore_mem>>
      %dma_start3A_124 = arith.constant 0 : i32
      %dma_start3A_125 = tpu.memref_slice %arg6[%arg0, %mul3A_123, %dma_start3A_124] : memref<2x10112x128xf32, #tpu.memory_space<hbm>> -> memref<1x632x128xf32, #tpu.memory_space<hbm>>
      %dma_start3A_126 = tpu.memref_squeeze %dma_start3A_125 : memref<1x632x128xf32, #tpu.memory_space<hbm>> -> memref<632x128xf32, #tpu.memory_space<hbm>>
      %dma_start3A_127 = arith.constant 0 : i32
      %dma_start3A_128 = tpu.memref_slice %arg10[%mul3A_121, %dma_start3A_127] : memref<10112x128xf32, #tpu.memory_space<vmem_shared>> -> memref<632x128xf32, #tpu.memory_space<vmem_shared>>
      tpu.enqueue_dma source(%dma_start3A_128 : memref<632x128xf32, #tpu.memory_space<vmem_shared>>) target(%dma_start3A_126 : memref<632x128xf32, #tpu.memory_space<hbm>>) target_semaphore(%run_scoped3A : memref<!tpu.dma_semaphore, #tpu.memory_space<semaphore_mem>>)
      %dma_wait3A_129 = arith.constant 0 : i32
      %dma_wait3A_130 = tpu.memref_slice %arg6[%arg0, %mul3A_123, %dma_wait3A_129] : memref<2x10112x128xf32, #tpu.memory_space<hbm>> -> memref<1x632x128xf32, #tpu.memory_space<hbm>>
      %dma_wait3A_131 = tpu.memref_squeeze %dma_wait3A_130 : memref<1x632x128xf32, #tpu.memory_space<hbm>> -> memref<632x128xf32, #tpu.memory_space<hbm>>
      %dma_wait3A_132 = arith.constant 0 : i32
      %dma_wait3A_133 = tpu.memref_slice %arg10[%mul3A_121, %dma_wait3A_132] : memref<10112x128xf32, #tpu.memory_space<vmem_shared>> -> memref<632x128xf32, #tpu.memory_space<vmem_shared>>
      tpu.wait_dma2 semaphore(%run_scoped3A : memref<!tpu.dma_semaphore, #tpu.memory_space<semaphore_mem>>) src(%dma_wait3A_133 : memref<632x128xf32, #tpu.memory_space<vmem_shared>>) dst(%dma_wait3A_131 : memref<632x128xf32, #tpu.memory_space<hbm>>)
      tpu.yield
    }) : () -> ()
    return
  }
}

#map = affine_map<(d0, d1) -> (0, 0, 0)>
#map1 = affine_map<(d0, d1) -> (0, 0)>
module attributes {stable_mosaic.version = 14 : i64} {
  func.func @_deg_kernel(%arg0: i32, %arg1: i32, %arg2: memref<32x159x128xi32, #tpu.memory_space<hbm>>, %arg3: memref<32x80896xf32, #tpu.memory_space<hbm>>, %arg4: memref<2x128xi32, #tpu.memory_space<vmem>>, %arg5: memref<80896xf32, #tpu.memory_space<vmem>>, %arg6: memref<!tpu.dma_semaphore, #tpu.memory_space<semaphore_mem>>, %arg7: memref<!tpu.dma_semaphore, #tpu.memory_space<semaphore_mem>>) attributes {dimension_semantics = [#tpu.dimension_semantics<core_parallel>, #tpu.dimension_semantics<subcore_parallel>], iteration_bounds = array<i64: 2, 16>, scalar_prefetch = 0 : i64, scratch_operands = 4 : i64, tpu.core_type = #tpu.core_type<sc_vector_subcore>, window_params = [{transform_indices = #map}, {transform_indices = #map1}]} {
    %mul3A = arith.constant 2 : i32
    %mul3A_0 = arith.muli %arg1, %mul3A : i32
    %add3A = arith.addi %mul3A_0, %arg0 : i32
    %dma_start3A = arith.constant 0 : i32
    %dma_start3A_1 = arith.constant 0 : i32
    %dma_start3A_2 = arith.constant 0 : i32
    %dma_start3A_3 = tpu.memref_slice %arg4[%dma_start3A_1, %dma_start3A_2] : memref<2x128xi32, #tpu.memory_space<vmem>> -> memref<1x128xi32, #tpu.memory_space<vmem>>
    %dma_start3A_4 = tpu.memref_squeeze %dma_start3A_3 : memref<1x128xi32, #tpu.memory_space<vmem>> -> memref<128xi32, #tpu.memory_space<vmem>>
    %dma_start3A_5 = arith.constant 0 : i32
    %dma_start3A_6 = tpu.memref_slice %arg2[%add3A, %dma_start3A, %dma_start3A_5] : memref<32x159x128xi32, #tpu.memory_space<hbm>> -> memref<1x1x128xi32, #tpu.memory_space<hbm>>
    %dma_start3A_7 = tpu.memref_squeeze %dma_start3A_6 : memref<1x1x128xi32, #tpu.memory_space<hbm>> -> memref<128xi32, #tpu.memory_space<hbm>>
    %dma_start3A_8 = arith.constant 0 : i32
    %dma_start3A_9 = tpu.memref_slice %arg4[%dma_start3A_1, %dma_start3A_8] : memref<2x128xi32, #tpu.memory_space<vmem>> -> memref<1x128xi32, #tpu.memory_space<vmem>>
    %dma_start3A_10 = tpu.memref_squeeze %dma_start3A_9 : memref<1x128xi32, #tpu.memory_space<vmem>> -> memref<128xi32, #tpu.memory_space<vmem>>
    %dma_start3A_11 = arith.constant 0 : i32
    %dma_start3A_12 = tpu.memref_slice %arg2[%add3A, %dma_start3A, %dma_start3A_11] : memref<32x159x128xi32, #tpu.memory_space<hbm>> -> memref<1x1x128xi32, #tpu.memory_space<hbm>>
    %dma_start3A_13 = tpu.memref_squeeze %dma_start3A_12 : memref<1x1x128xi32, #tpu.memory_space<hbm>> -> memref<128xi32, #tpu.memory_space<hbm>>
    tpu.enqueue_dma source(%dma_start3A_13 : memref<128xi32, #tpu.memory_space<hbm>>) target(%dma_start3A_10 : memref<128xi32, #tpu.memory_space<vmem>>) target_semaphore(%arg6 : memref<!tpu.dma_semaphore, #tpu.memory_space<semaphore_mem>>)
    %dma_start3A_14 = arith.constant 1 : i32
    %dma_start3A_15 = arith.constant 1 : i32
    %dma_start3A_16 = arith.constant 0 : i32
    %dma_start3A_17 = tpu.memref_slice %arg4[%dma_start3A_15, %dma_start3A_16] : memref<2x128xi32, #tpu.memory_space<vmem>> -> memref<1x128xi32, #tpu.memory_space<vmem>>
    %dma_start3A_18 = tpu.memref_squeeze %dma_start3A_17 : memref<1x128xi32, #tpu.memory_space<vmem>> -> memref<128xi32, #tpu.memory_space<vmem>>
    %dma_start3A_19 = arith.constant 0 : i32
    %dma_start3A_20 = tpu.memref_slice %arg2[%add3A, %dma_start3A_14, %dma_start3A_19] : memref<32x159x128xi32, #tpu.memory_space<hbm>> -> memref<1x1x128xi32, #tpu.memory_space<hbm>>
    %dma_start3A_21 = tpu.memref_squeeze %dma_start3A_20 : memref<1x1x128xi32, #tpu.memory_space<hbm>> -> memref<128xi32, #tpu.memory_space<hbm>>
    %dma_start3A_22 = arith.constant 0 : i32
    %dma_start3A_23 = tpu.memref_slice %arg4[%dma_start3A_15, %dma_start3A_22] : memref<2x128xi32, #tpu.memory_space<vmem>> -> memref<1x128xi32, #tpu.memory_space<vmem>>
    %dma_start3A_24 = tpu.memref_squeeze %dma_start3A_23 : memref<1x128xi32, #tpu.memory_space<vmem>> -> memref<128xi32, #tpu.memory_space<vmem>>
    %dma_start3A_25 = arith.constant 0 : i32
    %dma_start3A_26 = tpu.memref_slice %arg2[%add3A, %dma_start3A_14, %dma_start3A_25] : memref<32x159x128xi32, #tpu.memory_space<hbm>> -> memref<1x1x128xi32, #tpu.memory_space<hbm>>
    %dma_start3A_27 = tpu.memref_squeeze %dma_start3A_26 : memref<1x1x128xi32, #tpu.memory_space<hbm>> -> memref<128xi32, #tpu.memory_space<hbm>>
    tpu.enqueue_dma source(%dma_start3A_27 : memref<128xi32, #tpu.memory_space<hbm>>) target(%dma_start3A_24 : memref<128xi32, #tpu.memory_space<vmem>>) target_semaphore(%arg7 : memref<!tpu.dma_semaphore, #tpu.memory_space<semaphore_mem>>)
    %broadcast_in_dim3A = arith.constant 0.000000e+00 : f32
    %broadcast_in_dim3A_28 = vector.broadcast %broadcast_in_dim3A : f32 to vector<16xf32>
    %scan3A = arith.constant 0 : i32
    %scan3A_29 = arith.constant 0 : i32
    %scan3A_30 = arith.constant 632 : i32
    %scan3A_31 = arith.addi %scan3A_29, %scan3A_30 : i32
    %scan3A_32 = arith.constant 1 : i32
    %scan3A_33 = scf.for %scan3A_65 = %scan3A_29 to %scan3A_31 step %scan3A_32 iter_args(%scan3A_66 = %scan3A) -> (i32)  : i32 {
      %mul3A_67 = arith.constant 128 : i32
      %mul3A_68 = arith.muli %scan3A_65, %mul3A_67 : i32
      %add3A_69 = arith.constant 0 : i32
      %add3A_70 = arith.addi %mul3A_68, %add3A_69 : i32
      %swap3A = arith.index_cast %add3A_70 : i32 to index
      %swap3A_71 = tpu.vector_load %arg5[%swap3A] {strides = array<i32>} : memref<80896xf32, #tpu.memory_space<vmem>>, vector<16xf32>,
      tpu.vector_store %arg5[%swap3A], %broadcast_in_dim3A_28 {strides = array<i32>} : memref<80896xf32, #tpu.memory_space<vmem>>, vector<16xf32>,
      %mul3A_72 = arith.constant 128 : i32
      %mul3A_73 = arith.muli %scan3A_65, %mul3A_72 : i32
      %add3A_74 = arith.constant 16 : i32
      %add3A_75 = arith.addi %mul3A_73, %add3A_74 : i32
      %swap3A_76 = arith.index_cast %add3A_75 : i32 to index
      %swap3A_77 = tpu.vector_load %arg5[%swap3A_76] {strides = array<i32>} : memref<80896xf32, #tpu.memory_space<vmem>>, vector<16xf32>,
      tpu.vector_store %arg5[%swap3A_76], %broadcast_in_dim3A_28 {strides = array<i32>} : memref<80896xf32, #tpu.memory_space<vmem>>, vector<16xf32>,
      %mul3A_78 = arith.constant 128 : i32
      %mul3A_79 = arith.muli %scan3A_65, %mul3A_78 : i32
      %add3A_80 = arith.constant 32 : i32
      %add3A_81 = arith.addi %mul3A_79, %add3A_80 : i32
      %swap3A_82 = arith.index_cast %add3A_81 : i32 to index
      %swap3A_83 = tpu.vector_load %arg5[%swap3A_82] {strides = array<i32>} : memref<80896xf32, #tpu.memory_space<vmem>>, vector<16xf32>,
      tpu.vector_store %arg5[%swap3A_82], %broadcast_in_dim3A_28 {strides = array<i32>} : memref<80896xf32, #tpu.memory_space<vmem>>, vector<16xf32>,
      %mul3A_84 = arith.constant 128 : i32
      %mul3A_85 = arith.muli %scan3A_65, %mul3A_84 : i32
      %add3A_86 = arith.constant 48 : i32
      %add3A_87 = arith.addi %mul3A_85, %add3A_86 : i32
      %swap3A_88 = arith.index_cast %add3A_87 : i32 to index
      %swap3A_89 = tpu.vector_load %arg5[%swap3A_88] {strides = array<i32>} : memref<80896xf32, #tpu.memory_space<vmem>>, vector<16xf32>,
      tpu.vector_store %arg5[%swap3A_88], %broadcast_in_dim3A_28 {strides = array<i32>} : memref<80896xf32, #tpu.memory_space<vmem>>, vector<16xf32>,
      %mul3A_90 = arith.constant 128 : i32
      %mul3A_91 = arith.muli %scan3A_65, %mul3A_90 : i32
      %add3A_92 = arith.constant 64 : i32
      %add3A_93 = arith.addi %mul3A_91, %add3A_92 : i32
      %swap3A_94 = arith.index_cast %add3A_93 : i32 to index
      %swap3A_95 = tpu.vector_load %arg5[%swap3A_94] {strides = array<i32>} : memref<80896xf32, #tpu.memory_space<vmem>>, vector<16xf32>,
      tpu.vector_store %arg5[%swap3A_94], %broadcast_in_dim3A_28 {strides = array<i32>} : memref<80896xf32, #tpu.memory_space<vmem>>, vector<16xf32>,
      %mul3A_96 = arith.constant 128 : i32
      %mul3A_97 = arith.muli %scan3A_65, %mul3A_96 : i32
      %add3A_98 = arith.constant 80 : i32
      %add3A_99 = arith.addi %mul3A_97, %add3A_98 : i32
      %swap3A_100 = arith.index_cast %add3A_99 : i32 to index
      %swap3A_101 = tpu.vector_load %arg5[%swap3A_100] {strides = array<i32>} : memref<80896xf32, #tpu.memory_space<vmem>>, vector<16xf32>,
      tpu.vector_store %arg5[%swap3A_100], %broadcast_in_dim3A_28 {strides = array<i32>} : memref<80896xf32, #tpu.memory_space<vmem>>, vector<16xf32>,
      %mul3A_102 = arith.constant 128 : i32
      %mul3A_103 = arith.muli %scan3A_65, %mul3A_102 : i32
      %add3A_104 = arith.constant 96 : i32
      %add3A_105 = arith.addi %mul3A_103, %add3A_104 : i32
      %swap3A_106 = arith.index_cast %add3A_105 : i32 to index
      %swap3A_107 = tpu.vector_load %arg5[%swap3A_106] {strides = array<i32>} : memref<80896xf32, #tpu.memory_space<vmem>>, vector<16xf32>,
      tpu.vector_store %arg5[%swap3A_106], %broadcast_in_dim3A_28 {strides = array<i32>} : memref<80896xf32, #tpu.memory_space<vmem>>, vector<16xf32>,
      %mul3A_108 = arith.constant 128 : i32
      %mul3A_109 = arith.muli %scan3A_65, %mul3A_108 : i32
      %add3A_110 = arith.constant 112 : i32
      %add3A_111 = arith.addi %mul3A_109, %add3A_110 : i32
      %swap3A_112 = arith.index_cast %add3A_111 : i32 to index
      %swap3A_113 = tpu.vector_load %arg5[%swap3A_112] {strides = array<i32>} : memref<80896xf32, #tpu.memory_space<vmem>>, vector<16xf32>,
      tpu.vector_store %arg5[%swap3A_112], %broadcast_in_dim3A_28 {strides = array<i32>} : memref<80896xf32, #tpu.memory_space<vmem>>, vector<16xf32>,
      %scan3A_114 = arith.constant 0 : i32
      scf.yield %scan3A_114 : i32
    }
    %scan3A_34 = arith.constant 632 : i32
    %broadcast_in_dim3A_35 = arith.constant 1.000000e+00 : f32
    %broadcast_in_dim3A_36 = vector.broadcast %broadcast_in_dim3A_35 : f32 to vector<16xf32>
    %iota3A = tpu.iota {dimensions = array<i32: 0>} : vector<16xi32>
    %and3A = arith.constant 7 : i32
    %and3A_37 = vector.broadcast %and3A : i32 to vector<16xi32>
    %and3A_38 = arith.andi %iota3A, %and3A_37 : vector<16xi32>
    %scan3A_39 = arith.constant 0 : i32
    %scan3A_40 = arith.constant 0 : i32
    %scan3A_41 = arith.constant 79 : i32
    %scan3A_42 = arith.addi %scan3A_40, %scan3A_41 : i32
    %scan3A_43 = arith.constant 1 : i32
    %scan3A_44 = scf.for %scan3A_65 = %scan3A_40 to %scan3A_42 step %scan3A_43 iter_args(%scan3A_66 = %scan3A_39) -> (i32)  : i32 {
      %mul3A_67 = arith.constant 2 : i32
      %mul3A_68 = arith.muli %scan3A_65, %mul3A_67 : i32
      %add3A_69 = arith.constant 0 : i32
      %add3A_70 = arith.addi %mul3A_68, %add3A_69 : i32
      %dma_wait3A_71 = arith.constant 0 : i32
      %dma_wait3A_72 = arith.constant 0 : i32
      %dma_wait3A_73 = arith.constant 0 : i32
      %dma_wait3A_74 = tpu.memref_slice %arg4[%dma_wait3A_72, %dma_wait3A_73] : memref<2x128xi32, #tpu.memory_space<vmem>> -> memref<1x128xi32, #tpu.memory_space<vmem>>
      %dma_wait3A_75 = tpu.memref_squeeze %dma_wait3A_74 : memref<1x128xi32, #tpu.memory_space<vmem>> -> memref<128xi32, #tpu.memory_space<vmem>>
      %dma_wait3A_76 = arith.constant 0 : i32
      %dma_wait3A_77 = tpu.memref_slice %arg2[%add3A, %dma_wait3A_71, %dma_wait3A_76] : memref<32x159x128xi32, #tpu.memory_space<hbm>> -> memref<1x1x128xi32, #tpu.memory_space<hbm>>
      %dma_wait3A_78 = tpu.memref_squeeze %dma_wait3A_77 : memref<1x1x128xi32, #tpu.memory_space<hbm>> -> memref<128xi32, #tpu.memory_space<hbm>>
      %dma_wait3A_79 = arith.constant 0 : i32
      %dma_wait3A_80 = tpu.memref_slice %arg4[%dma_wait3A_72, %dma_wait3A_79] : memref<2x128xi32, #tpu.memory_space<vmem>> -> memref<1x128xi32, #tpu.memory_space<vmem>>
      %dma_wait3A_81 = tpu.memref_squeeze %dma_wait3A_80 : memref<1x128xi32, #tpu.memory_space<vmem>> -> memref<128xi32, #tpu.memory_space<vmem>>
      %dma_wait3A_82 = arith.constant 0 : i32
      %dma_wait3A_83 = tpu.memref_slice %arg2[%add3A, %dma_wait3A_71, %dma_wait3A_82] : memref<32x159x128xi32, #tpu.memory_space<hbm>> -> memref<1x1x128xi32, #tpu.memory_space<hbm>>
      %dma_wait3A_84 = tpu.memref_squeeze %dma_wait3A_83 : memref<1x1x128xi32, #tpu.memory_space<hbm>> -> memref<128xi32, #tpu.memory_space<hbm>>
      tpu.wait_dma2 semaphore(%arg6 : memref<!tpu.dma_semaphore, #tpu.memory_space<semaphore_mem>>) src(%dma_wait3A_84 : memref<128xi32, #tpu.memory_space<hbm>>) dst(%dma_wait3A_81 : memref<128xi32, #tpu.memory_space<vmem>>)
      %mul3A_85 = arith.constant 159 : i32
      %mul3A_86 = arith.muli %add3A, %mul3A_85 : i32
      %add3A_87 = arith.addi %mul3A_86, %add3A_70 : i32
      %lt3A_88 = arith.constant 5000 : i32
      %lt3A_89 = arith.cmpi slt, %add3A_87, %lt3A_88 : i32
      %convert_element_type3A_90 = arith.extui %lt3A_89 : i1 to i32
      %cond3A_91 = arith.constant 0 : i32
      %cond3A_92 = arith.cmpi ne, %convert_element_type3A_90, %cond3A_91 : i32
      scf.if %cond3A_92 {
        %get3A = arith.constant 0 : i32
        %get3A_134 = arith.index_cast %get3A : i32 to index
        %get3A_135 = arith.constant 0 : index
        %get3A_136 = tpu.vector_load %arg4[%get3A_134, %get3A_135] {strides = array<i32>} : memref<2x128xi32, #tpu.memory_space<vmem>>, vector<16xi32>,
        %shift_left3A = arith.constant 3 : i32
        %shift_left3A_137 = vector.broadcast %shift_left3A : i32 to vector<16xi32>
        %shift_left3A_138 = arith.shli %get3A_136, %shift_left3A_137 : vector<16xi32>
        %add3A_139 = arith.addi %shift_left3A_138, %and3A_38 : vector<16xi32>
        tpu.vector_store_idx %arg5[%add3A_139], %broadcast_in_dim3A_36 {add = true} : memref<80896xf32, #tpu.memory_space<vmem>>[vector<16xi32>], vector<16xf32>,
        %get3A_140 = arith.constant 0 : i32
        %get3A_141 = arith.index_cast %get3A_140 : i32 to index
        %get3A_142 = arith.constant 16 : index
        %get3A_143 = tpu.vector_load %arg4[%get3A_141, %get3A_142] {strides = array<i32>} : memref<2x128xi32, #tpu.memory_space<vmem>>, vector<16xi32>,
        %shift_left3A_144 = arith.constant 3 : i32
        %shift_left3A_145 = vector.broadcast %shift_left3A_144 : i32 to vector<16xi32>
        %shift_left3A_146 = arith.shli %get3A_143, %shift_left3A_145 : vector<16xi32>
        %add3A_147 = arith.addi %shift_left3A_146, %and3A_38 : vector<16xi32>
        tpu.vector_store_idx %arg5[%add3A_147], %broadcast_in_dim3A_36 {add = true} : memref<80896xf32, #tpu.memory_space<vmem>>[vector<16xi32>], vector<16xf32>,
        %get3A_148 = arith.constant 0 : i32
        %get3A_149 = arith.index_cast %get3A_148 : i32 to index
        %get3A_150 = arith.constant 32 : index
        %get3A_151 = tpu.vector_load %arg4[%get3A_149, %get3A_150] {strides = array<i32>} : memref<2x128xi32, #tpu.memory_space<vmem>>, vector<16xi32>,
        %shift_left3A_152 = arith.constant 3 : i32
        %shift_left3A_153 = vector.broadcast %shift_left3A_152 : i32 to vector<16xi32>
        %shift_left3A_154 = arith.shli %get3A_151, %shift_left3A_153 : vector<16xi32>
        %add3A_155 = arith.addi %shift_left3A_154, %and3A_38 : vector<16xi32>
        tpu.vector_store_idx %arg5[%add3A_155], %broadcast_in_dim3A_36 {add = true} : memref<80896xf32, #tpu.memory_space<vmem>>[vector<16xi32>], vector<16xf32>,
        %get3A_156 = arith.constant 0 : i32
        %get3A_157 = arith.index_cast %get3A_156 : i32 to index
        %get3A_158 = arith.constant 48 : index
        %get3A_159 = tpu.vector_load %arg4[%get3A_157, %get3A_158] {strides = array<i32>} : memref<2x128xi32, #tpu.memory_space<vmem>>, vector<16xi32>,
        %shift_left3A_160 = arith.constant 3 : i32
        %shift_left3A_161 = vector.broadcast %shift_left3A_160 : i32 to vector<16xi32>
        %shift_left3A_162 = arith.shli %get3A_159, %shift_left3A_161 : vector<16xi32>
        %add3A_163 = arith.addi %shift_left3A_162, %and3A_38 : vector<16xi32>
        tpu.vector_store_idx %arg5[%add3A_163], %broadcast_in_dim3A_36 {add = true} : memref<80896xf32, #tpu.memory_space<vmem>>[vector<16xi32>], vector<16xf32>,
        %get3A_164 = arith.constant 0 : i32
        %get3A_165 = arith.index_cast %get3A_164 : i32 to index
        %get3A_166 = arith.constant 64 : index
        %get3A_167 = tpu.vector_load %arg4[%get3A_165, %get3A_166] {strides = array<i32>} : memref<2x128xi32, #tpu.memory_space<vmem>>, vector<16xi32>,
        %shift_left3A_168 = arith.constant 3 : i32
        %shift_left3A_169 = vector.broadcast %shift_left3A_168 : i32 to vector<16xi32>
        %shift_left3A_170 = arith.shli %get3A_167, %shift_left3A_169 : vector<16xi32>
        %add3A_171 = arith.addi %shift_left3A_170, %and3A_38 : vector<16xi32>
        tpu.vector_store_idx %arg5[%add3A_171], %broadcast_in_dim3A_36 {add = true} : memref<80896xf32, #tpu.memory_space<vmem>>[vector<16xi32>], vector<16xf32>,
        %get3A_172 = arith.constant 0 : i32
        %get3A_173 = arith.index_cast %get3A_172 : i32 to index
        %get3A_174 = arith.constant 80 : index
        %get3A_175 = tpu.vector_load %arg4[%get3A_173, %get3A_174] {strides = array<i32>} : memref<2x128xi32, #tpu.memory_space<vmem>>, vector<16xi32>,
        %shift_left3A_176 = arith.constant 3 : i32
        %shift_left3A_177 = vector.broadcast %shift_left3A_176 : i32 to vector<16xi32>
        %shift_left3A_178 = arith.shli %get3A_175, %shift_left3A_177 : vector<16xi32>
        %add3A_179 = arith.addi %shift_left3A_178, %and3A_38 : vector<16xi32>
        tpu.vector_store_idx %arg5[%add3A_179], %broadcast_in_dim3A_36 {add = true} : memref<80896xf32, #tpu.memory_space<vmem>>[vector<16xi32>], vector<16xf32>,
        %get3A_180 = arith.constant 0 : i32
        %get3A_181 = arith.index_cast %get3A_180 : i32 to index
        %get3A_182 = arith.constant 96 : index
        %get3A_183 = tpu.vector_load %arg4[%get3A_181, %get3A_182] {strides = array<i32>} : memref<2x128xi32, #tpu.memory_space<vmem>>, vector<16xi32>,
        %shift_left3A_184 = arith.constant 3 : i32
        %shift_left3A_185 = vector.broadcast %shift_left3A_184 : i32 to vector<16xi32>
        %shift_left3A_186 = arith.shli %get3A_183, %shift_left3A_185 : vector<16xi32>
        %add3A_187 = arith.addi %shift_left3A_186, %and3A_38 : vector<16xi32>
        tpu.vector_store_idx %arg5[%add3A_187], %broadcast_in_dim3A_36 {add = true} : memref<80896xf32, #tpu.memory_space<vmem>>[vector<16xi32>], vector<16xf32>,
        %get3A_188 = arith.constant 0 : i32
        %get3A_189 = arith.index_cast %get3A_188 : i32 to index
        %get3A_190 = arith.constant 112 : index
        %get3A_191 = tpu.vector_load %arg4[%get3A_189, %get3A_190] {strides = array<i32>} : memref<2x128xi32, #tpu.memory_space<vmem>>, vector<16xi32>,
        %shift_left3A_192 = arith.constant 3 : i32
        %shift_left3A_193 = vector.broadcast %shift_left3A_192 : i32 to vector<16xi32>
        %shift_left3A_194 = arith.shli %get3A_191, %shift_left3A_193 : vector<16xi32>
        %add3A_195 = arith.addi %shift_left3A_194, %and3A_38 : vector<16xi32>
        tpu.vector_store_idx %arg5[%add3A_195], %broadcast_in_dim3A_36 {add = true} : memref<80896xf32, #tpu.memory_space<vmem>>[vector<16xi32>], vector<16xf32>,
      } else {
      }
      %add3A_93 = arith.constant 2 : i32
      %add3A_94 = arith.addi %add3A_70, %add3A_93 : i32
      %lt3A_95 = arith.constant 159 : i32
      %lt3A_96 = arith.cmpi slt, %add3A_94, %lt3A_95 : i32
      %convert_element_type3A_97 = arith.extui %lt3A_96 : i1 to i32
      %cond3A_98 = arith.constant 0 : i32
      %cond3A_99 = arith.cmpi ne, %convert_element_type3A_97, %cond3A_98 : i32
      scf.if %cond3A_99 {
        %add3A_134 = arith.constant 2 : i32
        %add3A_135 = arith.addi %add3A_70, %add3A_134 : i32
        %dma_start3A_136 = arith.constant 0 : i32
        %dma_start3A_137 = arith.constant 0 : i32
        %dma_start3A_138 = tpu.memref_slice %arg4[%dma_start3A_136, %dma_start3A_137] : memref<2x128xi32, #tpu.memory_space<vmem>> -> memref<1x128xi32, #tpu.memory_space<vmem>>
        %dma_start3A_139 = tpu.memref_squeeze %dma_start3A_138 : memref<1x128xi32, #tpu.memory_space<vmem>> -> memref<128xi32, #tpu.memory_space<vmem>>
        %dma_start3A_140 = arith.constant 0 : i32
        %dma_start3A_141 = tpu.memref_slice %arg2[%add3A, %add3A_135, %dma_start3A_140] : memref<32x159x128xi32, #tpu.memory_space<hbm>> -> memref<1x1x128xi32, #tpu.memory_space<hbm>>
        %dma_start3A_142 = tpu.memref_squeeze %dma_start3A_141 : memref<1x1x128xi32, #tpu.memory_space<hbm>> -> memref<128xi32, #tpu.memory_space<hbm>>
        %dma_start3A_143 = arith.constant 0 : i32
        %dma_start3A_144 = tpu.memref_slice %arg4[%dma_start3A_136, %dma_start3A_143] : memref<2x128xi32, #tpu.memory_space<vmem>> -> memref<1x128xi32, #tpu.memory_space<vmem>>
        %dma_start3A_145 = tpu.memref_squeeze %dma_start3A_144 : memref<1x128xi32, #tpu.memory_space<vmem>> -> memref<128xi32, #tpu.memory_space<vmem>>
        %dma_start3A_146 = arith.constant 0 : i32
        %dma_start3A_147 = tpu.memref_slice %arg2[%add3A, %add3A_135, %dma_start3A_146] : memref<32x159x128xi32, #tpu.memory_space<hbm>> -> memref<1x1x128xi32, #tpu.memory_space<hbm>>
        %dma_start3A_148 = tpu.memref_squeeze %dma_start3A_147 : memref<1x1x128xi32, #tpu.memory_space<hbm>> -> memref<128xi32, #tpu.memory_space<hbm>>
        tpu.enqueue_dma source(%dma_start3A_148 : memref<128xi32, #tpu.memory_space<hbm>>) target(%dma_start3A_145 : memref<128xi32, #tpu.memory_space<vmem>>) target_semaphore(%arg6 : memref<!tpu.dma_semaphore, #tpu.memory_space<semaphore_mem>>)
      } else {
      }
      %mul3A_100 = arith.constant 2 : i32
      %mul3A_101 = arith.muli %scan3A_65, %mul3A_100 : i32
      %add3A_102 = arith.constant 1 : i32
      %add3A_103 = arith.addi %mul3A_101, %add3A_102 : i32
      %dma_wait3A_104 = arith.constant 0 : i32
      %dma_wait3A_105 = arith.constant 1 : i32
      %dma_wait3A_106 = arith.constant 0 : i32
      %dma_wait3A_107 = tpu.memref_slice %arg4[%dma_wait3A_105, %dma_wait3A_106] : memref<2x128xi32, #tpu.memory_space<vmem>> -> memref<1x128xi32, #tpu.memory_space<vmem>>
      %dma_wait3A_108 = tpu.memref_squeeze %dma_wait3A_107 : memref<1x128xi32, #tpu.memory_space<vmem>> -> memref<128xi32, #tpu.memory_space<vmem>>
      %dma_wait3A_109 = arith.constant 0 : i32
      %dma_wait3A_110 = tpu.memref_slice %arg2[%add3A, %dma_wait3A_104, %dma_wait3A_109] : memref<32x159x128xi32, #tpu.memory_space<hbm>> -> memref<1x1x128xi32, #tpu.memory_space<hbm>>
      %dma_wait3A_111 = tpu.memref_squeeze %dma_wait3A_110 : memref<1x1x128xi32, #tpu.memory_space<hbm>> -> memref<128xi32, #tpu.memory_space<hbm>>
      %dma_wait3A_112 = arith.constant 0 : i32
      %dma_wait3A_113 = tpu.memref_slice %arg4[%dma_wait3A_105, %dma_wait3A_112] : memref<2x128xi32, #tpu.memory_space<vmem>> -> memref<1x128xi32, #tpu.memory_space<vmem>>
      %dma_wait3A_114 = tpu.memref_squeeze %dma_wait3A_113 : memref<1x128xi32, #tpu.memory_space<vmem>> -> memref<128xi32, #tpu.memory_space<vmem>>
      %dma_wait3A_115 = arith.constant 0 : i32
      %dma_wait3A_116 = tpu.memref_slice %arg2[%add3A, %dma_wait3A_104, %dma_wait3A_115] : memref<32x159x128xi32, #tpu.memory_space<hbm>> -> memref<1x1x128xi32, #tpu.memory_space<hbm>>
      %dma_wait3A_117 = tpu.memref_squeeze %dma_wait3A_116 : memref<1x1x128xi32, #tpu.memory_space<hbm>> -> memref<128xi32, #tpu.memory_space<hbm>>
      tpu.wait_dma2 semaphore(%arg7 : memref<!tpu.dma_semaphore, #tpu.memory_space<semaphore_mem>>) src(%dma_wait3A_117 : memref<128xi32, #tpu.memory_space<hbm>>) dst(%dma_wait3A_114 : memref<128xi32, #tpu.memory_space<vmem>>)
      %mul3A_118 = arith.constant 159 : i32
      %mul3A_119 = arith.muli %add3A, %mul3A_118 : i32
      %add3A_120 = arith.addi %mul3A_119, %add3A_103 : i32
      %lt3A_121 = arith.constant 5000 : i32
      %lt3A_122 = arith.cmpi slt, %add3A_120, %lt3A_121 : i32
      %convert_element_type3A_123 = arith.extui %lt3A_122 : i1 to i32
      %cond3A_124 = arith.constant 0 : i32
      %cond3A_125 = arith.cmpi ne, %convert_element_type3A_123, %cond3A_124 : i32
      scf.if %cond3A_125 {
        %get3A = arith.constant 1 : i32
        %get3A_134 = arith.index_cast %get3A : i32 to index
        %get3A_135 = arith.constant 0 : index
        %get3A_136 = tpu.vector_load %arg4[%get3A_134, %get3A_135] {strides = array<i32>} : memref<2x128xi32, #tpu.memory_space<vmem>>, vector<16xi32>,
        %shift_left3A = arith.constant 3 : i32
        %shift_left3A_137 = vector.broadcast %shift_left3A : i32 to vector<16xi32>
        %shift_left3A_138 = arith.shli %get3A_136, %shift_left3A_137 : vector<16xi32>
        %add3A_139 = arith.addi %shift_left3A_138, %and3A_38 : vector<16xi32>
        tpu.vector_store_idx %arg5[%add3A_139], %broadcast_in_dim3A_36 {add = true} : memref<80896xf32, #tpu.memory_space<vmem>>[vector<16xi32>], vector<16xf32>,
        %get3A_140 = arith.constant 1 : i32
        %get3A_141 = arith.index_cast %get3A_140 : i32 to index
        %get3A_142 = arith.constant 16 : index
        %get3A_143 = tpu.vector_load %arg4[%get3A_141, %get3A_142] {strides = array<i32>} : memref<2x128xi32, #tpu.memory_space<vmem>>, vector<16xi32>,
        %shift_left3A_144 = arith.constant 3 : i32
        %shift_left3A_145 = vector.broadcast %shift_left3A_144 : i32 to vector<16xi32>
        %shift_left3A_146 = arith.shli %get3A_143, %shift_left3A_145 : vector<16xi32>
        %add3A_147 = arith.addi %shift_left3A_146, %and3A_38 : vector<16xi32>
        tpu.vector_store_idx %arg5[%add3A_147], %broadcast_in_dim3A_36 {add = true} : memref<80896xf32, #tpu.memory_space<vmem>>[vector<16xi32>], vector<16xf32>,
        %get3A_148 = arith.constant 1 : i32
        %get3A_149 = arith.index_cast %get3A_148 : i32 to index
        %get3A_150 = arith.constant 32 : index
        %get3A_151 = tpu.vector_load %arg4[%get3A_149, %get3A_150] {strides = array<i32>} : memref<2x128xi32, #tpu.memory_space<vmem>>, vector<16xi32>,
        %shift_left3A_152 = arith.constant 3 : i32
        %shift_left3A_153 = vector.broadcast %shift_left3A_152 : i32 to vector<16xi32>
        %shift_left3A_154 = arith.shli %get3A_151, %shift_left3A_153 : vector<16xi32>
        %add3A_155 = arith.addi %shift_left3A_154, %and3A_38 : vector<16xi32>
        tpu.vector_store_idx %arg5[%add3A_155], %broadcast_in_dim3A_36 {add = true} : memref<80896xf32, #tpu.memory_space<vmem>>[vector<16xi32>], vector<16xf32>,
        %get3A_156 = arith.constant 1 : i32
        %get3A_157 = arith.index_cast %get3A_156 : i32 to index
        %get3A_158 = arith.constant 48 : index
        %get3A_159 = tpu.vector_load %arg4[%get3A_157, %get3A_158] {strides = array<i32>} : memref<2x128xi32, #tpu.memory_space<vmem>>, vector<16xi32>,
        %shift_left3A_160 = arith.constant 3 : i32
        %shift_left3A_161 = vector.broadcast %shift_left3A_160 : i32 to vector<16xi32>
        %shift_left3A_162 = arith.shli %get3A_159, %shift_left3A_161 : vector<16xi32>
        %add3A_163 = arith.addi %shift_left3A_162, %and3A_38 : vector<16xi32>
        tpu.vector_store_idx %arg5[%add3A_163], %broadcast_in_dim3A_36 {add = true} : memref<80896xf32, #tpu.memory_space<vmem>>[vector<16xi32>], vector<16xf32>,
        %get3A_164 = arith.constant 1 : i32
        %get3A_165 = arith.index_cast %get3A_164 : i32 to index
        %get3A_166 = arith.constant 64 : index
        %get3A_167 = tpu.vector_load %arg4[%get3A_165, %get3A_166] {strides = array<i32>} : memref<2x128xi32, #tpu.memory_space<vmem>>, vector<16xi32>,
        %shift_left3A_168 = arith.constant 3 : i32
        %shift_left3A_169 = vector.broadcast %shift_left3A_168 : i32 to vector<16xi32>
        %shift_left3A_170 = arith.shli %get3A_167, %shift_left3A_169 : vector<16xi32>
        %add3A_171 = arith.addi %shift_left3A_170, %and3A_38 : vector<16xi32>
        tpu.vector_store_idx %arg5[%add3A_171], %broadcast_in_dim3A_36 {add = true} : memref<80896xf32, #tpu.memory_space<vmem>>[vector<16xi32>], vector<16xf32>,
        %get3A_172 = arith.constant 1 : i32
        %get3A_173 = arith.index_cast %get3A_172 : i32 to index
        %get3A_174 = arith.constant 80 : index
        %get3A_175 = tpu.vector_load %arg4[%get3A_173, %get3A_174] {strides = array<i32>} : memref<2x128xi32, #tpu.memory_space<vmem>>, vector<16xi32>,
        %shift_left3A_176 = arith.constant 3 : i32
        %shift_left3A_177 = vector.broadcast %shift_left3A_176 : i32 to vector<16xi32>
        %shift_left3A_178 = arith.shli %get3A_175, %shift_left3A_177 : vector<16xi32>
        %add3A_179 = arith.addi %shift_left3A_178, %and3A_38 : vector<16xi32>
        tpu.vector_store_idx %arg5[%add3A_179], %broadcast_in_dim3A_36 {add = true} : memref<80896xf32, #tpu.memory_space<vmem>>[vector<16xi32>], vector<16xf32>,
        %get3A_180 = arith.constant 1 : i32
        %get3A_181 = arith.index_cast %get3A_180 : i32 to index
        %get3A_182 = arith.constant 96 : index
        %get3A_183 = tpu.vector_load %arg4[%get3A_181, %get3A_182] {strides = array<i32>} : memref<2x128xi32, #tpu.memory_space<vmem>>, vector<16xi32>,
        %shift_left3A_184 = arith.constant 3 : i32
        %shift_left3A_185 = vector.broadcast %shift_left3A_184 : i32 to vector<16xi32>
        %shift_left3A_186 = arith.shli %get3A_183, %shift_left3A_185 : vector<16xi32>
        %add3A_187 = arith.addi %shift_left3A_186, %and3A_38 : vector<16xi32>
        tpu.vector_store_idx %arg5[%add3A_187], %broadcast_in_dim3A_36 {add = true} : memref<80896xf32, #tpu.memory_space<vmem>>[vector<16xi32>], vector<16xf32>,
        %get3A_188 = arith.constant 1 : i32
        %get3A_189 = arith.index_cast %get3A_188 : i32 to index
        %get3A_190 = arith.constant 112 : index
        %get3A_191 = tpu.vector_load %arg4[%get3A_189, %get3A_190] {strides = array<i32>} : memref<2x128xi32, #tpu.memory_space<vmem>>, vector<16xi32>,
        %shift_left3A_192 = arith.constant 3 : i32
        %shift_left3A_193 = vector.broadcast %shift_left3A_192 : i32 to vector<16xi32>
        %shift_left3A_194 = arith.shli %get3A_191, %shift_left3A_193 : vector<16xi32>
        %add3A_195 = arith.addi %shift_left3A_194, %and3A_38 : vector<16xi32>
        tpu.vector_store_idx %arg5[%add3A_195], %broadcast_in_dim3A_36 {add = true} : memref<80896xf32, #tpu.memory_space<vmem>>[vector<16xi32>], vector<16xf32>,
      } else {
      }
      %add3A_126 = arith.constant 2 : i32
      %add3A_127 = arith.addi %add3A_103, %add3A_126 : i32
      %lt3A_128 = arith.constant 159 : i32
      %lt3A_129 = arith.cmpi slt, %add3A_127, %lt3A_128 : i32
      %convert_element_type3A_130 = arith.extui %lt3A_129 : i1 to i32
      %cond3A_131 = arith.constant 0 : i32
      %cond3A_132 = arith.cmpi ne, %convert_element_type3A_130, %cond3A_131 : i32
      scf.if %cond3A_132 {
        %add3A_134 = arith.constant 2 : i32
        %add3A_135 = arith.addi %add3A_103, %add3A_134 : i32
        %dma_start3A_136 = arith.constant 1 : i32
        %dma_start3A_137 = arith.constant 0 : i32
        %dma_start3A_138 = tpu.memref_slice %arg4[%dma_start3A_136, %dma_start3A_137] : memref<2x128xi32, #tpu.memory_space<vmem>> -> memref<1x128xi32, #tpu.memory_space<vmem>>
        %dma_start3A_139 = tpu.memref_squeeze %dma_start3A_138 : memref<1x128xi32, #tpu.memory_space<vmem>> -> memref<128xi32, #tpu.memory_space<vmem>>
        %dma_start3A_140 = arith.constant 0 : i32
        %dma_start3A_141 = tpu.memref_slice %arg2[%add3A, %add3A_135, %dma_start3A_140] : memref<32x159x128xi32, #tpu.memory_space<hbm>> -> memref<1x1x128xi32, #tpu.memory_space<hbm>>
        %dma_start3A_142 = tpu.memref_squeeze %dma_start3A_141 : memref<1x1x128xi32, #tpu.memory_space<hbm>> -> memref<128xi32, #tpu.memory_space<hbm>>
        %dma_start3A_143 = arith.constant 0 : i32
        %dma_start3A_144 = tpu.memref_slice %arg4[%dma_start3A_136, %dma_start3A_143] : memref<2x128xi32, #tpu.memory_space<vmem>> -> memref<1x128xi32, #tpu.memory_space<vmem>>
        %dma_start3A_145 = tpu.memref_squeeze %dma_start3A_144 : memref<1x128xi32, #tpu.memory_space<vmem>> -> memref<128xi32, #tpu.memory_space<vmem>>
        %dma_start3A_146 = arith.constant 0 : i32
        %dma_start3A_147 = tpu.memref_slice %arg2[%add3A, %add3A_135, %dma_start3A_146] : memref<32x159x128xi32, #tpu.memory_space<hbm>> -> memref<1x1x128xi32, #tpu.memory_space<hbm>>
        %dma_start3A_148 = tpu.memref_squeeze %dma_start3A_147 : memref<1x1x128xi32, #tpu.memory_space<hbm>> -> memref<128xi32, #tpu.memory_space<hbm>>
        tpu.enqueue_dma source(%dma_start3A_148 : memref<128xi32, #tpu.memory_space<hbm>>) target(%dma_start3A_145 : memref<128xi32, #tpu.memory_space<vmem>>) target_semaphore(%arg7 : memref<!tpu.dma_semaphore, #tpu.memory_space<semaphore_mem>>)
      } else {
      }
      %scan3A_133 = arith.constant 0 : i32
      scf.yield %scan3A_133 : i32
    }
    %scan3A_45 = arith.constant 79 : i32
    %dma_wait3A = arith.constant 0 : i32
    %dma_wait3A_46 = arith.constant 0 : i32
    %dma_wait3A_47 = arith.constant 0 : i32
    %dma_wait3A_48 = tpu.memref_slice %arg4[%dma_wait3A_46, %dma_wait3A_47] : memref<2x128xi32, #tpu.memory_space<vmem>> -> memref<1x128xi32, #tpu.memory_space<vmem>>
    %dma_wait3A_49 = tpu.memref_squeeze %dma_wait3A_48 : memref<1x128xi32, #tpu.memory_space<vmem>> -> memref<128xi32, #tpu.memory_space<vmem>>
    %dma_wait3A_50 = arith.constant 0 : i32
    %dma_wait3A_51 = tpu.memref_slice %arg2[%add3A, %dma_wait3A, %dma_wait3A_50] : memref<32x159x128xi32, #tpu.memory_space<hbm>> -> memref<1x1x128xi32, #tpu.memory_space<hbm>>
    %dma_wait3A_52 = tpu.memref_squeeze %dma_wait3A_51 : memref<1x1x128xi32, #tpu.memory_space<hbm>> -> memref<128xi32, #tpu.memory_space<hbm>>
    %dma_wait3A_53 = arith.constant 0 : i32
    %dma_wait3A_54 = tpu.memref_slice %arg4[%dma_wait3A_46, %dma_wait3A_53] : memref<2x128xi32, #tpu.memory_space<vmem>> -> memref<1x128xi32, #tpu.memory_space<vmem>>
    %dma_wait3A_55 = tpu.memref_squeeze %dma_wait3A_54 : memref<1x128xi32, #tpu.memory_space<vmem>> -> memref<128xi32, #tpu.memory_space<vmem>>
    %dma_wait3A_56 = arith.constant 0 : i32
    %dma_wait3A_57 = tpu.memref_slice %arg2[%add3A, %dma_wait3A, %dma_wait3A_56] : memref<32x159x128xi32, #tpu.memory_space<hbm>> -> memref<1x1x128xi32, #tpu.memory_space<hbm>>
    %dma_wait3A_58 = tpu.memref_squeeze %dma_wait3A_57 : memref<1x1x128xi32, #tpu.memory_space<hbm>> -> memref<128xi32, #tpu.memory_space<hbm>>
    tpu.wait_dma2 semaphore(%arg6 : memref<!tpu.dma_semaphore, #tpu.memory_space<semaphore_mem>>) src(%dma_wait3A_58 : memref<128xi32, #tpu.memory_space<hbm>>) dst(%dma_wait3A_55 : memref<128xi32, #tpu.memory_space<vmem>>)
    %mul3A_59 = arith.constant 159 : i32
    %mul3A_60 = arith.muli %add3A, %mul3A_59 : i32
    %add3A_61 = arith.constant 158 : i32
    %add3A_62 = arith.addi %mul3A_60, %add3A_61 : i32
    %lt3A = arith.constant 5000 : i32
    %lt3A_63 = arith.cmpi slt, %add3A_62, %lt3A : i32
    %convert_element_type3A = arith.extui %lt3A_63 : i1 to i32
    %cond3A = arith.constant 0 : i32
    %cond3A_64 = arith.cmpi ne, %convert_element_type3A, %cond3A : i32
    scf.if %cond3A_64 {
      %get3A = arith.constant 0 : i32
      %get3A_65 = arith.index_cast %get3A : i32 to index
      %get3A_66 = arith.constant 0 : index
      %get3A_67 = tpu.vector_load %arg4[%get3A_65, %get3A_66] {strides = array<i32>} : memref<2x128xi32, #tpu.memory_space<vmem>>, vector<16xi32>,
      %shift_left3A = arith.constant 3 : i32
      %shift_left3A_68 = vector.broadcast %shift_left3A : i32 to vector<16xi32>
      %shift_left3A_69 = arith.shli %get3A_67, %shift_left3A_68 : vector<16xi32>
      %add3A_70 = arith.addi %shift_left3A_69, %and3A_38 : vector<16xi32>
      tpu.vector_store_idx %arg5[%add3A_70], %broadcast_in_dim3A_36 {add = true} : memref<80896xf32, #tpu.memory_space<vmem>>[vector<16xi32>], vector<16xf32>,
      %get3A_71 = arith.constant 0 : i32
      %get3A_72 = arith.index_cast %get3A_71 : i32 to index
      %get3A_73 = arith.constant 16 : index
      %get3A_74 = tpu.vector_load %arg4[%get3A_72, %get3A_73] {strides = array<i32>} : memref<2x128xi32, #tpu.memory_space<vmem>>, vector<16xi32>,
      %shift_left3A_75 = arith.constant 3 : i32
      %shift_left3A_76 = vector.broadcast %shift_left3A_75 : i32 to vector<16xi32>
      %shift_left3A_77 = arith.shli %get3A_74, %shift_left3A_76 : vector<16xi32>
      %add3A_78 = arith.addi %shift_left3A_77, %and3A_38 : vector<16xi32>
      tpu.vector_store_idx %arg5[%add3A_78], %broadcast_in_dim3A_36 {add = true} : memref<80896xf32, #tpu.memory_space<vmem>>[vector<16xi32>], vector<16xf32>,
      %get3A_79 = arith.constant 0 : i32
      %get3A_80 = arith.index_cast %get3A_79 : i32 to index
      %get3A_81 = arith.constant 32 : index
      %get3A_82 = tpu.vector_load %arg4[%get3A_80, %get3A_81] {strides = array<i32>} : memref<2x128xi32, #tpu.memory_space<vmem>>, vector<16xi32>,
      %shift_left3A_83 = arith.constant 3 : i32
      %shift_left3A_84 = vector.broadcast %shift_left3A_83 : i32 to vector<16xi32>
      %shift_left3A_85 = arith.shli %get3A_82, %shift_left3A_84 : vector<16xi32>
      %add3A_86 = arith.addi %shift_left3A_85, %and3A_38 : vector<16xi32>
      tpu.vector_store_idx %arg5[%add3A_86], %broadcast_in_dim3A_36 {add = true} : memref<80896xf32, #tpu.memory_space<vmem>>[vector<16xi32>], vector<16xf32>,
      %get3A_87 = arith.constant 0 : i32
      %get3A_88 = arith.index_cast %get3A_87 : i32 to index
      %get3A_89 = arith.constant 48 : index
      %get3A_90 = tpu.vector_load %arg4[%get3A_88, %get3A_89] {strides = array<i32>} : memref<2x128xi32, #tpu.memory_space<vmem>>, vector<16xi32>,
      %shift_left3A_91 = arith.constant 3 : i32
      %shift_left3A_92 = vector.broadcast %shift_left3A_91 : i32 to vector<16xi32>
      %shift_left3A_93 = arith.shli %get3A_90, %shift_left3A_92 : vector<16xi32>
      %add3A_94 = arith.addi %shift_left3A_93, %and3A_38 : vector<16xi32>
      tpu.vector_store_idx %arg5[%add3A_94], %broadcast_in_dim3A_36 {add = true} : memref<80896xf32, #tpu.memory_space<vmem>>[vector<16xi32>], vector<16xf32>,
      %get3A_95 = arith.constant 0 : i32
      %get3A_96 = arith.index_cast %get3A_95 : i32 to index
      %get3A_97 = arith.constant 64 : index
      %get3A_98 = tpu.vector_load %arg4[%get3A_96, %get3A_97] {strides = array<i32>} : memref<2x128xi32, #tpu.memory_space<vmem>>, vector<16xi32>,
      %shift_left3A_99 = arith.constant 3 : i32
      %shift_left3A_100 = vector.broadcast %shift_left3A_99 : i32 to vector<16xi32>
      %shift_left3A_101 = arith.shli %get3A_98, %shift_left3A_100 : vector<16xi32>
      %add3A_102 = arith.addi %shift_left3A_101, %and3A_38 : vector<16xi32>
      tpu.vector_store_idx %arg5[%add3A_102], %broadcast_in_dim3A_36 {add = true} : memref<80896xf32, #tpu.memory_space<vmem>>[vector<16xi32>], vector<16xf32>,
      %get3A_103 = arith.constant 0 : i32
      %get3A_104 = arith.index_cast %get3A_103 : i32 to index
      %get3A_105 = arith.constant 80 : index
      %get3A_106 = tpu.vector_load %arg4[%get3A_104, %get3A_105] {strides = array<i32>} : memref<2x128xi32, #tpu.memory_space<vmem>>, vector<16xi32>,
      %shift_left3A_107 = arith.constant 3 : i32
      %shift_left3A_108 = vector.broadcast %shift_left3A_107 : i32 to vector<16xi32>
      %shift_left3A_109 = arith.shli %get3A_106, %shift_left3A_108 : vector<16xi32>
      %add3A_110 = arith.addi %shift_left3A_109, %and3A_38 : vector<16xi32>
      tpu.vector_store_idx %arg5[%add3A_110], %broadcast_in_dim3A_36 {add = true} : memref<80896xf32, #tpu.memory_space<vmem>>[vector<16xi32>], vector<16xf32>,
      %get3A_111 = arith.constant 0 : i32
      %get3A_112 = arith.index_cast %get3A_111 : i32 to index
      %get3A_113 = arith.constant 96 : index
      %get3A_114 = tpu.vector_load %arg4[%get3A_112, %get3A_113] {strides = array<i32>} : memref<2x128xi32, #tpu.memory_space<vmem>>, vector<16xi32>,
      %shift_left3A_115 = arith.constant 3 : i32
      %shift_left3A_116 = vector.broadcast %shift_left3A_115 : i32 to vector<16xi32>
      %shift_left3A_117 = arith.shli %get3A_114, %shift_left3A_116 : vector<16xi32>
      %add3A_118 = arith.addi %shift_left3A_117, %and3A_38 : vector<16xi32>
      tpu.vector_store_idx %arg5[%add3A_118], %broadcast_in_dim3A_36 {add = true} : memref<80896xf32, #tpu.memory_space<vmem>>[vector<16xi32>], vector<16xf32>,
      %get3A_119 = arith.constant 0 : i32
      %get3A_120 = arith.index_cast %get3A_119 : i32 to index
      %get3A_121 = arith.constant 112 : index
      %get3A_122 = tpu.vector_load %arg4[%get3A_120, %get3A_121] {strides = array<i32>} : memref<2x128xi32, #tpu.memory_space<vmem>>, vector<16xi32>,
      %shift_left3A_123 = arith.constant 3 : i32
      %shift_left3A_124 = vector.broadcast %shift_left3A_123 : i32 to vector<16xi32>
      %shift_left3A_125 = arith.shli %get3A_122, %shift_left3A_124 : vector<16xi32>
      %add3A_126 = arith.addi %shift_left3A_125, %and3A_38 : vector<16xi32>
      tpu.vector_store_idx %arg5[%add3A_126], %broadcast_in_dim3A_36 {add = true} : memref<80896xf32, #tpu.memory_space<vmem>>[vector<16xi32>], vector<16xf32>,
    } else {
    }
    "tpu.region"() ({
      %run_scoped3A = tpu.sem_alloc : memref<!tpu.dma_semaphore, #tpu.memory_space<semaphore_mem>>
      %dma_start3A_65 = arith.constant 0 : i32
      %dma_start3A_66 = tpu.memref_slice %arg3[%add3A, %dma_start3A_65] : memref<32x80896xf32, #tpu.memory_space<hbm>> -> memref<1x80896xf32, #tpu.memory_space<hbm>>
      %dma_start3A_67 = tpu.memref_squeeze %dma_start3A_66 : memref<1x80896xf32, #tpu.memory_space<hbm>> -> memref<80896xf32, #tpu.memory_space<hbm>>
      %dma_start3A_68 = arith.constant 0 : i32
      %dma_start3A_69 = tpu.memref_slice %arg3[%add3A, %dma_start3A_68] : memref<32x80896xf32, #tpu.memory_space<hbm>> -> memref<1x80896xf32, #tpu.memory_space<hbm>>
      %dma_start3A_70 = tpu.memref_squeeze %dma_start3A_69 : memref<1x80896xf32, #tpu.memory_space<hbm>> -> memref<80896xf32, #tpu.memory_space<hbm>>
      tpu.enqueue_dma source(%arg5 : memref<80896xf32, #tpu.memory_space<vmem>>) target(%dma_start3A_70 : memref<80896xf32, #tpu.memory_space<hbm>>) target_semaphore(%run_scoped3A : memref<!tpu.dma_semaphore, #tpu.memory_space<semaphore_mem>>)
      %dma_wait3A_71 = arith.constant 0 : i32
      %dma_wait3A_72 = tpu.memref_slice %arg3[%add3A, %dma_wait3A_71] : memref<32x80896xf32, #tpu.memory_space<hbm>> -> memref<1x80896xf32, #tpu.memory_space<hbm>>
      %dma_wait3A_73 = tpu.memref_squeeze %dma_wait3A_72 : memref<1x80896xf32, #tpu.memory_space<hbm>> -> memref<80896xf32, #tpu.memory_space<hbm>>
      %dma_wait3A_74 = arith.constant 0 : i32
      %dma_wait3A_75 = tpu.memref_slice %arg3[%add3A, %dma_wait3A_74] : memref<32x80896xf32, #tpu.memory_space<hbm>> -> memref<1x80896xf32, #tpu.memory_space<hbm>>
      %dma_wait3A_76 = tpu.memref_squeeze %dma_wait3A_75 : memref<1x80896xf32, #tpu.memory_space<hbm>> -> memref<80896xf32, #tpu.memory_space<hbm>>
      tpu.wait_dma2 semaphore(%run_scoped3A : memref<!tpu.dma_semaphore, #tpu.memory_space<semaphore_mem>>) src(%arg5 : memref<80896xf32, #tpu.memory_space<vmem>>) dst(%dma_wait3A_76 : memref<80896xf32, #tpu.memory_space<hbm>>)
      tpu.yield
    }) : () -> ()
    return
  }
}

#map = affine_map<(d0, d1) -> (0, 0)>
#map1 = affine_map<(d0, d1) -> (0, 0, 0)>
module attributes {stable_mosaic.version = 14 : i64} {
  func.func @_agg_kernel(%arg0: i32, %arg1: i32, %arg2: memref<10000x128xf32, #tpu.memory_space<hbm>>, %arg3: memref<32x159x128xi32, #tpu.memory_space<hbm>>, %arg4: memref<32x159x128xi32, #tpu.memory_space<hbm>>, %arg5: memref<10112x128xf32, #tpu.memory_space<hbm>>, %arg6: memref<2x10112x128xf32, #tpu.memory_space<hbm>>, %arg7: memref<3x128xi32, #tpu.memory_space<vmem>>, %arg8: memref<3x128xi32, #tpu.memory_space<vmem>>, %arg9: memref<3x128x128xf32, #tpu.memory_space<vmem>>, %arg10: memref<10112x128xf32, #tpu.memory_space<vmem_shared>>, %arg11: memref<!tpu.dma_semaphore, #tpu.memory_space<semaphore_mem>>, %arg12: memref<!tpu.dma_semaphore, #tpu.memory_space<semaphore_mem>>, %arg13: memref<!tpu.dma_semaphore, #tpu.memory_space<semaphore_mem>>, %arg14: memref<!tpu.dma_semaphore, #tpu.memory_space<semaphore_mem>>, %arg15: memref<!tpu.dma_semaphore, #tpu.memory_space<semaphore_mem>>, %arg16: memref<!tpu.dma_semaphore, #tpu.memory_space<semaphore_mem>>, %arg17: memref<!tpu.dma_semaphore, #tpu.memory_space<semaphore_mem>>, %arg18: memref<!tpu.dma_semaphore, #tpu.memory_space<semaphore_mem>>, %arg19: memref<!tpu.dma_semaphore, #tpu.memory_space<semaphore_mem>>) attributes {dimension_semantics = [#tpu.dimension_semantics<core_parallel>, #tpu.dimension_semantics<subcore_parallel>], iteration_bounds = array<i64: 2, 16>, scalar_prefetch = 0 : i64, scratch_operands = 13 : i64, tpu.core_type = #tpu.core_type<sc_vector_subcore>, window_params = [{transform_indices = #map}, {transform_indices = #map1}, {transform_indices = #map1}, {transform_indices = #map}, {transform_indices = #map1}]} {
    %mul3A = arith.constant 2 : i32
    %mul3A_0 = arith.muli %arg1, %mul3A : i32
    %add3A = arith.addi %mul3A_0, %arg0 : i32
    %mul3A_1 = arith.constant 632 : i32
    %mul3A_2 = arith.muli %arg1, %mul3A_1 : i32
    %mul3A_3 = arith.constant 632 : i32
    %mul3A_4 = arith.muli %arg1, %mul3A_3 : i32
    "tpu.region"() ({
      %run_scoped3A = tpu.sem_alloc : memref<!tpu.dma_semaphore, #tpu.memory_space<semaphore_mem>>
      %dma_start3A_124 = arith.constant 0 : i32
      %dma_start3A_125 = tpu.memref_slice %arg10[%mul3A_4, %dma_start3A_124] : memref<10112x128xf32, #tpu.memory_space<vmem_shared>> -> memref<632x128xf32, #tpu.memory_space<vmem_shared>>
      %dma_start3A_126 = arith.constant 0 : i32
      %dma_start3A_127 = tpu.memref_slice %arg5[%mul3A_2, %dma_start3A_126] : memref<10112x128xf32, #tpu.memory_space<hbm>> -> memref<632x128xf32, #tpu.memory_space<hbm>>
      tpu.enqueue_dma source(%dma_start3A_127 : memref<632x128xf32, #tpu.memory_space<hbm>>) target(%dma_start3A_125 : memref<632x128xf32, #tpu.memory_space<vmem_shared>>) target_semaphore(%run_scoped3A : memref<!tpu.dma_semaphore, #tpu.memory_space<semaphore_mem>>)
      %dma_wait3A_128 = arith.constant 0 : i32
      %dma_wait3A_129 = tpu.memref_slice %arg10[%mul3A_4, %dma_wait3A_128] : memref<10112x128xf32, #tpu.memory_space<vmem_shared>> -> memref<632x128xf32, #tpu.memory_space<vmem_shared>>
      %dma_wait3A_130 = arith.constant 0 : i32
      %dma_wait3A_131 = tpu.memref_slice %arg5[%mul3A_2, %dma_wait3A_130] : memref<10112x128xf32, #tpu.memory_space<hbm>> -> memref<632x128xf32, #tpu.memory_space<hbm>>
      tpu.wait_dma2 semaphore(%run_scoped3A : memref<!tpu.dma_semaphore, #tpu.memory_space<semaphore_mem>>) src(%dma_wait3A_131 : memref<632x128xf32, #tpu.memory_space<hbm>>) dst(%dma_wait3A_129 : memref<632x128xf32, #tpu.memory_space<vmem_shared>>)
      tpu.yield
    }) : () -> ()
    %dma_start3A = arith.constant 0 : i32
    %dma_start3A_5 = arith.constant 0 : i32
    %dma_start3A_6 = arith.constant 0 : i32
    %dma_start3A_7 = tpu.memref_slice %arg7[%dma_start3A_5, %dma_start3A_6] : memref<3x128xi32, #tpu.memory_space<vmem>> -> memref<1x128xi32, #tpu.memory_space<vmem>>
    %dma_start3A_8 = tpu.memref_squeeze %dma_start3A_7 : memref<1x128xi32, #tpu.memory_space<vmem>> -> memref<128xi32, #tpu.memory_space<vmem>>
    %dma_start3A_9 = arith.constant 0 : i32
    %dma_start3A_10 = tpu.memref_slice %arg3[%add3A, %dma_start3A, %dma_start3A_9] : memref<32x159x128xi32, #tpu.memory_space<hbm>> -> memref<1x1x128xi32, #tpu.memory_space<hbm>>
    %dma_start3A_11 = tpu.memref_squeeze %dma_start3A_10 : memref<1x1x128xi32, #tpu.memory_space<hbm>> -> memref<128xi32, #tpu.memory_space<hbm>>
    %dma_start3A_12 = arith.constant 0 : i32
    %dma_start3A_13 = tpu.memref_slice %arg7[%dma_start3A_5, %dma_start3A_12] : memref<3x128xi32, #tpu.memory_space<vmem>> -> memref<1x128xi32, #tpu.memory_space<vmem>>
    %dma_start3A_14 = tpu.memref_squeeze %dma_start3A_13 : memref<1x128xi32, #tpu.memory_space<vmem>> -> memref<128xi32, #tpu.memory_space<vmem>>
    %dma_start3A_15 = arith.constant 0 : i32
    %dma_start3A_16 = tpu.memref_slice %arg3[%add3A, %dma_start3A, %dma_start3A_15] : memref<32x159x128xi32, #tpu.memory_space<hbm>> -> memref<1x1x128xi32, #tpu.memory_space<hbm>>
    %dma_start3A_17 = tpu.memref_squeeze %dma_start3A_16 : memref<1x1x128xi32, #tpu.memory_space<hbm>> -> memref<128xi32, #tpu.memory_space<hbm>>
    tpu.enqueue_dma source(%dma_start3A_17 : memref<128xi32, #tpu.memory_space<hbm>>) target(%dma_start3A_14 : memref<128xi32, #tpu.memory_space<vmem>>) target_semaphore(%arg11 : memref<!tpu.dma_semaphore, #tpu.memory_space<semaphore_mem>>)
    %dma_start3A_18 = arith.constant 0 : i32
    %dma_start3A_19 = arith.constant 0 : i32
    %dma_start3A_20 = arith.constant 0 : i32
    %dma_start3A_21 = tpu.memref_slice %arg8[%dma_start3A_19, %dma_start3A_20] : memref<3x128xi32, #tpu.memory_space<vmem>> -> memref<1x128xi32, #tpu.memory_space<vmem>>
    %dma_start3A_22 = tpu.memref_squeeze %dma_start3A_21 : memref<1x128xi32, #tpu.memory_space<vmem>> -> memref<128xi32, #tpu.memory_space<vmem>>
    %dma_start3A_23 = arith.constant 0 : i32
    %dma_start3A_24 = tpu.memref_slice %arg4[%add3A, %dma_start3A_18, %dma_start3A_23] : memref<32x159x128xi32, #tpu.memory_space<hbm>> -> memref<1x1x128xi32, #tpu.memory_space<hbm>>
    %dma_start3A_25 = tpu.memref_squeeze %dma_start3A_24 : memref<1x1x128xi32, #tpu.memory_space<hbm>> -> memref<128xi32, #tpu.memory_space<hbm>>
    %dma_start3A_26 = arith.constant 0 : i32
    %dma_start3A_27 = tpu.memref_slice %arg8[%dma_start3A_19, %dma_start3A_26] : memref<3x128xi32, #tpu.memory_space<vmem>> -> memref<1x128xi32, #tpu.memory_space<vmem>>
    %dma_start3A_28 = tpu.memref_squeeze %dma_start3A_27 : memref<1x128xi32, #tpu.memory_space<vmem>> -> memref<128xi32, #tpu.memory_space<vmem>>
    %dma_start3A_29 = arith.constant 0 : i32
    %dma_start3A_30 = tpu.memref_slice %arg4[%add3A, %dma_start3A_18, %dma_start3A_29] : memref<32x159x128xi32, #tpu.memory_space<hbm>> -> memref<1x1x128xi32, #tpu.memory_space<hbm>>
    %dma_start3A_31 = tpu.memref_squeeze %dma_start3A_30 : memref<1x1x128xi32, #tpu.memory_space<hbm>> -> memref<128xi32, #tpu.memory_space<hbm>>
    tpu.enqueue_dma source(%dma_start3A_31 : memref<128xi32, #tpu.memory_space<hbm>>) target(%dma_start3A_28 : memref<128xi32, #tpu.memory_space<vmem>>) target_semaphore(%arg14 : memref<!tpu.dma_semaphore, #tpu.memory_space<semaphore_mem>>)
    %dma_start3A_32 = arith.constant 1 : i32
    %dma_start3A_33 = arith.constant 1 : i32
    %dma_start3A_34 = arith.constant 0 : i32
    %dma_start3A_35 = tpu.memref_slice %arg7[%dma_start3A_33, %dma_start3A_34] : memref<3x128xi32, #tpu.memory_space<vmem>> -> memref<1x128xi32, #tpu.memory_space<vmem>>
    %dma_start3A_36 = tpu.memref_squeeze %dma_start3A_35 : memref<1x128xi32, #tpu.memory_space<vmem>> -> memref<128xi32, #tpu.memory_space<vmem>>
    %dma_start3A_37 = arith.constant 0 : i32
    %dma_start3A_38 = tpu.memref_slice %arg3[%add3A, %dma_start3A_32, %dma_start3A_37] : memref<32x159x128xi32, #tpu.memory_space<hbm>> -> memref<1x1x128xi32, #tpu.memory_space<hbm>>
    %dma_start3A_39 = tpu.memref_squeeze %dma_start3A_38 : memref<1x1x128xi32, #tpu.memory_space<hbm>> -> memref<128xi32, #tpu.memory_space<hbm>>
    %dma_start3A_40 = arith.constant 0 : i32
    %dma_start3A_41 = tpu.memref_slice %arg7[%dma_start3A_33, %dma_start3A_40] : memref<3x128xi32, #tpu.memory_space<vmem>> -> memref<1x128xi32, #tpu.memory_space<vmem>>
    %dma_start3A_42 = tpu.memref_squeeze %dma_start3A_41 : memref<1x128xi32, #tpu.memory_space<vmem>> -> memref<128xi32, #tpu.memory_space<vmem>>
    %dma_start3A_43 = arith.constant 0 : i32
    %dma_start3A_44 = tpu.memref_slice %arg3[%add3A, %dma_start3A_32, %dma_start3A_43] : memref<32x159x128xi32, #tpu.memory_space<hbm>> -> memref<1x1x128xi32, #tpu.memory_space<hbm>>
    %dma_start3A_45 = tpu.memref_squeeze %dma_start3A_44 : memref<1x1x128xi32, #tpu.memory_space<hbm>> -> memref<128xi32, #tpu.memory_space<hbm>>
    tpu.enqueue_dma source(%dma_start3A_45 : memref<128xi32, #tpu.memory_space<hbm>>) target(%dma_start3A_42 : memref<128xi32, #tpu.memory_space<vmem>>) target_semaphore(%arg12 : memref<!tpu.dma_semaphore, #tpu.memory_space<semaphore_mem>>)
    %dma_start3A_46 = arith.constant 1 : i32
    %dma_start3A_47 = arith.constant 1 : i32
    %dma_start3A_48 = arith.constant 0 : i32
    %dma_start3A_49 = tpu.memref_slice %arg8[%dma_start3A_47, %dma_start3A_48] : memref<3x128xi32, #tpu.memory_space<vmem>> -> memref<1x128xi32, #tpu.memory_space<vmem>>
    %dma_start3A_50 = tpu.memref_squeeze %dma_start3A_49 : memref<1x128xi32, #tpu.memory_space<vmem>> -> memref<128xi32, #tpu.memory_space<vmem>>
    %dma_start3A_51 = arith.constant 0 : i32
    %dma_start3A_52 = tpu.memref_slice %arg4[%add3A, %dma_start3A_46, %dma_start3A_51] : memref<32x159x128xi32, #tpu.memory_space<hbm>> -> memref<1x1x128xi32, #tpu.memory_space<hbm>>
    %dma_start3A_53 = tpu.memref_squeeze %dma_start3A_52 : memref<1x1x128xi32, #tpu.memory_space<hbm>> -> memref<128xi32, #tpu.memory_space<hbm>>
    %dma_start3A_54 = arith.constant 0 : i32
    %dma_start3A_55 = tpu.memref_slice %arg8[%dma_start3A_47, %dma_start3A_54] : memref<3x128xi32, #tpu.memory_space<vmem>> -> memref<1x128xi32, #tpu.memory_space<vmem>>
    %dma_start3A_56 = tpu.memref_squeeze %dma_start3A_55 : memref<1x128xi32, #tpu.memory_space<vmem>> -> memref<128xi32, #tpu.memory_space<vmem>>
    %dma_start3A_57 = arith.constant 0 : i32
    %dma_start3A_58 = tpu.memref_slice %arg4[%add3A, %dma_start3A_46, %dma_start3A_57] : memref<32x159x128xi32, #tpu.memory_space<hbm>> -> memref<1x1x128xi32, #tpu.memory_space<hbm>>
    %dma_start3A_59 = tpu.memref_squeeze %dma_start3A_58 : memref<1x1x128xi32, #tpu.memory_space<hbm>> -> memref<128xi32, #tpu.memory_space<hbm>>
    tpu.enqueue_dma source(%dma_start3A_59 : memref<128xi32, #tpu.memory_space<hbm>>) target(%dma_start3A_56 : memref<128xi32, #tpu.memory_space<vmem>>) target_semaphore(%arg15 : memref<!tpu.dma_semaphore, #tpu.memory_space<semaphore_mem>>)
    %dma_start3A_60 = arith.constant 2 : i32
    %dma_start3A_61 = arith.constant 2 : i32
    %dma_start3A_62 = arith.constant 0 : i32
    %dma_start3A_63 = tpu.memref_slice %arg7[%dma_start3A_61, %dma_start3A_62] : memref<3x128xi32, #tpu.memory_space<vmem>> -> memref<1x128xi32, #tpu.memory_space<vmem>>
    %dma_start3A_64 = tpu.memref_squeeze %dma_start3A_63 : memref<1x128xi32, #tpu.memory_space<vmem>> -> memref<128xi32, #tpu.memory_space<vmem>>
    %dma_start3A_65 = arith.constant 0 : i32
    %dma_start3A_66 = tpu.memref_slice %arg3[%add3A, %dma_start3A_60, %dma_start3A_65] : memref<32x159x128xi32, #tpu.memory_space<hbm>> -> memref<1x1x128xi32, #tpu.memory_space<hbm>>
    %dma_start3A_67 = tpu.memref_squeeze %dma_start3A_66 : memref<1x1x128xi32, #tpu.memory_space<hbm>> -> memref<128xi32, #tpu.memory_space<hbm>>
    %dma_start3A_68 = arith.constant 0 : i32
    %dma_start3A_69 = tpu.memref_slice %arg7[%dma_start3A_61, %dma_start3A_68] : memref<3x128xi32, #tpu.memory_space<vmem>> -> memref<1x128xi32, #tpu.memory_space<vmem>>
    %dma_start3A_70 = tpu.memref_squeeze %dma_start3A_69 : memref<1x128xi32, #tpu.memory_space<vmem>> -> memref<128xi32, #tpu.memory_space<vmem>>
    %dma_start3A_71 = arith.constant 0 : i32
    %dma_start3A_72 = tpu.memref_slice %arg3[%add3A, %dma_start3A_60, %dma_start3A_71] : memref<32x159x128xi32, #tpu.memory_space<hbm>> -> memref<1x1x128xi32, #tpu.memory_space<hbm>>
    %dma_start3A_73 = tpu.memref_squeeze %dma_start3A_72 : memref<1x1x128xi32, #tpu.memory_space<hbm>> -> memref<128xi32, #tpu.memory_space<hbm>>
    tpu.enqueue_dma source(%dma_start3A_73 : memref<128xi32, #tpu.memory_space<hbm>>) target(%dma_start3A_70 : memref<128xi32, #tpu.memory_space<vmem>>) target_semaphore(%arg13 : memref<!tpu.dma_semaphore, #tpu.memory_space<semaphore_mem>>)
    %dma_start3A_74 = arith.constant 2 : i32
    %dma_start3A_75 = arith.constant 2 : i32
    %dma_start3A_76 = arith.constant 0 : i32
    %dma_start3A_77 = tpu.memref_slice %arg8[%dma_start3A_75, %dma_start3A_76] : memref<3x128xi32, #tpu.memory_space<vmem>> -> memref<1x128xi32, #tpu.memory_space<vmem>>
    %dma_start3A_78 = tpu.memref_squeeze %dma_start3A_77 : memref<1x128xi32, #tpu.memory_space<vmem>> -> memref<128xi32, #tpu.memory_space<vmem>>
    %dma_start3A_79 = arith.constant 0 : i32
    %dma_start3A_80 = tpu.memref_slice %arg4[%add3A, %dma_start3A_74, %dma_start3A_79] : memref<32x159x128xi32, #tpu.memory_space<hbm>> -> memref<1x1x128xi32, #tpu.memory_space<hbm>>
    %dma_start3A_81 = tpu.memref_squeeze %dma_start3A_80 : memref<1x1x128xi32, #tpu.memory_space<hbm>> -> memref<128xi32, #tpu.memory_space<hbm>>
    %dma_start3A_82 = arith.constant 0 : i32
    %dma_start3A_83 = tpu.memref_slice %arg8[%dma_start3A_75, %dma_start3A_82] : memref<3x128xi32, #tpu.memory_space<vmem>> -> memref<1x128xi32, #tpu.memory_space<vmem>>
    %dma_start3A_84 = tpu.memref_squeeze %dma_start3A_83 : memref<1x128xi32, #tpu.memory_space<vmem>> -> memref<128xi32, #tpu.memory_space<vmem>>
    %dma_start3A_85 = arith.constant 0 : i32
    %dma_start3A_86 = tpu.memref_slice %arg4[%add3A, %dma_start3A_74, %dma_start3A_85] : memref<32x159x128xi32, #tpu.memory_space<hbm>> -> memref<1x1x128xi32, #tpu.memory_space<hbm>>
    %dma_start3A_87 = tpu.memref_squeeze %dma_start3A_86 : memref<1x1x128xi32, #tpu.memory_space<hbm>> -> memref<128xi32, #tpu.memory_space<hbm>>
    tpu.enqueue_dma source(%dma_start3A_87 : memref<128xi32, #tpu.memory_space<hbm>>) target(%dma_start3A_84 : memref<128xi32, #tpu.memory_space<vmem>>) target_semaphore(%arg16 : memref<!tpu.dma_semaphore, #tpu.memory_space<semaphore_mem>>)
    %dma_wait3A = arith.constant 0 : i32
    %dma_wait3A_88 = arith.constant 0 : i32
    %dma_wait3A_89 = arith.constant 0 : i32
    %dma_wait3A_90 = tpu.memref_slice %arg7[%dma_wait3A_88, %dma_wait3A_89] : memref<3x128xi32, #tpu.memory_space<vmem>> -> memref<1x128xi32, #tpu.memory_space<vmem>>
    %dma_wait3A_91 = tpu.memref_squeeze %dma_wait3A_90 : memref<1x128xi32, #tpu.memory_space<vmem>> -> memref<128xi32, #tpu.memory_space<vmem>>
    %dma_wait3A_92 = arith.constant 0 : i32
    %dma_wait3A_93 = tpu.memref_slice %arg3[%add3A, %dma_wait3A, %dma_wait3A_92] : memref<32x159x128xi32, #tpu.memory_space<hbm>> -> memref<1x1x128xi32, #tpu.memory_space<hbm>>
    %dma_wait3A_94 = tpu.memref_squeeze %dma_wait3A_93 : memref<1x1x128xi32, #tpu.memory_space<hbm>> -> memref<128xi32, #tpu.memory_space<hbm>>
    %dma_wait3A_95 = arith.constant 0 : i32
    %dma_wait3A_96 = tpu.memref_slice %arg7[%dma_wait3A_88, %dma_wait3A_95] : memref<3x128xi32, #tpu.memory_space<vmem>> -> memref<1x128xi32, #tpu.memory_space<vmem>>
    %dma_wait3A_97 = tpu.memref_squeeze %dma_wait3A_96 : memref<1x128xi32, #tpu.memory_space<vmem>> -> memref<128xi32, #tpu.memory_space<vmem>>
    %dma_wait3A_98 = arith.constant 0 : i32
    %dma_wait3A_99 = tpu.memref_slice %arg3[%add3A, %dma_wait3A, %dma_wait3A_98] : memref<32x159x128xi32, #tpu.memory_space<hbm>> -> memref<1x1x128xi32, #tpu.memory_space<hbm>>
    %dma_wait3A_100 = tpu.memref_squeeze %dma_wait3A_99 : memref<1x1x128xi32, #tpu.memory_space<hbm>> -> memref<128xi32, #tpu.memory_space<hbm>>
    tpu.wait_dma2 semaphore(%arg11 : memref<!tpu.dma_semaphore, #tpu.memory_space<semaphore_mem>>) src(%dma_wait3A_100 : memref<128xi32, #tpu.memory_space<hbm>>) dst(%dma_wait3A_97 : memref<128xi32, #tpu.memory_space<vmem>>)
    %dma_start3A_101 = arith.constant 0 : i32
    %dma_start3A_102 = arith.constant 0 : i32
    %dma_start3A_103 = arith.constant 0 : i32
    %dma_start3A_104 = arith.constant 0 : i32
    %dma_start3A_105 = tpu.memref_slice %arg9[%dma_start3A_102, %dma_start3A_103, %dma_start3A_104] : memref<3x128x128xf32, #tpu.memory_space<vmem>> -> memref<1x128x128xf32, #tpu.memory_space<vmem>>
    %dma_start3A_106 = tpu.memref_squeeze %dma_start3A_105 : memref<1x128x128xf32, #tpu.memory_space<vmem>> -> memref<128x128xf32, #tpu.memory_space<vmem>>
    %dma_start3A_107 = arith.constant 0 : i32
    %dma_start3A_108 = tpu.memref_slice %arg7[%dma_start3A_101, %dma_start3A_107] : memref<3x128xi32, #tpu.memory_space<vmem>> -> memref<1x128xi32, #tpu.memory_space<vmem>>
    %dma_start3A_109 = tpu.memref_squeeze %dma_start3A_108 : memref<1x128xi32, #tpu.memory_space<vmem>> -> memref<128xi32, #tpu.memory_space<vmem>>
    %dma_start3A_110 = arith.constant 0 : i32
    %dma_start3A_111 = arith.constant 0 : i32
    %dma_start3A_112 = tpu.memref_slice %arg2[%dma_start3A_110, %dma_start3A_111] : memref<10000x128xf32, #tpu.memory_space<hbm>> -> memref<10000x128xf32, #tpu.memory_space<hbm>>
    tpu.enqueue_indirect_dma source(%dma_start3A_112 : memref<10000x128xf32, #tpu.memory_space<hbm>>) target(%dma_start3A_106 : memref<128x128xf32, #tpu.memory_space<vmem>>) offsets(%dma_start3A_109 : memref<128xi32, #tpu.memory_space<vmem>>) semaphore(%arg17 : memref<!tpu.dma_semaphore, #tpu.memory_space<semaphore_mem>>)
    %barrier3A = arith.constant 0 : index
    tpu.barrier barrier_id(%barrier3A)
    %scan3A = arith.constant 0 : i32
    %scan3A_113 = arith.constant 0 : i32
    %scan3A_114 = arith.constant 53 : i32
    %scan3A_115 = arith.addi %scan3A_113, %scan3A_114 : i32
    %scan3A_116 = arith.constant 1 : i32
    %scan3A_117 = scf.for %scan3A_124 = %scan3A_113 to %scan3A_115 step %scan3A_116 iter_args(%scan3A_125 = %scan3A) -> (i32)  : i32 {
      %mul3A_126 = arith.constant 3 : i32
      %mul3A_127 = arith.muli %scan3A_124, %mul3A_126 : i32
      %add3A_128 = arith.constant 0 : i32
      %add3A_129 = arith.addi %mul3A_127, %add3A_128 : i32
      %add3A_130 = arith.constant 1 : i32
      %add3A_131 = arith.addi %add3A_129, %add3A_130 : i32
      %lt3A = arith.constant 159 : i32
      %lt3A_132 = arith.cmpi slt, %add3A_131, %lt3A : i32
      %mul3A_133 = arith.constant 159 : i32
      %mul3A_134 = arith.muli %add3A, %mul3A_133 : i32
      %add3A_135 = arith.addi %mul3A_134, %add3A_129 : i32
      %add3A_136 = arith.constant 1 : i32
      %add3A_137 = arith.addi %add3A_135, %add3A_136 : i32
      %lt3A_138 = arith.constant 5000 : i32
      %lt3A_139 = arith.cmpi slt, %add3A_137, %lt3A_138 : i32
      %and3A = arith.andi %lt3A_132, %lt3A_139 : i1
      %convert_element_type3A = arith.extui %and3A : i1 to i32
      %cond3A = arith.constant 0 : i32
      %cond3A_140 = arith.cmpi ne, %convert_element_type3A, %cond3A : i32
      scf.if %cond3A_140 {
        %dma_wait3A_249 = arith.constant 0 : i32
        %dma_wait3A_250 = arith.constant 1 : i32
        %dma_wait3A_251 = arith.constant 0 : i32
        %dma_wait3A_252 = tpu.memref_slice %arg7[%dma_wait3A_250, %dma_wait3A_251] : memref<3x128xi32, #tpu.memory_space<vmem>> -> memref<1x128xi32, #tpu.memory_space<vmem>>
        %dma_wait3A_253 = tpu.memref_squeeze %dma_wait3A_252 : memref<1x128xi32, #tpu.memory_space<vmem>> -> memref<128xi32, #tpu.memory_space<vmem>>
        %dma_wait3A_254 = arith.constant 0 : i32
        %dma_wait3A_255 = tpu.memref_slice %arg3[%add3A, %dma_wait3A_249, %dma_wait3A_254] : memref<32x159x128xi32, #tpu.memory_space<hbm>> -> memref<1x1x128xi32, #tpu.memory_space<hbm>>
        %dma_wait3A_256 = tpu.memref_squeeze %dma_wait3A_255 : memref<1x1x128xi32, #tpu.memory_space<hbm>> -> memref<128xi32, #tpu.memory_space<hbm>>
        %dma_wait3A_257 = arith.constant 0 : i32
        %dma_wait3A_258 = tpu.memref_slice %arg7[%dma_wait3A_250, %dma_wait3A_257] : memref<3x128xi32, #tpu.memory_space<vmem>> -> memref<1x128xi32, #tpu.memory_space<vmem>>
        %dma_wait3A_259 = tpu.memref_squeeze %dma_wait3A_258 : memref<1x128xi32, #tpu.memory_space<vmem>> -> memref<128xi32, #tpu.memory_space<vmem>>
        %dma_wait3A_260 = arith.constant 0 : i32
        %dma_wait3A_261 = tpu.memref_slice %arg3[%add3A, %dma_wait3A_249, %dma_wait3A_260] : memref<32x159x128xi32, #tpu.memory_space<hbm>> -> memref<1x1x128xi32, #tpu.memory_space<hbm>>
        %dma_wait3A_262 = tpu.memref_squeeze %dma_wait3A_261 : memref<1x1x128xi32, #tpu.memory_space<hbm>> -> memref<128xi32, #tpu.memory_space<hbm>>
        tpu.wait_dma2 semaphore(%arg12 : memref<!tpu.dma_semaphore, #tpu.memory_space<semaphore_mem>>) src(%dma_wait3A_262 : memref<128xi32, #tpu.memory_space<hbm>>) dst(%dma_wait3A_259 : memref<128xi32, #tpu.memory_space<vmem>>)
        %dma_start3A_263 = arith.constant 1 : i32
        %dma_start3A_264 = arith.constant 1 : i32
        %dma_start3A_265 = arith.constant 0 : i32
        %dma_start3A_266 = arith.constant 0 : i32
        %dma_start3A_267 = tpu.memref_slice %arg9[%dma_start3A_264, %dma_start3A_265, %dma_start3A_266] : memref<3x128x128xf32, #tpu.memory_space<vmem>> -> memref<1x128x128xf32, #tpu.memory_space<vmem>>
        %dma_start3A_268 = tpu.memref_squeeze %dma_start3A_267 : memref<1x128x128xf32, #tpu.memory_space<vmem>> -> memref<128x128xf32, #tpu.memory_space<vmem>>
        %dma_start3A_269 = arith.constant 0 : i32
        %dma_start3A_270 = tpu.memref_slice %arg7[%dma_start3A_263, %dma_start3A_269] : memref<3x128xi32, #tpu.memory_space<vmem>> -> memref<1x128xi32, #tpu.memory_space<vmem>>
        %dma_start3A_271 = tpu.memref_squeeze %dma_start3A_270 : memref<1x128xi32, #tpu.memory_space<vmem>> -> memref<128xi32, #tpu.memory_space<vmem>>
        %dma_start3A_272 = arith.constant 0 : i32
        %dma_start3A_273 = arith.constant 0 : i32
        %dma_start3A_274 = tpu.memref_slice %arg2[%dma_start3A_272, %dma_start3A_273] : memref<10000x128xf32, #tpu.memory_space<hbm>> -> memref<10000x128xf32, #tpu.memory_space<hbm>>
        tpu.enqueue_indirect_dma source(%dma_start3A_274 : memref<10000x128xf32, #tpu.memory_space<hbm>>) target(%dma_start3A_268 : memref<128x128xf32, #tpu.memory_space<vmem>>) offsets(%dma_start3A_271 : memref<128xi32, #tpu.memory_space<vmem>>) semaphore(%arg18 : memref<!tpu.dma_semaphore, #tpu.memory_space<semaphore_mem>>)
      } else {
      }
      %mul3A_141 = arith.constant 159 : i32
      %mul3A_142 = arith.muli %add3A, %mul3A_141 : i32
      %add3A_143 = arith.addi %mul3A_142, %add3A_129 : i32
      %lt3A_144 = arith.constant 5000 : i32
      %lt3A_145 = arith.cmpi slt, %add3A_143, %lt3A_144 : i32
      %convert_element_type3A_146 = arith.extui %lt3A_145 : i1 to i32
      %cond3A_147 = arith.constant 0 : i32
      %cond3A_148 = arith.cmpi ne, %convert_element_type3A_146, %cond3A_147 : i32
      scf.if %cond3A_148 {
        %dma_wait3A_249 = arith.constant 0 : i32
        %dma_wait3A_250 = arith.constant 0 : i32
        %dma_wait3A_251 = arith.constant 0 : i32
        %dma_wait3A_252 = arith.constant 0 : i32
        %dma_wait3A_253 = tpu.memref_slice %arg9[%dma_wait3A_250, %dma_wait3A_251, %dma_wait3A_252] : memref<3x128x128xf32, #tpu.memory_space<vmem>> -> memref<1x128x128xf32, #tpu.memory_space<vmem>>
        %dma_wait3A_254 = tpu.memref_squeeze %dma_wait3A_253 : memref<1x128x128xf32, #tpu.memory_space<vmem>> -> memref<128x128xf32, #tpu.memory_space<vmem>>
        %dma_wait3A_255 = arith.constant 0 : i32
        %dma_wait3A_256 = tpu.memref_slice %arg7[%dma_wait3A_249, %dma_wait3A_255] : memref<3x128xi32, #tpu.memory_space<vmem>> -> memref<1x128xi32, #tpu.memory_space<vmem>>
        %dma_wait3A_257 = tpu.memref_squeeze %dma_wait3A_256 : memref<1x128xi32, #tpu.memory_space<vmem>> -> memref<128xi32, #tpu.memory_space<vmem>>
        %dma_wait3A_258 = arith.constant 0 : i32
        %dma_wait3A_259 = arith.constant 0 : i32
        %dma_wait3A_260 = tpu.memref_slice %arg2[%dma_wait3A_258, %dma_wait3A_259] : memref<10000x128xf32, #tpu.memory_space<hbm>> -> memref<10000x128xf32, #tpu.memory_space<hbm>>
        tpu.wait_indirect_dma semaphore(%arg17 : memref<!tpu.dma_semaphore, #tpu.memory_space<semaphore_mem>>) src(%dma_wait3A_260 : memref<10000x128xf32, #tpu.memory_space<hbm>>) dst(%dma_wait3A_254 : memref<128x128xf32, #tpu.memory_space<vmem>>)
        %dma_wait3A_261 = arith.constant 0 : i32
        %dma_wait3A_262 = arith.constant 0 : i32
        %dma_wait3A_263 = arith.constant 0 : i32
        %dma_wait3A_264 = tpu.memref_slice %arg8[%dma_wait3A_262, %dma_wait3A_263] : memref<3x128xi32, #tpu.memory_space<vmem>> -> memref<1x128xi32, #tpu.memory_space<vmem>>
        %dma_wait3A_265 = tpu.memref_squeeze %dma_wait3A_264 : memref<1x128xi32, #tpu.memory_space<vmem>> -> memref<128xi32, #tpu.memory_space<vmem>>
        %dma_wait3A_266 = arith.constant 0 : i32
        %dma_wait3A_267 = tpu.memref_slice %arg4[%add3A, %dma_wait3A_261, %dma_wait3A_266] : memref<32x159x128xi32, #tpu.memory_space<hbm>> -> memref<1x1x128xi32, #tpu.memory_space<hbm>>
        %dma_wait3A_268 = tpu.memref_squeeze %dma_wait3A_267 : memref<1x1x128xi32, #tpu.memory_space<hbm>> -> memref<128xi32, #tpu.memory_space<hbm>>
        %dma_wait3A_269 = arith.constant 0 : i32
        %dma_wait3A_270 = tpu.memref_slice %arg8[%dma_wait3A_262, %dma_wait3A_269] : memref<3x128xi32, #tpu.memory_space<vmem>> -> memref<1x128xi32, #tpu.memory_space<vmem>>
        %dma_wait3A_271 = tpu.memref_squeeze %dma_wait3A_270 : memref<1x128xi32, #tpu.memory_space<vmem>> -> memref<128xi32, #tpu.memory_space<vmem>>
        %dma_wait3A_272 = arith.constant 0 : i32
        %dma_wait3A_273 = tpu.memref_slice %arg4[%add3A, %dma_wait3A_261, %dma_wait3A_272] : memref<32x159x128xi32, #tpu.memory_space<hbm>> -> memref<1x1x128xi32, #tpu.memory_space<hbm>>
        %dma_wait3A_274 = tpu.memref_squeeze %dma_wait3A_273 : memref<1x1x128xi32, #tpu.memory_space<hbm>> -> memref<128xi32, #tpu.memory_space<hbm>>
        tpu.wait_dma2 semaphore(%arg14 : memref<!tpu.dma_semaphore, #tpu.memory_space<semaphore_mem>>) src(%dma_wait3A_274 : memref<128xi32, #tpu.memory_space<hbm>>) dst(%dma_wait3A_271 : memref<128xi32, #tpu.memory_space<vmem>>)
        %run_scoped3A = arith.constant 0 : i32
        %run_scoped3A_275 = arith.constant 0 : i32
        "tpu.region"() ({
          %run_scoped3A_276 = tpu.sem_alloc : memref<!tpu.dma_semaphore, #tpu.memory_space<semaphore_mem>>
          %dma_start3A_277 = arith.constant 0 : i32
          %dma_start3A_278 = arith.constant 0 : i32
          %dma_start3A_279 = tpu.memref_slice %arg9[%run_scoped3A, %dma_start3A_277, %dma_start3A_278] : memref<3x128x128xf32, #tpu.memory_space<vmem>> -> memref<1x128x128xf32, #tpu.memory_space<vmem>>
          %dma_start3A_280 = tpu.memref_squeeze %dma_start3A_279 : memref<1x128x128xf32, #tpu.memory_space<vmem>> -> memref<128x128xf32, #tpu.memory_space<vmem>>
          %dma_start3A_281 = arith.constant 0 : i32
          %dma_start3A_282 = tpu.memref_slice %arg8[%run_scoped3A_275, %dma_start3A_281] : memref<3x128xi32, #tpu.memory_space<vmem>> -> memref<1x128xi32, #tpu.memory_space<vmem>>
          %dma_start3A_283 = tpu.memref_squeeze %dma_start3A_282 : memref<1x128xi32, #tpu.memory_space<vmem>> -> memref<128xi32, #tpu.memory_space<vmem>>
          %dma_start3A_284 = arith.constant 0 : i32
          %dma_start3A_285 = arith.constant 0 : i32
          %dma_start3A_286 = tpu.memref_slice %arg10[%dma_start3A_284, %dma_start3A_285] : memref<10112x128xf32, #tpu.memory_space<vmem_shared>> -> memref<10112x128xf32, #tpu.memory_space<vmem_shared>>
          tpu.enqueue_indirect_dma source(%dma_start3A_280 : memref<128x128xf32, #tpu.memory_space<vmem>>) target(%dma_start3A_286 : memref<10112x128xf32, #tpu.memory_space<vmem_shared>>) offsets(%dma_start3A_283 : memref<128xi32, #tpu.memory_space<vmem>>) semaphore(%run_scoped3A_276 : memref<!tpu.dma_semaphore, #tpu.memory_space<semaphore_mem>>) {add = true}
          %dma_wait3A_287 = arith.constant 0 : i32
          %dma_wait3A_288 = arith.constant 0 : i32
          %dma_wait3A_289 = tpu.memref_slice %arg9[%run_scoped3A, %dma_wait3A_287, %dma_wait3A_288] : memref<3x128x128xf32, #tpu.memory_space<vmem>> -> memref<1x128x128xf32, #tpu.memory_space<vmem>>
          %dma_wait3A_290 = tpu.memref_squeeze %dma_wait3A_289 : memref<1x128x128xf32, #tpu.memory_space<vmem>> -> memref<128x128xf32, #tpu.memory_space<vmem>>
          %dma_wait3A_291 = arith.constant 0 : i32
          %dma_wait3A_292 = tpu.memref_slice %arg8[%run_scoped3A_275, %dma_wait3A_291] : memref<3x128xi32, #tpu.memory_space<vmem>> -> memref<1x128xi32, #tpu.memory_space<vmem>>
          %dma_wait3A_293 = tpu.memref_squeeze %dma_wait3A_292 : memref<1x128xi32, #tpu.memory_space<vmem>> -> memref<128xi32, #tpu.memory_space<vmem>>
          %dma_wait3A_294 = arith.constant 0 : i32
          %dma_wait3A_295 = arith.constant 0 : i32
          %dma_wait3A_296 = tpu.memref_slice %arg10[%dma_wait3A_294, %dma_wait3A_295] : memref<10112x128xf32, #tpu.memory_space<vmem_shared>> -> memref<10112x128xf32, #tpu.memory_space<vmem_shared>>
          tpu.wait_indirect_dma semaphore(%run_scoped3A_276 : memref<!tpu.dma_semaphore, #tpu.memory_space<semaphore_mem>>) src(%dma_wait3A_290 : memref<128x128xf32, #tpu.memory_space<vmem>>) dst(%dma_wait3A_296 : memref<10112x128xf32, #tpu.memory_space<vmem_shared>>)
          tpu.yield
        }) : () -> ()
      } else {
      }
      %add3A_149 = arith.constant 3 : i32
      %add3A_150 = arith.addi %add3A_129, %add3A_149 : i32
      %lt3A_151 = arith.constant 159 : i32
      %lt3A_152 = arith.cmpi slt, %add3A_150, %lt3A_151 : i32
      %mul3A_153 = arith.constant 159 : i32
      %mul3A_154 = arith.muli %add3A, %mul3A_153 : i32
      %add3A_155 = arith.addi %mul3A_154, %add3A_129 : i32
      %add3A_156 = arith.constant 3 : i32
      %add3A_157 = arith.addi %add3A_155, %add3A_156 : i32
      %lt3A_158 = arith.constant 5000 : i32
      %lt3A_159 = arith.cmpi slt, %add3A_157, %lt3A_158 : i32
      %and3A_160 = arith.andi %lt3A_152, %lt3A_159 : i1
      %convert_element_type3A_161 = arith.extui %and3A_160 : i1 to i32
      %cond3A_162 = arith.constant 0 : i32
      %cond3A_163 = arith.cmpi ne, %convert_element_type3A_161, %cond3A_162 : i32
      scf.if %cond3A_163 {
        %add3A_249 = arith.constant 3 : i32
        %add3A_250 = arith.addi %add3A_129, %add3A_249 : i32
        %dma_start3A_251 = arith.constant 0 : i32
        %dma_start3A_252 = arith.constant 0 : i32
        %dma_start3A_253 = tpu.memref_slice %arg7[%dma_start3A_251, %dma_start3A_252] : memref<3x128xi32, #tpu.memory_space<vmem>> -> memref<1x128xi32, #tpu.memory_space<vmem>>
        %dma_start3A_254 = tpu.memref_squeeze %dma_start3A_253 : memref<1x128xi32, #tpu.memory_space<vmem>> -> memref<128xi32, #tpu.memory_space<vmem>>
        %dma_start3A_255 = arith.constant 0 : i32
        %dma_start3A_256 = tpu.memref_slice %arg3[%add3A, %add3A_250, %dma_start3A_255] : memref<32x159x128xi32, #tpu.memory_space<hbm>> -> memref<1x1x128xi32, #tpu.memory_space<hbm>>
        %dma_start3A_257 = tpu.memref_squeeze %dma_start3A_256 : memref<1x1x128xi32, #tpu.memory_space<hbm>> -> memref<128xi32, #tpu.memory_space<hbm>>
        %dma_start3A_258 = arith.constant 0 : i32
        %dma_start3A_259 = tpu.memref_slice %arg7[%dma_start3A_251, %dma_start3A_258] : memref<3x128xi32, #tpu.memory_space<vmem>> -> memref<1x128xi32, #tpu.memory_space<vmem>>
        %dma_start3A_260 = tpu.memref_squeeze %dma_start3A_259 : memref<1x128xi32, #tpu.memory_space<vmem>> -> memref<128xi32, #tpu.memory_space<vmem>>
        %dma_start3A_261 = arith.constant 0 : i32
        %dma_start3A_262 = tpu.memref_slice %arg3[%add3A, %add3A_250, %dma_start3A_261] : memref<32x159x128xi32, #tpu.memory_space<hbm>> -> memref<1x1x128xi32, #tpu.memory_space<hbm>>
        %dma_start3A_263 = tpu.memref_squeeze %dma_start3A_262 : memref<1x1x128xi32, #tpu.memory_space<hbm>> -> memref<128xi32, #tpu.memory_space<hbm>>
        tpu.enqueue_dma source(%dma_start3A_263 : memref<128xi32, #tpu.memory_space<hbm>>) target(%dma_start3A_260 : memref<128xi32, #tpu.memory_space<vmem>>) target_semaphore(%arg11 : memref<!tpu.dma_semaphore, #tpu.memory_space<semaphore_mem>>)
        %add3A_264 = arith.constant 3 : i32
        %add3A_265 = arith.addi %add3A_129, %add3A_264 : i32
        %dma_start3A_266 = arith.constant 0 : i32
        %dma_start3A_267 = arith.constant 0 : i32
        %dma_start3A_268 = tpu.memref_slice %arg8[%dma_start3A_266, %dma_start3A_267] : memref<3x128xi32, #tpu.memory_space<vmem>> -> memref<1x128xi32, #tpu.memory_space<vmem>>
        %dma_start3A_269 = tpu.memref_squeeze %dma_start3A_268 : memref<1x128xi32, #tpu.memory_space<vmem>> -> memref<128xi32, #tpu.memory_space<vmem>>
        %dma_start3A_270 = arith.constant 0 : i32
        %dma_start3A_271 = tpu.memref_slice %arg4[%add3A, %add3A_265, %dma_start3A_270] : memref<32x159x128xi32, #tpu.memory_space<hbm>> -> memref<1x1x128xi32, #tpu.memory_space<hbm>>
        %dma_start3A_272 = tpu.memref_squeeze %dma_start3A_271 : memref<1x1x128xi32, #tpu.memory_space<hbm>> -> memref<128xi32, #tpu.memory_space<hbm>>
        %dma_start3A_273 = arith.constant 0 : i32
        %dma_start3A_274 = tpu.memref_slice %arg8[%dma_start3A_266, %dma_start3A_273] : memref<3x128xi32, #tpu.memory_space<vmem>> -> memref<1x128xi32, #tpu.memory_space<vmem>>
        %dma_start3A_275 = tpu.memref_squeeze %dma_start3A_274 : memref<1x128xi32, #tpu.memory_space<vmem>> -> memref<128xi32, #tpu.memory_space<vmem>>
        %dma_start3A_276 = arith.constant 0 : i32
        %dma_start3A_277 = tpu.memref_slice %arg4[%add3A, %add3A_265, %dma_start3A_276] : memref<32x159x128xi32, #tpu.memory_space<hbm>> -> memref<1x1x128xi32, #tpu.memory_space<hbm>>
        %dma_start3A_278 = tpu.memref_squeeze %dma_start3A_277 : memref<1x1x128xi32, #tpu.memory_space<hbm>> -> memref<128xi32, #tpu.memory_space<hbm>>
        tpu.enqueue_dma source(%dma_start3A_278 : memref<128xi32, #tpu.memory_space<hbm>>) target(%dma_start3A_275 : memref<128xi32, #tpu.memory_space<vmem>>) target_semaphore(%arg14 : memref<!tpu.dma_semaphore, #tpu.memory_space<semaphore_mem>>)
      } else {
      }
      %mul3A_164 = arith.constant 3 : i32
      %mul3A_165 = arith.muli %scan3A_124, %mul3A_164 : i32
      %add3A_166 = arith.constant 1 : i32
      %add3A_167 = arith.addi %mul3A_165, %add3A_166 : i32
      %add3A_168 = arith.constant 1 : i32
      %add3A_169 = arith.addi %add3A_167, %add3A_168 : i32
      %lt3A_170 = arith.constant 159 : i32
      %lt3A_171 = arith.cmpi slt, %add3A_169, %lt3A_170 : i32
      %mul3A_172 = arith.constant 159 : i32
      %mul3A_173 = arith.muli %add3A, %mul3A_172 : i32
      %add3A_174 = arith.addi %mul3A_173, %add3A_167 : i32
      %add3A_175 = arith.constant 1 : i32
      %add3A_176 = arith.addi %add3A_174, %add3A_175 : i32
      %lt3A_177 = arith.constant 5000 : i32
      %lt3A_178 = arith.cmpi slt, %add3A_176, %lt3A_177 : i32
      %and3A_179 = arith.andi %lt3A_171, %lt3A_178 : i1
      %convert_element_type3A_180 = arith.extui %and3A_179 : i1 to i32
      %cond3A_181 = arith.constant 0 : i32
      %cond3A_182 = arith.cmpi ne, %convert_element_type3A_180, %cond3A_181 : i32
      scf.if %cond3A_182 {
        %dma_wait3A_249 = arith.constant 0 : i32
        %dma_wait3A_250 = arith.constant 2 : i32
        %dma_wait3A_251 = arith.constant 0 : i32
        %dma_wait3A_252 = tpu.memref_slice %arg7[%dma_wait3A_250, %dma_wait3A_251] : memref<3x128xi32, #tpu.memory_space<vmem>> -> memref<1x128xi32, #tpu.memory_space<vmem>>
        %dma_wait3A_253 = tpu.memref_squeeze %dma_wait3A_252 : memref<1x128xi32, #tpu.memory_space<vmem>> -> memref<128xi32, #tpu.memory_space<vmem>>
        %dma_wait3A_254 = arith.constant 0 : i32
        %dma_wait3A_255 = tpu.memref_slice %arg3[%add3A, %dma_wait3A_249, %dma_wait3A_254] : memref<32x159x128xi32, #tpu.memory_space<hbm>> -> memref<1x1x128xi32, #tpu.memory_space<hbm>>
        %dma_wait3A_256 = tpu.memref_squeeze %dma_wait3A_255 : memref<1x1x128xi32, #tpu.memory_space<hbm>> -> memref<128xi32, #tpu.memory_space<hbm>>
        %dma_wait3A_257 = arith.constant 0 : i32
        %dma_wait3A_258 = tpu.memref_slice %arg7[%dma_wait3A_250, %dma_wait3A_257] : memref<3x128xi32, #tpu.memory_space<vmem>> -> memref<1x128xi32, #tpu.memory_space<vmem>>
        %dma_wait3A_259 = tpu.memref_squeeze %dma_wait3A_258 : memref<1x128xi32, #tpu.memory_space<vmem>> -> memref<128xi32, #tpu.memory_space<vmem>>
        %dma_wait3A_260 = arith.constant 0 : i32
        %dma_wait3A_261 = tpu.memref_slice %arg3[%add3A, %dma_wait3A_249, %dma_wait3A_260] : memref<32x159x128xi32, #tpu.memory_space<hbm>> -> memref<1x1x128xi32, #tpu.memory_space<hbm>>
        %dma_wait3A_262 = tpu.memref_squeeze %dma_wait3A_261 : memref<1x1x128xi32, #tpu.memory_space<hbm>> -> memref<128xi32, #tpu.memory_space<hbm>>
        tpu.wait_dma2 semaphore(%arg13 : memref<!tpu.dma_semaphore, #tpu.memory_space<semaphore_mem>>) src(%dma_wait3A_262 : memref<128xi32, #tpu.memory_space<hbm>>) dst(%dma_wait3A_259 : memref<128xi32, #tpu.memory_space<vmem>>)
        %dma_start3A_263 = arith.constant 2 : i32
        %dma_start3A_264 = arith.constant 2 : i32
        %dma_start3A_265 = arith.constant 0 : i32
        %dma_start3A_266 = arith.constant 0 : i32
        %dma_start3A_267 = tpu.memref_slice %arg9[%dma_start3A_264, %dma_start3A_265, %dma_start3A_266] : memref<3x128x128xf32, #tpu.memory_space<vmem>> -> memref<1x128x128xf32, #tpu.memory_space<vmem>>
        %dma_start3A_268 = tpu.memref_squeeze %dma_start3A_267 : memref<1x128x128xf32, #tpu.memory_space<vmem>> -> memref<128x128xf32, #tpu.memory_space<vmem>>
        %dma_start3A_269 = arith.constant 0 : i32
        %dma_start3A_270 = tpu.memref_slice %arg7[%dma_start3A_263, %dma_start3A_269] : memref<3x128xi32, #tpu.memory_space<vmem>> -> memref<1x128xi32, #tpu.memory_space<vmem>>
        %dma_start3A_271 = tpu.memref_squeeze %dma_start3A_270 : memref<1x128xi32, #tpu.memory_space<vmem>> -> memref<128xi32, #tpu.memory_space<vmem>>
        %dma_start3A_272 = arith.constant 0 : i32
        %dma_start3A_273 = arith.constant 0 : i32
        %dma_start3A_274 = tpu.memref_slice %arg2[%dma_start3A_272, %dma_start3A_273] : memref<10000x128xf32, #tpu.memory_space<hbm>> -> memref<10000x128xf32, #tpu.memory_space<hbm>>
        tpu.enqueue_indirect_dma source(%dma_start3A_274 : memref<10000x128xf32, #tpu.memory_space<hbm>>) target(%dma_start3A_268 : memref<128x128xf32, #tpu.memory_space<vmem>>) offsets(%dma_start3A_271 : memref<128xi32, #tpu.memory_space<vmem>>) semaphore(%arg19 : memref<!tpu.dma_semaphore, #tpu.memory_space<semaphore_mem>>)
      } else {
      }
      %mul3A_183 = arith.constant 159 : i32
      %mul3A_184 = arith.muli %add3A, %mul3A_183 : i32
      %add3A_185 = arith.addi %mul3A_184, %add3A_167 : i32
      %lt3A_186 = arith.constant 5000 : i32
      %lt3A_187 = arith.cmpi slt, %add3A_185, %lt3A_186 : i32
      %convert_element_type3A_188 = arith.extui %lt3A_187 : i1 to i32
      %cond3A_189 = arith.constant 0 : i32
      %cond3A_190 = arith.cmpi ne, %convert_element_type3A_188, %cond3A_189 : i32
      scf.if %cond3A_190 {
        %dma_wait3A_249 = arith.constant 1 : i32
        %dma_wait3A_250 = arith.constant 1 : i32
        %dma_wait3A_251 = arith.constant 0 : i32
        %dma_wait3A_252 = arith.constant 0 : i32
        %dma_wait3A_253 = tpu.memref_slice %arg9[%dma_wait3A_250, %dma_wait3A_251, %dma_wait3A_252] : memref<3x128x128xf32, #tpu.memory_space<vmem>> -> memref<1x128x128xf32, #tpu.memory_space<vmem>>
        %dma_wait3A_254 = tpu.memref_squeeze %dma_wait3A_253 : memref<1x128x128xf32, #tpu.memory_space<vmem>> -> memref<128x128xf32, #tpu.memory_space<vmem>>
        %dma_wait3A_255 = arith.constant 0 : i32
        %dma_wait3A_256 = tpu.memref_slice %arg7[%dma_wait3A_249, %dma_wait3A_255] : memref<3x128xi32, #tpu.memory_space<vmem>> -> memref<1x128xi32, #tpu.memory_space<vmem>>
        %dma_wait3A_257 = tpu.memref_squeeze %dma_wait3A_256 : memref<1x128xi32, #tpu.memory_space<vmem>> -> memref<128xi32, #tpu.memory_space<vmem>>
        %dma_wait3A_258 = arith.constant 0 : i32
        %dma_wait3A_259 = arith.constant 0 : i32
        %dma_wait3A_260 = tpu.memref_slice %arg2[%dma_wait3A_258, %dma_wait3A_259] : memref<10000x128xf32, #tpu.memory_space<hbm>> -> memref<10000x128xf32, #tpu.memory_space<hbm>>
        tpu.wait_indirect_dma semaphore(%arg18 : memref<!tpu.dma_semaphore, #tpu.memory_space<semaphore_mem>>) src(%dma_wait3A_260 : memref<10000x128xf32, #tpu.memory_space<hbm>>) dst(%dma_wait3A_254 : memref<128x128xf32, #tpu.memory_space<vmem>>)
        %dma_wait3A_261 = arith.constant 0 : i32
        %dma_wait3A_262 = arith.constant 1 : i32
        %dma_wait3A_263 = arith.constant 0 : i32
        %dma_wait3A_264 = tpu.memref_slice %arg8[%dma_wait3A_262, %dma_wait3A_263] : memref<3x128xi32, #tpu.memory_space<vmem>> -> memref<1x128xi32, #tpu.memory_space<vmem>>
        %dma_wait3A_265 = tpu.memref_squeeze %dma_wait3A_264 : memref<1x128xi32, #tpu.memory_space<vmem>> -> memref<128xi32, #tpu.memory_space<vmem>>
        %dma_wait3A_266 = arith.constant 0 : i32
        %dma_wait3A_267 = tpu.memref_slice %arg4[%add3A, %dma_wait3A_261, %dma_wait3A_266] : memref<32x159x128xi32, #tpu.memory_space<hbm>> -> memref<1x1x128xi32, #tpu.memory_space<hbm>>
        %dma_wait3A_268 = tpu.memref_squeeze %dma_wait3A_267 : memref<1x1x128xi32, #tpu.memory_space<hbm>> -> memref<128xi32, #tpu.memory_space<hbm>>
        %dma_wait3A_269 = arith.constant 0 : i32
        %dma_wait3A_270 = tpu.memref_slice %arg8[%dma_wait3A_262, %dma_wait3A_269] : memref<3x128xi32, #tpu.memory_space<vmem>> -> memref<1x128xi32, #tpu.memory_space<vmem>>
        %dma_wait3A_271 = tpu.memref_squeeze %dma_wait3A_270 : memref<1x128xi32, #tpu.memory_space<vmem>> -> memref<128xi32, #tpu.memory_space<vmem>>
        %dma_wait3A_272 = arith.constant 0 : i32
        %dma_wait3A_273 = tpu.memref_slice %arg4[%add3A, %dma_wait3A_261, %dma_wait3A_272] : memref<32x159x128xi32, #tpu.memory_space<hbm>> -> memref<1x1x128xi32, #tpu.memory_space<hbm>>
        %dma_wait3A_274 = tpu.memref_squeeze %dma_wait3A_273 : memref<1x1x128xi32, #tpu.memory_space<hbm>> -> memref<128xi32, #tpu.memory_space<hbm>>
        tpu.wait_dma2 semaphore(%arg15 : memref<!tpu.dma_semaphore, #tpu.memory_space<semaphore_mem>>) src(%dma_wait3A_274 : memref<128xi32, #tpu.memory_space<hbm>>) dst(%dma_wait3A_271 : memref<128xi32, #tpu.memory_space<vmem>>)
        %run_scoped3A = arith.constant 1 : i32
        %run_scoped3A_275 = arith.constant 1 : i32
        "tpu.region"() ({
          %run_scoped3A_276 = tpu.sem_alloc : memref<!tpu.dma_semaphore, #tpu.memory_space<semaphore_mem>>
          %dma_start3A_277 = arith.constant 0 : i32
          %dma_start3A_278 = arith.constant 0 : i32
          %dma_start3A_279 = tpu.memref_slice %arg9[%run_scoped3A, %dma_start3A_277, %dma_start3A_278] : memref<3x128x128xf32, #tpu.memory_space<vmem>> -> memref<1x128x128xf32, #tpu.memory_space<vmem>>
          %dma_start3A_280 = tpu.memref_squeeze %dma_start3A_279 : memref<1x128x128xf32, #tpu.memory_space<vmem>> -> memref<128x128xf32, #tpu.memory_space<vmem>>
          %dma_start3A_281 = arith.constant 0 : i32
          %dma_start3A_282 = tpu.memref_slice %arg8[%run_scoped3A_275, %dma_start3A_281] : memref<3x128xi32, #tpu.memory_space<vmem>> -> memref<1x128xi32, #tpu.memory_space<vmem>>
          %dma_start3A_283 = tpu.memref_squeeze %dma_start3A_282 : memref<1x128xi32, #tpu.memory_space<vmem>> -> memref<128xi32, #tpu.memory_space<vmem>>
          %dma_start3A_284 = arith.constant 0 : i32
          %dma_start3A_285 = arith.constant 0 : i32
          %dma_start3A_286 = tpu.memref_slice %arg10[%dma_start3A_284, %dma_start3A_285] : memref<10112x128xf32, #tpu.memory_space<vmem_shared>> -> memref<10112x128xf32, #tpu.memory_space<vmem_shared>>
          tpu.enqueue_indirect_dma source(%dma_start3A_280 : memref<128x128xf32, #tpu.memory_space<vmem>>) target(%dma_start3A_286 : memref<10112x128xf32, #tpu.memory_space<vmem_shared>>) offsets(%dma_start3A_283 : memref<128xi32, #tpu.memory_space<vmem>>) semaphore(%run_scoped3A_276 : memref<!tpu.dma_semaphore, #tpu.memory_space<semaphore_mem>>) {add = true}
          %dma_wait3A_287 = arith.constant 0 : i32
          %dma_wait3A_288 = arith.constant 0 : i32
          %dma_wait3A_289 = tpu.memref_slice %arg9[%run_scoped3A, %dma_wait3A_287, %dma_wait3A_288] : memref<3x128x128xf32, #tpu.memory_space<vmem>> -> memref<1x128x128xf32, #tpu.memory_space<vmem>>
          %dma_wait3A_290 = tpu.memref_squeeze %dma_wait3A_289 : memref<1x128x128xf32, #tpu.memory_space<vmem>> -> memref<128x128xf32, #tpu.memory_space<vmem>>
          %dma_wait3A_291 = arith.constant 0 : i32
          %dma_wait3A_292 = tpu.memref_slice %arg8[%run_scoped3A_275, %dma_wait3A_291] : memref<3x128xi32, #tpu.memory_space<vmem>> -> memref<1x128xi32, #tpu.memory_space<vmem>>
          %dma_wait3A_293 = tpu.memref_squeeze %dma_wait3A_292 : memref<1x128xi32, #tpu.memory_space<vmem>> -> memref<128xi32, #tpu.memory_space<vmem>>
          %dma_wait3A_294 = arith.constant 0 : i32
          %dma_wait3A_295 = arith.constant 0 : i32
          %dma_wait3A_296 = tpu.memref_slice %arg10[%dma_wait3A_294, %dma_wait3A_295] : memref<10112x128xf32, #tpu.memory_space<vmem_shared>> -> memref<10112x128xf32, #tpu.memory_space<vmem_shared>>
          tpu.wait_indirect_dma semaphore(%run_scoped3A_276 : memref<!tpu.dma_semaphore, #tpu.memory_space<semaphore_mem>>) src(%dma_wait3A_290 : memref<128x128xf32, #tpu.memory_space<vmem>>) dst(%dma_wait3A_296 : memref<10112x128xf32, #tpu.memory_space<vmem_shared>>)
          tpu.yield
        }) : () -> ()
      } else {
      }
      %add3A_191 = arith.constant 3 : i32
      %add3A_192 = arith.addi %add3A_167, %add3A_191 : i32
      %lt3A_193 = arith.constant 159 : i32
      %lt3A_194 = arith.cmpi slt, %add3A_192, %lt3A_193 : i32
      %mul3A_195 = arith.constant 159 : i32
      %mul3A_196 = arith.muli %add3A, %mul3A_195 : i32
      %add3A_197 = arith.addi %mul3A_196, %add3A_167 : i32
      %add3A_198 = arith.constant 3 : i32
      %add3A_199 = arith.addi %add3A_197, %add3A_198 : i32
      %lt3A_200 = arith.constant 5000 : i32
      %lt3A_201 = arith.cmpi slt, %add3A_199, %lt3A_200 : i32
      %and3A_202 = arith.andi %lt3A_194, %lt3A_201 : i1
      %convert_element_type3A_203 = arith.extui %and3A_202 : i1 to i32
      %cond3A_204 = arith.constant 0 : i32
      %cond3A_205 = arith.cmpi ne, %convert_element_type3A_203, %cond3A_204 : i32
      scf.if %cond3A_205 {
        %add3A_249 = arith.constant 3 : i32
        %add3A_250 = arith.addi %add3A_167, %add3A_249 : i32
        %dma_start3A_251 = arith.constant 1 : i32
        %dma_start3A_252 = arith.constant 0 : i32
        %dma_start3A_253 = tpu.memref_slice %arg7[%dma_start3A_251, %dma_start3A_252] : memref<3x128xi32, #tpu.memory_space<vmem>> -> memref<1x128xi32, #tpu.memory_space<vmem>>
        %dma_start3A_254 = tpu.memref_squeeze %dma_start3A_253 : memref<1x128xi32, #tpu.memory_space<vmem>> -> memref<128xi32, #tpu.memory_space<vmem>>
        %dma_start3A_255 = arith.constant 0 : i32
        %dma_start3A_256 = tpu.memref_slice %arg3[%add3A, %add3A_250, %dma_start3A_255] : memref<32x159x128xi32, #tpu.memory_space<hbm>> -> memref<1x1x128xi32, #tpu.memory_space<hbm>>
        %dma_start3A_257 = tpu.memref_squeeze %dma_start3A_256 : memref<1x1x128xi32, #tpu.memory_space<hbm>> -> memref<128xi32, #tpu.memory_space<hbm>>
        %dma_start3A_258 = arith.constant 0 : i32
        %dma_start3A_259 = tpu.memref_slice %arg7[%dma_start3A_251, %dma_start3A_258] : memref<3x128xi32, #tpu.memory_space<vmem>> -> memref<1x128xi32, #tpu.memory_space<vmem>>
        %dma_start3A_260 = tpu.memref_squeeze %dma_start3A_259 : memref<1x128xi32, #tpu.memory_space<vmem>> -> memref<128xi32, #tpu.memory_space<vmem>>
        %dma_start3A_261 = arith.constant 0 : i32
        %dma_start3A_262 = tpu.memref_slice %arg3[%add3A, %add3A_250, %dma_start3A_261] : memref<32x159x128xi32, #tpu.memory_space<hbm>> -> memref<1x1x128xi32, #tpu.memory_space<hbm>>
        %dma_start3A_263 = tpu.memref_squeeze %dma_start3A_262 : memref<1x1x128xi32, #tpu.memory_space<hbm>> -> memref<128xi32, #tpu.memory_space<hbm>>
        tpu.enqueue_dma source(%dma_start3A_263 : memref<128xi32, #tpu.memory_space<hbm>>) target(%dma_start3A_260 : memref<128xi32, #tpu.memory_space<vmem>>) target_semaphore(%arg12 : memref<!tpu.dma_semaphore, #tpu.memory_space<semaphore_mem>>)
        %add3A_264 = arith.constant 3 : i32
        %add3A_265 = arith.addi %add3A_167, %add3A_264 : i32
        %dma_start3A_266 = arith.constant 1 : i32
        %dma_start3A_267 = arith.constant 0 : i32
        %dma_start3A_268 = tpu.memref_slice %arg8[%dma_start3A_266, %dma_start3A_267] : memref<3x128xi32, #tpu.memory_space<vmem>> -> memref<1x128xi32, #tpu.memory_space<vmem>>
        %dma_start3A_269 = tpu.memref_squeeze %dma_start3A_268 : memref<1x128xi32, #tpu.memory_space<vmem>> -> memref<128xi32, #tpu.memory_space<vmem>>
        %dma_start3A_270 = arith.constant 0 : i32
        %dma_start3A_271 = tpu.memref_slice %arg4[%add3A, %add3A_265, %dma_start3A_270] : memref<32x159x128xi32, #tpu.memory_space<hbm>> -> memref<1x1x128xi32, #tpu.memory_space<hbm>>
        %dma_start3A_272 = tpu.memref_squeeze %dma_start3A_271 : memref<1x1x128xi32, #tpu.memory_space<hbm>> -> memref<128xi32, #tpu.memory_space<hbm>>
        %dma_start3A_273 = arith.constant 0 : i32
        %dma_start3A_274 = tpu.memref_slice %arg8[%dma_start3A_266, %dma_start3A_273] : memref<3x128xi32, #tpu.memory_space<vmem>> -> memref<1x128xi32, #tpu.memory_space<vmem>>
        %dma_start3A_275 = tpu.memref_squeeze %dma_start3A_274 : memref<1x128xi32, #tpu.memory_space<vmem>> -> memref<128xi32, #tpu.memory_space<vmem>>
        %dma_start3A_276 = arith.constant 0 : i32
        %dma_start3A_277 = tpu.memref_slice %arg4[%add3A, %add3A_265, %dma_start3A_276] : memref<32x159x128xi32, #tpu.memory_space<hbm>> -> memref<1x1x128xi32, #tpu.memory_space<hbm>>
        %dma_start3A_278 = tpu.memref_squeeze %dma_start3A_277 : memref<1x1x128xi32, #tpu.memory_space<hbm>> -> memref<128xi32, #tpu.memory_space<hbm>>
        tpu.enqueue_dma source(%dma_start3A_278 : memref<128xi32, #tpu.memory_space<hbm>>) target(%dma_start3A_275 : memref<128xi32, #tpu.memory_space<vmem>>) target_semaphore(%arg15 : memref<!tpu.dma_semaphore, #tpu.memory_space<semaphore_mem>>)
      } else {
      }
      %mul3A_206 = arith.constant 3 : i32
      %mul3A_207 = arith.muli %scan3A_124, %mul3A_206 : i32
      %add3A_208 = arith.constant 2 : i32
      %add3A_209 = arith.addi %mul3A_207, %add3A_208 : i32
      %add3A_210 = arith.constant 1 : i32
      %add3A_211 = arith.addi %add3A_209, %add3A_210 : i32
      %lt3A_212 = arith.constant 159 : i32
      %lt3A_213 = arith.cmpi slt, %add3A_211, %lt3A_212 : i32
      %mul3A_214 = arith.constant 159 : i32
      %mul3A_215 = arith.muli %add3A, %mul3A_214 : i32
      %add3A_216 = arith.addi %mul3A_215, %add3A_209 : i32
      %add3A_217 = arith.constant 1 : i32
      %add3A_218 = arith.addi %add3A_216, %add3A_217 : i32
      %lt3A_219 = arith.constant 5000 : i32
      %lt3A_220 = arith.cmpi slt, %add3A_218, %lt3A_219 : i32
      %and3A_221 = arith.andi %lt3A_213, %lt3A_220 : i1
      %convert_element_type3A_222 = arith.extui %and3A_221 : i1 to i32
      %cond3A_223 = arith.constant 0 : i32
      %cond3A_224 = arith.cmpi ne, %convert_element_type3A_222, %cond3A_223 : i32
      scf.if %cond3A_224 {
        %dma_wait3A_249 = arith.constant 0 : i32
        %dma_wait3A_250 = arith.constant 0 : i32
        %dma_wait3A_251 = arith.constant 0 : i32
        %dma_wait3A_252 = tpu.memref_slice %arg7[%dma_wait3A_250, %dma_wait3A_251] : memref<3x128xi32, #tpu.memory_space<vmem>> -> memref<1x128xi32, #tpu.memory_space<vmem>>
        %dma_wait3A_253 = tpu.memref_squeeze %dma_wait3A_252 : memref<1x128xi32, #tpu.memory_space<vmem>> -> memref<128xi32, #tpu.memory_space<vmem>>
        %dma_wait3A_254 = arith.constant 0 : i32
        %dma_wait3A_255 = tpu.memref_slice %arg3[%add3A, %dma_wait3A_249, %dma_wait3A_254] : memref<32x159x128xi32, #tpu.memory_space<hbm>> -> memref<1x1x128xi32, #tpu.memory_space<hbm>>
        %dma_wait3A_256 = tpu.memref_squeeze %dma_wait3A_255 : memref<1x1x128xi32, #tpu.memory_space<hbm>> -> memref<128xi32, #tpu.memory_space<hbm>>
        %dma_wait3A_257 = arith.constant 0 : i32
        %dma_wait3A_258 = tpu.memref_slice %arg7[%dma_wait3A_250, %dma_wait3A_257] : memref<3x128xi32, #tpu.memory_space<vmem>> -> memref<1x128xi32, #tpu.memory_space<vmem>>
        %dma_wait3A_259 = tpu.memref_squeeze %dma_wait3A_258 : memref<1x128xi32, #tpu.memory_space<vmem>> -> memref<128xi32, #tpu.memory_space<vmem>>
        %dma_wait3A_260 = arith.constant 0 : i32
        %dma_wait3A_261 = tpu.memref_slice %arg3[%add3A, %dma_wait3A_249, %dma_wait3A_260] : memref<32x159x128xi32, #tpu.memory_space<hbm>> -> memref<1x1x128xi32, #tpu.memory_space<hbm>>
        %dma_wait3A_262 = tpu.memref_squeeze %dma_wait3A_261 : memref<1x1x128xi32, #tpu.memory_space<hbm>> -> memref<128xi32, #tpu.memory_space<hbm>>
        tpu.wait_dma2 semaphore(%arg11 : memref<!tpu.dma_semaphore, #tpu.memory_space<semaphore_mem>>) src(%dma_wait3A_262 : memref<128xi32, #tpu.memory_space<hbm>>) dst(%dma_wait3A_259 : memref<128xi32, #tpu.memory_space<vmem>>)
        %dma_start3A_263 = arith.constant 0 : i32
        %dma_start3A_264 = arith.constant 0 : i32
        %dma_start3A_265 = arith.constant 0 : i32
        %dma_start3A_266 = arith.constant 0 : i32
        %dma_start3A_267 = tpu.memref_slice %arg9[%dma_start3A_264, %dma_start3A_265, %dma_start3A_266] : memref<3x128x128xf32, #tpu.memory_space<vmem>> -> memref<1x128x128xf32, #tpu.memory_space<vmem>>
        %dma_start3A_268 = tpu.memref_squeeze %dma_start3A_267 : memref<1x128x128xf32, #tpu.memory_space<vmem>> -> memref<128x128xf32, #tpu.memory_space<vmem>>
        %dma_start3A_269 = arith.constant 0 : i32
        %dma_start3A_270 = tpu.memref_slice %arg7[%dma_start3A_263, %dma_start3A_269] : memref<3x128xi32, #tpu.memory_space<vmem>> -> memref<1x128xi32, #tpu.memory_space<vmem>>
        %dma_start3A_271 = tpu.memref_squeeze %dma_start3A_270 : memref<1x128xi32, #tpu.memory_space<vmem>> -> memref<128xi32, #tpu.memory_space<vmem>>
        %dma_start3A_272 = arith.constant 0 : i32
        %dma_start3A_273 = arith.constant 0 : i32
        %dma_start3A_274 = tpu.memref_slice %arg2[%dma_start3A_272, %dma_start3A_273] : memref<10000x128xf32, #tpu.memory_space<hbm>> -> memref<10000x128xf32, #tpu.memory_space<hbm>>
        tpu.enqueue_indirect_dma source(%dma_start3A_274 : memref<10000x128xf32, #tpu.memory_space<hbm>>) target(%dma_start3A_268 : memref<128x128xf32, #tpu.memory_space<vmem>>) offsets(%dma_start3A_271 : memref<128xi32, #tpu.memory_space<vmem>>) semaphore(%arg17 : memref<!tpu.dma_semaphore, #tpu.memory_space<semaphore_mem>>)
      } else {
      }
      %mul3A_225 = arith.constant 159 : i32
      %mul3A_226 = arith.muli %add3A, %mul3A_225 : i32
      %add3A_227 = arith.addi %mul3A_226, %add3A_209 : i32
      %lt3A_228 = arith.constant 5000 : i32
      %lt3A_229 = arith.cmpi slt, %add3A_227, %lt3A_228 : i32
      %convert_element_type3A_230 = arith.extui %lt3A_229 : i1 to i32
      %cond3A_231 = arith.constant 0 : i32
      %cond3A_232 = arith.cmpi ne, %convert_element_type3A_230, %cond3A_231 : i32
      scf.if %cond3A_232 {
        %dma_wait3A_249 = arith.constant 2 : i32
        %dma_wait3A_250 = arith.constant 2 : i32
        %dma_wait3A_251 = arith.constant 0 : i32
        %dma_wait3A_252 = arith.constant 0 : i32
        %dma_wait3A_253 = tpu.memref_slice %arg9[%dma_wait3A_250, %dma_wait3A_251, %dma_wait3A_252] : memref<3x128x128xf32, #tpu.memory_space<vmem>> -> memref<1x128x128xf32, #tpu.memory_space<vmem>>
        %dma_wait3A_254 = tpu.memref_squeeze %dma_wait3A_253 : memref<1x128x128xf32, #tpu.memory_space<vmem>> -> memref<128x128xf32, #tpu.memory_space<vmem>>
        %dma_wait3A_255 = arith.constant 0 : i32
        %dma_wait3A_256 = tpu.memref_slice %arg7[%dma_wait3A_249, %dma_wait3A_255] : memref<3x128xi32, #tpu.memory_space<vmem>> -> memref<1x128xi32, #tpu.memory_space<vmem>>
        %dma_wait3A_257 = tpu.memref_squeeze %dma_wait3A_256 : memref<1x128xi32, #tpu.memory_space<vmem>> -> memref<128xi32, #tpu.memory_space<vmem>>
        %dma_wait3A_258 = arith.constant 0 : i32
        %dma_wait3A_259 = arith.constant 0 : i32
        %dma_wait3A_260 = tpu.memref_slice %arg2[%dma_wait3A_258, %dma_wait3A_259] : memref<10000x128xf32, #tpu.memory_space<hbm>> -> memref<10000x128xf32, #tpu.memory_space<hbm>>
        tpu.wait_indirect_dma semaphore(%arg19 : memref<!tpu.dma_semaphore, #tpu.memory_space<semaphore_mem>>) src(%dma_wait3A_260 : memref<10000x128xf32, #tpu.memory_space<hbm>>) dst(%dma_wait3A_254 : memref<128x128xf32, #tpu.memory_space<vmem>>)
        %dma_wait3A_261 = arith.constant 0 : i32
        %dma_wait3A_262 = arith.constant 2 : i32
        %dma_wait3A_263 = arith.constant 0 : i32
        %dma_wait3A_264 = tpu.memref_slice %arg8[%dma_wait3A_262, %dma_wait3A_263] : memref<3x128xi32, #tpu.memory_space<vmem>> -> memref<1x128xi32, #tpu.memory_space<vmem>>
        %dma_wait3A_265 = tpu.memref_squeeze %dma_wait3A_264 : memref<1x128xi32, #tpu.memory_space<vmem>> -> memref<128xi32, #tpu.memory_space<vmem>>
        %dma_wait3A_266 = arith.constant 0 : i32
        %dma_wait3A_267 = tpu.memref_slice %arg4[%add3A, %dma_wait3A_261, %dma_wait3A_266] : memref<32x159x128xi32, #tpu.memory_space<hbm>> -> memref<1x1x128xi32, #tpu.memory_space<hbm>>
        %dma_wait3A_268 = tpu.memref_squeeze %dma_wait3A_267 : memref<1x1x128xi32, #tpu.memory_space<hbm>> -> memref<128xi32, #tpu.memory_space<hbm>>
        %dma_wait3A_269 = arith.constant 0 : i32
        %dma_wait3A_270 = tpu.memref_slice %arg8[%dma_wait3A_262, %dma_wait3A_269] : memref<3x128xi32, #tpu.memory_space<vmem>> -> memref<1x128xi32, #tpu.memory_space<vmem>>
        %dma_wait3A_271 = tpu.memref_squeeze %dma_wait3A_270 : memref<1x128xi32, #tpu.memory_space<vmem>> -> memref<128xi32, #tpu.memory_space<vmem>>
        %dma_wait3A_272 = arith.constant 0 : i32
        %dma_wait3A_273 = tpu.memref_slice %arg4[%add3A, %dma_wait3A_261, %dma_wait3A_272] : memref<32x159x128xi32, #tpu.memory_space<hbm>> -> memref<1x1x128xi32, #tpu.memory_space<hbm>>
        %dma_wait3A_274 = tpu.memref_squeeze %dma_wait3A_273 : memref<1x1x128xi32, #tpu.memory_space<hbm>> -> memref<128xi32, #tpu.memory_space<hbm>>
        tpu.wait_dma2 semaphore(%arg16 : memref<!tpu.dma_semaphore, #tpu.memory_space<semaphore_mem>>) src(%dma_wait3A_274 : memref<128xi32, #tpu.memory_space<hbm>>) dst(%dma_wait3A_271 : memref<128xi32, #tpu.memory_space<vmem>>)
        %run_scoped3A = arith.constant 2 : i32
        %run_scoped3A_275 = arith.constant 2 : i32
        "tpu.region"() ({
          %run_scoped3A_276 = tpu.sem_alloc : memref<!tpu.dma_semaphore, #tpu.memory_space<semaphore_mem>>
          %dma_start3A_277 = arith.constant 0 : i32
          %dma_start3A_278 = arith.constant 0 : i32
          %dma_start3A_279 = tpu.memref_slice %arg9[%run_scoped3A, %dma_start3A_277, %dma_start3A_278] : memref<3x128x128xf32, #tpu.memory_space<vmem>> -> memref<1x128x128xf32, #tpu.memory_space<vmem>>
          %dma_start3A_280 = tpu.memref_squeeze %dma_start3A_279 : memref<1x128x128xf32, #tpu.memory_space<vmem>> -> memref<128x128xf32, #tpu.memory_space<vmem>>
          %dma_start3A_281 = arith.constant 0 : i32
          %dma_start3A_282 = tpu.memref_slice %arg8[%run_scoped3A_275, %dma_start3A_281] : memref<3x128xi32, #tpu.memory_space<vmem>> -> memref<1x128xi32, #tpu.memory_space<vmem>>
          %dma_start3A_283 = tpu.memref_squeeze %dma_start3A_282 : memref<1x128xi32, #tpu.memory_space<vmem>> -> memref<128xi32, #tpu.memory_space<vmem>>
          %dma_start3A_284 = arith.constant 0 : i32
          %dma_start3A_285 = arith.constant 0 : i32
          %dma_start3A_286 = tpu.memref_slice %arg10[%dma_start3A_284, %dma_start3A_285] : memref<10112x128xf32, #tpu.memory_space<vmem_shared>> -> memref<10112x128xf32, #tpu.memory_space<vmem_shared>>
          tpu.enqueue_indirect_dma source(%dma_start3A_280 : memref<128x128xf32, #tpu.memory_space<vmem>>) target(%dma_start3A_286 : memref<10112x128xf32, #tpu.memory_space<vmem_shared>>) offsets(%dma_start3A_283 : memref<128xi32, #tpu.memory_space<vmem>>) semaphore(%run_scoped3A_276 : memref<!tpu.dma_semaphore, #tpu.memory_space<semaphore_mem>>) {add = true}
          %dma_wait3A_287 = arith.constant 0 : i32
          %dma_wait3A_288 = arith.constant 0 : i32
          %dma_wait3A_289 = tpu.memref_slice %arg9[%run_scoped3A, %dma_wait3A_287, %dma_wait3A_288] : memref<3x128x128xf32, #tpu.memory_space<vmem>> -> memref<1x128x128xf32, #tpu.memory_space<vmem>>
          %dma_wait3A_290 = tpu.memref_squeeze %dma_wait3A_289 : memref<1x128x128xf32, #tpu.memory_space<vmem>> -> memref<128x128xf32, #tpu.memory_space<vmem>>
          %dma_wait3A_291 = arith.constant 0 : i32
          %dma_wait3A_292 = tpu.memref_slice %arg8[%run_scoped3A_275, %dma_wait3A_291] : memref<3x128xi32, #tpu.memory_space<vmem>> -> memref<1x128xi32, #tpu.memory_space<vmem>>
          %dma_wait3A_293 = tpu.memref_squeeze %dma_wait3A_292 : memref<1x128xi32, #tpu.memory_space<vmem>> -> memref<128xi32, #tpu.memory_space<vmem>>
          %dma_wait3A_294 = arith.constant 0 : i32
          %dma_wait3A_295 = arith.constant 0 : i32
          %dma_wait3A_296 = tpu.memref_slice %arg10[%dma_wait3A_294, %dma_wait3A_295] : memref<10112x128xf32, #tpu.memory_space<vmem_shared>> -> memref<10112x128xf32, #tpu.memory_space<vmem_shared>>
          tpu.wait_indirect_dma semaphore(%run_scoped3A_276 : memref<!tpu.dma_semaphore, #tpu.memory_space<semaphore_mem>>) src(%dma_wait3A_290 : memref<128x128xf32, #tpu.memory_space<vmem>>) dst(%dma_wait3A_296 : memref<10112x128xf32, #tpu.memory_space<vmem_shared>>)
          tpu.yield
        }) : () -> ()
      } else {
      }
      %add3A_233 = arith.constant 3 : i32
      %add3A_234 = arith.addi %add3A_209, %add3A_233 : i32
      %lt3A_235 = arith.constant 159 : i32
      %lt3A_236 = arith.cmpi slt, %add3A_234, %lt3A_235 : i32
      %mul3A_237 = arith.constant 159 : i32
      %mul3A_238 = arith.muli %add3A, %mul3A_237 : i32
      %add3A_239 = arith.addi %mul3A_238, %add3A_209 : i32
      %add3A_240 = arith.constant 3 : i32
      %add3A_241 = arith.addi %add3A_239, %add3A_240 : i32
      %lt3A_242 = arith.constant 5000 : i32
      %lt3A_243 = arith.cmpi slt, %add3A_241, %lt3A_242 : i32
      %and3A_244 = arith.andi %lt3A_236, %lt3A_243 : i1
      %convert_element_type3A_245 = arith.extui %and3A_244 : i1 to i32
      %cond3A_246 = arith.constant 0 : i32
      %cond3A_247 = arith.cmpi ne, %convert_element_type3A_245, %cond3A_246 : i32
      scf.if %cond3A_247 {
        %add3A_249 = arith.constant 3 : i32
        %add3A_250 = arith.addi %add3A_209, %add3A_249 : i32
        %dma_start3A_251 = arith.constant 2 : i32
        %dma_start3A_252 = arith.constant 0 : i32
        %dma_start3A_253 = tpu.memref_slice %arg7[%dma_start3A_251, %dma_start3A_252] : memref<3x128xi32, #tpu.memory_space<vmem>> -> memref<1x128xi32, #tpu.memory_space<vmem>>
        %dma_start3A_254 = tpu.memref_squeeze %dma_start3A_253 : memref<1x128xi32, #tpu.memory_space<vmem>> -> memref<128xi32, #tpu.memory_space<vmem>>
        %dma_start3A_255 = arith.constant 0 : i32
        %dma_start3A_256 = tpu.memref_slice %arg3[%add3A, %add3A_250, %dma_start3A_255] : memref<32x159x128xi32, #tpu.memory_space<hbm>> -> memref<1x1x128xi32, #tpu.memory_space<hbm>>
        %dma_start3A_257 = tpu.memref_squeeze %dma_start3A_256 : memref<1x1x128xi32, #tpu.memory_space<hbm>> -> memref<128xi32, #tpu.memory_space<hbm>>
        %dma_start3A_258 = arith.constant 0 : i32
        %dma_start3A_259 = tpu.memref_slice %arg7[%dma_start3A_251, %dma_start3A_258] : memref<3x128xi32, #tpu.memory_space<vmem>> -> memref<1x128xi32, #tpu.memory_space<vmem>>
        %dma_start3A_260 = tpu.memref_squeeze %dma_start3A_259 : memref<1x128xi32, #tpu.memory_space<vmem>> -> memref<128xi32, #tpu.memory_space<vmem>>
        %dma_start3A_261 = arith.constant 0 : i32
        %dma_start3A_262 = tpu.memref_slice %arg3[%add3A, %add3A_250, %dma_start3A_261] : memref<32x159x128xi32, #tpu.memory_space<hbm>> -> memref<1x1x128xi32, #tpu.memory_space<hbm>>
        %dma_start3A_263 = tpu.memref_squeeze %dma_start3A_262 : memref<1x1x128xi32, #tpu.memory_space<hbm>> -> memref<128xi32, #tpu.memory_space<hbm>>
        tpu.enqueue_dma source(%dma_start3A_263 : memref<128xi32, #tpu.memory_space<hbm>>) target(%dma_start3A_260 : memref<128xi32, #tpu.memory_space<vmem>>) target_semaphore(%arg13 : memref<!tpu.dma_semaphore, #tpu.memory_space<semaphore_mem>>)
        %add3A_264 = arith.constant 3 : i32
        %add3A_265 = arith.addi %add3A_209, %add3A_264 : i32
        %dma_start3A_266 = arith.constant 2 : i32
        %dma_start3A_267 = arith.constant 0 : i32
        %dma_start3A_268 = tpu.memref_slice %arg8[%dma_start3A_266, %dma_start3A_267] : memref<3x128xi32, #tpu.memory_space<vmem>> -> memref<1x128xi32, #tpu.memory_space<vmem>>
        %dma_start3A_269 = tpu.memref_squeeze %dma_start3A_268 : memref<1x128xi32, #tpu.memory_space<vmem>> -> memref<128xi32, #tpu.memory_space<vmem>>
        %dma_start3A_270 = arith.constant 0 : i32
        %dma_start3A_271 = tpu.memref_slice %arg4[%add3A, %add3A_265, %dma_start3A_270] : memref<32x159x128xi32, #tpu.memory_space<hbm>> -> memref<1x1x128xi32, #tpu.memory_space<hbm>>
        %dma_start3A_272 = tpu.memref_squeeze %dma_start3A_271 : memref<1x1x128xi32, #tpu.memory_space<hbm>> -> memref<128xi32, #tpu.memory_space<hbm>>
        %dma_start3A_273 = arith.constant 0 : i32
        %dma_start3A_274 = tpu.memref_slice %arg8[%dma_start3A_266, %dma_start3A_273] : memref<3x128xi32, #tpu.memory_space<vmem>> -> memref<1x128xi32, #tpu.memory_space<vmem>>
        %dma_start3A_275 = tpu.memref_squeeze %dma_start3A_274 : memref<1x128xi32, #tpu.memory_space<vmem>> -> memref<128xi32, #tpu.memory_space<vmem>>
        %dma_start3A_276 = arith.constant 0 : i32
        %dma_start3A_277 = tpu.memref_slice %arg4[%add3A, %add3A_265, %dma_start3A_276] : memref<32x159x128xi32, #tpu.memory_space<hbm>> -> memref<1x1x128xi32, #tpu.memory_space<hbm>>
        %dma_start3A_278 = tpu.memref_squeeze %dma_start3A_277 : memref<1x1x128xi32, #tpu.memory_space<hbm>> -> memref<128xi32, #tpu.memory_space<hbm>>
        tpu.enqueue_dma source(%dma_start3A_278 : memref<128xi32, #tpu.memory_space<hbm>>) target(%dma_start3A_275 : memref<128xi32, #tpu.memory_space<vmem>>) target_semaphore(%arg16 : memref<!tpu.dma_semaphore, #tpu.memory_space<semaphore_mem>>)
      } else {
      }
      %scan3A_248 = arith.constant 0 : i32
      scf.yield %scan3A_248 : i32
    }
    %scan3A_118 = arith.constant 53 : i32
    %barrier3A_119 = arith.constant 0 : index
    tpu.barrier barrier_id(%barrier3A_119)
    %mul3A_120 = arith.constant 632 : i32
    %mul3A_121 = arith.muli %arg1, %mul3A_120 : i32
    %mul3A_122 = arith.constant 632 : i32
    %mul3A_123 = arith.muli %arg1, %mul3A_122 : i32
    "tpu.region"() ({
      %run_scoped3A = tpu.sem_alloc : memref<!tpu.dma_semaphore, #tpu.memory_space<semaphore_mem>>
      %dma_start3A_124 = arith.constant 0 : i32
      %dma_start3A_125 = tpu.memref_slice %arg6[%arg0, %mul3A_123, %dma_start3A_124] : memref<2x10112x128xf32, #tpu.memory_space<hbm>> -> memref<1x632x128xf32, #tpu.memory_space<hbm>>
      %dma_start3A_126 = tpu.memref_squeeze %dma_start3A_125 : memref<1x632x128xf32, #tpu.memory_space<hbm>> -> memref<632x128xf32, #tpu.memory_space<hbm>>
      %dma_start3A_127 = arith.constant 0 : i32
      %dma_start3A_128 = tpu.memref_slice %arg10[%mul3A_121, %dma_start3A_127] : memref<10112x128xf32, #tpu.memory_space<vmem_shared>> -> memref<632x128xf32, #tpu.memory_space<vmem_shared>>
      tpu.enqueue_dma source(%dma_start3A_128 : memref<632x128xf32, #tpu.memory_space<vmem_shared>>) target(%dma_start3A_126 : memref<632x128xf32, #tpu.memory_space<hbm>>) target_semaphore(%run_scoped3A : memref<!tpu.dma_semaphore, #tpu.memory_space<semaphore_mem>>)
      %dma_wait3A_129 = arith.constant 0 : i32
      %dma_wait3A_130 = tpu.memref_slice %arg6[%arg0, %mul3A_123, %dma_wait3A_129] : memref<2x10112x128xf32, #tpu.memory_space<hbm>> -> memref<1x632x128xf32, #tpu.memory_space<hbm>>
      %dma_wait3A_131 = tpu.memref_squeeze %dma_wait3A_130 : memref<1x632x128xf32, #tpu.memory_space<hbm>> -> memref<632x128xf32, #tpu.memory_space<hbm>>
      %dma_wait3A_132 = arith.constant 0 : i32
      %dma_wait3A_133 = tpu.memref_slice %arg10[%mul3A_121, %dma_wait3A_132] : memref<10112x128xf32, #tpu.memory_space<vmem_shared>> -> memref<632x128xf32, #tpu.memory_space<vmem_shared>>
      tpu.wait_dma2 semaphore(%run_scoped3A : memref<!tpu.dma_semaphore, #tpu.memory_space<semaphore_mem>>) src(%dma_wait3A_133 : memref<632x128xf32, #tpu.memory_space<vmem_shared>>) dst(%dma_wait3A_131 : memref<632x128xf32, #tpu.memory_space<hbm>>)
      tpu.yield
    }) : () -> ()
    return
  }
}

module attributes {stable_mosaic.version = 14 : i64} {
  func.func @_tcsum_body(%arg0: i32, %arg1: memref<32x20224xf32, #tpu.memory_space<vmem>>, %arg2: memref<1x20224xf32, #tpu.memory_space<vmem>>) attributes {dimension_semantics = [#tpu.dimension_semantics<arbitrary>], iteration_bounds = array<i64: 4>, scalar_prefetch = 0 : i64, scratch_operands = 0 : i64, tpu.core_type = #tpu.core_type<tc>, window_params = [{transform_indices = @transform_0, window_bounds = array<i64: 32, 20224>}, {transform_indices = @transform_1, window_bounds = array<i64: 1, 20224>}]} {
    %get3A = arith.constant 0 : index
    %get3A_0 = arith.constant 0 : index
    %get3A_1 = vector.load %arg1[%get3A, %get3A_0] : memref<32x20224xf32, #tpu.memory_space<vmem>>, vector<32x20224xf32>
    %reduce_sum3A = arith.constant dense<0.000000e+00> : vector<20224xf32>
    %reduce_sum3A_2 = vector.multi_reduction <add>, %get3A_1, %reduce_sum3A [0] : vector<32x20224xf32> to vector<20224xf32>
    %broadcast_in_dim3A = vector.shape_cast %reduce_sum3A_2 : vector<20224xf32> to vector<1x20224xf32>
    %swap3A = arith.constant 0 : index
    %swap3A_3 = arith.constant 0 : index
    %swap3A_4 = vector.load %arg2[%swap3A, %swap3A_3] : memref<1x20224xf32, #tpu.memory_space<vmem>>, vector<1x20224xf32>
    tpu.vector_store %arg2[%swap3A, %swap3A_3], %broadcast_in_dim3A {strides = array<i32>} : memref<1x20224xf32, #tpu.memory_space<vmem>>, vector<1x20224xf32>,
    return
  }
  func.func @transform_0(%arg0: i32) -> (i32, i32) {
    %c0_i32 = arith.constant 0 : i32
    %c0_i32_0 = arith.constant 0 : i32
    return %c0_i32, %arg0 : i32, i32
  }
  func.func @transform_1(%arg0: i32) -> (i32, i32) {
    %c0_i32 = arith.constant 0 : i32
    %c0_i32_0 = arith.constant 0 : i32
    return %c0_i32, %arg0 : i32, i32
  }
}

module attributes {stable_mosaic.version = 14 : i64} {
  func.func @_tc1_body(%arg0: i32, %arg1: memref<2000x8xf32, #tpu.memory_space<vmem>>, %arg2: memref<2000x128xf32, #tpu.memory_space<vmem>>, %arg3: memref<128x128xf32, #tpu.memory_space<vmem>>, %arg4: memref<2000x128xf32, #tpu.memory_space<vmem>>, %arg5: memref<2000x16xf32, #tpu.memory_space<vmem>>) attributes {dimension_semantics = [#tpu.dimension_semantics<arbitrary>], iteration_bounds = array<i64: 5>, scalar_prefetch = 0 : i64, scratch_operands = 0 : i64, tpu.core_type = #tpu.core_type<tc>, window_params = [{transform_indices = @transform_0, window_bounds = array<i64: 2000, 8>}, {transform_indices = @transform_1, window_bounds = array<i64: 2000, 128>}, {pipeline_mode = #tpu.pipeline_mode<synchronous>, transform_indices = @transform_2, window_bounds = array<i64: 128, 128>}, {transform_indices = @transform_3, window_bounds = array<i64: 2000, 128>}, {transform_indices = @transform_4, window_bounds = array<i64: 2000, 16>}]} {
    %get3A = arith.constant 0 : index
    %get3A_0 = arith.constant 0 : index
    %get3A_1 = vector.load %arg1[%get3A, %get3A_0] : memref<2000x8xf32, #tpu.memory_space<vmem>>, vector<2000x8xf32>
    %reduce_sum3A = arith.constant dense<0.000000e+00> : vector<2000xf32>
    %reduce_sum3A_2 = vector.multi_reduction <add>, %get3A_1, %reduce_sum3A [1] : vector<2000x8xf32> to vector<2000xf32>
    %broadcast_in_dim3A = vector.shape_cast %reduce_sum3A_2 : vector<2000xf32> to vector<2000x1xf32>
    %add3A = arith.constant 1.000000e+00 : f32
    %add3A_3 = vector.broadcast %add3A : f32 to vector<2000x1xf32>
    %add3A_4 = arith.addf %broadcast_in_dim3A, %add3A_3 : vector<2000x1xf32>
    %rsqrt3A = math.rsqrt %add3A_4 : vector<2000x1xf32>
    %get3A_5 = arith.constant 0 : index
    %get3A_6 = arith.constant 0 : index
    %get3A_7 = vector.load %arg2[%get3A_5, %get3A_6] : memref<2000x128xf32, #tpu.memory_space<vmem>>, vector<2000x128xf32>
    %get3A_8 = arith.constant 0 : index
    %get3A_9 = arith.constant 0 : index
    %get3A_10 = vector.load %arg3[%get3A_8, %get3A_9] : memref<128x128xf32, #tpu.memory_space<vmem>>, vector<128x128xf32>
    %dot_general3A = arith.constant dense<0.000000e+00> : vector<2000x128xf32>
    %dot_general3A_11 = tpu.matmul %get3A_7, %get3A_10, %dot_general3A {dimension_numbers = #tpu.dot_dimension_numbers<[1], [0], [0], [1], [0, 0, 1, 1], [], []>, transpose_lhs_hint = false} : vector<2000x128xf32>, vector<128x128xf32>, vector<2000x128xf32> -> vector<2000x128xf32>
    %mul3A = vector.broadcast %rsqrt3A : vector<2000x1xf32> to vector<2000x128xf32>
    %mul3A_12 = arith.mulf %dot_general3A_11, %mul3A : vector<2000x128xf32>
    %swap3A = arith.constant 0 : index
    %swap3A_13 = arith.constant 0 : index
    %swap3A_14 = vector.load %arg4[%swap3A, %swap3A_13] : memref<2000x128xf32, #tpu.memory_space<vmem>>, vector<2000x128xf32>
    tpu.vector_store %arg4[%swap3A, %swap3A_13], %mul3A_12 {strides = array<i32>} : memref<2000x128xf32, #tpu.memory_space<vmem>>, vector<2000x128xf32>,
    %broadcast_in_dim3A_15 = vector.shape_cast %rsqrt3A : vector<2000x1xf32> to vector<2000x1xf32>
    %broadcast_in_dim3A_16 = vector.broadcast %broadcast_in_dim3A_15 : vector<2000x1xf32> to vector<2000x16xf32>
    %swap3A_17 = arith.constant 0 : index
    %swap3A_18 = arith.constant 0 : index
    %swap3A_19 = vector.load %arg5[%swap3A_17, %swap3A_18] : memref<2000x16xf32, #tpu.memory_space<vmem>>, vector<2000x16xf32>
    tpu.vector_store %arg5[%swap3A_17, %swap3A_18], %broadcast_in_dim3A_16 {strides = array<i32>} : memref<2000x16xf32, #tpu.memory_space<vmem>>, vector<2000x16xf32>,
    return
  }
  func.func @transform_0(%arg0: i32) -> (i32, i32) {
    %c0_i32 = arith.constant 0 : i32
    %c0_i32_0 = arith.constant 0 : i32
    return %arg0, %c0_i32 : i32, i32
  }
  func.func @transform_1(%arg0: i32) -> (i32, i32) {
    %c0_i32 = arith.constant 0 : i32
    %c0_i32_0 = arith.constant 0 : i32
    return %arg0, %c0_i32 : i32, i32
  }
  func.func @transform_2(%arg0: i32) -> (i32, i32) {
    %c0_i32 = arith.constant 0 : i32
    %c0_i32_0 = arith.constant 0 : i32
    %c0_i32_1 = arith.constant 0 : i32
    return %c0_i32, %c0_i32_0 : i32, i32
  }
  func.func @transform_3(%arg0: i32) -> (i32, i32) {
    %c0_i32 = arith.constant 0 : i32
    %c0_i32_0 = arith.constant 0 : i32
    return %arg0, %c0_i32 : i32, i32
  }
  func.func @transform_4(%arg0: i32) -> (i32, i32) {
    %c0_i32 = arith.constant 0 : i32
    %c0_i32_0 = arith.constant 0 : i32
    return %arg0, %c0_i32 : i32, i32
  }
}

module attributes {stable_mosaic.version = 14 : i64} {
  func.func @_tcl_body(%arg0: i32, %arg1: memref<2000x16xf32, #tpu.memory_space<vmem>>, %arg2: memref<2x2000x128xf32, #tpu.memory_space<vmem>>, %arg3: memref<2000x128xf32, #tpu.memory_space<vmem>>, %arg4: memref<128x128xf32, #tpu.memory_space<vmem>>, %arg5: memref<1x128xf32, #tpu.memory_space<vmem>>, %arg6: memref<2000x128xf32, #tpu.memory_space<vmem>>) attributes {dimension_semantics = [#tpu.dimension_semantics<arbitrary>], iteration_bounds = array<i64: 5>, scalar_prefetch = 0 : i64, scratch_operands = 0 : i64, tpu.core_type = #tpu.core_type<tc>, window_params = [{transform_indices = @transform_0, window_bounds = array<i64: 2000, 16>}, {transform_indices = @transform_1, window_bounds = array<i64: 2, 2000, 128>}, {transform_indices = @transform_2, window_bounds = array<i64: 2000, 128>}, {pipeline_mode = #tpu.pipeline_mode<synchronous>, transform_indices = @transform_3, window_bounds = array<i64: 128, 128>}, {pipeline_mode = #tpu.pipeline_mode<synchronous>, transform_indices = @transform_4, window_bounds = array<i64: 1, 128>}, {transform_indices = @transform_5, window_bounds = array<i64: 2000, 128>}]} {
    %get3A = arith.constant 0 : index
    %get3A_0 = arith.constant 0 : index
    %get3A_1 = vector.load %arg1[%get3A, %get3A_0] : memref<2000x16xf32, #tpu.memory_space<vmem>>, vector<2000x1xf32>
    %get3A_2 = arith.constant 0 : index
    %get3A_3 = arith.constant 0 : index
    %get3A_4 = arith.constant 0 : index
    %get3A_5 = vector.load %arg2[%get3A_2, %get3A_3, %get3A_4] : memref<2x2000x128xf32, #tpu.memory_space<vmem>>, vector<1x2000x128xf32>
    %get3A_6 = vector.shape_cast %get3A_5 : vector<1x2000x128xf32> to vector<2000x128xf32>
    %get3A_7 = arith.constant 1 : index
    %get3A_8 = arith.constant 0 : index
    %get3A_9 = arith.constant 0 : index
    %get3A_10 = vector.load %arg2[%get3A_7, %get3A_8, %get3A_9] : memref<2x2000x128xf32, #tpu.memory_space<vmem>>, vector<1x2000x128xf32>
    %get3A_11 = vector.shape_cast %get3A_10 : vector<1x2000x128xf32> to vector<2000x128xf32>
    %add3A = arith.addf %get3A_6, %get3A_11 : vector<2000x128xf32>
    %get3A_12 = arith.constant 0 : index
    %get3A_13 = arith.constant 0 : index
    %get3A_14 = vector.load %arg3[%get3A_12, %get3A_13] : memref<2000x128xf32, #tpu.memory_space<vmem>>, vector<2000x128xf32>
    %add3A_15 = arith.addf %add3A, %get3A_14 : vector<2000x128xf32>
    %mul3A = vector.broadcast %get3A_1 : vector<2000x1xf32> to vector<2000x128xf32>
    %mul3A_16 = arith.mulf %add3A_15, %mul3A : vector<2000x128xf32>
    %get3A_17 = arith.constant 0 : index
    %get3A_18 = arith.constant 0 : index
    %get3A_19 = vector.load %arg5[%get3A_17, %get3A_18] : memref<1x128xf32, #tpu.memory_space<vmem>>, vector<1x128xf32>
    %add3A_20 = vector.broadcast %get3A_19 : vector<1x128xf32> to vector<2000x128xf32>
    %add3A_21 = arith.addf %mul3A_16, %add3A_20 : vector<2000x128xf32>
    %max3A = arith.constant 0.000000e+00 : f32
    %max3A_22 = vector.broadcast %max3A : f32 to vector<2000x128xf32>
    %max3A_23 = arith.maximumf %add3A_21, %max3A_22 : vector<2000x128xf32>
    %get3A_24 = arith.constant 0 : index
    %get3A_25 = arith.constant 0 : index
    %get3A_26 = vector.load %arg4[%get3A_24, %get3A_25] : memref<128x128xf32, #tpu.memory_space<vmem>>, vector<128x128xf32>
    %dot_general3A = arith.constant dense<0.000000e+00> : vector<2000x128xf32>
    %dot_general3A_27 = tpu.matmul %max3A_23, %get3A_26, %dot_general3A {dimension_numbers = #tpu.dot_dimension_numbers<[1], [0], [0], [1], [0, 0, 1, 1], [], []>, transpose_lhs_hint = false} : vector<2000x128xf32>, vector<128x128xf32>, vector<2000x128xf32> -> vector<2000x128xf32>
    %mul3A_28 = vector.broadcast %get3A_1 : vector<2000x1xf32> to vector<2000x128xf32>
    %mul3A_29 = arith.mulf %dot_general3A_27, %mul3A_28 : vector<2000x128xf32>
    %swap3A = arith.constant 0 : index
    %swap3A_30 = arith.constant 0 : index
    %swap3A_31 = vector.load %arg6[%swap3A, %swap3A_30] : memref<2000x128xf32, #tpu.memory_space<vmem>>, vector<2000x128xf32>
    tpu.vector_store %arg6[%swap3A, %swap3A_30], %mul3A_29 {strides = array<i32>} : memref<2000x128xf32, #tpu.memory_space<vmem>>, vector<2000x128xf32>,
    return
  }
  func.func @transform_0(%arg0: i32) -> (i32, i32) {
    %c0_i32 = arith.constant 0 : i32
    %c0_i32_0 = arith.constant 0 : i32
    return %arg0, %c0_i32 : i32, i32
  }
  func.func @transform_1(%arg0: i32) -> (i32, i32, i32) {
    %c0_i32 = arith.constant 0 : i32
    %c0_i32_0 = arith.constant 0 : i32
    %c0_i32_1 = arith.constant 0 : i32
    return %c0_i32, %arg0, %c0_i32_0 : i32, i32, i32
  }
  func.func @transform_2(%arg0: i32) -> (i32, i32) {
    %c0_i32 = arith.constant 0 : i32
    %c0_i32_0 = arith.constant 0 : i32
    return %arg0, %c0_i32 : i32, i32
  }
  func.func @transform_3(%arg0: i32) -> (i32, i32) {
    %c0_i32 = arith.constant 0 : i32
    %c0_i32_0 = arith.constant 0 : i32
    %c0_i32_1 = arith.constant 0 : i32
    return %c0_i32, %c0_i32_0 : i32, i32
  }
  func.func @transform_4(%arg0: i32) -> (i32, i32) {
    %c0_i32 = arith.constant 0 : i32
    %c0_i32_0 = arith.constant 0 : i32
    %c0_i32_1 = arith.constant 0 : i32
    return %c0_i32, %c0_i32_0 : i32, i32
  }
  func.func @transform_5(%arg0: i32) -> (i32, i32) {
    %c0_i32 = arith.constant 0 : i32
    %c0_i32_0 = arith.constant 0 : i32
    return %arg0, %c0_i32 : i32, i32
  }
}

module attributes {stable_mosaic.version = 14 : i64} {
  func.func @_tcf_body(%arg0: i32, %arg1: memref<2000x16xf32, #tpu.memory_space<vmem>>, %arg2: memref<2x2000x128xf32, #tpu.memory_space<vmem>>, %arg3: memref<2000x128xf32, #tpu.memory_space<vmem>>, %arg4: memref<1x128xf32, #tpu.memory_space<vmem>>, %arg5: memref<2000x128xf32, #tpu.memory_space<vmem>>) attributes {dimension_semantics = [#tpu.dimension_semantics<arbitrary>], iteration_bounds = array<i64: 5>, scalar_prefetch = 0 : i64, scratch_operands = 0 : i64, tpu.core_type = #tpu.core_type<tc>, window_params = [{transform_indices = @transform_0, window_bounds = array<i64: 2000, 16>}, {transform_indices = @transform_1, window_bounds = array<i64: 2, 2000, 128>}, {transform_indices = @transform_2, window_bounds = array<i64: 2000, 128>}, {pipeline_mode = #tpu.pipeline_mode<synchronous>, transform_indices = @transform_3, window_bounds = array<i64: 1, 128>}, {transform_indices = @transform_4, window_bounds = array<i64: 2000, 128>}]} {
    %get3A = arith.constant 0 : index
    %get3A_0 = arith.constant 0 : index
    %get3A_1 = vector.load %arg1[%get3A, %get3A_0] : memref<2000x16xf32, #tpu.memory_space<vmem>>, vector<2000x1xf32>
    %get3A_2 = arith.constant 0 : index
    %get3A_3 = arith.constant 0 : index
    %get3A_4 = arith.constant 0 : index
    %get3A_5 = vector.load %arg2[%get3A_2, %get3A_3, %get3A_4] : memref<2x2000x128xf32, #tpu.memory_space<vmem>>, vector<1x2000x128xf32>
    %get3A_6 = vector.shape_cast %get3A_5 : vector<1x2000x128xf32> to vector<2000x128xf32>
    %get3A_7 = arith.constant 1 : index
    %get3A_8 = arith.constant 0 : index
    %get3A_9 = arith.constant 0 : index
    %get3A_10 = vector.load %arg2[%get3A_7, %get3A_8, %get3A_9] : memref<2x2000x128xf32, #tpu.memory_space<vmem>>, vector<1x2000x128xf32>
    %get3A_11 = vector.shape_cast %get3A_10 : vector<1x2000x128xf32> to vector<2000x128xf32>
    %add3A = arith.addf %get3A_6, %get3A_11 : vector<2000x128xf32>
    %get3A_12 = arith.constant 0 : index
    %get3A_13 = arith.constant 0 : index
    %get3A_14 = vector.load %arg3[%get3A_12, %get3A_13] : memref<2000x128xf32, #tpu.memory_space<vmem>>, vector<2000x128xf32>
    %add3A_15 = arith.addf %add3A, %get3A_14 : vector<2000x128xf32>
    %mul3A = vector.broadcast %get3A_1 : vector<2000x1xf32> to vector<2000x128xf32>
    %mul3A_16 = arith.mulf %add3A_15, %mul3A : vector<2000x128xf32>
    %get3A_17 = arith.constant 0 : index
    %get3A_18 = arith.constant 0 : index
    %get3A_19 = vector.load %arg4[%get3A_17, %get3A_18] : memref<1x128xf32, #tpu.memory_space<vmem>>, vector<1x128xf32>
    %add3A_20 = vector.broadcast %get3A_19 : vector<1x128xf32> to vector<2000x128xf32>
    %add3A_21 = arith.addf %mul3A_16, %add3A_20 : vector<2000x128xf32>
    %max3A = arith.constant 0.000000e+00 : f32
    %max3A_22 = vector.broadcast %max3A : f32 to vector<2000x128xf32>
    %max3A_23 = arith.maximumf %add3A_21, %max3A_22 : vector<2000x128xf32>
    %swap3A = arith.constant 0 : index
    %swap3A_24 = arith.constant 0 : index
    %swap3A_25 = vector.load %arg5[%swap3A, %swap3A_24] : memref<2000x128xf32, #tpu.memory_space<vmem>>, vector<2000x128xf32>
    tpu.vector_store %arg5[%swap3A, %swap3A_24], %max3A_23 {strides = array<i32>} : memref<2000x128xf32, #tpu.memory_space<vmem>>, vector<2000x128xf32>,
    return
  }
  func.func @transform_0(%arg0: i32) -> (i32, i32) {
    %c0_i32 = arith.constant 0 : i32
    %c0_i32_0 = arith.constant 0 : i32
    return %arg0, %c0_i32 : i32, i32
  }
  func.func @transform_1(%arg0: i32) -> (i32, i32, i32) {
    %c0_i32 = arith.constant 0 : i32
    %c0_i32_0 = arith.constant 0 : i32
    %c0_i32_1 = arith.constant 0 : i32
    return %c0_i32, %arg0, %c0_i32_0 : i32, i32, i32
  }
  func.func @transform_2(%arg0: i32) -> (i32, i32) {
    %c0_i32 = arith.constant 0 : i32
    %c0_i32_0 = arith.constant 0 : i32
    return %arg0, %c0_i32 : i32, i32
  }
  func.func @transform_3(%arg0: i32) -> (i32, i32) {
    %c0_i32 = arith.constant 0 : i32
    %c0_i32_0 = arith.constant 0 : i32
    %c0_i32_1 = arith.constant 0 : i32
    return %c0_i32, %c0_i32_0 : i32, i32
  }
  func.func @transform_4(%arg0: i32) -> (i32, i32) {
    %c0_i32 = arith.constant 0 : i32
    %c0_i32_0 = arith.constant 0 : i32
    return %arg0, %c0_i32 : i32, i32
  }
}

module attributes {stable_mosaic.version = 14 : i64} {
  func.func @_pool_body(%arg0: memref<10000x128xf32, #tpu.memory_space<vmem>>, %arg1: memref<10000x1xi32, #tpu.memory_space<vmem>>, %arg2: memref<128x128xf32, #tpu.memory_space<vmem>>, %arg3: memref<1x128xf32, #tpu.memory_space<vmem>>, %arg4: memref<128x128xf32, #tpu.memory_space<vmem>>, %arg5: memref<1x128xf32, #tpu.memory_space<vmem>>, %arg6: memref<128x1xf32, #tpu.memory_space<vmem>>, %arg7: memref<1x1xf32, #tpu.memory_space<vmem>>, %arg8: memref<128x1xf32, #tpu.memory_space<vmem>>) attributes {dimension_semantics = [], scalar_prefetch = 0 : i64, scratch_operands = 0 : i64, tpu.core_type = #tpu.core_type<tc>} {
    %get3A = arith.constant 0 : index
    %get3A_0 = arith.constant 0 : index
    %get3A_1 = vector.load %arg1[%get3A, %get3A_0] : memref<10000x1xi32, #tpu.memory_space<vmem>>, vector<10000x1xi32>
    %iota3A = tpu.iota {dimensions = array<i32: 1>} : vector<1x128xi32>
    %eq3A = vector.broadcast %get3A_1 : vector<10000x1xi32> to vector<10000x128xi32>
    %eq3A_2 = vector.broadcast %iota3A : vector<1x128xi32> to vector<10000x128xi32>
    %eq3A_3 = arith.cmpi eq, %eq3A, %eq3A_2 : vector<10000x128xi32>
    %convert_element_type3A = arith.extui %eq3A_3 : vector<10000x128xi1> to vector<10000x128xi32>
    %convert_element_type3A_4 = arith.sitofp %convert_element_type3A : vector<10000x128xi32> to vector<10000x128xf32>
    %get3A_5 = arith.constant 0 : index
    %get3A_6 = arith.constant 0 : index
    %get3A_7 = vector.load %arg0[%get3A_5, %get3A_6] : memref<10000x128xf32, #tpu.memory_space<vmem>>, vector<10000x128xf32>
    %dot_general3A = arith.constant dense<0.000000e+00> : vector<128x128xf32>
    %dot_general3A_8 = tpu.matmul %convert_element_type3A_4, %get3A_7, %dot_general3A {dimension_numbers = #tpu.dot_dimension_numbers<[0], [0], [1], [1], [0, 1, 1, 1], [], []>, transpose_lhs_hint = false} : vector<10000x128xf32>, vector<10000x128xf32>, vector<128x128xf32> -> vector<128x128xf32>
    %broadcast_in_dim3A = arith.constant 1.000000e+00 : f32
    %broadcast_in_dim3A_9 = vector.broadcast %broadcast_in_dim3A : f32 to vector<10000x1xf32>
    %dot_general3A_10 = arith.constant dense<0.000000e+00> : vector<128x1xf32>
    %dot_general3A_11 = tpu.matmul %convert_element_type3A_4, %broadcast_in_dim3A_9, %dot_general3A_10 {dimension_numbers = #tpu.dot_dimension_numbers<[0], [0], [1], [1], [0, 1, 1, 1], [], []>, transpose_lhs_hint = false} : vector<10000x128xf32>, vector<10000x1xf32>, vector<128x1xf32> -> vector<128x1xf32>
    %max3A = arith.constant 1.000000e+00 : f32
    %max3A_12 = vector.broadcast %max3A : f32 to vector<128x1xf32>
    %max3A_13 = arith.maximumf %dot_general3A_11, %max3A_12 : vector<128x1xf32>
    %div3A = vector.broadcast %max3A_13 : vector<128x1xf32> to vector<128x128xf32>
    %div3A_14 = arith.divf %dot_general3A_8, %div3A : vector<128x128xf32>
    %get3A_15 = arith.constant 0 : index
    %get3A_16 = arith.constant 0 : index
    %get3A_17 = vector.load %arg2[%get3A_15, %get3A_16] : memref<128x128xf32, #tpu.memory_space<vmem>>, vector<128x128xf32>
    %dot_general3A_18 = arith.constant dense<0.000000e+00> : vector<128x128xf32>
    %dot_general3A_19 = tpu.matmul %div3A_14, %get3A_17, %dot_general3A_18 {dimension_numbers = #tpu.dot_dimension_numbers<[1], [0], [0], [1], [0, 0, 1, 1], [], []>, transpose_lhs_hint = false} : vector<128x128xf32>, vector<128x128xf32>, vector<128x128xf32> -> vector<128x128xf32>
    %get3A_20 = arith.constant 0 : index
    %get3A_21 = arith.constant 0 : index
    %get3A_22 = vector.load %arg3[%get3A_20, %get3A_21] : memref<1x128xf32, #tpu.memory_space<vmem>>, vector<1x128xf32>
    %add3A = vector.broadcast %get3A_22 : vector<1x128xf32> to vector<128x128xf32>
    %add3A_23 = arith.addf %dot_general3A_19, %add3A : vector<128x128xf32>
    %max3A_24 = arith.constant 0.000000e+00 : f32
    %max3A_25 = vector.broadcast %max3A_24 : f32 to vector<128x128xf32>
    %max3A_26 = arith.maximumf %add3A_23, %max3A_25 : vector<128x128xf32>
    %get3A_27 = arith.constant 0 : index
    %get3A_28 = arith.constant 0 : index
    %get3A_29 = vector.load %arg4[%get3A_27, %get3A_28] : memref<128x128xf32, #tpu.memory_space<vmem>>, vector<128x128xf32>
    %dot_general3A_30 = arith.constant dense<0.000000e+00> : vector<128x128xf32>
    %dot_general3A_31 = tpu.matmul %max3A_26, %get3A_29, %dot_general3A_30 {dimension_numbers = #tpu.dot_dimension_numbers<[1], [0], [0], [1], [0, 0, 1, 1], [], []>, transpose_lhs_hint = false} : vector<128x128xf32>, vector<128x128xf32>, vector<128x128xf32> -> vector<128x128xf32>
    %get3A_32 = arith.constant 0 : index
    %get3A_33 = arith.constant 0 : index
    %get3A_34 = vector.load %arg5[%get3A_32, %get3A_33] : memref<1x128xf32, #tpu.memory_space<vmem>>, vector<1x128xf32>
    %add3A_35 = vector.broadcast %get3A_34 : vector<1x128xf32> to vector<128x128xf32>
    %add3A_36 = arith.addf %dot_general3A_31, %add3A_35 : vector<128x128xf32>
    %max3A_37 = arith.constant 0.000000e+00 : f32
    %max3A_38 = vector.broadcast %max3A_37 : f32 to vector<128x128xf32>
    %max3A_39 = arith.maximumf %add3A_36, %max3A_38 : vector<128x128xf32>
    %get3A_40 = arith.constant 0 : index
    %get3A_41 = arith.constant 0 : index
    %get3A_42 = vector.load %arg6[%get3A_40, %get3A_41] : memref<128x1xf32, #tpu.memory_space<vmem>>, vector<128x1xf32>
    %dot_general3A_43 = arith.constant dense<0.000000e+00> : vector<128x1xf32>
    %dot_general3A_44 = tpu.matmul %max3A_39, %get3A_42, %dot_general3A_43 {dimension_numbers = #tpu.dot_dimension_numbers<[1], [0], [0], [1], [0, 0, 1, 1], [], []>, transpose_lhs_hint = false} : vector<128x128xf32>, vector<128x1xf32>, vector<128x1xf32> -> vector<128x1xf32>
    %get3A_45 = arith.constant 0 : index
    %get3A_46 = arith.constant 0 : index
    %get3A_47 = vector.load %arg7[%get3A_45, %get3A_46] : memref<1x1xf32, #tpu.memory_space<vmem>>, vector<1x1xf32>
    %add3A_48 = vector.broadcast %get3A_47 : vector<1x1xf32> to vector<128x1xf32>
    %add3A_49 = arith.addf %dot_general3A_44, %add3A_48 : vector<128x1xf32>
    %swap3A = arith.constant 0 : index
    %swap3A_50 = arith.constant 0 : index
    %swap3A_51 = vector.load %arg8[%swap3A, %swap3A_50] : memref<128x1xf32, #tpu.memory_space<vmem>>, vector<128x1xf32>
    tpu.vector_store %arg8[%swap3A, %swap3A_50], %add3A_49 {strides = array<i32>} : memref<128x1xf32, #tpu.memory_space<vmem>>, vector<128x1xf32>,
    return
  }
}

</mosaic_0001>

<sc_bundles>
// kernel: kernel.12.cloned.1.call-start
scs
__scs_entry_jumppad:
0x0: {  	(pc) =	sbr.rel $0x88, $3  }
0x1: {  	(tag) =	ssettag $0x0;
	lr =	simm.s32 $0x1  }
0x2: {  	[smem:$0x3F92] =	sst lr;
	_ =	strace $0xD0000000  }
0x3: {  	_ = 	snop  }
0x4: {  	_ = 	snop  }
0x5: {  	_ = 	snop  }
0x6: {  	_ = 	snop  }
0x7: {  	_ = 	snop  }
__scs_overlays_trampoline_lowered:
0x8: {  	[smem:$0x3FA1] =	sst s0  }
0x9: {  	[smem:$0x3FA2] =	sst s1  }
0xa: {  	[smem:$0x3FA3] =	sst s2  }
0xb: {  	[smem:$0x3FA4] =	sst s3  }
0xc: {  	[smem:$0x3FA5] =	sst s4  }
0xd: {  	[smem:$0x3FA6] =	sst s5  }
0xe: {  	[smem:$0x3FA7] =	sst s6  }
0xf: {  	[smem:$0x3FA8] =	sst s7  }
0x10: {  	[smem:$0x3FA9] =	sst s8  }
0x11: {  	[smem:$0x3FAA] =	sst s9;
	s0 =	simm.s32 @!p0 $0x0  }
0x12: {  	s1 =	sld [smem:$0x3F90];
	s0 =	simm.s32 @p0 $0x1  }
0x13: {  	[smem:$0x3FAB] =	sst s0;
	s0 =	simm.s32 @!p1 $0x0  }
0x14: {  	s2 =	sld [smem:$0x3F8F];
	s0 =	simm.s32 @p1 $0x1  }
0x15: {  	[smem:$0x3FAC] =	sst s0;
	s0 =	simm.s32 @!p2 $0x0  }
0x16: {  	s3 =	sld [smem:$0x3FDB];
	s0 =	simm.s32 @p2 $0x1  }
0x17: {  	s4 =	simm.s32 $0x1BF5;
	[smem:$0x3FAE] =	sst s0  }
0x18: {  	s0 =	sld [smem:$0x3F91];
	_ =	swait.ge [sflag:s4], $0x0  }
0x19: {  	s7 =	sld [smem:$0x3F92]  }
0x1a: {  	s8 =	sadd.s32 $0xFFFFE003, lr  }
0x1b: {  	s9 =	sadd.s32 $0xFFFFFEF7, lr;
	s5 =	simm.s32 $0xFFFFFFFF;
	p2 =	slt.u32 s8, $0xFFFFF086  }
0x1c: {  	p1 =	slt.u32 s9, $0xF7A;
	s5 =	simm.s32 @!p2 $0x0  }
0x1d: {  	s5 =	simm.s32 @p1 $0x1;
	p0 =	seq.s32 s7, s2  }
0x1e: {  	s7 =	smul.u32 @!p0 $0xF7A, s2;
	p2 =	seq.s32 @!p0 s5, $0x0  }
0x1f: {  	s9 =	smul.u32 $0xF7A, s1;
	s8 =	simm.s32 @!p0 $0x1BF5;
	p2 =	por !p2, p0  }
0x20: {  	[sflag:s8] =	ssyncset.s32 @!p0 $0xFFFFF086;
	s6 =	sadd.s32 @!p0 s3, s7;
	s7 =	simm.s32 @!p0 $0x108  }
0x21: {  	s3 =	sadd.s32 s3, s9;
	s6 =	sadd.s32 @!p0 $0x88, s6;
	s7 =	simm.s32 @p2 $0x1082  }
0x22: {  	[simem:s7], [sflag:s8] =	dma.local @!p0 [hbm:s6], $0xF7A  }
0x23: {  	s9 =	sor.u32 $0xD0000000, s2;
	s6 =	simm.s32 $0x108;
	_ =	swait.ge @!p0 [sflag:s8], $0x0  }
0x24: {  	s3 =	sadd.s32 $0x88, s3;
	s6 =	simm.s32 @!p1 $0x1082;
	[sflag:s4] =	ssyncset.s32 $0xFFFFF086  }
0x25: {  	[simem:s6], [sflag:s4] =	dma.local [hbm:s3], $0xF7A  }
0x26: {  	[smem:$0x3F92] =	sst s1;
	(tag) =	ssettag s2;
	_ =	strace s9  }
0x27: {  	s1 =	sld [smem:$0x3FA2]  }
0x28: {  	s2 =	sld [smem:$0x3FA3]  }
0x29: {  	s4 =	sld [smem:$0x3FA5]  }
0x2a: {  	p0 =	seq.s32 s5, $0x0;
	s5 =	sld [smem:$0x3FA6]  }
0x2b: {  	s6 =	sld [smem:$0x3FA7]  }
0x2c: {  	s7 =	sld [smem:$0x3FA8]  }
0x2d: {  	s3 =	simm.s32 $0x108;
	s8 =	sld [smem:$0x3FA9]  }
0x2e: {  	s3 =	simm.s32 @!p0 $0x1082;
	s9 =	sld [smem:$0x3FAA]  }
0x2f: {  	lr =	sadd.s32 s0, s3;
	s0 =	sld [smem:$0x3FA1]  }
0x30: {  	s3 =	sld [smem:$0x3FA4]  }
0x31: {  	[smem:$0x3FAD] =	sst s10  }
0x32: {  	s10 =	sld [smem:$0x3FAB];
	_ =	sdelay $0x3  }
0x33: {  	p0 =	seq.s32 s10, $0x1;
	s10 =	sld [smem:$0x3FAD];
	_ =	sdelay $0x3  }
0x34: {  	[smem:$0x3FAD] =	sst s10  }
0x35: {  	s10 =	sld [smem:$0x3FAC];
	_ =	sdelay $0x3  }
0x36: {  	p1 =	seq.s32 s10, $0x1;
	s10 =	sld [smem:$0x3FAD];
	_ =	sdelay $0x3  }
0x37: {  	[smem:$0x3FAD] =	sst s10  }
0x38: {  	s10 =	sld [smem:$0x3FAE]  }
0x39: {  	_ = 	snop;
	(pc) =	sbr.ind lr, $3  }
0x3a: {  	_ = 	snop  }
0x3b: {  	_ = 	snop  }
0x3c: {  	p2 =	seq.s32 s10, $0x1;
	s10 =	sld [smem:$0x3FAD]  }
0x3d: {  	_ =	shalt  }
0x3e: {  	_ =	shalt  }
0x3f: {  	_ =	shalt  }
0x40: {  	_ =	shalt  }
0x41: {  	_ =	shalt  }
0x42: {  	_ =	shalt  }
0x43: {  	_ =	shalt  }
0x44: {  	_ =	shalt  }
0x45: {  	_ =	shalt  }
0x46: {  	_ =	shalt  }
0x47: {  	_ =	shalt  }
0x48: {  	_ =	shalt  }
0x49: {  	_ =	shalt  }
0x4a: {  	_ =	shalt  }
0x4b: {  	_ =	shalt  }
0x4c: {  	_ =	shalt  }
0x4d: {  	_ =	shalt  }
0x4e: {  	_ =	shalt  }
0x4f: {  	_ =	shalt  }
0x50: {  	_ =	shalt  }
0x51: {  	_ =	shalt  }
0x52: {  	_ =	shalt  }
0x53: {  	_ =	shalt  }
0x54: {  	_ =	shalt  }
0x55: {  	_ =	shalt  }
0x56: {  	_ =	shalt  }
0x57: {  	_ =	shalt  }
0x58: {  	_ =	shalt  }
0x59: {  	_ =	shalt  }
0x5a: {  	_ =	shalt  }
0x5b: {  	_ =	shalt  }
0x5c: {  	_ =	shalt  }
0x5d: {  	_ =	shalt  }
0x5e: {  	_ =	shalt  }
0x5f: {  	_ =	shalt  }
0x60: {  	_ =	shalt  }
0x61: {  	_ =	shalt  }
0x62: {  	_ =	shalt  }
0x63: {  	_ =	shalt  }
0x64: {  	_ =	shalt  }
0x65: {  	_ =	shalt  }
0x66: {  	_ =	shalt  }
0x67: {  	_ =	shalt  }
0x68: {  	_ =	shalt  }
0x69: {  	_ =	shalt  }
0x6a: {  	_ =	shalt  }
0x6b: {  	_ =	shalt  }
0x6c: {  	_ =	shalt  }
0x6d: {  	_ =	shalt  }
0x6e: {  	_ =	shalt  }
0x6f: {  	_ =	shalt  }
0x70: {  	_ =	shalt  }
0x71: {  	_ =	shalt  }
0x72: {  	_ =	shalt  }
0x73: {  	_ =	shalt  }
0x74: {  	_ =	shalt  }
0x75: {  	_ =	shalt  }
0x76: {  	_ =	shalt  }
0x77: {  	_ =	shalt  }
0x78: {  	_ =	shalt  }
0x79: {  	_ =	shalt  }
0x7a: {  	_ =	shalt  }
0x7b: {  	_ =	shalt  }
0x7c: {  	_ =	shalt  }
0x7d: {  	_ =	shalt  }
0x7e: {  	_ =	shalt  }
0x7f: {  	_ =	shalt  }
0x80: {  	_ =	shalt  }
0x81: {  	_ =	shalt  }
0x82: {  	_ =	shalt  }
0x83: {  	_ =	shalt  }
0x84: {  	_ =	shalt  }
0x85: {  	_ =	shalt  }
0x86: {  	_ =	shalt  }
0x87: {  	_ =	shalt  }
.Lfunc_end0:
.L_simem_size_0:
called_computation_lowered:
.L_overlay_start_0:
0x88: {  	s2 =	sld [smem:$0x3FD9]  }
0x89: {  	s3 =	sld [smem:$0x3FFE];
	_ =	sdelay $0x1  }
0x8a: {  	s1 =	srdreg.scid  }
0x8b: {  	s0 =	sand.u32 $0x1, s1  }
0x8c: {  	s16 =	sshll.u32 s0, $0xA;
	s2 =	sadd.s32 s3, s2  }
0x8d: {  	s2 =	sadd.s32 s2, s16  }
0x8e: {  	[smem:$0x3FB9] =	sst s2  }
0x8f: {  	_ = 	snop  }
0x90: {  	(tm) =	ssettm $0x1  }
0x91: {  	s17 =	sld [smem:$0x3FFB];
	_ =	sdelay $0x3  }
0x92: {  	_ =	strace s17  }
0x93: {  	s2 =	sld [smem:$0x3FFC];
	_ =	sdelay $0x3  }
0x94: {  	_ =	strace s2  }
0x95: {  	s2 =	sld [smem:$0x3FFD];
	_ =	sdelay $0x3  }
0x96: {  	_ =	strace s2  }
0x97: {  	_ =	strace $0x8FFFFFFF  }
0x98: {  	s18 =	sld [smem:$0x3FDB];
	_ =	sdelay $0x1  }
0x99: {  	s19 =	simm.s32 $_scs_section_size  }
0x9a: {  	s4 =	simm.s32 $_size__tile_overlayer_lowered;
	s5 =	simm.s32 $_tile_overlayer_lowered  }
0x9b: {  	s22 =	simm.s32 $0x1BFF;
	s21 =	sshll.u32 s5, $0x1;
	s2 =	sadd.s32 s19, s18  }
0x9c: {  	s6 =	simm.s32 $0x0;
	s20 =	sshll.u32 s4, $0x1;
	s4 =	sadd.s32 s21, s2  }
0x9d: {  	[timem:s6], [sflag:s22] =	dma.local [hbm:s4], s20  }
0x9e: {  	_ =	swait.ge [sflag:s22], s20  }
0x9f: {  	s3 =	ssub.s32 $0x0, s20;
	[sflag:s22] =	ssyncset.done $0x0  }
0xa0: {  	[sflag:s22] =	ssyncadd.s32 s3;
	_ =	sdelay $0x1  }
0xa1: {  	s23 =	simm.s32 $0x1B8B  }
0xa2: {  	_ =	swait.ge [sflag:s23], $0x1  }
0xa3: {  	[sflag:s23] =	ssyncset.done $0x0  }
0xa4: {  	s25 =	simm.s32 $0x1B8E;
	s24 =	sld [smem:$0x3FFE];
	[sflag:s23] =	ssyncadd.s32 $0xFFFFFFFF  }
0xa5: {  	s26 =	simm.s32 $execute0_lowered;
	[smem:$0x3FD2] =	sst s25  }
0xa6: {  	s4 =	sshll.u32 s26, $0x1;
	_ =	strace $0x80000046;
	[dreg:$0x1] =	wrdreg $0xFFFFFFFF  }
0xa7: {  	s28 =	simm.s32 $_size_execute0_lowered;
	s2 =	sadd.s32 s2, s4;
	[dreg:$0x0] =	wrdreg $0x0  }
0xa8: {  	s4 =	sshll.u32 s28, $0x1;
	[dreg:$0x2] =	wrdreg s2  }
0xa9: {  	[dreg:$0x3] =	wrdreg s4  }
0xaa: {  	[dreg:$0x4] =	wrdreg $0xC0  }
0xab: {  	_ =	task [dreg:s6], $0x5FFFF  }
0xac: {  	[dreg:$0x1] =	wrdreg $0xFFFFFFFF  }
0xad: {  	[dreg:$0x0] =	wrdreg $0x60  }
0xae: {  	[dreg:$0x2] =	wrdreg s24  }
0xaf: {  	[dreg:$0x3] =	wrdreg $0x9  }
0xb0: {  	_ =	task.clear_ibuf [dreg:s6], $0x4FFFF;
	_ =	strace $0x90000046  }
0xb1: {  	s29 =	simm.s32 $0x9;
	_ =	strace $0x80000048  }
0xb2: {  	_ =	swait.ge [sflag:s29], $0x1  }
0xb3: {  	[sflag:s29] =	ssyncadd.s32 $0xFFFFFFFF  }
0xb4: {  	_ =	strace $0x90000048  }
0xb5: {  	_ =	sfence  }
0xb6: {  	s30 =	sld [smem:$0x0];
	_ =	sdelay $0x2  }
0xb7: {  	s31 =	sshll.u32 s1, $0xD;
	s1 =	sshrl.u32 s1, $0x2  }
0xb8: {  	s3 =	sand.u32 $0x4000, s31;
	s1 =	sadd.s32 s1, s30  }
0xb9: {  	s0 =	sor.u32 s3, s0;
	s1 =	sshll.u32 s1, $0x11  }
0xba: {  	s0 =	sor.u32 s1, s0  }
0xbb: {  	s0 =	sadd.s32 $0x8F2B, s0  }
0xbc: {  	[sflag:s0] =	ssyncadd.remote.s32 $0x1  }
0xbd: {  	_ =	sfence.sel $0xFFFF  }
0xbe: {  	[dreg:$0x0] =	wrdreg $0xFFFFFFFF;
	(pc) =	sbr.abs _section_cstart, $3  }
0xbf: {  	[dreg:$0x1] =	wrdreg $0xFFFFFFFF  }
0xc0: {  	_ =	task.clear_ibuf [dreg:s6], $0x2FFFF;
	_ =	strace $0x9FFFFFFF  }
0xc1: {  	(tm) =	ssettm $0x7FFFFFFF  }
tec
execute0_lowered:
.L_overlay_start_1:
0x0: {  	(tag) =	ssettag $0x1  }
0x1: {  	s1 =	srdreg.scid  }
0x2: {  	s0 =	stileid.u32;
	s7 =	rddreg [dreg:$0x0];
	s2 =	simm.s32 $0x0  }
0x3: {  	s14 =	simm.s32 $0x100;
	s15 =	simm.s32 $0x3;
	s16 =	simm.s32 $0x0  }
0x4: {  	s6 =	sand.u32 $0x1, s1;
	s26 =	sshll.u32 s0, $0x1;
	s1 =	rddreg [dreg:$0x1]  }
0x5: {  	s28 =	sshrl.u32 s0, $0x2;
	[smem:$0x7FF] =	sst s2;
	s10 =	smul.u32 $0x13E, s0  }
0x6: {  	s13 =	sor.u32 s6, s26;
	s3 =	smul.u32 $0x9E000, s28;
	_ =	strace $0x80000047  }
0x7: {  	s9 =	ssub.s32 $0x2, s6;
	s12 =	smul.u32 $0x9F, s6;
	s4 =	sshll.u32 s13, $0x7  }
0x8: {  	s11 =	sshrl.u32 s9, $0x1;
	p0 =	seq.s32 s13, $0x1F;
	s4 =	sand.u32 $0x380, s4  }
0x9: {  	s30 =	ssub.s32 s9, s11;
	s5 =	sor.u32 s3, s4;
	s3 =	smul.u32 $0x5000, s13  }
.Ltmp0:
0xa: {  	s31 =	sadd.s32 s12, s10;
	s10 =	simm.s32 $0x80;
	(pc) =	sbr.rel .LBB2_1-.Ltmp0, $4  }
0xb: {  	s11 =	simm.s32 $0x1;
	s12 =	simm.s32 $0x2;
	s4 =	sadd.s32 $0x3800, s7  }
0xc: {  	s9 =	sadd.s32 $0x1, s31;
	s8 =	sshrl.u32 s5, $0x3;
	s29 =	sshrl.u32 s3, $0x3  }
0xd: {  	s13 =	simm.s32 $0x400;
	s7 =	sadd.s32 s8, s7;
	s5 =	sadd.s32 s4, s29  }
0xe: {  	v0 =	vimm.f32 $0.0e+00;
	s8 =	smax.u32 s30, $0x1;
	s7 =	sadd.s32 $0x17800, s7;
	s6 =	sadd.s32 $0x10, s5  }
.LBB2_6:
0xf: {  	_ =	swait.ge [sflag:s11], $0x80  }
0x10: {  	[sflag:s11] =	ssyncset.done $0x0  }
0x11: {  	[sflag:s11] =	ssyncadd.s32 $0xFFFFFF80  }
0x12: {  	v1 =	vld @!p0 [tilespmem:$0x0];
	_ =	sdelay $0x3  }
0x13: {  	v2 =	vlaneseq.u32 @!p0  }
0x14: {  	v2 =	vand.u32 @!p0 $0x7, v2;
	v1 =	vshll.u32 @!p0 v1, $0x3  }
0x15: {  	v1 =	vor.u32 @!p0 v2, v1;
	_ =	sdelay $0x3  }
0x16: {  	v3 =	vimm.f32 @!p0 $1.000000000e+00;
	s17 =	simm.s32 @!p0 $0x100  }
0x17: {  	[tilespmem:v1+s17+$0x0] =	vst.idx.add.f32.msk @!p0 $0xffff, v3  }
0x18: {  	v1 =	vld @!p0 [tilespmem:$0x10];
	_ =	sdelay $0x4  }
0x19: {  	v1 =	vshll.u32 @!p0 v1, $0x3  }
0x1a: {  	v1 =	vor.u32 @!p0 v2, v1;
	_ =	sdelay $0x4  }
0x1b: {  	[tilespmem:v1+s17+$0x0] =	vst.idx.add.f32.msk @!p0 $0xffff, v3  }
0x1c: {  	v1 =	vld @!p0 [tilespmem:$0x20];
	_ =	sdelay $0x4  }
0x1d: {  	v1 =	vshll.u32 @!p0 v1, $0x3  }
0x1e: {  	v1 =	vor.u32 @!p0 v2, v1;
	_ =	sdelay $0x4  }
0x1f: {  	[tilespmem:v1+s17+$0x0] =	vst.idx.add.f32.msk @!p0 $0xffff, v3  }
0x20: {  	v1 =	vld @!p0 [tilespmem:$0x30];
	_ =	sdelay $0x4  }
0x21: {  	v1 =	vshll.u32 @!p0 v1, $0x3  }
0x22: {  	v1 =	vor.u32 @!p0 v2, v1;
	_ =	sdelay $0x4  }
0x23: {  	[tilespmem:v1+s17+$0x0] =	vst.idx.add.f32.msk @!p0 $0xffff, v3  }
0x24: {  	v1 =	vld @!p0 [tilespmem:$0x40];
	_ =	sdelay $0x4  }
0x25: {  	v1 =	vshll.u32 @!p0 v1, $0x3  }
0x26: {  	v1 =	vor.u32 @!p0 v2, v1;
	_ =	sdelay $0x4  }
0x27: {  	[tilespmem:v1+s17+$0x0] =	vst.idx.add.f32.msk @!p0 $0xffff, v3  }
0x28: {  	v1 =	vld @!p0 [tilespmem:$0x50];
	_ =	sdelay $0x4  }
0x29: {  	v1 =	vshll.u32 @!p0 v1, $0x3  }
0x2a: {  	v1 =	vor.u32 @!p0 v2, v1;
	_ =	sdelay $0x4  }
0x2b: {  	[tilespmem:v1+s17+$0x0] =	vst.idx.add.f32.msk @!p0 $0xffff, v3  }
0x2c: {  	v1 =	vld @!p0 [tilespmem:$0x60];
	_ =	sdelay $0x4  }
0x2d: {  	v1 =	vshll.u32 @!p0 v1, $0x3  }
0x2e: {  	v1 =	vor.u32 @!p0 v2, v1;
	_ =	sdelay $0x4  }
0x2f: {  	[tilespmem:v1+s17+$0x0] =	vst.idx.add.f32.msk @!p0 $0xffff, v3  }
0x30: {  	v1 =	vld @!p0 [tilespmem:$0x70];
	_ =	sdelay $0x4  }
0x31: {  	v1 =	vshll.u32 @!p0 v1, $0x3  }
0x32: {  	v1 =	vor.u32 @!p0 v2, v1;
	_ =	sdelay $0x2  }
0x33: {  	s16 =	sadd.s32 $0x1, s16  }
0x34: {  	p1 =	sne.s32 s16, s8  }
.Ltmp1:
0x35: {  	[tilespmem:v1+s17+$0x0] =	vst.idx.add.f32.msk @!p0 $0xffff, v3;
	(pc) =	sbr.rel @!p1 .LBB2_7-.Ltmp1, $4  }
0x36: {  	[hbm4b:s7+s10] =	stream.strided.scatter [tilespmem:s14], [sflag:$0x3], $0x13C00, s13, s10, $0x38;
	[tilespmem:$0x13D00] =	vst v63  }
0x37: {  	_ =	swait.ge [sflag:s15], $0x13C00  }
0x38: {  	[sflag:s15] =	ssyncset.done $0x0  }
0x39: {  	[sflag:s15] =	ssyncadd.s32 $0xFFFEC400  }
.LBB2_1:
0x3a: {  	[tilespmem:s2], [sflag:$0x1] =	stream.linear.gather [hbm4b:s5+s2], $0x80, $0x38;
	[tilespmem:$0x13D00] =	vst v63  }
0x3b: {  	s17 =	simm.s32 $0x0;
	s18 =	simm.s32 $0x200  }
0x3c: {  	[tilespmem:s10], [sflag:$0x2] =	stream.linear.gather [hbm4b:s6+s2], $0x80, $0x38;
	[tilespmem:$0x13D00] =	vst v63  }
.LBB2_2:
0x3d: {  	p1 =	sne.s32 s18, $0x4EE00;
	[tilespmem:s17+$0x170] =	vst v0  }
0x3e: {  	[tilespmem:s17+$0x100] =	vst v0  }
0x3f: {  	[tilespmem:s17+$0x110] =	vst v0  }
.Ltmp2:
0x40: {  	[tilespmem:s17+$0x120] =	vst v0;
	(pc) =	sbr.rel @p1 .LBB2_2-.Ltmp2, $4  }
0x41: {  	[tilespmem:s17+$0x130] =	vst v0  }
0x42: {  	[tilespmem:s17+$0x140] =	vst v0  }
0x43: {  	[tilespmem:s17+$0x150] =	vst v0  }
0x44: {  	[tilespmem:s17+$0x160] =	vst v0;
	s17 =	sshra.s32 s18, $0x2;
	s18 =	sadd.s32 $0x200, s18  }
0x45: {  	[tilespmem:s17+$0x170] =	vst v0  }
0x46: {  	[tilespmem:s17+$0x100] =	vst v0  }
0x47: {  	[tilespmem:s17+$0x110] =	vst v0  }
0x48: {  	[tilespmem:s17+$0x120] =	vst v0  }
0x49: {  	[tilespmem:s17+$0x130] =	vst v0  }
0x4a: {  	[tilespmem:s17+$0x140] =	vst v0  }
0x4b: {  	[tilespmem:s17+$0x150] =	vst v0  }
0x4c: {  	[tilespmem:s17+$0x160] =	vst v0;
	s17 =	simm.s32 $0x180;
	s18 =	smov.u32 s9  }
.LBB2_4:
0x4d: {  	_ =	swait.ge [sflag:s11], $0x80  }
0x4e: {  	s19 =	sadd.s32 $0xFFFFFFFF, s18;
	[sflag:s11] =	ssyncset.done $0x0  }
0x4f: {  	p1 =	sgt.u32 s19, $0x1387;
	[sflag:s11] =	ssyncadd.s32 $0xFFFFFF80  }
0x50: {  	v1 =	vld @!p1 [tilespmem:$0x0];
	_ =	sdelay $0x3  }
0x51: {  	v2 =	vlaneseq.u32 @!p1  }
0x52: {  	v2 =	vand.u32 @!p1 $0x7, v2;
	v1 =	vshll.u32 @!p1 v1, $0x3  }
0x53: {  	v1 =	vor.u32 @!p1 v2, v1;
	_ =	sdelay $0x3  }
0x54: {  	v3 =	vimm.f32 @!p1 $1.000000000e+00;
	s19 =	simm.s32 @!p1 $0x100  }
0x55: {  	[tilespmem:v1+s19+$0x0] =	vst.idx.add.f32.msk @!p1 $0xffff, v3  }
0x56: {  	v1 =	vld @!p1 [tilespmem:$0x10];
	_ =	sdelay $0x4  }
0x57: {  	v1 =	vshll.u32 @!p1 v1, $0x3  }
0x58: {  	v1 =	vor.u32 @!p1 v2, v1;
	_ =	sdelay $0x4  }
0x59: {  	[tilespmem:v1+s19+$0x0] =	vst.idx.add.f32.msk @!p1 $0xffff, v3  }
0x5a: {  	v1 =	vld @!p1 [tilespmem:$0x20];
	_ =	sdelay $0x4  }
0x5b: {  	v1 =	vshll.u32 @!p1 v1, $0x3  }
0x5c: {  	v1 =	vor.u32 @!p1 v2, v1;
	_ =	sdelay $0x4  }
0x5d: {  	[tilespmem:v1+s19+$0x0] =	vst.idx.add.f32.msk @!p1 $0xffff, v3  }
0x5e: {  	v1 =	vld @!p1 [tilespmem:$0x30];
	_ =	sdelay $0x4  }
0x5f: {  	v1 =	vshll.u32 @!p1 v1, $0x3  }
0x60: {  	v1 =	vor.u32 @!p1 v2, v1;
	_ =	sdelay $0x4  }
0x61: {  	[tilespmem:v1+s19+$0x0] =	vst.idx.add.f32.msk @!p1 $0xffff, v3  }
0x62: {  	v1 =	vld @!p1 [tilespmem:$0x40];
	_ =	sdelay $0x4  }
0x63: {  	v1 =	vshll.u32 @!p1 v1, $0x3  }
0x64: {  	v1 =	vor.u32 @!p1 v2, v1;
	_ =	sdelay $0x4  }
0x65: {  	[tilespmem:v1+s19+$0x0] =	vst.idx.add.f32.msk @!p1 $0xffff, v3  }
0x66: {  	v1 =	vld @!p1 [tilespmem:$0x50];
	_ =	sdelay $0x4  }
0x67: {  	v1 =	vshll.u32 @!p1 v1, $0x3  }
0x68: {  	v1 =	vor.u32 @!p1 v2, v1;
	_ =	sdelay $0x4  }
0x69: {  	[tilespmem:v1+s19+$0x0] =	vst.idx.add.f32.msk @!p1 $0xffff, v3  }
0x6a: {  	v1 =	vld @!p1 [tilespmem:$0x60];
	_ =	sdelay $0x4  }
0x6b: {  	v1 =	vshll.u32 @!p1 v1, $0x3  }
0x6c: {  	v1 =	vor.u32 @!p1 v2, v1;
	_ =	sdelay $0x4  }
0x6d: {  	[tilespmem:v1+s19+$0x0] =	vst.idx.add.f32.msk @!p1 $0xffff, v3  }
0x6e: {  	v1 =	vld @!p1 [tilespmem:$0x70];
	_ =	sdelay $0x4  }
0x6f: {  	v1 =	vshll.u32 @!p1 v1, $0x3  }
0x70: {  	s20 =	sadd.s32 $0xFFFFFF80, s17;
	v1 =	vor.u32 @!p1 v2, v1  }
0x71: {  	s21 =	sand.u32 $0xFC00, s20  }
0x72: {  	s20 =	sand.u32 $0x300, s20;
	s21 =	sadd.s32 s3, s21  }
0x73: {  	s20 =	sor.u32 s20, s21  }
0x74: {  	s20 =	sshrl.u32 s20, $0x3  }
0x75: {  	s31 =	sadd.s32 s4, s20;
	[tilespmem:v1+s19+$0x0] =	vst.idx.add.f32.msk @!p1 $0xffff, v3  }
0x76: {  	[tilespmem:s2], [sflag:$0x1] =	stream.linear.gather [hbm4b:s31+s2], $0x80, $0x38;
	[tilespmem:$0x13D00] =	vst v63  }
0x77: {  	_ =	swait.ge [sflag:s12], $0x80  }
0x78: {  	[sflag:s12] =	ssyncset.done $0x0  }
0x79: {  	p1 =	sgt.u32 s18, $0x1387;
	[sflag:s12] =	ssyncadd.s32 $0xFFFFFF80  }
0x7a: {  	v1 =	vld @!p1 [tilespmem:$0x80];
	_ =	sdelay $0x3  }
0x7b: {  	v2 =	vlaneseq.u32 @!p1  }
0x7c: {  	v2 =	vand.u32 @!p1 $0x7, v2;
	v1 =	vshll.u32 @!p1 v1, $0x3  }
0x7d: {  	v1 =	vor.u32 @!p1 v2, v1;
	_ =	sdelay $0x3  }
0x7e: {  	v3 =	vimm.f32 @!p1 $1.000000000e+00;
	s19 =	simm.s32 @!p1 $0x100  }
0x7f: {  	[tilespmem:v1+s19+$0x0] =	vst.idx.add.f32.msk @!p1 $0xffff, v3  }
0x80: {  	v1 =	vld @!p1 [tilespmem:$0x90];
	_ =	sdelay $0x4  }
0x81: {  	v1 =	vshll.u32 @!p1 v1, $0x3  }
0x82: {  	v1 =	vor.u32 @!p1 v2, v1;
	_ =	sdelay $0x4  }
0x83: {  	[tilespmem:v1+s19+$0x0] =	vst.idx.add.f32.msk @!p1 $0xffff, v3  }
0x84: {  	v1 =	vld @!p1 [tilespmem:$0xA0];
	_ =	sdelay $0x4  }
0x85: {  	v1 =	vshll.u32 @!p1 v1, $0x3  }
0x86: {  	v1 =	vor.u32 @!p1 v2, v1;
	_ =	sdelay $0x4  }
0x87: {  	[tilespmem:v1+s19+$0x0] =	vst.idx.add.f32.msk @!p1 $0xffff, v3  }
0x88: {  	v1 =	vld @!p1 [tilespmem:$0xB0];
	_ =	sdelay $0x4  }
0x89: {  	v1 =	vshll.u32 @!p1 v1, $0x3  }
0x8a: {  	v1 =	vor.u32 @!p1 v2, v1;
	_ =	sdelay $0x4  }
0x8b: {  	[tilespmem:v1+s19+$0x0] =	vst.idx.add.f32.msk @!p1 $0xffff, v3  }
0x8c: {  	v1 =	vld @!p1 [tilespmem:$0xC0];
	_ =	sdelay $0x4  }
0x8d: {  	v1 =	vshll.u32 @!p1 v1, $0x3  }
0x8e: {  	v1 =	vor.u32 @!p1 v2, v1;
	_ =	sdelay $0x4  }
0x8f: {  	[tilespmem:v1+s19+$0x0] =	vst.idx.add.f32.msk @!p1 $0xffff, v3  }
0x90: {  	v1 =	vld @!p1 [tilespmem:$0xD0];
	_ =	sdelay $0x4  }
0x91: {  	v1 =	vshll.u32 @!p1 v1, $0x3  }
0x92: {  	v1 =	vor.u32 @!p1 v2, v1;
	_ =	sdelay $0x4  }
0x93: {  	[tilespmem:v1+s19+$0x0] =	vst.idx.add.f32.msk @!p1 $0xffff, v3  }
0x94: {  	v1 =	vld @!p1 [tilespmem:$0xE0];
	_ =	sdelay $0x4  }
0x95: {  	v1 =	vshll.u32 @!p1 v1, $0x3  }
0x96: {  	v1 =	vor.u32 @!p1 v2, v1;
	_ =	sdelay $0x4  }
0x97: {  	[tilespmem:v1+s19+$0x0] =	vst.idx.add.f32.msk @!p1 $0xffff, v3  }
0x98: {  	v1 =	vld @!p1 [tilespmem:$0xF0];
	_ =	sdelay $0x4  }
0x99: {  	v1 =	vshll.u32 @!p1 v1, $0x3  }
0x9a: {  	p2 =	seq.s32 s17, $0x4F80;
	v1 =	vor.u32 @!p1 v2, v1  }
.Ltmp3:
0x9b: {  	_ = 	snop;
	(pc) =	sbr.rel @p2 .LBB2_6-.Ltmp3, $2  }
0x9c: {  	_ =	sdelay $0x2  }
0x9d: {  	[tilespmem:v1+s19+$0x0] =	vst.idx.add.f32.msk @!p1 $0xffff, v3  }
0x9e: {  	s19 =	sand.u32 $0xFC00, s17  }
.Ltmp4:
0x9f: {  	s20 =	sand.u32 $0x380, s17;
	s19 =	sadd.s32 s3, s19;
	(pc) =	sbr.rel .LBB2_4-.Ltmp4, $4  }
0xa0: {  	s19 =	sor.u32 s20, s19  }
0xa1: {  	s19 =	sshrl.u32 s19, $0x3  }
0xa2: {  	s18 =	sadd.s32 $0x2, s18;
	s17 =	sadd.s32 $0x100, s17;
	s19 =	sadd.s32 s4, s19  }
0xa3: {  	[tilespmem:s10], [sflag:$0x2] =	stream.linear.gather [hbm4b:s19+s2], $0x80, $0x38;
	[tilespmem:$0x13D00] =	vst v63  }
.LBB2_7:
0xa4: {  	_ =	sfence.sel $0x180000  }
0xa5: {  	[bflag:$0x0] =	sbarrier.arrive $0xFFFF  }
0xa6: {  	p0 =	sne.s32 s0, $0x0;
	_ =	strace $0x90000047  }
0xa7: {  	s0 =	sadd.s32 @!p0 $0x100000, s1;
	[bflag:$0x2] =	sbarrier.arrive $0xFFFF  }
0xa8: {  	[sflag:s0] =	ssyncadd.tile.s32 @!p0 $0x1;
	_ =	shalt  }
.Lfunc_end2:
_tile_overlayer_lowered:
.L_overlay_start_2:
0xa9: {  	(tag) =	ssettag $0x2  }
0xaa: {  	s0 =	rddreg [dreg:$0x0];
	s2 =	stileid.u32  }
0xab: {  	s1 =	rddreg [dreg:$0x1];
	p0 =	sne.s32 s2, $0x0  }
0xac: {  	s3 =	rddreg [dreg:$0x2];
	[bflag:$0x3] =	sbarrier.arrive $0xFFFF;
	s2 =	simm.s32 @!p0 $0x1C03  }
0xad: {  	[timem:s3], [sflag:s2] =	dma.local @!p0 [hbm:s0], s1  }
0xae: {  	s0 =	simm.s32 @!p0 $0x3  }
0xaf: {  	_ =	swait.ge @!p0 [sflag:s0], s1  }
0xb0: {  	s1 =	ssub.s32 @!p0 $0x0, s1;
	[sflag:s0] =	ssyncset.done @!p0 $0x0  }
0xb1: {  	[sflag:s0] =	ssyncadd.s32 @!p0 s1  }
0xb2: {  	[bflag:$0x3] =	sbarrier.arrive $0xFFFF  }
0xb3: {  	_ =	shalt  }

// kernel: kernel.15.cloned.1.call-start
scs
__scs_entry_jumppad:
0x0: {  	(pc) =	sbr.rel $0x88, $3  }
0x1: {  	(tag) =	ssettag $0x0;
	lr =	simm.s32 $0x1  }
0x2: {  	[smem:$0x3F92] =	sst lr;
	_ =	strace $0xD0000000  }
0x3: {  	_ = 	snop  }
0x4: {  	_ = 	snop  }
0x5: {  	_ = 	snop  }
0x6: {  	_ = 	snop  }
0x7: {  	_ = 	snop  }
__scs_overlays_trampoline_lowered:
0x8: {  	[smem:$0x3FA1] =	sst s0  }
0x9: {  	[smem:$0x3FA2] =	sst s1  }
0xa: {  	[smem:$0x3FA3] =	sst s2  }
0xb: {  	[smem:$0x3FA4] =	sst s3  }
0xc: {  	[smem:$0x3FA5] =	sst s4  }
0xd: {  	[smem:$0x3FA6] =	sst s5  }
0xe: {  	[smem:$0x3FA7] =	sst s6  }
0xf: {  	[smem:$0x3FA8] =	sst s7  }
0x10: {  	[smem:$0x3FA9] =	sst s8  }
0x11: {  	[smem:$0x3FAA] =	sst s9;
	s0 =	simm.s32 @!p0 $0x0  }
0x12: {  	s1 =	sld [smem:$0x3F90];
	s0 =	simm.s32 @p0 $0x1  }
0x13: {  	[smem:$0x3FAB] =	sst s0;
	s0 =	simm.s32 @!p1 $0x0  }
0x14: {  	s2 =	sld [smem:$0x3F8F];
	s0 =	simm.s32 @p1 $0x1  }
0x15: {  	[smem:$0x3FAC] =	sst s0;
	s0 =	simm.s32 @!p2 $0x0  }
0x16: {  	s3 =	sld [smem:$0x3FDB];
	s0 =	simm.s32 @p2 $0x1  }
0x17: {  	s4 =	simm.s32 $0x1BF5;
	[smem:$0x3FAE] =	sst s0  }
0x18: {  	s0 =	sld [smem:$0x3F91];
	_ =	swait.ge [sflag:s4], $0x0  }
0x19: {  	s7 =	sld [smem:$0x3F92]  }
0x1a: {  	s8 =	sadd.s32 $0xFFFFE003, lr  }
0x1b: {  	s9 =	sadd.s32 $0xFFFFFEF7, lr;
	s5 =	simm.s32 $0xFFFFFFFF;
	p2 =	slt.u32 s8, $0xFFFFF086  }
0x1c: {  	p1 =	slt.u32 s9, $0xF7A;
	s5 =	simm.s32 @!p2 $0x0  }
0x1d: {  	s5 =	simm.s32 @p1 $0x1;
	p0 =	seq.s32 s7, s2  }
0x1e: {  	s7 =	smul.u32 @!p0 $0xF7A, s2;
	p2 =	seq.s32 @!p0 s5, $0x0  }
0x1f: {  	s9 =	smul.u32 $0xF7A, s1;
	s8 =	simm.s32 @!p0 $0x1BF5;
	p2 =	por !p2, p0  }
0x20: {  	[sflag:s8] =	ssyncset.s32 @!p0 $0xFFFFF086;
	s6 =	sadd.s32 @!p0 s3, s7;
	s7 =	simm.s32 @!p0 $0x108  }
0x21: {  	s3 =	sadd.s32 s3, s9;
	s6 =	sadd.s32 @!p0 $0x88, s6;
	s7 =	simm.s32 @p2 $0x1082  }
0x22: {  	[simem:s7], [sflag:s8] =	dma.local @!p0 [hbm:s6], $0xF7A  }
0x23: {  	s9 =	sor.u32 $0xD0000000, s2;
	s6 =	simm.s32 $0x108;
	_ =	swait.ge @!p0 [sflag:s8], $0x0  }
0x24: {  	s3 =	sadd.s32 $0x88, s3;
	s6 =	simm.s32 @!p1 $0x1082;
	[sflag:s4] =	ssyncset.s32 $0xFFFFF086  }
0x25: {  	[simem:s6], [sflag:s4] =	dma.local [hbm:s3], $0xF7A  }
0x26: {  	[smem:$0x3F92] =	sst s1;
	(tag) =	ssettag s2;
	_ =	strace s9  }
0x27: {  	s1 =	sld [smem:$0x3FA2]  }
0x28: {  	s2 =	sld [smem:$0x3FA3]  }
0x29: {  	s4 =	sld [smem:$0x3FA5]  }
0x2a: {  	p0 =	seq.s32 s5, $0x0;
	s5 =	sld [smem:$0x3FA6]  }
0x2b: {  	s6 =	sld [smem:$0x3FA7]  }
0x2c: {  	s7 =	sld [smem:$0x3FA8]  }
0x2d: {  	s3 =	simm.s32 $0x108;
	s8 =	sld [smem:$0x3FA9]  }
0x2e: {  	s3 =	simm.s32 @!p0 $0x1082;
	s9 =	sld [smem:$0x3FAA]  }
0x2f: {  	lr =	sadd.s32 s0, s3;
	s0 =	sld [smem:$0x3FA1]  }
0x30: {  	s3 =	sld [smem:$0x3FA4]  }
0x31: {  	[smem:$0x3FAD] =	sst s10  }
0x32: {  	s10 =	sld [smem:$0x3FAB];
	_ =	sdelay $0x3  }
0x33: {  	p0 =	seq.s32 s10, $0x1;
	s10 =	sld [smem:$0x3FAD];
	_ =	sdelay $0x3  }
0x34: {  	[smem:$0x3FAD] =	sst s10  }
0x35: {  	s10 =	sld [smem:$0x3FAC];
	_ =	sdelay $0x3  }
0x36: {  	p1 =	seq.s32 s10, $0x1;
	s10 =	sld [smem:$0x3FAD];
	_ =	sdelay $0x3  }
0x37: {  	[smem:$0x3FAD] =	sst s10  }
0x38: {  	s10 =	sld [smem:$0x3FAE]  }
0x39: {  	_ = 	snop;
	(pc) =	sbr.ind lr, $3  }
0x3a: {  	_ = 	snop  }
0x3b: {  	_ = 	snop  }
0x3c: {  	p2 =	seq.s32 s10, $0x1;
	s10 =	sld [smem:$0x3FAD]  }
0x3d: {  	_ =	shalt  }
0x3e: {  	_ =	shalt  }
0x3f: {  	_ =	shalt  }
0x40: {  	_ =	shalt  }
0x41: {  	_ =	shalt  }
0x42: {  	_ =	shalt  }
0x43: {  	_ =	shalt  }
0x44: {  	_ =	shalt  }
0x45: {  	_ =	shalt  }
0x46: {  	_ =	shalt  }
0x47: {  	_ =	shalt  }
0x48: {  	_ =	shalt  }
0x49: {  	_ =	shalt  }
0x4a: {  	_ =	shalt  }
0x4b: {  	_ =	shalt  }
0x4c: {  	_ =	shalt  }
0x4d: {  	_ =	shalt  }
0x4e: {  	_ =	shalt  }
0x4f: {  	_ =	shalt  }
0x50: {  	_ =	shalt  }
0x51: {  	_ =	shalt  }
0x52: {  	_ =	shalt  }
0x53: {  	_ =	shalt  }
0x54: {  	_ =	shalt  }
0x55: {  	_ =	shalt  }
0x56: {  	_ =	shalt  }
0x57: {  	_ =	shalt  }
0x58: {  	_ =	shalt  }
0x59: {  	_ =	shalt  }
0x5a: {  	_ =	shalt  }
0x5b: {  	_ =	shalt  }
0x5c: {  	_ =	shalt  }
0x5d: {  	_ =	shalt  }
0x5e: {  	_ =	shalt  }
0x5f: {  	_ =	shalt  }
0x60: {  	_ =	shalt  }
0x61: {  	_ =	shalt  }
0x62: {  	_ =	shalt  }
0x63: {  	_ =	shalt  }
0x64: {  	_ =	shalt  }
0x65: {  	_ =	shalt  }
0x66: {  	_ =	shalt  }
0x67: {  	_ =	shalt  }
0x68: {  	_ =	shalt  }
0x69: {  	_ =	shalt  }
0x6a: {  	_ =	shalt  }
0x6b: {  	_ =	shalt  }
0x6c: {  	_ =	shalt  }
0x6d: {  	_ =	shalt  }
0x6e: {  	_ =	shalt  }
0x6f: {  	_ =	shalt  }
0x70: {  	_ =	shalt  }
0x71: {  	_ =	shalt  }
0x72: {  	_ =	shalt  }
0x73: {  	_ =	shalt  }
0x74: {  	_ =	shalt  }
0x75: {  	_ =	shalt  }
0x76: {  	_ =	shalt  }
0x77: {  	_ =	shalt  }
0x78: {  	_ =	shalt  }
0x79: {  	_ =	shalt  }
0x7a: {  	_ =	shalt  }
0x7b: {  	_ =	shalt  }
0x7c: {  	_ =	shalt  }
0x7d: {  	_ =	shalt  }
0x7e: {  	_ =	shalt  }
0x7f: {  	_ =	shalt  }
0x80: {  	_ =	shalt  }
0x81: {  	_ =	shalt  }
0x82: {  	_ =	shalt  }
0x83: {  	_ =	shalt  }
0x84: {  	_ =	shalt  }
0x85: {  	_ =	shalt  }
0x86: {  	_ =	shalt  }
0x87: {  	_ =	shalt  }
.Lfunc_end0:
.L_simem_size_0:
called_computation.1_lowered:
.L_overlay_start_0:
0x88: {  	s2 =	sld [smem:$0x3FD9]  }
0x89: {  	s3 =	sld [smem:$0x3FFE];
	_ =	sdelay $0x1  }
0x8a: {  	s1 =	srdreg.scid  }
0x8b: {  	s0 =	sand.u32 $0x1, s1  }
0x8c: {  	s16 =	sshll.u32 s0, $0xA;
	s2 =	sadd.s32 s3, s2  }
0x8d: {  	s2 =	sadd.s32 s2, s16  }
0x8e: {  	[smem:$0x3FB9] =	sst s2  }
0x8f: {  	_ = 	snop  }
0x90: {  	(tm) =	ssettm $0x1  }
0x91: {  	s17 =	sld [smem:$0x3FFB];
	_ =	sdelay $0x3  }
0x92: {  	_ =	strace s17  }
0x93: {  	s2 =	sld [smem:$0x3FFC];
	_ =	sdelay $0x3  }
0x94: {  	_ =	strace s2  }
0x95: {  	s2 =	sld [smem:$0x3FFD];
	_ =	sdelay $0x3  }
0x96: {  	_ =	strace s2  }
0x97: {  	_ =	strace $0x8FFFFFFF  }
0x98: {  	s18 =	sld [smem:$0x3FDB];
	_ =	sdelay $0x1  }
0x99: {  	s19 =	simm.s32 $_scs_section_size  }
0x9a: {  	s4 =	simm.s32 $_size__tile_overlayer_lowered;
	s5 =	simm.s32 $_tile_overlayer_lowered  }
0x9b: {  	s22 =	simm.s32 $0x1BFF;
	s21 =	sshll.u32 s5, $0x1;
	s2 =	sadd.s32 s19, s18  }
0x9c: {  	s6 =	simm.s32 $0x0;
	s20 =	sshll.u32 s4, $0x1;
	s4 =	sadd.s32 s21, s2  }
0x9d: {  	[timem:s6], [sflag:s22] =	dma.local [hbm:s4], s20  }
0x9e: {  	_ =	swait.ge [sflag:s22], s20  }
0x9f: {  	s3 =	ssub.s32 $0x0, s20;
	[sflag:s22] =	ssyncset.done $0x0  }
0xa0: {  	[sflag:s22] =	ssyncadd.s32 s3;
	_ =	sdelay $0x1  }
0xa1: {  	s23 =	simm.s32 $0x1B8B  }
0xa2: {  	_ =	swait.ge [sflag:s23], $0x1  }
0xa3: {  	[sflag:s23] =	ssyncset.done $0x0  }
0xa4: {  	s25 =	simm.s32 $0x1B8E;
	s24 =	sld [smem:$0x3FFE];
	[sflag:s23] =	ssyncadd.s32 $0xFFFFFFFF  }
0xa5: {  	s26 =	simm.s32 $execute0_lowered;
	[smem:$0x3FD2] =	sst s25  }
0xa6: {  	s4 =	sshll.u32 s26, $0x1;
	_ =	strace $0x80000049;
	[dreg:$0x1] =	wrdreg $0xFFFFFFFF  }
0xa7: {  	s28 =	simm.s32 $_size_execute0_lowered;
	s2 =	sadd.s32 s2, s4;
	[dreg:$0x0] =	wrdreg $0x0  }
0xa8: {  	s4 =	sshll.u32 s28, $0x1;
	[dreg:$0x2] =	wrdreg s2  }
0xa9: {  	[dreg:$0x3] =	wrdreg s4  }
0xaa: {  	[dreg:$0x4] =	wrdreg $0xC0  }
0xab: {  	_ =	task [dreg:s6], $0x5FFFF  }
0xac: {  	[dreg:$0x1] =	wrdreg $0xFFFFFFFF  }
0xad: {  	[dreg:$0x0] =	wrdreg $0x60  }
0xae: {  	[dreg:$0x2] =	wrdreg s24  }
0xaf: {  	[dreg:$0x3] =	wrdreg $0xC4000  }
0xb0: {  	[dreg:$0x4] =	wrdreg $0x9  }
0xb1: {  	_ =	task.clear_ibuf [dreg:s6], $0x5FFFF;
	_ =	strace $0x90000049  }
0xb2: {  	s29 =	simm.s32 $0x9;
	_ =	strace $0x8000004B  }
0xb3: {  	_ =	swait.ge [sflag:s29], $0x1  }
0xb4: {  	[sflag:s29] =	ssyncadd.s32 $0xFFFFFFFF  }
0xb5: {  	_ =	strace $0x9000004B  }
0xb6: {  	_ =	sfence  }
0xb7: {  	s30 =	sld [smem:$0x0];
	_ =	sdelay $0x2  }
0xb8: {  	s31 =	sshll.u32 s1, $0xD;
	s1 =	sshrl.u32 s1, $0x2  }
0xb9: {  	s3 =	sand.u32 $0x4000, s31;
	s1 =	sadd.s32 s1, s30  }
0xba: {  	s0 =	sor.u32 s3, s0;
	s1 =	sshll.u32 s1, $0x11  }
0xbb: {  	s0 =	sor.u32 s1, s0  }
0xbc: {  	s0 =	sadd.s32 $0x8F2B, s0  }
0xbd: {  	[sflag:s0] =	ssyncadd.remote.s32 $0x1  }
0xbe: {  	_ =	sfence.sel $0xFFFF  }
0xbf: {  	[dreg:$0x0] =	wrdreg $0xFFFFFFFF;
	(pc) =	sbr.abs _section_cstart, $3  }
0xc0: {  	[dreg:$0x1] =	wrdreg $0xFFFFFFFF  }
0xc1: {  	_ =	task.clear_ibuf [dreg:s6], $0x2FFFF;
	_ =	strace $0x9FFFFFFF  }
0xc2: {  	(tm) =	ssettm $0x7FFFFFFF  }
0xc3: {  	_ =	shalt  }
tec
execute0_lowered:
.L_overlay_start_1:
0x0: {  	(tag) =	ssettag $0x1  }
0x1: {  	s0 =	rddreg [dreg:$0x0]  }
0x2: {  	s2 =	rddreg [dreg:$0x1];
	s3 =	simm.s32 $0x0  }
0x3: {  	s14 =	stileid.u32;
	s1 =	srdreg.scid;
	s28 =	simm.s32 $0x400  }
0x4: {  	s29 =	simm.s32 $0x2;
	s30 =	simm.s32 $0x4400;
	s31 =	simm.s32 $0x7  }
0x5: {  	[smem:$0x7FF] =	sst s3;
	s7 =	smul.u32 $0x13C00, s14;
	s1 =	sand.u32 $0x1, s1  }
0x6: {  	s4 =	sadd.s32 $0x17800, s0;
	s5 =	sadd.s32 $0x66800, s0;
	s11 =	smul.u32 $0x4F000, s14  }
0x7: {  	s6 =	sadd.s32 $0x3800, s0;
	s25 =	sshll.u32 s14, $0x1;
	s20 =	smul.u32 $0x13E, s14  }
0x8: {  	s15 =	sshll.u32 s14, $0x6;
	s24 =	smul.u32 $0x9F00, s14;
	s14 =	simm.s32 $0x6  }
0x9: {  	_ =	strace $0x8000004A;
	s8 =	smul.u32 $0x13C000, s1;
	s10 =	ssub.s32 $0x2, s1  }
0xa: {  	s15 =	sor.u32 $0x1C0A, s15;
	s22 =	smul.u32 $0x9F, s1;
	s9 =	sshrl.u32 s7, $0x3  }
0xb: {  	s13 =	sshrl.u32 s10, $0x1;
	[dreg:$0x4] =	wrdreg s15;
	s9 =	sadd.s32 s9, s0  }
0xc: {  	s7 =	sadd.s32 s7, s8;
	s8 =	sor.u32 s1, s25;
	s26 =	ssub.s32 s10, s13  }
0xd: {  	s13 =	sshrl.u32 s11, $0x2;
	s11 =	sadd.s32 s22, s20;
	s1 =	smul.u32 $0x4F80, s1  }
0xe: {  	s22 =	simm.s32 $0x200;
	s12 =	sshrl.u32 s7, $0x3;
	s7 =	smul.u32 $0x5000, s8  }
0xf: {  	s10 =	sadd.s32 s13, s2;
	s9 =	sadd.s32 $0x3EA00, s9;
	s25 =	smax.u32 s26, $0x1  }
0x10: {  	s26 =	sadd.s32 $0x2, s11;
	s8 =	simm.s32 $0x8400;
	[dreg:$0x3] =	wrdreg s9  }
0x11: {  	s11 =	simm.s32 $0x5;
	s13 =	simm.s32 $0x9;
	[dreg:$0xc] =	wrdreg s25  }
0x12: {  	s0 =	sadd.s32 s12, s0;
	[dreg:$0xd] =	wrdreg s26;
	s25 =	simm.s32 $0x300  }
0x13: {  	s26 =	simm.s32 $0x1;
	s16 =	sshrl.u32 s7, $0x3;
	s0 =	sadd.s32 $0x7A800, s0  }
0x14: {  	s17 =	sadd.s32 s5, s16;
	s18 =	sadd.s32 s6, s16;
	[dreg:$0xb] =	wrdreg s0  }
0x15: {  	s19 =	sor.u32 $0x10, s16;
	s12 =	sor.u32 $0x20, s16;
	[dreg:$0x5] =	wrdreg s17  }
0x16: {  	s16 =	sshrl.u32 s10, $0x3;
	s0 =	simm.s32 $0x4;
	[dreg:$0x6] =	wrdreg s18  }
0x17: {  	s10 =	simm.s32 $0x8;
	s21 =	sadd.s32 s5, s19;
	[dreg:$0xe] =	wrdreg s16  }
.Ltmp0:
0x18: {  	s9 =	sadd.s32 s6, s19;
	[dreg:$0x7] =	wrdreg s21;
	(pc) =	sbr.rel .LBB2_1-.Ltmp0, $4  }
0x19: {  	s23 =	sadd.s32 s5, s12;
	s12 =	sadd.s32 s6, s12;
	[dreg:$0x8] =	wrdreg s9  }
0x1a: {  	s19 =	sadd.s32 s1, s24;
	s24 =	simm.s32 $0x100;
	[dreg:$0x9] =	wrdreg s23  }
0x1b: {  	s1 =	simm.s32 $0x3;
	s17 =	simm.s32 $0x0;
	[dreg:$0xa] =	wrdreg s12  }
0x1c: {  	s21 =	simm.s32 $0xA;
	s23 =	simm.s32 $0x80;
	s12 =	simm.s32 $0x280  }
.LBB2_16:
0x1d: {  	[bflag:$0x0] =	sbarrier.arrive $0xFFFF  }
0x1e: {  	s15 =	rddreg [dreg:$0x4]  }
0x1f: {  	s9 =	rddreg [dreg:$0xb]  }
0x20: {  	s16 =	rddreg [dreg:$0xe]  }
0x21: {  	[hbm:s9], [sflag:s15] =	dma.local [spmem:s16], $0x2780  }
0x22: {  	_ =	swait.ge [sflag:s21], $0x2780  }
0x23: {  	s17 =	rddreg [dreg:$0xf]  }
0x24: {  	s20 =	rddreg [dreg:$0xc];
	s17 =	sadd.s32 $0x1, s17  }
0x25: {  	p0 =	sne.s32 s17, s20  }
.Ltmp1:
0x26: {  	_ = 	snop;
	(pc) =	sbr.rel @!p0 .LBB2_17-.Ltmp1, $3  }
0x27: {  	_ =	sdelay $0x1  }
0x28: {  	[sflag:s21] =	ssyncset.done $0x0  }
0x29: {  	[sflag:s21] =	ssyncadd.s32 $0xFFFFD880  }
.LBB2_1:
0x2a: {  	[dreg:$0xf] =	wrdreg s17  }
0x2b: {  	s9 =	rddreg [dreg:$0x3]  }
0x2c: {  	[spmem:s16], [sflag:s15] =	dma.local [hbm:s9], $0x2780  }
0x2d: {  	_ =	swait.ge [sflag:s21], $0x2780  }
0x2e: {  	[sflag:s21] =	ssyncset.done $0x0  }
0x2f: {  	s20 =	rddreg [dreg:$0x5];
	[sflag:s21] =	ssyncadd.s32 $0xFFFFD880  }
0x30: {  	[tilespmem:s3], [sflag:$0x1] =	stream.linear.gather [hbm4b:s20+s3], $0x80, $0x38;
	v63 =	vld [tilespmem:$0x0]  }
0x31: {  	s15 =	rddreg [dreg:$0x6]  }
0x32: {  	[tilespmem:s22], [sflag:$0x4] =	stream.linear.gather [hbm4b:s15+s3], $0x80, $0x38;
	v63 =	vld [tilespmem:$0x0]  }
0x33: {  	s16 =	rddreg [dreg:$0x7]  }
0x34: {  	[tilespmem:s23], [sflag:$0x2] =	stream.linear.gather [hbm4b:s16+s3], $0x80, $0x38;
	v63 =	vld [tilespmem:$0x0]  }
0x35: {  	s17 =	rddreg [dreg:$0x8]  }
0x36: {  	[tilespmem:s12], [sflag:$0x5] =	stream.linear.gather [hbm4b:s17+s3], $0x80, $0x38;
	v63 =	vld [tilespmem:$0x0]  }
0x37: {  	s18 =	rddreg [dreg:$0x9]  }
0x38: {  	[tilespmem:s24], [sflag:$0x3] =	stream.linear.gather [hbm4b:s18+s3], $0x80, $0x38;
	v63 =	vld [tilespmem:$0x0]  }
0x39: {  	s20 =	rddreg [dreg:$0xa]  }
0x3a: {  	[tilespmem:s25], [sflag:$0x6] =	stream.linear.gather [hbm4b:s20+s3], $0x80, $0x38;
	v63 =	vld [tilespmem:$0x0]  }
0x3b: {  	_ =	swait.ge [sflag:s26], $0x80  }
.Ltmp2:
0x3c: {  	[sflag:s26] =	ssyncset.done $0x0;
	(pc) =	sbr.rel .LBB2_2-.Ltmp2, $4  }
0x3d: {  	[sflag:s26] =	ssyncadd.s32 $0xFFFFFF80  }
0x3e: {  	[tilespmem:s28], [sflag:$0x7] =	stream.indirect.gather [hbm4b:s4+s23], $0x80, s3, s23, $0xb8;
	v63 =	vld [tilespmem:$0x0]  }
0x3f: {  	[bflag:$0x0] =	sbarrier.arrive $0xFFFF  }
0x40: {  	s17 =	simm.s32 $0x280;
	s18 =	rddreg [dreg:$0xd]  }
.LBB2_12:
0x41: {  	_ =	swait.ge [sflag:s26], $0x80  }
0x42: {  	[sflag:s26] =	ssyncset.done $0x0  }
0x43: {  	[sflag:s26] =	ssyncadd.s32 $0xFFFFFF80  }
0x44: {  	[tilespmem:s28], [sflag:$0x7] =	stream.indirect.gather [hbm4b:s4+s23], $0x80, s3, s23, $0xb8;
	v63 =	vld [tilespmem:$0x0]  }
.LBB2_14:
0x45: {  	_ =	swait.ge [sflag:s13], $0x4000  }
0x46: {  	[sflag:s13] =	ssyncset.done $0x0  }
0x47: {  	p1 =	sgt.u32 s18, $0x1384;
	[sflag:s13] =	ssyncadd.s32 $0xFFFFC000  }
0x48: {  	p0 =	por p1, p0;
	_ =	swait.ge [sflag:s14], $0x80  }
0x49: {  	s9 =	sand.u32 @!p0 $0xFC00, s17;
	[sflag:s14] =	ssyncset.done $0x0  }
0x4a: {  	s15 =	sand.u32 @!p0 $0x380, s17;
	s9 =	sadd.s32 @!p0 s7, s9;
	[sflag:s14] =	ssyncadd.s32 $0xFFFFFF80  }
0x4b: {  	[spmem:s2] =	stream.indirect.scatter.add.f32 [tilespmem:s8], [sflag:$0xA], $0x80, s25, s23, $0xb8;
	v63 =	vld [tilespmem:$0x0]  }
0x4c: {  	s9 =	sor.u32 @!p0 s15, s9;
	_ =	swait.ge [sflag:s21], $0x4000  }
0x4d: {  	s16 =	simm.s32 @!p0 $0x0;
	s9 =	sshrl.u32 @!p0 s9, $0x3;
	[sflag:s21] =	ssyncset.done $0x0  }
0x4e: {  	s20 =	simm.s32 @!p0 $0x100;
	s15 =	sadd.s32 @!p0 s5, s9;
	[sflag:s21] =	ssyncadd.s32 $0xFFFFC000  }
0x4f: {  	[tilespmem:s20], [sflag:$0x3] =	stream.linear.gather @!p0 [hbm4b:s15+s16], $0x80, $0x38;
	v63 =	vld [tilespmem:$0x0]  }
0x50: {  	s9 =	sadd.s32 @!p0 s6, s9;
	s15 =	simm.s32 @!p0 $0x300  }
0x51: {  	[tilespmem:s15], [sflag:$0x6] =	stream.linear.gather @!p0 [hbm4b:s9+s16], $0x80, $0x38;
	v63 =	vld [tilespmem:$0x0]  }
.LBB2_15:
0x52: {  	s17 =	sadd.s32 $0x180, s17  }
0x53: {  	p0 =	sne.s32 s17, $0x5200  }
.Ltmp3:
0x54: {  	_ = 	snop;
	(pc) =	sbr.rel @!p0 .LBB2_16-.Ltmp3, $2  }
0x55: {  	_ =	sdelay $0x2  }
0x56: {  	s18 =	sadd.s32 $0x3, s18  }
.LBB2_2:
0x57: {  	s9 =	sadd.s32 $0xFFFFFFFE, s18  }
0x58: {  	p0 =	sgt.u32 s9, $0x1386  }
.Ltmp4:
0x59: {  	_ = 	snop;
	(pc) =	sbr.rel @p0 .LBB2_5-.Ltmp4, $2  }
0x5a: {  	_ =	sdelay $0x2  }
0x5b: {  	s16 =	sadd.s32 s17, s19  }
.Ltmp5:
0x5c: {  	(pc) =	sbr.rel .LBB2_4-.Ltmp5, $4  }
0x5d: {  	_ =	swait.ge [sflag:s29], $0x80  }
0x5e: {  	[sflag:s29] =	ssyncset.done $0x0  }
0x5f: {  	[sflag:s29] =	ssyncadd.s32 $0xFFFFFF80  }
0x60: {  	[tilespmem:s30], [sflag:$0x8] =	stream.indirect.gather [hbm4b:s4+s23], $0x80, s23, s23, $0xb8;
	v63 =	vld [tilespmem:$0x0]  }
.LBB2_5:
0x61: {  	p0 =	seq.s32 s16, $0x9C600  }
.Ltmp6:
0x62: {  	_ = 	snop;
	(pc) =	sbr.rel @!p0 .LBB2_6-.Ltmp6, $1  }
0x63: {  	_ =	sdelay $0x3  }
.LBB2_4:
0x64: {  	_ =	swait.ge [sflag:s31], $0x4000;
	p1 =	seq.s32 s17, $0x5080  }
0x65: {  	[sflag:s31] =	ssyncset.done $0x0;
	p2 =	sgt.u32 @!p1 s9, $0x1384  }
0x66: {  	[sflag:s31] =	ssyncadd.s32 $0xFFFFC000;
	p3 =	por p2, p1  }
0x67: {  	_ =	swait.ge [sflag:s0], $0x80;
	s9 =	sadd.s32 @!p3 $0xFFFFFF00, s17  }
0x68: {  	[sflag:s0] =	ssyncset.done $0x0;
	s20 =	sand.u32 @!p3 $0xFC00, s9  }
0x69: {  	s9 =	sand.u32 @!p3 $0x380, s9;
	[sflag:s0] =	ssyncadd.s32 $0xFFFFFF80;
	s20 =	sadd.s32 @!p3 s7, s20  }
0x6a: {  	[spmem:s2] =	stream.indirect.scatter.add.f32 [tilespmem:s28], [sflag:$0xA], $0x80, s22, s23, $0xb8;
	v63 =	vld [tilespmem:$0x0]  }
0x6b: {  	s9 =	sor.u32 @!p3 s9, s20;
	_ =	swait.ge [sflag:s21], $0x4000  }
0x6c: {  	s9 =	sshrl.u32 @!p3 s9, $0x3;
	[sflag:s21] =	ssyncset.done $0x0  }
0x6d: {  	s15 =	simm.s32 @!p3 $0x0;
	s20 =	sadd.s32 @!p3 s5, s9;
	[sflag:s21] =	ssyncadd.s32 $0xFFFFC000  }
0x6e: {  	[tilespmem:s15], [sflag:$0x1] =	stream.linear.gather @!p3 [hbm4b:s20+s15], $0x80, $0x38;
	v63 =	vld [tilespmem:$0x0]  }
.Ltmp7:
0x6f: {  	s9 =	sadd.s32 @!p3 s6, s9;
	s20 =	simm.s32 @!p3 $0x200;
	(pc) =	sbr.rel .LBB2_7-.Ltmp7, $4  }
0x70: {  	[tilespmem:s20], [sflag:$0x4] =	stream.linear.gather @!p3 [hbm4b:s9+s15], $0x80, $0x38;
	v63 =	vld [tilespmem:$0x0]  }
0x71: {  	p0 =	sne.s32 s17, $0x5080;
	p2 =	por !p2, p1;
	p3 =	por @!p3 $0x1, $0x1  }
0x72: {  	p3 =	por @!p2 p0, p0  }
0x73: {  	p0 =	por @!p1 p3, p3  }
.LBB2_6:
0x74: {  	p0 =	sne.s32 s17, $0x5080  }
.LBB2_7:
0x75: {  	s9 =	sadd.s32 $0xFFFFFFFF, s18  }
0x76: {  	p1 =	sgt.u32 s9, $0x1386  }
.Ltmp8:
0x77: {  	_ = 	snop;
	(pc) =	sbr.rel @p1 .LBB2_9-.Ltmp8, $1  }
0x78: {  	_ =	sdelay $0x3  }
.Ltmp9:
0x79: {  	(pc) =	sbr.rel .LBB2_10-.Ltmp9, $4  }
0x7a: {  	_ =	swait.ge [sflag:s1], $0x80  }
0x7b: {  	[sflag:s1] =	ssyncset.done $0x0  }
0x7c: {  	[sflag:s1] =	ssyncadd.s32 $0xFFFFFF80  }
0x7d: {  	[tilespmem:s8], [sflag:$0x9] =	stream.indirect.gather [hbm4b:s4+s23], $0x80, s24, s23, $0xb8;
	v63 =	vld [tilespmem:$0x0]  }
.LBB2_9:
0x7e: {  	p1 =	sne.s32 s16, $0x9C580  }
.Ltmp10:
0x7f: {  	_ = 	snop;
	(pc) =	sbr.rel @p1 .LBB2_11-.Ltmp10, $1  }
0x80: {  	_ =	sdelay $0x3  }
.LBB2_10:
0x81: {  	_ =	swait.ge [sflag:s10], $0x4000  }
0x82: {  	p1 =	sgt.u32 s9, $0x1384;
	p2 =	por !p0, !p0;
	[sflag:s10] =	ssyncset.done $0x0  }
0x83: {  	p1 =	por p1, p2;
	[sflag:s10] =	ssyncadd.s32 $0xFFFFC000  }
0x84: {  	s9 =	sadd.s32 @!p1 $0xFFFFFF80, s17;
	_ =	swait.ge [sflag:s11], $0x80  }
0x85: {  	s15 =	sand.u32 @!p1 $0xFC00, s9;
	[sflag:s11] =	ssyncset.done $0x0  }
0x86: {  	s9 =	sand.u32 @!p1 $0x380, s9;
	s15 =	sadd.s32 @!p1 s7, s15;
	[sflag:s11] =	ssyncadd.s32 $0xFFFFFF80  }
0x87: {  	[spmem:s2] =	stream.indirect.scatter.add.f32 [tilespmem:s30], [sflag:$0xA], $0x80, s12, s23, $0xb8;
	v63 =	vld [tilespmem:$0x0]  }
0x88: {  	s9 =	sor.u32 @!p1 s9, s15;
	_ =	swait.ge [sflag:s21], $0x4000  }
0x89: {  	s16 =	simm.s32 @!p1 $0x0;
	s9 =	sshrl.u32 @!p1 s9, $0x3;
	[sflag:s21] =	ssyncset.done $0x0  }
0x8a: {  	s20 =	simm.s32 @!p1 $0x80;
	s15 =	sadd.s32 @!p1 s5, s9;
	[sflag:s21] =	ssyncadd.s32 $0xFFFFC000  }
0x8b: {  	[tilespmem:s20], [sflag:$0x2] =	stream.linear.gather @!p1 [hbm4b:s15+s16], $0x80, $0x38;
	v63 =	vld [tilespmem:$0x0]  }
0x8c: {  	s9 =	sadd.s32 @!p1 s6, s9;
	s15 =	simm.s32 @!p1 $0x280  }
0x8d: {  	[tilespmem:s15], [sflag:$0x5] =	stream.linear.gather @!p1 [hbm4b:s9+s16], $0x80, $0x38;
	v63 =	vld [tilespmem:$0x0]  }
.LBB2_11:
0x8e: {  	p1 =	sgt.u32 s18, $0x1386;
	p0 =	por !p0, !p0  }
0x8f: {  	p1 =	por p1, p0  }
.Ltmp11:
0x90: {  	_ = 	snop;
	(pc) =	sbr.rel @!p1 .LBB2_12-.Ltmp11, $1  }
0x91: {  	_ =	sdelay $0x3  }
0x92: {  	p1 =	sgt.u32 s18, $0x1387  }
.Ltmp12:
0x93: {  	_ = 	snop;
	(pc) =	sbr.rel @p1 .LBB2_15-.Ltmp12, $4  }
.Ltmp13:
0x94: {  	_ = 	snop;
	(pc) =	sbr.rel @!p1 .LBB2_14-.Ltmp13, $4  }
0x95: {  	_ = 	snop  }
0x96: {  	_ = 	snop  }
0x97: {  	_ = 	snop  }
0x98: {  	_ = 	snop  }
.LBB2_17:
0x99: {  	_ =	sfence.sel $0x180000  }
0x9a: {  	[bflag:$0x0] =	sbarrier.arrive $0xFFFF  }
0x9b: {  	_ =	strace $0x9000004A  }
0x9c: {  	s0 =	stileid.u32;
	[bflag:$0x2] =	sbarrier.arrive $0xFFFF  }
0x9d: {  	p0 =	sne.s32 s0, $0x0;
	s0 =	rddreg [dreg:$0x2]  }
0x9e: {  	s0 =	sadd.s32 @!p0 $0x100000, s0  }
0x9f: {  	[sflag:s0] =	ssyncadd.tile.s32 @!p0 $0x1;
	_ =	shalt  }
.Lfunc_end2:
_tile_overlayer_lowered:
.L_overlay_start_2:
0xa0: {  	(tag) =	ssettag $0x2  }
0xa1: {  	s0 =	rddreg [dreg:$0x0];
	s2 =	stileid.u32  }
0xa2: {  	s1 =	rddreg [dreg:$0x1];
	p0 =	sne.s32 s2, $0x0  }
0xa3: {  	s3 =	rddreg [dreg:$0x2];
	[bflag:$0x3] =	sbarrier.arrive $0xFFFF;
	s2 =	simm.s32 @!p0 $0x1C0A  }
0xa4: {  	[timem:s3], [sflag:s2] =	dma.local @!p0 [hbm:s0], s1  }
0xa5: {  	s0 =	simm.s32 @!p0 $0xA  }
0xa6: {  	_ =	swait.ge @!p0 [sflag:s0], s1  }
0xa7: {  	s1 =	ssub.s32 @!p0 $0x0, s1;
	[sflag:s0] =	ssyncset.done @!p0 $0x0  }
0xa8: {  	[sflag:s0] =	ssyncadd.s32 @!p0 s1  }
0xa9: {  	[bflag:$0x3] =	sbarrier.arrive $0xFFFF  }
0xaa: {  	_ =	shalt  }

// kernel: kernel.18.cloned.1.call-start
scs
__scs_entry_jumppad:
0x0: {  	(pc) =	sbr.rel $0x88, $3  }
0x1: {  	(tag) =	ssettag $0x0;
	lr =	simm.s32 $0x1  }
0x2: {  	[smem:$0x3F92] =	sst lr;
	_ =	strace $0xD0000000  }
0x3: {  	_ = 	snop  }
0x4: {  	_ = 	snop  }
0x5: {  	_ = 	snop  }
0x6: {  	_ = 	snop  }
0x7: {  	_ = 	snop  }
__scs_overlays_trampoline_lowered:
0x8: {  	[smem:$0x3FA1] =	sst s0  }
0x9: {  	[smem:$0x3FA2] =	sst s1  }
0xa: {  	[smem:$0x3FA3] =	sst s2  }
0xb: {  	[smem:$0x3FA4] =	sst s3  }
0xc: {  	[smem:$0x3FA5] =	sst s4  }
0xd: {  	[smem:$0x3FA6] =	sst s5  }
0xe: {  	[smem:$0x3FA7] =	sst s6  }
0xf: {  	[smem:$0x3FA8] =	sst s7  }
0x10: {  	[smem:$0x3FA9] =	sst s8  }
0x11: {  	[smem:$0x3FAA] =	sst s9;
	s0 =	simm.s32 @!p0 $0x0  }
0x12: {  	s1 =	sld [smem:$0x3F90];
	s0 =	simm.s32 @p0 $0x1  }
0x13: {  	[smem:$0x3FAB] =	sst s0;
	s0 =	simm.s32 @!p1 $0x0  }
0x14: {  	s2 =	sld [smem:$0x3F8F];
	s0 =	simm.s32 @p1 $0x1  }
0x15: {  	[smem:$0x3FAC] =	sst s0;
	s0 =	simm.s32 @!p2 $0x0  }
0x16: {  	s3 =	sld [smem:$0x3FDB];
	s0 =	simm.s32 @p2 $0x1  }
0x17: {  	s4 =	simm.s32 $0x1BF5;
	[smem:$0x3FAE] =	sst s0  }
0x18: {  	s0 =	sld [smem:$0x3F91];
	_ =	swait.ge [sflag:s4], $0x0  }
0x19: {  	s7 =	sld [smem:$0x3F92]  }
0x1a: {  	s8 =	sadd.s32 $0xFFFFE003, lr  }
0x1b: {  	s9 =	sadd.s32 $0xFFFFFEF7, lr;
	s5 =	simm.s32 $0xFFFFFFFF;
	p2 =	slt.u32 s8, $0xFFFFF086  }
0x1c: {  	p1 =	slt.u32 s9, $0xF7A;
	s5 =	simm.s32 @!p2 $0x0  }
0x1d: {  	s5 =	simm.s32 @p1 $0x1;
	p0 =	seq.s32 s7, s2  }
0x1e: {  	s7 =	smul.u32 @!p0 $0xF7A, s2;
	p2 =	seq.s32 @!p0 s5, $0x0  }
0x1f: {  	s9 =	smul.u32 $0xF7A, s1;
	s8 =	simm.s32 @!p0 $0x1BF5;
	p2 =	por !p2, p0  }
0x20: {  	[sflag:s8] =	ssyncset.s32 @!p0 $0xFFFFF086;
	s6 =	sadd.s32 @!p0 s3, s7;
	s7 =	simm.s32 @!p0 $0x108  }
0x21: {  	s3 =	sadd.s32 s3, s9;
	s6 =	sadd.s32 @!p0 $0x88, s6;
	s7 =	simm.s32 @p2 $0x1082  }
0x22: {  	[simem:s7], [sflag:s8] =	dma.local @!p0 [hbm:s6], $0xF7A  }
0x23: {  	s9 =	sor.u32 $0xD0000000, s2;
	s6 =	simm.s32 $0x108;
	_ =	swait.ge @!p0 [sflag:s8], $0x0  }
0x24: {  	s3 =	sadd.s32 $0x88, s3;
	s6 =	simm.s32 @!p1 $0x1082;
	[sflag:s4] =	ssyncset.s32 $0xFFFFF086  }
0x25: {  	[simem:s6], [sflag:s4] =	dma.local [hbm:s3], $0xF7A  }
0x26: {  	[smem:$0x3F92] =	sst s1;
	(tag) =	ssettag s2;
	_ =	strace s9  }
0x27: {  	s1 =	sld [smem:$0x3FA2]  }
0x28: {  	s2 =	sld [smem:$0x3FA3]  }
0x29: {  	s4 =	sld [smem:$0x3FA5]  }
0x2a: {  	p0 =	seq.s32 s5, $0x0;
	s5 =	sld [smem:$0x3FA6]  }
0x2b: {  	s6 =	sld [smem:$0x3FA7]  }
0x2c: {  	s7 =	sld [smem:$0x3FA8]  }
0x2d: {  	s3 =	simm.s32 $0x108;
	s8 =	sld [smem:$0x3FA9]  }
0x2e: {  	s3 =	simm.s32 @!p0 $0x1082;
	s9 =	sld [smem:$0x3FAA]  }
0x2f: {  	lr =	sadd.s32 s0, s3;
	s0 =	sld [smem:$0x3FA1]  }
0x30: {  	s3 =	sld [smem:$0x3FA4]  }
0x31: {  	[smem:$0x3FAD] =	sst s10  }
0x32: {  	s10 =	sld [smem:$0x3FAB];
	_ =	sdelay $0x3  }
0x33: {  	p0 =	seq.s32 s10, $0x1;
	s10 =	sld [smem:$0x3FAD];
	_ =	sdelay $0x3  }
0x34: {  	[smem:$0x3FAD] =	sst s10  }
0x35: {  	s10 =	sld [smem:$0x3FAC];
	_ =	sdelay $0x3  }
0x36: {  	p1 =	seq.s32 s10, $0x1;
	s10 =	sld [smem:$0x3FAD];
	_ =	sdelay $0x3  }
0x37: {  	[smem:$0x3FAD] =	sst s10  }
0x38: {  	s10 =	sld [smem:$0x3FAE]  }
0x39: {  	_ = 	snop;
	(pc) =	sbr.ind lr, $3  }
0x3a: {  	_ = 	snop  }
0x3b: {  	_ = 	snop  }
0x3c: {  	p2 =	seq.s32 s10, $0x1;
	s10 =	sld [smem:$0x3FAD]  }
0x3d: {  	_ =	shalt  }
0x3e: {  	_ =	shalt  }
0x3f: {  	_ =	shalt  }
0x40: {  	_ =	shalt  }
0x41: {  	_ =	shalt  }
0x42: {  	_ =	shalt  }
0x43: {  	_ =	shalt  }
0x44: {  	_ =	shalt  }
0x45: {  	_ =	shalt  }
0x46: {  	_ =	shalt  }
0x47: {  	_ =	shalt  }
0x48: {  	_ =	shalt  }
0x49: {  	_ =	shalt  }
0x4a: {  	_ =	shalt  }
0x4b: {  	_ =	shalt  }
0x4c: {  	_ =	shalt  }
0x4d: {  	_ =	shalt  }
0x4e: {  	_ =	shalt  }
0x4f: {  	_ =	shalt  }
0x50: {  	_ =	shalt  }
0x51: {  	_ =	shalt  }
0x52: {  	_ =	shalt  }
0x53: {  	_ =	shalt  }
0x54: {  	_ =	shalt  }
0x55: {  	_ =	shalt  }
0x56: {  	_ =	shalt  }
0x57: {  	_ =	shalt  }
0x58: {  	_ =	shalt  }
0x59: {  	_ =	shalt  }
0x5a: {  	_ =	shalt  }
0x5b: {  	_ =	shalt  }
0x5c: {  	_ =	shalt  }
0x5d: {  	_ =	shalt  }
0x5e: {  	_ =	shalt  }
0x5f: {  	_ =	shalt  }
0x60: {  	_ =	shalt  }
0x61: {  	_ =	shalt  }
0x62: {  	_ =	shalt  }
0x63: {  	_ =	shalt  }
0x64: {  	_ =	shalt  }
0x65: {  	_ =	shalt  }
0x66: {  	_ =	shalt  }
0x67: {  	_ =	shalt  }
0x68: {  	_ =	shalt  }
0x69: {  	_ =	shalt  }
0x6a: {  	_ =	shalt  }
0x6b: {  	_ =	shalt  }
0x6c: {  	_ =	shalt  }
0x6d: {  	_ =	shalt  }
0x6e: {  	_ =	shalt  }
0x6f: {  	_ =	shalt  }
0x70: {  	_ =	shalt  }
0x71: {  	_ =	shalt  }
0x72: {  	_ =	shalt  }
0x73: {  	_ =	shalt  }
0x74: {  	_ =	shalt  }
0x75: {  	_ =	shalt  }
0x76: {  	_ =	shalt  }
0x77: {  	_ =	shalt  }
0x78: {  	_ =	shalt  }
0x79: {  	_ =	shalt  }
0x7a: {  	_ =	shalt  }
0x7b: {  	_ =	shalt  }
0x7c: {  	_ =	shalt  }
0x7d: {  	_ =	shalt  }
0x7e: {  	_ =	shalt  }
0x7f: {  	_ =	shalt  }
0x80: {  	_ =	shalt  }
0x81: {  	_ =	shalt  }
0x82: {  	_ =	shalt  }
0x83: {  	_ =	shalt  }
0x84: {  	_ =	shalt  }
0x85: {  	_ =	shalt  }
0x86: {  	_ =	shalt  }
0x87: {  	_ =	shalt  }
.Lfunc_end0:
.L_simem_size_0:
called_computation.2_lowered:
.L_overlay_start_0:
0x88: {  	s2 =	sld [smem:$0x3FD9]  }
0x89: {  	s3 =	sld [smem:$0x3FFE];
	_ =	sdelay $0x1  }
0x8a: {  	s1 =	srdreg.scid  }
0x8b: {  	s0 =	sand.u32 $0x1, s1  }
0x8c: {  	s16 =	sshll.u32 s0, $0xA;
	s2 =	sadd.s32 s3, s2  }
0x8d: {  	s2 =	sadd.s32 s2, s16  }
0x8e: {  	[smem:$0x3FB9] =	sst s2  }
0x8f: {  	_ = 	snop  }
0x90: {  	(tm) =	ssettm $0x1  }
0x91: {  	s17 =	sld [smem:$0x3FFB];
	_ =	sdelay $0x3  }
0x92: {  	_ =	strace s17  }
0x93: {  	s2 =	sld [smem:$0x3FFC];
	_ =	sdelay $0x3  }
0x94: {  	_ =	strace s2  }
0x95: {  	s2 =	sld [smem:$0x3FFD];
	_ =	sdelay $0x3  }
0x96: {  	_ =	strace s2  }
0x97: {  	_ =	strace $0x8FFFFFFF  }
0x98: {  	s18 =	sld [smem:$0x3FDB];
	_ =	sdelay $0x1  }
0x99: {  	s19 =	simm.s32 $_scs_section_size  }
0x9a: {  	s4 =	simm.s32 $_size__tile_overlayer_lowered;
	s5 =	simm.s32 $_tile_overlayer_lowered  }
0x9b: {  	s22 =	simm.s32 $0x1BFF;
	s21 =	sshll.u32 s5, $0x1;
	s2 =	sadd.s32 s19, s18  }
0x9c: {  	s6 =	simm.s32 $0x0;
	s20 =	sshll.u32 s4, $0x1;
	s4 =	sadd.s32 s21, s2  }
0x9d: {  	[timem:s6], [sflag:s22] =	dma.local [hbm:s4], s20  }
0x9e: {  	_ =	swait.ge [sflag:s22], s20  }
0x9f: {  	s3 =	ssub.s32 $0x0, s20;
	[sflag:s22] =	ssyncset.done $0x0  }
0xa0: {  	[sflag:s22] =	ssyncadd.s32 s3;
	_ =	sdelay $0x1  }
0xa1: {  	s23 =	simm.s32 $0x1B8B  }
0xa2: {  	_ =	swait.ge [sflag:s23], $0x1  }
0xa3: {  	[sflag:s23] =	ssyncset.done $0x0  }
0xa4: {  	s25 =	simm.s32 $0x1B8E;
	s24 =	sld [smem:$0x3FFE];
	[sflag:s23] =	ssyncadd.s32 $0xFFFFFFFF  }
0xa5: {  	s26 =	simm.s32 $execute0_lowered;
	[smem:$0x3FD2] =	sst s25  }
0xa6: {  	s4 =	sshll.u32 s26, $0x1;
	_ =	strace $0x8000004C;
	[dreg:$0x1] =	wrdreg $0xFFFFFFFF  }
0xa7: {  	s28 =	simm.s32 $_size_execute0_lowered;
	s2 =	sadd.s32 s2, s4;
	[dreg:$0x0] =	wrdreg $0x0  }
0xa8: {  	s4 =	sshll.u32 s28, $0x1;
	[dreg:$0x2] =	wrdreg s2  }
0xa9: {  	[dreg:$0x3] =	wrdreg s4  }
0xaa: {  	[dreg:$0x4] =	wrdreg $0xC0  }
0xab: {  	_ =	task [dreg:s6], $0x5FFFF  }
0xac: {  	[dreg:$0x1] =	wrdreg $0xFFFFFFFF  }
0xad: {  	[dreg:$0x0] =	wrdreg $0x60  }
0xae: {  	[dreg:$0x2] =	wrdreg s24  }
0xaf: {  	[dreg:$0x3] =	wrdreg $0xC4000  }
0xb0: {  	[dreg:$0x4] =	wrdreg $0x9  }
0xb1: {  	_ =	task.clear_ibuf [dreg:s6], $0x5FFFF;
	_ =	strace $0x9000004C  }
0xb2: {  	s29 =	simm.s32 $0x9;
	_ =	strace $0x8000004E  }
0xb3: {  	_ =	swait.ge [sflag:s29], $0x1  }
0xb4: {  	[sflag:s29] =	ssyncadd.s32 $0xFFFFFFFF  }
0xb5: {  	_ =	strace $0x9000004E  }
0xb6: {  	_ =	sfence  }
0xb7: {  	s30 =	sld [smem:$0x0];
	_ =	sdelay $0x2  }
0xb8: {  	s31 =	sshll.u32 s1, $0xD;
	s1 =	sshrl.u32 s1, $0x2  }
0xb9: {  	s3 =	sand.u32 $0x4000, s31;
	s1 =	sadd.s32 s1, s30  }
0xba: {  	s0 =	sor.u32 s3, s0;
	s1 =	sshll.u32 s1, $0x11  }
0xbb: {  	s0 =	sor.u32 s1, s0  }
0xbc: {  	s0 =	sadd.s32 $0x8F2B, s0  }
0xbd: {  	[sflag:s0] =	ssyncadd.remote.s32 $0x1  }
0xbe: {  	_ =	sfence.sel $0xFFFF  }
0xbf: {  	[dreg:$0x0] =	wrdreg $0xFFFFFFFF;
	(pc) =	sbr.abs _section_cstart, $3  }
0xc0: {  	[dreg:$0x1] =	wrdreg $0xFFFFFFFF  }
0xc1: {  	_ =	task.clear_ibuf [dreg:s6], $0x2FFFF;
	_ =	strace $0x9FFFFFFF  }
0xc2: {  	(tm) =	ssettm $0x7FFFFFFF  }
0xc3: {  	_ =	shalt  }
tec
execute0_lowered:
.L_overlay_start_1:
0x0: {  	(tag) =	ssettag $0x1  }
0x1: {  	s0 =	rddreg [dreg:$0x0]  }
0x2: {  	s2 =	rddreg [dreg:$0x1];
	s3 =	simm.s32 $0x0  }
0x3: {  	s14 =	stileid.u32;
	s1 =	srdreg.scid;
	s28 =	simm.s32 $0x400  }
0x4: {  	s29 =	simm.s32 $0x2;
	s30 =	simm.s32 $0x4400;
	s31 =	simm.s32 $0x7  }
0x5: {  	[smem:$0x7FF] =	sst s3;
	s7 =	smul.u32 $0x13C00, s14;
	s1 =	sand.u32 $0x1, s1  }
0x6: {  	s4 =	sadd.s32 $0x17800, s0;
	s5 =	sadd.s32 $0x66800, s0;
	s11 =	smul.u32 $0x4F000, s14  }
0x7: {  	s6 =	sadd.s32 $0x3800, s0;
	s25 =	sshll.u32 s14, $0x1;
	s20 =	smul.u32 $0x13E, s14  }
0x8: {  	s15 =	sshll.u32 s14, $0x6;
	s24 =	smul.u32 $0x9F00, s14;
	s14 =	simm.s32 $0x6  }
0x9: {  	_ =	strace $0x8000004D;
	s8 =	smul.u32 $0x13C000, s1;
	s10 =	ssub.s32 $0x2, s1  }
0xa: {  	s15 =	sor.u32 $0x1C0A, s15;
	s22 =	smul.u32 $0x9F, s1;
	s9 =	sshrl.u32 s7, $0x3  }
0xb: {  	s13 =	sshrl.u32 s10, $0x1;
	[dreg:$0x4] =	wrdreg s15;
	s9 =	sadd.s32 s9, s0  }
0xc: {  	s7 =	sadd.s32 s7, s8;
	s8 =	sor.u32 s1, s25;
	s26 =	ssub.s32 s10, s13  }
0xd: {  	s13 =	sshrl.u32 s11, $0x2;
	s11 =	sadd.s32 s22, s20;
	s1 =	smul.u32 $0x4F80, s1  }
0xe: {  	s22 =	simm.s32 $0x200;
	s12 =	sshrl.u32 s7, $0x3;
	s7 =	smul.u32 $0x5000, s8  }
0xf: {  	s10 =	sadd.s32 s13, s2;
	s9 =	sadd.s32 $0x3EA00, s9;
	s25 =	smax.u32 s26, $0x1  }
0x10: {  	s26 =	sadd.s32 $0x2, s11;
	s8 =	simm.s32 $0x8400;
	[dreg:$0x3] =	wrdreg s9  }
0x11: {  	s11 =	simm.s32 $0x5;
	s13 =	simm.s32 $0x9;
	[dreg:$0xc] =	wrdreg s25  }
0x12: {  	s0 =	sadd.s32 s12, s0;
	[dreg:$0xd] =	wrdreg s26;
	s25 =	simm.s32 $0x300  }
0x13: {  	s26 =	simm.s32 $0x1;
	s16 =	sshrl.u32 s7, $0x3;
	s0 =	sadd.s32 $0x7A800, s0  }
0x14: {  	s17 =	sadd.s32 s5, s16;
	s18 =	sadd.s32 s6, s16;
	[dreg:$0xb] =	wrdreg s0  }
0x15: {  	s19 =	sor.u32 $0x10, s16;
	s12 =	sor.u32 $0x20, s16;
	[dreg:$0x5] =	wrdreg s17  }
0x16: {  	s16 =	sshrl.u32 s10, $0x3;
	s0 =	simm.s32 $0x4;
	[dreg:$0x6] =	wrdreg s18  }
0x17: {  	s10 =	simm.s32 $0x8;
	s21 =	sadd.s32 s5, s19;
	[dreg:$0xe] =	wrdreg s16  }
.Ltmp0:
0x18: {  	s9 =	sadd.s32 s6, s19;
	[dreg:$0x7] =	wrdreg s21;
	(pc) =	sbr.rel .LBB2_1-.Ltmp0, $4  }
0x19: {  	s23 =	sadd.s32 s5, s12;
	s12 =	sadd.s32 s6, s12;
	[dreg:$0x8] =	wrdreg s9  }
0x1a: {  	s19 =	sadd.s32 s1, s24;
	s24 =	simm.s32 $0x100;
	[dreg:$0x9] =	wrdreg s23  }
0x1b: {  	s1 =	simm.s32 $0x3;
	s17 =	simm.s32 $0x0;
	[dreg:$0xa] =	wrdreg s12  }
0x1c: {  	s21 =	simm.s32 $0xA;
	s23 =	simm.s32 $0x80;
	s12 =	simm.s32 $0x280  }
.LBB2_16:
0x1d: {  	[bflag:$0x0] =	sbarrier.arrive $0xFFFF  }
0x1e: {  	s15 =	rddreg [dreg:$0x4]  }
0x1f: {  	s9 =	rddreg [dreg:$0xb]  }
0x20: {  	s16 =	rddreg [dreg:$0xe]  }
0x21: {  	[hbm:s9], [sflag:s15] =	dma.local [spmem:s16], $0x2780  }
0x22: {  	_ =	swait.ge [sflag:s21], $0x2780  }
0x23: {  	s17 =	rddreg [dreg:$0xf]  }
0x24: {  	s20 =	rddreg [dreg:$0xc];
	s17 =	sadd.s32 $0x1, s17  }
0x25: {  	p0 =	sne.s32 s17, s20  }
.Ltmp1:
0x26: {  	_ = 	snop;
	(pc) =	sbr.rel @!p0 .LBB2_17-.Ltmp1, $3  }
0x27: {  	_ =	sdelay $0x1  }
0x28: {  	[sflag:s21] =	ssyncset.done $0x0  }
0x29: {  	[sflag:s21] =	ssyncadd.s32 $0xFFFFD880  }
.LBB2_1:
0x2a: {  	[dreg:$0xf] =	wrdreg s17  }
0x2b: {  	s9 =	rddreg [dreg:$0x3]  }
0x2c: {  	[spmem:s16], [sflag:s15] =	dma.local [hbm:s9], $0x2780  }
0x2d: {  	_ =	swait.ge [sflag:s21], $0x2780  }
0x2e: {  	[sflag:s21] =	ssyncset.done $0x0  }
0x2f: {  	s20 =	rddreg [dreg:$0x5];
	[sflag:s21] =	ssyncadd.s32 $0xFFFFD880  }
0x30: {  	[tilespmem:s3], [sflag:$0x1] =	stream.linear.gather [hbm4b:s20+s3], $0x80, $0x38;
	v63 =	vld [tilespmem:$0x0]  }
0x31: {  	s15 =	rddreg [dreg:$0x6]  }
0x32: {  	[tilespmem:s22], [sflag:$0x4] =	stream.linear.gather [hbm4b:s15+s3], $0x80, $0x38;
	v63 =	vld [tilespmem:$0x0]  }
0x33: {  	s16 =	rddreg [dreg:$0x7]  }
0x34: {  	[tilespmem:s23], [sflag:$0x2] =	stream.linear.gather [hbm4b:s16+s3], $0x80, $0x38;
	v63 =	vld [tilespmem:$0x0]  }
0x35: {  	s17 =	rddreg [dreg:$0x8]  }
0x36: {  	[tilespmem:s12], [sflag:$0x5] =	stream.linear.gather [hbm4b:s17+s3], $0x80, $0x38;
	v63 =	vld [tilespmem:$0x0]  }
0x37: {  	s18 =	rddreg [dreg:$0x9]  }
0x38: {  	[tilespmem:s24], [sflag:$0x3] =	stream.linear.gather [hbm4b:s18+s3], $0x80, $0x38;
	v63 =	vld [tilespmem:$0x0]  }
0x39: {  	s20 =	rddreg [dreg:$0xa]  }
0x3a: {  	[tilespmem:s25], [sflag:$0x6] =	stream.linear.gather [hbm4b:s20+s3], $0x80, $0x38;
	v63 =	vld [tilespmem:$0x0]  }
0x3b: {  	_ =	swait.ge [sflag:s26], $0x80  }
.Ltmp2:
0x3c: {  	[sflag:s26] =	ssyncset.done $0x0;
	(pc) =	sbr.rel .LBB2_2-.Ltmp2, $4  }
0x3d: {  	[sflag:s26] =	ssyncadd.s32 $0xFFFFFF80  }
0x3e: {  	[tilespmem:s28], [sflag:$0x7] =	stream.indirect.gather [hbm4b:s4+s23], $0x80, s3, s23, $0xb8;
	v63 =	vld [tilespmem:$0x0]  }
0x3f: {  	[bflag:$0x0] =	sbarrier.arrive $0xFFFF  }
0x40: {  	s17 =	simm.s32 $0x280;
	s18 =	rddreg [dreg:$0xd]  }
.LBB2_12:
0x41: {  	_ =	swait.ge [sflag:s26], $0x80  }
0x42: {  	[sflag:s26] =	ssyncset.done $0x0  }
0x43: {  	[sflag:s26] =	ssyncadd.s32 $0xFFFFFF80  }
0x44: {  	[tilespmem:s28], [sflag:$0x7] =	stream.indirect.gather [hbm4b:s4+s23], $0x80, s3, s23, $0xb8;
	v63 =	vld [tilespmem:$0x0]  }
.LBB2_14:
0x45: {  	_ =	swait.ge [sflag:s13], $0x4000  }
0x46: {  	[sflag:s13] =	ssyncset.done $0x0  }
0x47: {  	p1 =	sgt.u32 s18, $0x1384;
	[sflag:s13] =	ssyncadd.s32 $0xFFFFC000  }
0x48: {  	p0 =	por p1, p0;
	_ =	swait.ge [sflag:s14], $0x80  }
0x49: {  	s9 =	sand.u32 @!p0 $0xFC00, s17;
	[sflag:s14] =	ssyncset.done $0x0  }
0x4a: {  	s15 =	sand.u32 @!p0 $0x380, s17;
	s9 =	sadd.s32 @!p0 s7, s9;
	[sflag:s14] =	ssyncadd.s32 $0xFFFFFF80  }
0x4b: {  	[spmem:s2] =	stream.indirect.scatter.add.f32 [tilespmem:s8], [sflag:$0xA], $0x80, s25, s23, $0xb8;
	v63 =	vld [tilespmem:$0x0]  }
0x4c: {  	s9 =	sor.u32 @!p0 s15, s9;
	_ =	swait.ge [sflag:s21], $0x4000  }
0x4d: {  	s16 =	simm.s32 @!p0 $0x0;
	s9 =	sshrl.u32 @!p0 s9, $0x3;
	[sflag:s21] =	ssyncset.done $0x0  }
0x4e: {  	s20 =	simm.s32 @!p0 $0x100;
	s15 =	sadd.s32 @!p0 s5, s9;
	[sflag:s21] =	ssyncadd.s32 $0xFFFFC000  }
0x4f: {  	[tilespmem:s20], [sflag:$0x3] =	stream.linear.gather @!p0 [hbm4b:s15+s16], $0x80, $0x38;
	v63 =	vld [tilespmem:$0x0]  }
0x50: {  	s9 =	sadd.s32 @!p0 s6, s9;
	s15 =	simm.s32 @!p0 $0x300  }
0x51: {  	[tilespmem:s15], [sflag:$0x6] =	stream.linear.gather @!p0 [hbm4b:s9+s16], $0x80, $0x38;
	v63 =	vld [tilespmem:$0x0]  }
.LBB2_15:
0x52: {  	s17 =	sadd.s32 $0x180, s17  }
0x53: {  	p0 =	sne.s32 s17, $0x5200  }
.Ltmp3:
0x54: {  	_ = 	snop;
	(pc) =	sbr.rel @!p0 .LBB2_16-.Ltmp3, $2  }
0x55: {  	_ =	sdelay $0x2  }
0x56: {  	s18 =	sadd.s32 $0x3, s18  }
.LBB2_2:
0x57: {  	s9 =	sadd.s32 $0xFFFFFFFE, s18  }
0x58: {  	p0 =	sgt.u32 s9, $0x1386  }
.Ltmp4:
0x59: {  	_ = 	snop;
	(pc) =	sbr.rel @p0 .LBB2_5-.Ltmp4, $2  }
0x5a: {  	_ =	sdelay $0x2  }
0x5b: {  	s16 =	sadd.s32 s17, s19  }
.Ltmp5:
0x5c: {  	(pc) =	sbr.rel .LBB2_4-.Ltmp5, $4  }
0x5d: {  	_ =	swait.ge [sflag:s29], $0x80  }
0x5e: {  	[sflag:s29] =	ssyncset.done $0x0  }
0x5f: {  	[sflag:s29] =	ssyncadd.s32 $0xFFFFFF80  }
0x60: {  	[tilespmem:s30], [sflag:$0x8] =	stream.indirect.gather [hbm4b:s4+s23], $0x80, s23, s23, $0xb8;
	v63 =	vld [tilespmem:$0x0]  }
.LBB2_5:
0x61: {  	p0 =	seq.s32 s16, $0x9C600  }
.Ltmp6:
0x62: {  	_ = 	snop;
	(pc) =	sbr.rel @!p0 .LBB2_6-.Ltmp6, $1  }
0x63: {  	_ =	sdelay $0x3  }
.LBB2_4:
0x64: {  	_ =	swait.ge [sflag:s31], $0x4000;
	p1 =	seq.s32 s17, $0x5080  }
0x65: {  	[sflag:s31] =	ssyncset.done $0x0;
	p2 =	sgt.u32 @!p1 s9, $0x1384  }
0x66: {  	[sflag:s31] =	ssyncadd.s32 $0xFFFFC000;
	p3 =	por p2, p1  }
0x67: {  	_ =	swait.ge [sflag:s0], $0x80;
	s9 =	sadd.s32 @!p3 $0xFFFFFF00, s17  }
0x68: {  	[sflag:s0] =	ssyncset.done $0x0;
	s20 =	sand.u32 @!p3 $0xFC00, s9  }
0x69: {  	s9 =	sand.u32 @!p3 $0x380, s9;
	[sflag:s0] =	ssyncadd.s32 $0xFFFFFF80;
	s20 =	sadd.s32 @!p3 s7, s20  }
0x6a: {  	[spmem:s2] =	stream.indirect.scatter.add.f32 [tilespmem:s28], [sflag:$0xA], $0x80, s22, s23, $0xb8;
	v63 =	vld [tilespmem:$0x0]  }
0x6b: {  	s9 =	sor.u32 @!p3 s9, s20;
	_ =	swait.ge [sflag:s21], $0x4000  }
0x6c: {  	s9 =	sshrl.u32 @!p3 s9, $0x3;
	[sflag:s21] =	ssyncset.done $0x0  }
0x6d: {  	s15 =	simm.s32 @!p3 $0x0;
	s20 =	sadd.s32 @!p3 s5, s9;
	[sflag:s21] =	ssyncadd.s32 $0xFFFFC000  }
0x6e: {  	[tilespmem:s15], [sflag:$0x1] =	stream.linear.gather @!p3 [hbm4b:s20+s15], $0x80, $0x38;
	v63 =	vld [tilespmem:$0x0]  }
.Ltmp7:
0x6f: {  	s9 =	sadd.s32 @!p3 s6, s9;
	s20 =	simm.s32 @!p3 $0x200;
	(pc) =	sbr.rel .LBB2_7-.Ltmp7, $4  }
0x70: {  	[tilespmem:s20], [sflag:$0x4] =	stream.linear.gather @!p3 [hbm4b:s9+s15], $0x80, $0x38;
	v63 =	vld [tilespmem:$0x0]  }
0x71: {  	p0 =	sne.s32 s17, $0x5080;
	p2 =	por !p2, p1;
	p3 =	por @!p3 $0x1, $0x1  }
0x72: {  	p3 =	por @!p2 p0, p0  }
0x73: {  	p0 =	por @!p1 p3, p3  }
.LBB2_6:
0x74: {  	p0 =	sne.s32 s17, $0x5080  }
.LBB2_7:
0x75: {  	s9 =	sadd.s32 $0xFFFFFFFF, s18  }
0x76: {  	p1 =	sgt.u32 s9, $0x1386  }
.Ltmp8:
0x77: {  	_ = 	snop;
	(pc) =	sbr.rel @p1 .LBB2_9-.Ltmp8, $1  }
0x78: {  	_ =	sdelay $0x3  }
.Ltmp9:
0x79: {  	(pc) =	sbr.rel .LBB2_10-.Ltmp9, $4  }
0x7a: {  	_ =	swait.ge [sflag:s1], $0x80  }
0x7b: {  	[sflag:s1] =	ssyncset.done $0x0  }
0x7c: {  	[sflag:s1] =	ssyncadd.s32 $0xFFFFFF80  }
0x7d: {  	[tilespmem:s8], [sflag:$0x9] =	stream.indirect.gather [hbm4b:s4+s23], $0x80, s24, s23, $0xb8;
	v63 =	vld [tilespmem:$0x0]  }
.LBB2_9:
0x7e: {  	p1 =	sne.s32 s16, $0x9C580  }
.Ltmp10:
0x7f: {  	_ = 	snop;
	(pc) =	sbr.rel @p1 .LBB2_11-.Ltmp10, $1  }
0x80: {  	_ =	sdelay $0x3  }
.LBB2_10:
0x81: {  	_ =	swait.ge [sflag:s10], $0x4000  }
0x82: {  	p1 =	sgt.u32 s9, $0x1384;
	p2 =	por !p0, !p0;
	[sflag:s10] =	ssyncset.done $0x0  }
0x83: {  	p1 =	por p1, p2;
	[sflag:s10] =	ssyncadd.s32 $0xFFFFC000  }
0x84: {  	s9 =	sadd.s32 @!p1 $0xFFFFFF80, s17;
	_ =	swait.ge [sflag:s11], $0x80  }
0x85: {  	s15 =	sand.u32 @!p1 $0xFC00, s9;
	[sflag:s11] =	ssyncset.done $0x0  }
0x86: {  	s9 =	sand.u32 @!p1 $0x380, s9;
	s15 =	sadd.s32 @!p1 s7, s15;
	[sflag:s11] =	ssyncadd.s32 $0xFFFFFF80  }
0x87: {  	[spmem:s2] =	stream.indirect.scatter.add.f32 [tilespmem:s30], [sflag:$0xA], $0x80, s12, s23, $0xb8;
	v63 =	vld [tilespmem:$0x0]  }
0x88: {  	s9 =	sor.u32 @!p1 s9, s15;
	_ =	swait.ge [sflag:s21], $0x4000  }
0x89: {  	s16 =	simm.s32 @!p1 $0x0;
	s9 =	sshrl.u32 @!p1 s9, $0x3;
	[sflag:s21] =	ssyncset.done $0x0  }
0x8a: {  	s20 =	simm.s32 @!p1 $0x80;
	s15 =	sadd.s32 @!p1 s5, s9;
	[sflag:s21] =	ssyncadd.s32 $0xFFFFC000  }
0x8b: {  	[tilespmem:s20], [sflag:$0x2] =	stream.linear.gather @!p1 [hbm4b:s15+s16], $0x80, $0x38;
	v63 =	vld [tilespmem:$0x0]  }
0x8c: {  	s9 =	sadd.s32 @!p1 s6, s9;
	s15 =	simm.s32 @!p1 $0x280  }
0x8d: {  	[tilespmem:s15], [sflag:$0x5] =	stream.linear.gather @!p1 [hbm4b:s9+s16], $0x80, $0x38;
	v63 =	vld [tilespmem:$0x0]  }
.LBB2_11:
0x8e: {  	p1 =	sgt.u32 s18, $0x1386;
	p0 =	por !p0, !p0  }
0x8f: {  	p1 =	por p1, p0  }
.Ltmp11:
0x90: {  	_ = 	snop;
	(pc) =	sbr.rel @!p1 .LBB2_12-.Ltmp11, $1  }
0x91: {  	_ =	sdelay $0x3  }
0x92: {  	p1 =	sgt.u32 s18, $0x1387  }
.Ltmp12:
0x93: {  	_ = 	snop;
	(pc) =	sbr.rel @p1 .LBB2_15-.Ltmp12, $4  }
.Ltmp13:
0x94: {  	_ = 	snop;
	(pc) =	sbr.rel @!p1 .LBB2_14-.Ltmp13, $4  }
0x95: {  	_ = 	snop  }
0x96: {  	_ = 	snop  }
0x97: {  	_ = 	snop  }
0x98: {  	_ = 	snop  }
.LBB2_17:
0x99: {  	_ =	sfence.sel $0x180000  }
0x9a: {  	[bflag:$0x0] =	sbarrier.arrive $0xFFFF  }
0x9b: {  	_ =	strace $0x9000004D  }
0x9c: {  	s0 =	stileid.u32;
	[bflag:$0x2] =	sbarrier.arrive $0xFFFF  }
0x9d: {  	p0 =	sne.s32 s0, $0x0;
	s0 =	rddreg [dreg:$0x2]  }
0x9e: {  	s0 =	sadd.s32 @!p0 $0x100000, s0  }
0x9f: {  	[sflag:s0] =	ssyncadd.tile.s32 @!p0 $0x1;
	_ =	shalt  }
.Lfunc_end2:
_tile_overlayer_lowered:
.L_overlay_start_2:
0xa0: {  	(tag) =	ssettag $0x2  }
0xa1: {  	s0 =	rddreg [dreg:$0x0];
	s2 =	stileid.u32  }
0xa2: {  	s1 =	rddreg [dreg:$0x1];
	p0 =	sne.s32 s2, $0x0  }
0xa3: {  	s3 =	rddreg [dreg:$0x2];
	[bflag:$0x3] =	sbarrier.arrive $0xFFFF;
	s2 =	simm.s32 @!p0 $0x1C0A  }
0xa4: {  	[timem:s3], [sflag:s2] =	dma.local @!p0 [hbm:s0], s1  }
0xa5: {  	s0 =	simm.s32 @!p0 $0xA  }
0xa6: {  	_ =	swait.ge @!p0 [sflag:s0], s1  }
0xa7: {  	s1 =	ssub.s32 @!p0 $0x0, s1;
	[sflag:s0] =	ssyncset.done @!p0 $0x0  }
0xa8: {  	[sflag:s0] =	ssyncadd.s32 @!p0 s1  }
0xa9: {  	[bflag:$0x3] =	sbarrier.arrive $0xFFFF  }
0xaa: {  	_ =	shalt  }

// kernel: kernel.21.cloned.1.call-start
scs
__scs_entry_jumppad:
0x0: {  	(pc) =	sbr.rel $0x88, $3  }
0x1: {  	(tag) =	ssettag $0x0;
	lr =	simm.s32 $0x1  }
0x2: {  	[smem:$0x3F92] =	sst lr;
	_ =	strace $0xD0000000  }
0x3: {  	_ = 	snop  }
0x4: {  	_ = 	snop  }
0x5: {  	_ = 	snop  }
0x6: {  	_ = 	snop  }
0x7: {  	_ = 	snop  }
__scs_overlays_trampoline_lowered:
0x8: {  	[smem:$0x3FA1] =	sst s0  }
0x9: {  	[smem:$0x3FA2] =	sst s1  }
0xa: {  	[smem:$0x3FA3] =	sst s2  }
0xb: {  	[smem:$0x3FA4] =	sst s3  }
0xc: {  	[smem:$0x3FA5] =	sst s4  }
0xd: {  	[smem:$0x3FA6] =	sst s5  }
0xe: {  	[smem:$0x3FA7] =	sst s6  }
0xf: {  	[smem:$0x3FA8] =	sst s7  }
0x10: {  	[smem:$0x3FA9] =	sst s8  }
0x11: {  	[smem:$0x3FAA] =	sst s9;
	s0 =	simm.s32 @!p0 $0x0  }
0x12: {  	s1 =	sld [smem:$0x3F90];
	s0 =	simm.s32 @p0 $0x1  }
0x13: {  	[smem:$0x3FAB] =	sst s0;
	s0 =	simm.s32 @!p1 $0x0  }
0x14: {  	s2 =	sld [smem:$0x3F8F];
	s0 =	simm.s32 @p1 $0x1  }
0x15: {  	[smem:$0x3FAC] =	sst s0;
	s0 =	simm.s32 @!p2 $0x0  }
0x16: {  	s3 =	sld [smem:$0x3FDB];
	s0 =	simm.s32 @p2 $0x1  }
0x17: {  	s4 =	simm.s32 $0x1BF5;
	[smem:$0x3FAE] =	sst s0  }
0x18: {  	s0 =	sld [smem:$0x3F91];
	_ =	swait.ge [sflag:s4], $0x0  }
0x19: {  	s7 =	sld [smem:$0x3F92]  }
0x1a: {  	s8 =	sadd.s32 $0xFFFFE003, lr  }
0x1b: {  	s9 =	sadd.s32 $0xFFFFFEF7, lr;
	s5 =	simm.s32 $0xFFFFFFFF;
	p2 =	slt.u32 s8, $0xFFFFF086  }
0x1c: {  	p1 =	slt.u32 s9, $0xF7A;
	s5 =	simm.s32 @!p2 $0x0  }
0x1d: {  	s5 =	simm.s32 @p1 $0x1;
	p0 =	seq.s32 s7, s2  }
0x1e: {  	s7 =	smul.u32 @!p0 $0xF7A, s2;
	p2 =	seq.s32 @!p0 s5, $0x0  }
0x1f: {  	s9 =	smul.u32 $0xF7A, s1;
	s8 =	simm.s32 @!p0 $0x1BF5;
	p2 =	por !p2, p0  }
0x20: {  	[sflag:s8] =	ssyncset.s32 @!p0 $0xFFFFF086;
	s6 =	sadd.s32 @!p0 s3, s7;
	s7 =	simm.s32 @!p0 $0x108  }
0x21: {  	s3 =	sadd.s32 s3, s9;
	s6 =	sadd.s32 @!p0 $0x88, s6;
	s7 =	simm.s32 @p2 $0x1082  }
0x22: {  	[simem:s7], [sflag:s8] =	dma.local @!p0 [hbm:s6], $0xF7A  }
0x23: {  	s9 =	sor.u32 $0xD0000000, s2;
	s6 =	simm.s32 $0x108;
	_ =	swait.ge @!p0 [sflag:s8], $0x0  }
0x24: {  	s3 =	sadd.s32 $0x88, s3;
	s6 =	simm.s32 @!p1 $0x1082;
	[sflag:s4] =	ssyncset.s32 $0xFFFFF086  }
0x25: {  	[simem:s6], [sflag:s4] =	dma.local [hbm:s3], $0xF7A  }
0x26: {  	[smem:$0x3F92] =	sst s1;
	(tag) =	ssettag s2;
	_ =	strace s9  }
0x27: {  	s1 =	sld [smem:$0x3FA2]  }
0x28: {  	s2 =	sld [smem:$0x3FA3]  }
0x29: {  	s4 =	sld [smem:$0x3FA5]  }
0x2a: {  	p0 =	seq.s32 s5, $0x0;
	s5 =	sld [smem:$0x3FA6]  }
0x2b: {  	s6 =	sld [smem:$0x3FA7]  }
0x2c: {  	s7 =	sld [smem:$0x3FA8]  }
0x2d: {  	s3 =	simm.s32 $0x108;
	s8 =	sld [smem:$0x3FA9]  }
0x2e: {  	s3 =	simm.s32 @!p0 $0x1082;
	s9 =	sld [smem:$0x3FAA]  }
0x2f: {  	lr =	sadd.s32 s0, s3;
	s0 =	sld [smem:$0x3FA1]  }
0x30: {  	s3 =	sld [smem:$0x3FA4]  }
0x31: {  	[smem:$0x3FAD] =	sst s10  }
0x32: {  	s10 =	sld [smem:$0x3FAB];
	_ =	sdelay $0x3  }
0x33: {  	p0 =	seq.s32 s10, $0x1;
	s10 =	sld [smem:$0x3FAD];
	_ =	sdelay $0x3  }
0x34: {  	[smem:$0x3FAD] =	sst s10  }
0x35: {  	s10 =	sld [smem:$0x3FAC];
	_ =	sdelay $0x3  }
0x36: {  	p1 =	seq.s32 s10, $0x1;
	s10 =	sld [smem:$0x3FAD];
	_ =	sdelay $0x3  }
0x37: {  	[smem:$0x3FAD] =	sst s10  }
0x38: {  	s10 =	sld [smem:$0x3FAE]  }
0x39: {  	_ = 	snop;
	(pc) =	sbr.ind lr, $3  }
0x3a: {  	_ = 	snop  }
0x3b: {  	_ = 	snop  }
0x3c: {  	p2 =	seq.s32 s10, $0x1;
	s10 =	sld [smem:$0x3FAD]  }
0x3d: {  	_ =	shalt  }
0x3e: {  	_ =	shalt  }
0x3f: {  	_ =	shalt  }
0x40: {  	_ =	shalt  }
0x41: {  	_ =	shalt  }
0x42: {  	_ =	shalt  }
0x43: {  	_ =	shalt  }
0x44: {  	_ =	shalt  }
0x45: {  	_ =	shalt  }
0x46: {  	_ =	shalt  }
0x47: {  	_ =	shalt  }
0x48: {  	_ =	shalt  }
0x49: {  	_ =	shalt  }
0x4a: {  	_ =	shalt  }
0x4b: {  	_ =	shalt  }
0x4c: {  	_ =	shalt  }
0x4d: {  	_ =	shalt  }
0x4e: {  	_ =	shalt  }
0x4f: {  	_ =	shalt  }
0x50: {  	_ =	shalt  }
0x51: {  	_ =	shalt  }
0x52: {  	_ =	shalt  }
0x53: {  	_ =	shalt  }
0x54: {  	_ =	shalt  }
0x55: {  	_ =	shalt  }
0x56: {  	_ =	shalt  }
0x57: {  	_ =	shalt  }
0x58: {  	_ =	shalt  }
0x59: {  	_ =	shalt  }
0x5a: {  	_ =	shalt  }
0x5b: {  	_ =	shalt  }
0x5c: {  	_ =	shalt  }
0x5d: {  	_ =	shalt  }
0x5e: {  	_ =	shalt  }
0x5f: {  	_ =	shalt  }
0x60: {  	_ =	shalt  }
0x61: {  	_ =	shalt  }
0x62: {  	_ =	shalt  }
0x63: {  	_ =	shalt  }
0x64: {  	_ =	shalt  }
0x65: {  	_ =	shalt  }
0x66: {  	_ =	shalt  }
0x67: {  	_ =	shalt  }
0x68: {  	_ =	shalt  }
0x69: {  	_ =	shalt  }
0x6a: {  	_ =	shalt  }
0x6b: {  	_ =	shalt  }
0x6c: {  	_ =	shalt  }
0x6d: {  	_ =	shalt  }
0x6e: {  	_ =	shalt  }
0x6f: {  	_ =	shalt  }
0x70: {  	_ =	shalt  }
0x71: {  	_ =	shalt  }
0x72: {  	_ =	shalt  }
0x73: {  	_ =	shalt  }
0x74: {  	_ =	shalt  }
0x75: {  	_ =	shalt  }
0x76: {  	_ =	shalt  }
0x77: {  	_ =	shalt  }
0x78: {  	_ =	shalt  }
0x79: {  	_ =	shalt  }
0x7a: {  	_ =	shalt  }
0x7b: {  	_ =	shalt  }
0x7c: {  	_ =	shalt  }
0x7d: {  	_ =	shalt  }
0x7e: {  	_ =	shalt  }
0x7f: {  	_ =	shalt  }
0x80: {  	_ =	shalt  }
0x81: {  	_ =	shalt  }
0x82: {  	_ =	shalt  }
0x83: {  	_ =	shalt  }
0x84: {  	_ =	shalt  }
0x85: {  	_ =	shalt  }
0x86: {  	_ =	shalt  }
0x87: {  	_ =	shalt  }
.Lfunc_end0:
.L_simem_size_0:
called_computation.3_lowered:
.L_overlay_start_0:
0x88: {  	s2 =	sld [smem:$0x3FD9]  }
0x89: {  	s3 =	sld [smem:$0x3FFE];
	_ =	sdelay $0x1  }
0x8a: {  	s1 =	srdreg.scid  }
0x8b: {  	s0 =	sand.u32 $0x1, s1  }
0x8c: {  	s16 =	sshll.u32 s0, $0xA;
	s2 =	sadd.s32 s3, s2  }
0x8d: {  	s2 =	sadd.s32 s2, s16  }
0x8e: {  	[smem:$0x3FB9] =	sst s2  }
0x8f: {  	_ = 	snop  }
0x90: {  	(tm) =	ssettm $0x1  }
0x91: {  	s17 =	sld [smem:$0x3FFB];
	_ =	sdelay $0x3  }
0x92: {  	_ =	strace s17  }
0x93: {  	s2 =	sld [smem:$0x3FFC];
	_ =	sdelay $0x3  }
0x94: {  	_ =	strace s2  }
0x95: {  	s2 =	sld [smem:$0x3FFD];
	_ =	sdelay $0x3  }
0x96: {  	_ =	strace s2  }
0x97: {  	_ =	strace $0x8FFFFFFF  }
0x98: {  	s18 =	sld [smem:$0x3FDB];
	_ =	sdelay $0x1  }
0x99: {  	s19 =	simm.s32 $_scs_section_size  }
0x9a: {  	s4 =	simm.s32 $_size__tile_overlayer_lowered;
	s5 =	simm.s32 $_tile_overlayer_lowered  }
0x9b: {  	s22 =	simm.s32 $0x1BFF;
	s21 =	sshll.u32 s5, $0x1;
	s2 =	sadd.s32 s19, s18  }
0x9c: {  	s6 =	simm.s32 $0x0;
	s20 =	sshll.u32 s4, $0x1;
	s4 =	sadd.s32 s21, s2  }
0x9d: {  	[timem:s6], [sflag:s22] =	dma.local [hbm:s4], s20  }
0x9e: {  	_ =	swait.ge [sflag:s22], s20  }
0x9f: {  	s3 =	ssub.s32 $0x0, s20;
	[sflag:s22] =	ssyncset.done $0x0  }
0xa0: {  	[sflag:s22] =	ssyncadd.s32 s3;
	_ =	sdelay $0x1  }
0xa1: {  	s23 =	simm.s32 $0x1B8B  }
0xa2: {  	_ =	swait.ge [sflag:s23], $0x1  }
0xa3: {  	[sflag:s23] =	ssyncset.done $0x0  }
0xa4: {  	s25 =	simm.s32 $0x1B8E;
	s24 =	sld [smem:$0x3FFE];
	[sflag:s23] =	ssyncadd.s32 $0xFFFFFFFF  }
0xa5: {  	s26 =	simm.s32 $execute0_lowered;
	[smem:$0x3FD2] =	sst s25  }
0xa6: {  	s4 =	sshll.u32 s26, $0x1;
	_ =	strace $0x8000004F;
	[dreg:$0x1] =	wrdreg $0xFFFFFFFF  }
0xa7: {  	s28 =	simm.s32 $_size_execute0_lowered;
	s2 =	sadd.s32 s2, s4;
	[dreg:$0x0] =	wrdreg $0x0  }
0xa8: {  	s4 =	sshll.u32 s28, $0x1;
	[dreg:$0x2] =	wrdreg s2  }
0xa9: {  	[dreg:$0x3] =	wrdreg s4  }
0xaa: {  	[dreg:$0x4] =	wrdreg $0xC0  }
0xab: {  	_ =	task [dreg:s6], $0x5FFFF  }
0xac: {  	[dreg:$0x1] =	wrdreg $0xFFFFFFFF  }
0xad: {  	[dreg:$0x0] =	wrdreg $0x60  }
0xae: {  	[dreg:$0x2] =	wrdreg s24  }
0xaf: {  	[dreg:$0x3] =	wrdreg $0xC4000  }
0xb0: {  	[dreg:$0x4] =	wrdreg $0x9  }
0xb1: {  	_ =	task.clear_ibuf [dreg:s6], $0x5FFFF;
	_ =	strace $0x9000004F  }
0xb2: {  	s29 =	simm.s32 $0x9;
	_ =	strace $0x80000051  }
0xb3: {  	_ =	swait.ge [sflag:s29], $0x1  }
0xb4: {  	[sflag:s29] =	ssyncadd.s32 $0xFFFFFFFF  }
0xb5: {  	_ =	strace $0x90000051  }
0xb6: {  	_ =	sfence  }
0xb7: {  	s30 =	sld [smem:$0x0];
	_ =	sdelay $0x2  }
0xb8: {  	s31 =	sshll.u32 s1, $0xD;
	s1 =	sshrl.u32 s1, $0x2  }
0xb9: {  	s3 =	sand.u32 $0x4000, s31;
	s1 =	sadd.s32 s1, s30  }
0xba: {  	s0 =	sor.u32 s3, s0;
	s1 =	sshll.u32 s1, $0x11  }
0xbb: {  	s0 =	sor.u32 s1, s0  }
0xbc: {  	s0 =	sadd.s32 $0x8F2B, s0  }
0xbd: {  	[sflag:s0] =	ssyncadd.remote.s32 $0x1  }
0xbe: {  	_ =	sfence.sel $0xFFFF  }
0xbf: {  	[dreg:$0x0] =	wrdreg $0xFFFFFFFF;
	(pc) =	sbr.abs _section_cstart, $3  }
0xc0: {  	[dreg:$0x1] =	wrdreg $0xFFFFFFFF  }
0xc1: {  	_ =	task.clear_ibuf [dreg:s6], $0x2FFFF;
	_ =	strace $0x9FFFFFFF  }
0xc2: {  	(tm) =	ssettm $0x7FFFFFFF  }
0xc3: {  	_ =	shalt  }
tec
execute0_lowered:
.L_overlay_start_1:
0x0: {  	(tag) =	ssettag $0x1  }
0x1: {  	s0 =	rddreg [dreg:$0x0]  }
0x2: {  	s2 =	rddreg [dreg:$0x1];
	s3 =	simm.s32 $0x0  }
0x3: {  	s14 =	stileid.u32;
	s1 =	srdreg.scid;
	s28 =	simm.s32 $0x400  }
0x4: {  	s29 =	simm.s32 $0x2;
	s30 =	simm.s32 $0x4400;
	s31 =	simm.s32 $0x7  }
0x5: {  	[smem:$0x7FF] =	sst s3;
	s7 =	smul.u32 $0x13C00, s14;
	s1 =	sand.u32 $0x1, s1  }
0x6: {  	s4 =	sadd.s32 $0x17800, s0;
	s5 =	sadd.s32 $0x66800, s0;
	s11 =	smul.u32 $0x4F000, s14  }
0x7: {  	s6 =	sadd.s32 $0x3800, s0;
	s25 =	sshll.u32 s14, $0x1;
	s20 =	smul.u32 $0x13E, s14  }
0x8: {  	s15 =	sshll.u32 s14, $0x6;
	s24 =	smul.u32 $0x9F00, s14;
	s14 =	simm.s32 $0x6  }
0x9: {  	_ =	strace $0x80000050;
	s8 =	smul.u32 $0x13C000, s1;
	s10 =	ssub.s32 $0x2, s1  }
0xa: {  	s15 =	sor.u32 $0x1C0A, s15;
	s22 =	smul.u32 $0x9F, s1;
	s9 =	sshrl.u32 s7, $0x3  }
0xb: {  	s13 =	sshrl.u32 s10, $0x1;
	[dreg:$0x4] =	wrdreg s15;
	s9 =	sadd.s32 s9, s0  }
0xc: {  	s7 =	sadd.s32 s7, s8;
	s8 =	sor.u32 s1, s25;
	s26 =	ssub.s32 s10, s13  }
0xd: {  	s13 =	sshrl.u32 s11, $0x2;
	s11 =	sadd.s32 s22, s20;
	s1 =	smul.u32 $0x4F80, s1  }
0xe: {  	s22 =	simm.s32 $0x200;
	s12 =	sshrl.u32 s7, $0x3;
	s7 =	smul.u32 $0x5000, s8  }
0xf: {  	s10 =	sadd.s32 s13, s2;
	s9 =	sadd.s32 $0x3EA00, s9;
	s25 =	smax.u32 s26, $0x1  }
0x10: {  	s26 =	sadd.s32 $0x2, s11;
	s8 =	simm.s32 $0x8400;
	[dreg:$0x3] =	wrdreg s9  }
0x11: {  	s11 =	simm.s32 $0x5;
	s13 =	simm.s32 $0x9;
	[dreg:$0xc] =	wrdreg s25  }
0x12: {  	s0 =	sadd.s32 s12, s0;
	[dreg:$0xd] =	wrdreg s26;
	s25 =	simm.s32 $0x300  }
0x13: {  	s26 =	simm.s32 $0x1;
	s16 =	sshrl.u32 s7, $0x3;
	s0 =	sadd.s32 $0x7A800, s0  }
0x14: {  	s17 =	sadd.s32 s5, s16;
	s18 =	sadd.s32 s6, s16;
	[dreg:$0xb] =	wrdreg s0  }
0x15: {  	s19 =	sor.u32 $0x10, s16;
	s12 =	sor.u32 $0x20, s16;
	[dreg:$0x5] =	wrdreg s17  }
0x16: {  	s16 =	sshrl.u32 s10, $0x3;
	s0 =	simm.s32 $0x4;
	[dreg:$0x6] =	wrdreg s18  }
0x17: {  	s10 =	simm.s32 $0x8;
	s21 =	sadd.s32 s5, s19;
	[dreg:$0xe] =	wrdreg s16  }
.Ltmp0:
0x18: {  	s9 =	sadd.s32 s6, s19;
	[dreg:$0x7] =	wrdreg s21;
	(pc) =	sbr.rel .LBB2_1-.Ltmp0, $4  }
0x19: {  	s23 =	sadd.s32 s5, s12;
	s12 =	sadd.s32 s6, s12;
	[dreg:$0x8] =	wrdreg s9  }
0x1a: {  	s19 =	sadd.s32 s1, s24;
	s24 =	simm.s32 $0x100;
	[dreg:$0x9] =	wrdreg s23  }
0x1b: {  	s1 =	simm.s32 $0x3;
	s17 =	simm.s32 $0x0;
	[dreg:$0xa] =	wrdreg s12  }
0x1c: {  	s21 =	simm.s32 $0xA;
	s23 =	simm.s32 $0x80;
	s12 =	simm.s32 $0x280  }
.LBB2_16:
0x1d: {  	[bflag:$0x0] =	sbarrier.arrive $0xFFFF  }
0x1e: {  	s15 =	rddreg [dreg:$0x4]  }
0x1f: {  	s9 =	rddreg [dreg:$0xb]  }
0x20: {  	s16 =	rddreg [dreg:$0xe]  }
0x21: {  	[hbm:s9], [sflag:s15] =	dma.local [spmem:s16], $0x2780  }
0x22: {  	_ =	swait.ge [sflag:s21], $0x2780  }
0x23: {  	s17 =	rddreg [dreg:$0xf]  }
0x24: {  	s20 =	rddreg [dreg:$0xc];
	s17 =	sadd.s32 $0x1, s17  }
0x25: {  	p0 =	sne.s32 s17, s20  }
.Ltmp1:
0x26: {  	_ = 	snop;
	(pc) =	sbr.rel @!p0 .LBB2_17-.Ltmp1, $3  }
0x27: {  	_ =	sdelay $0x1  }
0x28: {  	[sflag:s21] =	ssyncset.done $0x0  }
0x29: {  	[sflag:s21] =	ssyncadd.s32 $0xFFFFD880  }
.LBB2_1:
0x2a: {  	[dreg:$0xf] =	wrdreg s17  }
0x2b: {  	s9 =	rddreg [dreg:$0x3]  }
0x2c: {  	[spmem:s16], [sflag:s15] =	dma.local [hbm:s9], $0x2780  }
0x2d: {  	_ =	swait.ge [sflag:s21], $0x2780  }
0x2e: {  	[sflag:s21] =	ssyncset.done $0x0  }
0x2f: {  	s20 =	rddreg [dreg:$0x5];
	[sflag:s21] =	ssyncadd.s32 $0xFFFFD880  }
0x30: {  	[tilespmem:s3], [sflag:$0x1] =	stream.linear.gather [hbm4b:s20+s3], $0x80, $0x38;
	v63 =	vld [tilespmem:$0x0]  }
0x31: {  	s15 =	rddreg [dreg:$0x6]  }
0x32: {  	[tilespmem:s22], [sflag:$0x4] =	stream.linear.gather [hbm4b:s15+s3], $0x80, $0x38;
	v63 =	vld [tilespmem:$0x0]  }
0x33: {  	s16 =	rddreg [dreg:$0x7]  }
0x34: {  	[tilespmem:s23], [sflag:$0x2] =	stream.linear.gather [hbm4b:s16+s3], $0x80, $0x38;
	v63 =	vld [tilespmem:$0x0]  }
0x35: {  	s17 =	rddreg [dreg:$0x8]  }
0x36: {  	[tilespmem:s12], [sflag:$0x5] =	stream.linear.gather [hbm4b:s17+s3], $0x80, $0x38;
	v63 =	vld [tilespmem:$0x0]  }
0x37: {  	s18 =	rddreg [dreg:$0x9]  }
0x38: {  	[tilespmem:s24], [sflag:$0x3] =	stream.linear.gather [hbm4b:s18+s3], $0x80, $0x38;
	v63 =	vld [tilespmem:$0x0]  }
0x39: {  	s20 =	rddreg [dreg:$0xa]  }
0x3a: {  	[tilespmem:s25], [sflag:$0x6] =	stream.linear.gather [hbm4b:s20+s3], $0x80, $0x38;
	v63 =	vld [tilespmem:$0x0]  }
0x3b: {  	_ =	swait.ge [sflag:s26], $0x80  }
.Ltmp2:
0x3c: {  	[sflag:s26] =	ssyncset.done $0x0;
	(pc) =	sbr.rel .LBB2_2-.Ltmp2, $4  }
0x3d: {  	[sflag:s26] =	ssyncadd.s32 $0xFFFFFF80  }
0x3e: {  	[tilespmem:s28], [sflag:$0x7] =	stream.indirect.gather [hbm4b:s4+s23], $0x80, s3, s23, $0xb8;
	v63 =	vld [tilespmem:$0x0]  }
0x3f: {  	[bflag:$0x0] =	sbarrier.arrive $0xFFFF  }
0x40: {  	s17 =	simm.s32 $0x280;
	s18 =	rddreg [dreg:$0xd]  }
.LBB2_12:
0x41: {  	_ =	swait.ge [sflag:s26], $0x80  }
0x42: {  	[sflag:s26] =	ssyncset.done $0x0  }
0x43: {  	[sflag:s26] =	ssyncadd.s32 $0xFFFFFF80  }
0x44: {  	[tilespmem:s28], [sflag:$0x7] =	stream.indirect.gather [hbm4b:s4+s23], $0x80, s3, s23, $0xb8;
	v63 =	vld [tilespmem:$0x0]  }
.LBB2_14:
0x45: {  	_ =	swait.ge [sflag:s13], $0x4000  }
0x46: {  	[sflag:s13] =	ssyncset.done $0x0  }
0x47: {  	p1 =	sgt.u32 s18, $0x1384;
	[sflag:s13] =	ssyncadd.s32 $0xFFFFC000  }
0x48: {  	p0 =	por p1, p0;
	_ =	swait.ge [sflag:s14], $0x80  }
0x49: {  	s9 =	sand.u32 @!p0 $0xFC00, s17;
	[sflag:s14] =	ssyncset.done $0x0  }
0x4a: {  	s15 =	sand.u32 @!p0 $0x380, s17;
	s9 =	sadd.s32 @!p0 s7, s9;
	[sflag:s14] =	ssyncadd.s32 $0xFFFFFF80  }
0x4b: {  	[spmem:s2] =	stream.indirect.scatter.add.f32 [tilespmem:s8], [sflag:$0xA], $0x80, s25, s23, $0xb8;
	v63 =	vld [tilespmem:$0x0]  }
0x4c: {  	s9 =	sor.u32 @!p0 s15, s9;
	_ =	swait.ge [sflag:s21], $0x4000  }
0x4d: {  	s16 =	simm.s32 @!p0 $0x0;
	s9 =	sshrl.u32 @!p0 s9, $0x3;
	[sflag:s21] =	ssyncset.done $0x0  }
0x4e: {  	s20 =	simm.s32 @!p0 $0x100;
	s15 =	sadd.s32 @!p0 s5, s9;
	[sflag:s21] =	ssyncadd.s32 $0xFFFFC000  }
0x4f: {  	[tilespmem:s20], [sflag:$0x3] =	stream.linear.gather @!p0 [hbm4b:s15+s16], $0x80, $0x38;
	v63 =	vld [tilespmem:$0x0]  }
0x50: {  	s9 =	sadd.s32 @!p0 s6, s9;
	s15 =	simm.s32 @!p0 $0x300  }
0x51: {  	[tilespmem:s15], [sflag:$0x6] =	stream.linear.gather @!p0 [hbm4b:s9+s16], $0x80, $0x38;
	v63 =	vld [tilespmem:$0x0]  }
.LBB2_15:
0x52: {  	s17 =	sadd.s32 $0x180, s17  }
0x53: {  	p0 =	sne.s32 s17, $0x5200  }
.Ltmp3:
0x54: {  	_ = 	snop;
	(pc) =	sbr.rel @!p0 .LBB2_16-.Ltmp3, $2  }
0x55: {  	_ =	sdelay $0x2  }
0x56: {  	s18 =	sadd.s32 $0x3, s18  }
.LBB2_2:
0x57: {  	s9 =	sadd.s32 $0xFFFFFFFE, s18  }
0x58: {  	p0 =	sgt.u32 s9, $0x1386  }
.Ltmp4:
0x59: {  	_ = 	snop;
	(pc) =	sbr.rel @p0 .LBB2_5-.Ltmp4, $2  }
0x5a: {  	_ =	sdelay $0x2  }
0x5b: {  	s16 =	sadd.s32 s17, s19  }
.Ltmp5:
0x5c: {  	(pc) =	sbr.rel .LBB2_4-.Ltmp5, $4  }
0x5d: {  	_ =	swait.ge [sflag:s29], $0x80  }
0x5e: {  	[sflag:s29] =	ssyncset.done $0x0  }
0x5f: {  	[sflag:s29] =	ssyncadd.s32 $0xFFFFFF80  }
0x60: {  	[tilespmem:s30], [sflag:$0x8] =	stream.indirect.gather [hbm4b:s4+s23], $0x80, s23, s23, $0xb8;
	v63 =	vld [tilespmem:$0x0]  }
.LBB2_5:
0x61: {  	p0 =	seq.s32 s16, $0x9C600  }
.Ltmp6:
0x62: {  	_ = 	snop;
	(pc) =	sbr.rel @!p0 .LBB2_6-.Ltmp6, $1  }
0x63: {  	_ =	sdelay $0x3  }
.LBB2_4:
0x64: {  	_ =	swait.ge [sflag:s31], $0x4000;
	p1 =	seq.s32 s17, $0x5080  }
0x65: {  	[sflag:s31] =	ssyncset.done $0x0;
	p2 =	sgt.u32 @!p1 s9, $0x1384  }
0x66: {  	[sflag:s31] =	ssyncadd.s32 $0xFFFFC000;
	p3 =	por p2, p1  }
0x67: {  	_ =	swait.ge [sflag:s0], $0x80;
	s9 =	sadd.s32 @!p3 $0xFFFFFF00, s17  }
0x68: {  	[sflag:s0] =	ssyncset.done $0x0;
	s20 =	sand.u32 @!p3 $0xFC00, s9  }
0x69: {  	s9 =	sand.u32 @!p3 $0x380, s9;
	[sflag:s0] =	ssyncadd.s32 $0xFFFFFF80;
	s20 =	sadd.s32 @!p3 s7, s20  }
0x6a: {  	[spmem:s2] =	stream.indirect.scatter.add.f32 [tilespmem:s28], [sflag:$0xA], $0x80, s22, s23, $0xb8;
	v63 =	vld [tilespmem:$0x0]  }
0x6b: {  	s9 =	sor.u32 @!p3 s9, s20;
	_ =	swait.ge [sflag:s21], $0x4000  }
0x6c: {  	s9 =	sshrl.u32 @!p3 s9, $0x3;
	[sflag:s21] =	ssyncset.done $0x0  }
0x6d: {  	s15 =	simm.s32 @!p3 $0x0;
	s20 =	sadd.s32 @!p3 s5, s9;
	[sflag:s21] =	ssyncadd.s32 $0xFFFFC000  }
0x6e: {  	[tilespmem:s15], [sflag:$0x1] =	stream.linear.gather @!p3 [hbm4b:s20+s15], $0x80, $0x38;
	v63 =	vld [tilespmem:$0x0]  }
.Ltmp7:
0x6f: {  	s9 =	sadd.s32 @!p3 s6, s9;
	s20 =	simm.s32 @!p3 $0x200;
	(pc) =	sbr.rel .LBB2_7-.Ltmp7, $4  }
0x70: {  	[tilespmem:s20], [sflag:$0x4] =	stream.linear.gather @!p3 [hbm4b:s9+s15], $0x80, $0x38;
	v63 =	vld [tilespmem:$0x0]  }
0x71: {  	p0 =	sne.s32 s17, $0x5080;
	p2 =	por !p2, p1;
	p3 =	por @!p3 $0x1, $0x1  }
0x72: {  	p3 =	por @!p2 p0, p0  }
0x73: {  	p0 =	por @!p1 p3, p3  }
.LBB2_6:
0x74: {  	p0 =	sne.s32 s17, $0x5080  }
.LBB2_7:
0x75: {  	s9 =	sadd.s32 $0xFFFFFFFF, s18  }
0x76: {  	p1 =	sgt.u32 s9, $0x1386  }
.Ltmp8:
0x77: {  	_ = 	snop;
	(pc) =	sbr.rel @p1 .LBB2_9-.Ltmp8, $1  }
0x78: {  	_ =	sdelay $0x3  }
.Ltmp9:
0x79: {  	(pc) =	sbr.rel .LBB2_10-.Ltmp9, $4  }
0x7a: {  	_ =	swait.ge [sflag:s1], $0x80  }
0x7b: {  	[sflag:s1] =	ssyncset.done $0x0  }
0x7c: {  	[sflag:s1] =	ssyncadd.s32 $0xFFFFFF80  }
0x7d: {  	[tilespmem:s8], [sflag:$0x9] =	stream.indirect.gather [hbm4b:s4+s23], $0x80, s24, s23, $0xb8;
	v63 =	vld [tilespmem:$0x0]  }
.LBB2_9:
0x7e: {  	p1 =	sne.s32 s16, $0x9C580  }
.Ltmp10:
0x7f: {  	_ = 	snop;
	(pc) =	sbr.rel @p1 .LBB2_11-.Ltmp10, $1  }
0x80: {  	_ =	sdelay $0x3  }
.LBB2_10:
0x81: {  	_ =	swait.ge [sflag:s10], $0x4000  }
0x82: {  	p1 =	sgt.u32 s9, $0x1384;
	p2 =	por !p0, !p0;
	[sflag:s10] =	ssyncset.done $0x0  }
0x83: {  	p1 =	por p1, p2;
	[sflag:s10] =	ssyncadd.s32 $0xFFFFC000  }
0x84: {  	s9 =	sadd.s32 @!p1 $0xFFFFFF80, s17;
	_ =	swait.ge [sflag:s11], $0x80  }
0x85: {  	s15 =	sand.u32 @!p1 $0xFC00, s9;
	[sflag:s11] =	ssyncset.done $0x0  }
0x86: {  	s9 =	sand.u32 @!p1 $0x380, s9;
	s15 =	sadd.s32 @!p1 s7, s15;
	[sflag:s11] =	ssyncadd.s32 $0xFFFFFF80  }
0x87: {  	[spmem:s2] =	stream.indirect.scatter.add.f32 [tilespmem:s30], [sflag:$0xA], $0x80, s12, s23, $0xb8;
	v63 =	vld [tilespmem:$0x0]  }
0x88: {  	s9 =	sor.u32 @!p1 s9, s15;
	_ =	swait.ge [sflag:s21], $0x4000  }
0x89: {  	s16 =	simm.s32 @!p1 $0x0;
	s9 =	sshrl.u32 @!p1 s9, $0x3;
	[sflag:s21] =	ssyncset.done $0x0  }
0x8a: {  	s20 =	simm.s32 @!p1 $0x80;
	s15 =	sadd.s32 @!p1 s5, s9;
	[sflag:s21] =	ssyncadd.s32 $0xFFFFC000  }
0x8b: {  	[tilespmem:s20], [sflag:$0x2] =	stream.linear.gather @!p1 [hbm4b:s15+s16], $0x80, $0x38;
	v63 =	vld [tilespmem:$0x0]  }
0x8c: {  	s9 =	sadd.s32 @!p1 s6, s9;
	s15 =	simm.s32 @!p1 $0x280  }
0x8d: {  	[tilespmem:s15], [sflag:$0x5] =	stream.linear.gather @!p1 [hbm4b:s9+s16], $0x80, $0x38;
	v63 =	vld [tilespmem:$0x0]  }
.LBB2_11:
0x8e: {  	p1 =	sgt.u32 s18, $0x1386;
	p0 =	por !p0, !p0  }
0x8f: {  	p1 =	por p1, p0  }
.Ltmp11:
0x90: {  	_ = 	snop;
	(pc) =	sbr.rel @!p1 .LBB2_12-.Ltmp11, $1  }
0x91: {  	_ =	sdelay $0x3  }
0x92: {  	p1 =	sgt.u32 s18, $0x1387  }
.Ltmp12:
0x93: {  	_ = 	snop;
	(pc) =	sbr.rel @p1 .LBB2_15-.Ltmp12, $4  }
.Ltmp13:
0x94: {  	_ = 	snop;
	(pc) =	sbr.rel @!p1 .LBB2_14-.Ltmp13, $4  }
0x95: {  	_ = 	snop  }
0x96: {  	_ = 	snop  }
0x97: {  	_ = 	snop  }
0x98: {  	_ = 	snop  }
.LBB2_17:
0x99: {  	_ =	sfence.sel $0x180000  }
0x9a: {  	[bflag:$0x0] =	sbarrier.arrive $0xFFFF  }
0x9b: {  	_ =	strace $0x90000050  }
0x9c: {  	s0 =	stileid.u32;
	[bflag:$0x2] =	sbarrier.arrive $0xFFFF  }
0x9d: {  	p0 =	sne.s32 s0, $0x0;
	s0 =	rddreg [dreg:$0x2]  }
0x9e: {  	s0 =	sadd.s32 @!p0 $0x100000, s0  }
0x9f: {  	[sflag:s0] =	ssyncadd.tile.s32 @!p0 $0x1;
	_ =	shalt  }
.Lfunc_end2:
_tile_overlayer_lowered:
.L_overlay_start_2:
0xa0: {  	(tag) =	ssettag $0x2  }
0xa1: {  	s0 =	rddreg [dreg:$0x0];
	s2 =	stileid.u32  }
0xa2: {  	s1 =	rddreg [dreg:$0x1];
	p0 =	sne.s32 s2, $0x0  }
0xa3: {  	s3 =	rddreg [dreg:$0x2];
	[bflag:$0x3] =	sbarrier.arrive $0xFFFF;
	s2 =	simm.s32 @!p0 $0x1C0A  }
0xa4: {  	[timem:s3], [sflag:s2] =	dma.local @!p0 [hbm:s0], s1  }
0xa5: {  	s0 =	simm.s32 @!p0 $0xA  }
0xa6: {  	_ =	swait.ge @!p0 [sflag:s0], s1  }
0xa7: {  	s1 =	ssub.s32 @!p0 $0x0, s1;
	[sflag:s0] =	ssyncset.done @!p0 $0x0  }
0xa8: {  	[sflag:s0] =	ssyncadd.s32 @!p0 s1  }
0xa9: {  	[bflag:$0x3] =	sbarrier.arrive $0xFFFF  }
0xaa: {  	_ =	shalt  }

</sc_bundles>
